<compile_context>
chip_gen: v7x
topology: tpu7x:2x2x1
jax: 0.10.2.dev20260603
libtpu: 0.0.44.dev20260713+nightly
codegen_flags: <defaults>
</compile_context>

<pallas_src>
import functools

import jax
import jax.numpy as jnp
from jax import lax
from jax.experimental import pallas as pl
from jax.experimental.pallas import tpu as pltpu
from jax.experimental.pallas import tpu_sc as plsc

_N_TGT = 2000
_N_OTH = 8000
_N_NODES = 10000
_E = 160000
_D_IN = 128
_D_EDGE = 16
_EMB = 32
_HID = 32

_NC = 2
_NS = 16
_NW = _NC * _NS
_CHUNK = 128
_CPW = 20
_NH = 2
_EP = _NW * _CPW * _CHUNK * _NH
_EH = _EP // _NH

_ACC_W = 48
_T_EDGE = 2048


def _lrelu(x):
    return jnp.maximum(x, 0.01 * x)


def _embed_body(x_ref, w1, b1, w2, b2, w3, b3, o_ref):
    x = x_ref[...]
    x = _lrelu(jnp.dot(x, w1[...], preferred_element_type=jnp.float32) + b1[...])
    x = _lrelu(jnp.dot(x, w2[...], preferred_element_type=jnp.float32) + b2[...])
    x = _lrelu(jnp.dot(x, w3[...], preferred_element_type=jnp.float32) + b3[...])
    o_ref[...] = x


def _embed(x, mlp):
    n = x.shape[0]
    flat = []
    for w, b in mlp:
        flat += [w, b.reshape(1, -1)]
    return pl.pallas_call(
        _embed_body,
        out_shape=jax.ShapeDtypeStruct((n, _EMB), jnp.float32),
    )(x, *flat)


def _sc_mesh():
    return plsc.VectorSubcoreMesh(
        core_axis_name="c", subcore_axis_name="s",
        num_cores=_NC, num_subcores=_NS)


_GG = 10
_NGG = _CPW // _GG


def _gather_body(h_hbm, src_hbm, out_hbm, idx_v, buf0, buf1, h_sh,
                 gsem0, gsem1, ssem0, ssem1):
    sid = lax.axis_index("s")
    wid = sid * _NC + lax.axis_index("c")
    base_chunk = wid * _CPW

    @pl.when(sid == 0)
    def _stage():
        pltpu.sync_copy(h_hbm, h_sh)

    pltpu.sync_copy(src_hbm.at[pl.ds(base_chunk, _CPW)], idx_v)
    plsc.subcore_barrier()

    bufs = [buf0, buf1]
    gsems = [gsem0, gsem1]
    ssems = [ssem0, ssem1]
    gathers = [None, None]
    stores = [None, None]

    def fire(g, b):
        return [
            pltpu.async_copy(h_sh.at[idx_v.at[g * _GG + t]],
                             bufs[b].at[pl.ds(t * _CHUNK, _CHUNK)], gsems[b])
            for t in range(_GG)
        ]

    for g in range(_NGG):
        b = g % 2
        if stores[b] is not None:
            stores[b].wait()
        gathers[b] = fire(g, b)
        if g >= 1:
            for d in gathers[1 - b]:
                d.wait()
            stores[1 - b] = pltpu.async_copy(
                bufs[1 - b],
                out_hbm.at[pl.ds((base_chunk + (g - 1) * _GG) * _CHUNK,
                                 _GG * _CHUNK)],
                ssems[1 - b])
    last = (_NGG - 1) % 2
    for d in gathers[last]:
        d.wait()
    stores[last] = pltpu.async_copy(
        bufs[last],
        out_hbm.at[pl.ds((base_chunk + (_NGG - 1) * _GG) * _CHUNK,
                         _GG * _CHUNK)],
        ssems[last])
    stores[0].wait()
    stores[1].wait()


def _sc_gather(h, src2d):
    k = functools.partial(
        pl.kernel,
        out_type=jax.ShapeDtypeStruct((_EH, _EMB), jnp.float32),
        mesh=_sc_mesh(),
        compiler_params=pltpu.CompilerParams(use_tc_tiling_on_sc=False),
        scratch_types=[
            pltpu.VMEM((_CPW, _CHUNK), jnp.int32),
            pltpu.VMEM((_GG * _CHUNK, _EMB), jnp.float32),
            pltpu.VMEM((_GG * _CHUNK, _EMB), jnp.float32),
            pltpu.VMEM_SHARED((_N_NODES, _EMB), jnp.float32),
            pltpu.SemaphoreType.DMA,
            pltpu.SemaphoreType.DMA,
            pltpu.SemaphoreType.DMA,
            pltpu.SemaphoreType.DMA,
        ],
    )(_gather_body)
    return k(h, src2d)


def _fire_adds(g, b, bufs, acc_sh, idx_v, asems):
    return [
        pltpu.async_copy(bufs[b].at[pl.ds(t * _CHUNK, _CHUNK)],
                         acc_sh.at[idx_v.at[g * _SG + t]],
                         asems[b], add=True)
        for t in range(_SG)
    ]


_WFULL = _HID * _EMB


def _edge_body(ef_ref, xj_ref, w1, b1, w2, b2, w3, b3, rep, red, o_ref):
    h = _lrelu(jnp.dot(ef_ref[...], w1[...],
                       preferred_element_type=jnp.float32) + b1[...])
    h = _lrelu(jnp.dot(h, w2[...],
                       preferred_element_type=jnp.float32) + b2[...])
    xj = xj_ref[...]
    z = jnp.dot(h, w3[...],
                preferred_element_type=jnp.float32) + b3[...]
    xjrep = jnp.dot(xj, rep[...],
                    preferred_element_type=jnp.float32)
    p = xjrep * _lrelu(z)
    p = p[:, :512] + p[:, 512:]
    p = p[:, :256] + p[:, 256:]
    p = p[:, :128] + p[:, 128:]
    msg = jnp.dot(p, red[...],
                  preferred_element_type=jnp.float32)
    lane = lax.broadcasted_iota(jnp.int32, (1, _ACC_W - _HID), 1)
    cnt = jnp.broadcast_to(jnp.where(lane == 0, 1.0, 0.0),
                           (_T_EDGE, _ACC_W - _HID))
    o_ref[...] = jnp.concatenate([msg, cnt], axis=1)


def _edge_fused(e_feat, xj, mlp, rep, red, half):
    (w1, b1), (w2, b2), (w3, b3) = mlp
    grid = _EH // _T_EDGE
    last_blk = (_E - 1) // _T_EDGE
    blk0 = half * (_EH // _T_EDGE)
    zero_map = lambda i: (0, 0)
    return pl.pallas_call(
        _edge_body,
        grid=(grid,),
        in_specs=[
            pl.BlockSpec((_T_EDGE, _D_EDGE),
                         lambda i: (jnp.minimum(blk0 + i, last_blk), 0)),
            pl.BlockSpec((_T_EDGE, _EMB), lambda i: (i, 0)),
            pl.BlockSpec((_D_EDGE, _HID), zero_map),
            pl.BlockSpec((1, _HID), zero_map),
            pl.BlockSpec((_HID, _HID), zero_map),
            pl.BlockSpec((1, _HID), zero_map),
            pl.BlockSpec((_HID, _WFULL), zero_map),
            pl.BlockSpec((1, _WFULL), zero_map),
            pl.BlockSpec((_EMB, _WFULL), zero_map),
            pl.BlockSpec((4 * _HID, _HID), zero_map),
        ],
        out_specs=pl.BlockSpec((_T_EDGE, _ACC_W), lambda i: (i, 0)),
        out_shape=jax.ShapeDtypeStruct((_EH, _ACC_W), jnp.float32),
    )(e_feat, xj, w1, b1.reshape(1, -1), w2, b2.reshape(1, -1),
      w3, b3.reshape(1, -1), rep, red)


_N_ACC = 2048
_SG = 5
_NSG = _CPW // _SG


def _scatter_body(msg_hbm, dst_hbm, zero_hbm, out_hbm, idx_v, buf0, buf1,
                  acc_sh, lsem0, lsem1, asem0, asem1):
    cid = lax.axis_index("c")
    sid = lax.axis_index("s")
    wid = sid * _NC + cid

    @pl.when(sid == 0)
    def _zero():
        pltpu.sync_copy(zero_hbm, acc_sh)

    plsc.subcore_barrier()

    base_chunk = wid * _CPW
    pltpu.sync_copy(dst_hbm.at[pl.ds(base_chunk, _CPW)], idx_v)

    bufs = [buf0, buf1]
    lsems = [lsem0, lsem1]
    asems = [asem0, asem1]
    loads = [None, None]
    adds = [None, None]
    for g in range(_NSG):
        b = g % 2
        if adds[b] is not None:
            for d in adds[b]:
                d.wait()
        loads[b] = pltpu.async_copy(
            msg_hbm.at[pl.ds((base_chunk + g * _SG) * _CHUNK, _SG * _CHUNK)],
            bufs[b], lsems[b])
        if g >= 1 and loads[1 - b] is not None:
            loads[1 - b].wait()
            adds[1 - b] = _fire_adds(g - 1, 1 - b, bufs, acc_sh, idx_v, asems)
    last = (_NSG - 1) % 2
    loads[last].wait()
    adds[last] = _fire_adds(_NSG - 1, last, bufs, acc_sh, idx_v, asems)
    for b in (0, 1):
        for d in adds[b]:
            d.wait()

    plsc.subcore_barrier()

    @pl.when(sid == 0)
    def _dump():
        pltpu.sync_copy(acc_sh, out_hbm.at[cid])


def _sc_scatter(msg, dst2d, zeros):
    k = functools.partial(
        pl.kernel,
        out_type=jax.ShapeDtypeStruct((_NC, _N_ACC, _ACC_W), jnp.float32),
        mesh=_sc_mesh(),
        compiler_params=pltpu.CompilerParams(use_tc_tiling_on_sc=False),
        scratch_types=[
            pltpu.VMEM((_CPW, _CHUNK), jnp.int32),
            pltpu.VMEM((_SG * _CHUNK, _ACC_W), jnp.float32),
            pltpu.VMEM((_SG * _CHUNK, _ACC_W), jnp.float32),
            pltpu.VMEM_SHARED((_N_ACC, _ACC_W), jnp.float32),
            pltpu.SemaphoreType.DMA,
            pltpu.SemaphoreType.DMA,
            pltpu.SemaphoreType.DMA,
            pltpu.SemaphoreType.DMA,
        ],
    )(_scatter_body)
    return k(msg, dst2d, zeros)


def _head_body(p_ref, q_ref, ht_ref, gamma, beta,
               wn1, bn1, wn2, bn2, wn3, bn3, wl1, bl1, wl2, bl2, o_ref):
    acc = (p_ref[0, :_N_TGT] + p_ref[1, :_N_TGT]
           + q_ref[0, :_N_TGT] + q_ref[1, :_N_TGT])
    s = acc[:, :_HID]
    cnt = acc[:, _HID:_HID + 1]
    mean = s / jnp.maximum(cnt, 1.0)
    out = jnp.concatenate([mean, ht_ref[...]], axis=1)
    out = _lrelu(out)
    mu = jnp.mean(out, axis=0, keepdims=True)
    var = jnp.mean((out - mu) * (out - mu), axis=0, keepdims=True)
    out = (out - mu) * lax.rsqrt(var + 1e-5) * gamma[...] + beta[...]
    out = _lrelu(jnp.dot(out, wn1[...], preferred_element_type=jnp.float32) + bn1[...])
    out = _lrelu(jnp.dot(out, wn2[...], preferred_element_type=jnp.float32) + bn2[...])
    out = jnp.dot(out, wn3[...], preferred_element_type=jnp.float32) + bn3[...]
    out = jnp.dot(out, wl1[...], preferred_element_type=jnp.float32) + bl1[...]
    out = _lrelu(out)
    o_ref[...] = jnp.dot(out, wl2[...], preferred_element_type=jnp.float32) + bl2[...]


def _head(partials0, partials1, h_t, params):
    flat = [params['bn_gamma'].reshape(1, -1), params['bn_beta'].reshape(1, -1)]
    for w, b in params['node_nn']:
        flat += [w, b.reshape(1, -1)]
    for w, b in params['lin1']:
        flat += [w, b.reshape(1, -1)]
    for w, b in params['lin2']:
        flat += [w, b.reshape(1, -1)]
    return pl.pallas_call(
        _head_body,
        out_shape=jax.ShapeDtypeStruct((_N_TGT, 1), jnp.float32),
    )(partials0, partials1, h_t, *flat)


def kernel(x_target, x_other, e_feat, h_id_target, h_id_other, edge_index,
           params):
    src = edge_index[0]
    dst = edge_index[1]
    h_t = _embed(x_target, params['emb_target'])
    h_o = _embed(x_other, params['emb_other'])
    h = jnp.concatenate([h_t, h_o], axis=0)

    pad = _EP - _E
    src2d = jnp.pad(src, (0, pad)).reshape(_EP // _CHUNK, _CHUNK)
    dst2d = jnp.pad(dst, (0, pad),
                    constant_values=_N_TGT).reshape(_EP // _CHUNK, _CHUNK)

    i_iota = jnp.arange(_EMB, dtype=jnp.int32)
    col = jnp.arange(_WFULL, dtype=jnp.int32)
    rep = (col[None, :] // _HID == i_iota[:, None]).astype(jnp.float32)
    o_iota = jnp.arange(_HID, dtype=jnp.int32)
    col128 = jnp.arange(4 * _HID, dtype=jnp.int32)
    red = (col128[:, None] % _HID == o_iota[None, :]).astype(jnp.float32)
    zeros = jnp.zeros((_N_ACC, _ACC_W), jnp.float32)
    nch = _EH // _CHUNK
    xj0 = _sc_gather(h, src2d[:nch])
    xj1 = _sc_gather(h, src2d[nch:])
    msg0 = _edge_fused(e_feat, xj0, params['edge_nn'], rep, red, 0)
    msg1 = _edge_fused(e_feat, xj1, params['edge_nn'], rep, red, 1)
    p0 = _sc_scatter(msg0, dst2d[:nch], zeros)
    p1 = _sc_scatter(msg1, dst2d[nch:], zeros)
    return _head(p0, p1, h_t, params)

# --- scband reference (transcript-rebuilt; emitter-appended) ---
"""Pipeline reference for scband-model-45947560133156 (READ-ONLY COPY).

The authoritative reference and input builder live on the scoring server;
editing this copy changes nothing except your own understanding.
"""

import jax, jax.numpy as jnp
import numpy as np

N_NODES = 10000
N_TGT = 2000
N_OTH = 8000
E = 160000
D_IN = 128
D_EDGE = 16
EMB = 32
HID = 32


def _lrelu(x):
    return jnp.where(x >= 0, x, 0.01 * x)


def _mlp(params, x, final_act):
    n = len(params)
    for i, (W, b) in enumerate(params):
        x = x @ W + b
        if i < n - 1 or final_act:
            x = _lrelu(x)
    return x


def _init_mlp(key, sizes):
    params = []
    for i in range(len(sizes) - 1):
        key, k1, k2 = jax.random.split(key, 3)
        W = jax.random.normal(k1, (sizes[i], sizes[i + 1]), dtype=jnp.float32) * (1.0 / np.sqrt(sizes[i]))
        b = jax.random.normal(k2, (sizes[i + 1],), dtype=jnp.float32) * 0.01
        params.append((W, b))
    return params


def setup_inputs(seed: int = 0):
    key = jax.random.key(seed)
    ks = jax.random.split(key, 12)
    x_target = jax.random.normal(ks[0], (N_TGT, D_IN), dtype=jnp.float32)
    x_other = jax.random.normal(ks[1], (N_OTH, D_IN), dtype=jnp.float32)
    e_feat = jax.random.normal(ks[2], (E, D_EDGE), dtype=jnp.float32)
    h_id_target = jnp.arange(N_TGT, dtype=jnp.int32)
    h_id_other = jnp.arange(N_OTH, dtype=jnp.int32) + N_TGT
    src = jax.random.randint(ks[3], (E,), 0, N_NODES, dtype=jnp.int32)
    dst = jax.random.randint(ks[4], (E,), 0, N_TGT, dtype=jnp.int32)
    edge_index = jnp.stack([src, dst])
    params = {
        'emb_target': _init_mlp(ks[5], [D_IN, 64, 64, EMB]),
        'emb_other': _init_mlp(ks[6], [D_IN, 64, 64, EMB]),
        'edge_nn': _init_mlp(ks[7], [D_EDGE, HID, HID, HID * EMB]),
        'node_nn': _init_mlp(ks[8], [HID + EMB, HID, HID, HID]),
        'bn_gamma': jnp.ones((HID + EMB,), jnp.float32),
        'bn_beta': jnp.zeros((HID + EMB,), jnp.float32),
        'lin1': _init_mlp(ks[9], [HID, HID]),
        'lin2': _init_mlp(ks[10], [HID, 1]),
    }
    return {'x_target': x_target, 'x_other': x_other, 'e_feat': e_feat,
            'h_id_target': h_id_target, 'h_id_other': h_id_other,
            'edge_index': edge_index, 'params': params}


def _forward(x_target, x_other, e_feat, params, h_id_target, h_id_other, edge_index):
    # embedders: scatter-overwrite node embeddings into h (nan-initialized, fully overwritten)
    h = jnp.full((N_NODES, EMB), jnp.nan, dtype=jnp.float32)
    h = h.at[h_id_target].set(_mlp(params['emb_target'], x_target, True))
    h = h.at[h_id_other].set(_mlp(params['emb_other'], x_other, True))
    h_t = h[:N_TGT]
    src = edge_index[0]
    dst = edge_index[1]
    # NNConv message: per-edge weight from edge MLP, gather source features, per-edge matmul
    x_j = jnp.take(h, src, axis=0)
    w = _mlp(params['edge_nn'], e_feat, True).reshape(-1, EMB, HID)
    msg = jnp.einsum('ei,eio->eo', x_j, w)
    # aggr='mean' scatter over destination nodes
    s = jax.ops.segment_sum(msg, dst, num_segments=N_TGT)
    cnt = jax.ops.segment_sum(jnp.ones((E,), jnp.float32), dst, num_segments=N_TGT)
    mean = s / jnp.maximum(cnt, 1.0)[:, None]
    # root layer is a no-op in the original forward (pass); concat with x_r
    out = jnp.concatenate([mean, h_t], axis=-1)
    out = _lrelu(out)
    # BatchNorm1d in training mode (default affine: gamma=1, beta=0), biased variance
    mu = jnp.mean(out, axis=0)
    var = jnp.var(out, axis=0)
    out = (out - mu) / jnp.sqrt(var + 1e-5) * params['bn_gamma'] + params['bn_beta']
    out = _mlp(params['node_nn'], out, False)
    out = _mlp(params['lin1'], out, False)
    out = _lrelu(out)
    out = _mlp(params['lin2'], out, False)
    return out


def reference(x_target, x_other, e_feat, h_id_target, h_id_other, edge_index, params):
    return _forward(x_target, x_other, e_feat, params, h_id_target, h_id_other, edge_index)

if __name__ == "__main__":
    import jax
    _d = setup_inputs()
    print(jax.jit(kernel)(*tuple(_d.values())))

</pallas_src>

<mosaic_0001>
#map = affine_map<(d0, d1) -> (0, 0)>
module attributes {stable_mosaic.version = 14 : i64} {
  func.func @_gather_body(%arg0: i32, %arg1: i32, %arg2: memref<10000x32xf32, #tpu.memory_space<hbm>>, %arg3: memref<640x128xi32, #tpu.memory_space<hbm>>, %arg4: memref<81920x32xf32, #tpu.memory_space<hbm>>, %arg5: memref<20x128xi32, #tpu.memory_space<vmem>>, %arg6: memref<1280x32xf32, #tpu.memory_space<vmem>>, %arg7: memref<1280x32xf32, #tpu.memory_space<vmem>>, %arg8: memref<10000x32xf32, #tpu.memory_space<vmem_shared>>, %arg9: memref<!tpu.dma_semaphore, #tpu.memory_space<semaphore_mem>>, %arg10: memref<!tpu.dma_semaphore, #tpu.memory_space<semaphore_mem>>, %arg11: memref<!tpu.dma_semaphore, #tpu.memory_space<semaphore_mem>>, %arg12: memref<!tpu.dma_semaphore, #tpu.memory_space<semaphore_mem>>) attributes {dimension_semantics = [#tpu.dimension_semantics<core_parallel>, #tpu.dimension_semantics<subcore_parallel>], iteration_bounds = array<i64: 2, 16>, scalar_prefetch = 0 : i64, scratch_operands = 8 : i64, tpu.core_type = #tpu.core_type<sc_vector_subcore>, window_params = [{transform_indices = #map}, {transform_indices = #map}, {transform_indices = #map}]} {
    %mul3A = arith.constant 2 : i32
    %mul3A_0 = arith.muli %arg1, %mul3A : i32
    %add3A = arith.addi %mul3A_0, %arg0 : i32
    %mul3A_1 = arith.constant 20 : i32
    %mul3A_2 = arith.muli %add3A, %mul3A_1 : i32
    %eq3A = arith.constant 0 : i32
    %eq3A_3 = arith.cmpi eq, %arg1, %eq3A : i32
    %convert_element_type3A = arith.extui %eq3A_3 : i1 to i32
    %cond3A = arith.constant 0 : i32
    %cond3A_4 = arith.cmpi ne, %convert_element_type3A, %cond3A : i32
    scf.if %cond3A_4 {
      "tpu.region"() ({
        %run_scoped3A = tpu.sem_alloc : memref<!tpu.dma_semaphore, #tpu.memory_space<semaphore_mem>>
        tpu.enqueue_dma source(%arg2 : memref<10000x32xf32, #tpu.memory_space<hbm>>) target(%arg8 : memref<10000x32xf32, #tpu.memory_space<vmem_shared>>) target_semaphore(%run_scoped3A : memref<!tpu.dma_semaphore, #tpu.memory_space<semaphore_mem>>)
        tpu.wait_dma2 semaphore(%run_scoped3A : memref<!tpu.dma_semaphore, #tpu.memory_space<semaphore_mem>>) src(%arg2 : memref<10000x32xf32, #tpu.memory_space<hbm>>) dst(%arg8 : memref<10000x32xf32, #tpu.memory_space<vmem_shared>>)
        tpu.yield
      }) : () -> ()
    } else {
    }
    "tpu.region"() ({
      %run_scoped3A = tpu.sem_alloc : memref<!tpu.dma_semaphore, #tpu.memory_space<semaphore_mem>>
      %dma_start3A_427 = arith.constant 0 : i32
      %dma_start3A_428 = tpu.memref_slice %arg3[%mul3A_2, %dma_start3A_427] : memref<640x128xi32, #tpu.memory_space<hbm>> -> memref<20x128xi32, #tpu.memory_space<hbm>>
      %dma_start3A_429 = arith.constant 0 : i32
      %dma_start3A_430 = tpu.memref_slice %arg3[%mul3A_2, %dma_start3A_429] : memref<640x128xi32, #tpu.memory_space<hbm>> -> memref<20x128xi32, #tpu.memory_space<hbm>>
      tpu.enqueue_dma source(%dma_start3A_430 : memref<20x128xi32, #tpu.memory_space<hbm>>) target(%arg5 : memref<20x128xi32, #tpu.memory_space<vmem>>) target_semaphore(%run_scoped3A : memref<!tpu.dma_semaphore, #tpu.memory_space<semaphore_mem>>)
      %dma_wait3A_431 = arith.constant 0 : i32
      %dma_wait3A_432 = tpu.memref_slice %arg3[%mul3A_2, %dma_wait3A_431] : memref<640x128xi32, #tpu.memory_space<hbm>> -> memref<20x128xi32, #tpu.memory_space<hbm>>
      %dma_wait3A_433 = arith.constant 0 : i32
      %dma_wait3A_434 = tpu.memref_slice %arg3[%mul3A_2, %dma_wait3A_433] : memref<640x128xi32, #tpu.memory_space<hbm>> -> memref<20x128xi32, #tpu.memory_space<hbm>>
      tpu.wait_dma2 semaphore(%run_scoped3A : memref<!tpu.dma_semaphore, #tpu.memory_space<semaphore_mem>>) src(%dma_wait3A_434 : memref<20x128xi32, #tpu.memory_space<hbm>>) dst(%arg5 : memref<20x128xi32, #tpu.memory_space<vmem>>)
      tpu.yield
    }) : () -> ()
    %barrier3A = arith.constant 0 : index
    tpu.barrier barrier_id(%barrier3A)
    %dma_start3A = arith.constant 0 : i32
    %dma_start3A_5 = arith.constant 0 : i32
    %dma_start3A_6 = arith.constant 0 : i32
    %dma_start3A_7 = tpu.memref_slice %arg6[%dma_start3A_5, %dma_start3A_6] : memref<1280x32xf32, #tpu.memory_space<vmem>> -> memref<128x32xf32, #tpu.memory_space<vmem>>
    %dma_start3A_8 = arith.constant 0 : i32
    %dma_start3A_9 = tpu.memref_slice %arg5[%dma_start3A, %dma_start3A_8] : memref<20x128xi32, #tpu.memory_space<vmem>> -> memref<1x128xi32, #tpu.memory_space<vmem>>
    %dma_start3A_10 = tpu.memref_squeeze %dma_start3A_9 : memref<1x128xi32, #tpu.memory_space<vmem>> -> memref<128xi32, #tpu.memory_space<vmem>>
    %dma_start3A_11 = arith.constant 0 : i32
    %dma_start3A_12 = arith.constant 0 : i32
    %dma_start3A_13 = tpu.memref_slice %arg8[%dma_start3A_11, %dma_start3A_12] : memref<10000x32xf32, #tpu.memory_space<vmem_shared>> -> memref<10000x32xf32, #tpu.memory_space<vmem_shared>>
    tpu.enqueue_indirect_dma source(%dma_start3A_13 : memref<10000x32xf32, #tpu.memory_space<vmem_shared>>) target(%dma_start3A_7 : memref<128x32xf32, #tpu.memory_space<vmem>>) offsets(%dma_start3A_10 : memref<128xi32, #tpu.memory_space<vmem>>) semaphore(%arg9 : memref<!tpu.dma_semaphore, #tpu.memory_space<semaphore_mem>>)
    %dma_start3A_14 = arith.constant 1 : i32
    %dma_start3A_15 = arith.constant 128 : i32
    %dma_start3A_16 = arith.constant 0 : i32
    %dma_start3A_17 = tpu.memref_slice %arg6[%dma_start3A_15, %dma_start3A_16] : memref<1280x32xf32, #tpu.memory_space<vmem>> -> memref<128x32xf32, #tpu.memory_space<vmem>>
    %dma_start3A_18 = arith.constant 0 : i32
    %dma_start3A_19 = tpu.memref_slice %arg5[%dma_start3A_14, %dma_start3A_18] : memref<20x128xi32, #tpu.memory_space<vmem>> -> memref<1x128xi32, #tpu.memory_space<vmem>>
    %dma_start3A_20 = tpu.memref_squeeze %dma_start3A_19 : memref<1x128xi32, #tpu.memory_space<vmem>> -> memref<128xi32, #tpu.memory_space<vmem>>
    %dma_start3A_21 = arith.constant 0 : i32
    %dma_start3A_22 = arith.constant 0 : i32
    %dma_start3A_23 = tpu.memref_slice %arg8[%dma_start3A_21, %dma_start3A_22] : memref<10000x32xf32, #tpu.memory_space<vmem_shared>> -> memref<10000x32xf32, #tpu.memory_space<vmem_shared>>
    tpu.enqueue_indirect_dma source(%dma_start3A_23 : memref<10000x32xf32, #tpu.memory_space<vmem_shared>>) target(%dma_start3A_17 : memref<128x32xf32, #tpu.memory_space<vmem>>) offsets(%dma_start3A_20 : memref<128xi32, #tpu.memory_space<vmem>>) semaphore(%arg9 : memref<!tpu.dma_semaphore, #tpu.memory_space<semaphore_mem>>)
    %dma_start3A_24 = arith.constant 2 : i32
    %dma_start3A_25 = arith.constant 256 : i32
    %dma_start3A_26 = arith.constant 0 : i32
    %dma_start3A_27 = tpu.memref_slice %arg6[%dma_start3A_25, %dma_start3A_26] : memref<1280x32xf32, #tpu.memory_space<vmem>> -> memref<128x32xf32, #tpu.memory_space<vmem>>
    %dma_start3A_28 = arith.constant 0 : i32
    %dma_start3A_29 = tpu.memref_slice %arg5[%dma_start3A_24, %dma_start3A_28] : memref<20x128xi32, #tpu.memory_space<vmem>> -> memref<1x128xi32, #tpu.memory_space<vmem>>
    %dma_start3A_30 = tpu.memref_squeeze %dma_start3A_29 : memref<1x128xi32, #tpu.memory_space<vmem>> -> memref<128xi32, #tpu.memory_space<vmem>>
    %dma_start3A_31 = arith.constant 0 : i32
    %dma_start3A_32 = arith.constant 0 : i32
    %dma_start3A_33 = tpu.memref_slice %arg8[%dma_start3A_31, %dma_start3A_32] : memref<10000x32xf32, #tpu.memory_space<vmem_shared>> -> memref<10000x32xf32, #tpu.memory_space<vmem_shared>>
    tpu.enqueue_indirect_dma source(%dma_start3A_33 : memref<10000x32xf32, #tpu.memory_space<vmem_shared>>) target(%dma_start3A_27 : memref<128x32xf32, #tpu.memory_space<vmem>>) offsets(%dma_start3A_30 : memref<128xi32, #tpu.memory_space<vmem>>) semaphore(%arg9 : memref<!tpu.dma_semaphore, #tpu.memory_space<semaphore_mem>>)
    %dma_start3A_34 = arith.constant 3 : i32
    %dma_start3A_35 = arith.constant 384 : i32
    %dma_start3A_36 = arith.constant 0 : i32
    %dma_start3A_37 = tpu.memref_slice %arg6[%dma_start3A_35, %dma_start3A_36] : memref<1280x32xf32, #tpu.memory_space<vmem>> -> memref<128x32xf32, #tpu.memory_space<vmem>>
    %dma_start3A_38 = arith.constant 0 : i32
    %dma_start3A_39 = tpu.memref_slice %arg5[%dma_start3A_34, %dma_start3A_38] : memref<20x128xi32, #tpu.memory_space<vmem>> -> memref<1x128xi32, #tpu.memory_space<vmem>>
    %dma_start3A_40 = tpu.memref_squeeze %dma_start3A_39 : memref<1x128xi32, #tpu.memory_space<vmem>> -> memref<128xi32, #tpu.memory_space<vmem>>
    %dma_start3A_41 = arith.constant 0 : i32
    %dma_start3A_42 = arith.constant 0 : i32
    %dma_start3A_43 = tpu.memref_slice %arg8[%dma_start3A_41, %dma_start3A_42] : memref<10000x32xf32, #tpu.memory_space<vmem_shared>> -> memref<10000x32xf32, #tpu.memory_space<vmem_shared>>
    tpu.enqueue_indirect_dma source(%dma_start3A_43 : memref<10000x32xf32, #tpu.memory_space<vmem_shared>>) target(%dma_start3A_37 : memref<128x32xf32, #tpu.memory_space<vmem>>) offsets(%dma_start3A_40 : memref<128xi32, #tpu.memory_space<vmem>>) semaphore(%arg9 : memref<!tpu.dma_semaphore, #tpu.memory_space<semaphore_mem>>)
    %dma_start3A_44 = arith.constant 4 : i32
    %dma_start3A_45 = arith.constant 512 : i32
    %dma_start3A_46 = arith.constant 0 : i32
    %dma_start3A_47 = tpu.memref_slice %arg6[%dma_start3A_45, %dma_start3A_46] : memref<1280x32xf32, #tpu.memory_space<vmem>> -> memref<128x32xf32, #tpu.memory_space<vmem>>
    %dma_start3A_48 = arith.constant 0 : i32
    %dma_start3A_49 = tpu.memref_slice %arg5[%dma_start3A_44, %dma_start3A_48] : memref<20x128xi32, #tpu.memory_space<vmem>> -> memref<1x128xi32, #tpu.memory_space<vmem>>
    %dma_start3A_50 = tpu.memref_squeeze %dma_start3A_49 : memref<1x128xi32, #tpu.memory_space<vmem>> -> memref<128xi32, #tpu.memory_space<vmem>>
    %dma_start3A_51 = arith.constant 0 : i32
    %dma_start3A_52 = arith.constant 0 : i32
    %dma_start3A_53 = tpu.memref_slice %arg8[%dma_start3A_51, %dma_start3A_52] : memref<10000x32xf32, #tpu.memory_space<vmem_shared>> -> memref<10000x32xf32, #tpu.memory_space<vmem_shared>>
    tpu.enqueue_indirect_dma source(%dma_start3A_53 : memref<10000x32xf32, #tpu.memory_space<vmem_shared>>) target(%dma_start3A_47 : memref<128x32xf32, #tpu.memory_space<vmem>>) offsets(%dma_start3A_50 : memref<128xi32, #tpu.memory_space<vmem>>) semaphore(%arg9 : memref<!tpu.dma_semaphore, #tpu.memory_space<semaphore_mem>>)
    %dma_start3A_54 = arith.constant 5 : i32
    %dma_start3A_55 = arith.constant 640 : i32
    %dma_start3A_56 = arith.constant 0 : i32
    %dma_start3A_57 = tpu.memref_slice %arg6[%dma_start3A_55, %dma_start3A_56] : memref<1280x32xf32, #tpu.memory_space<vmem>> -> memref<128x32xf32, #tpu.memory_space<vmem>>
    %dma_start3A_58 = arith.constant 0 : i32
    %dma_start3A_59 = tpu.memref_slice %arg5[%dma_start3A_54, %dma_start3A_58] : memref<20x128xi32, #tpu.memory_space<vmem>> -> memref<1x128xi32, #tpu.memory_space<vmem>>
    %dma_start3A_60 = tpu.memref_squeeze %dma_start3A_59 : memref<1x128xi32, #tpu.memory_space<vmem>> -> memref<128xi32, #tpu.memory_space<vmem>>
    %dma_start3A_61 = arith.constant 0 : i32
    %dma_start3A_62 = arith.constant 0 : i32
    %dma_start3A_63 = tpu.memref_slice %arg8[%dma_start3A_61, %dma_start3A_62] : memref<10000x32xf32, #tpu.memory_space<vmem_shared>> -> memref<10000x32xf32, #tpu.memory_space<vmem_shared>>
    tpu.enqueue_indirect_dma source(%dma_start3A_63 : memref<10000x32xf32, #tpu.memory_space<vmem_shared>>) target(%dma_start3A_57 : memref<128x32xf32, #tpu.memory_space<vmem>>) offsets(%dma_start3A_60 : memref<128xi32, #tpu.memory_space<vmem>>) semaphore(%arg9 : memref<!tpu.dma_semaphore, #tpu.memory_space<semaphore_mem>>)
    %dma_start3A_64 = arith.constant 6 : i32
    %dma_start3A_65 = arith.constant 768 : i32
    %dma_start3A_66 = arith.constant 0 : i32
    %dma_start3A_67 = tpu.memref_slice %arg6[%dma_start3A_65, %dma_start3A_66] : memref<1280x32xf32, #tpu.memory_space<vmem>> -> memref<128x32xf32, #tpu.memory_space<vmem>>
    %dma_start3A_68 = arith.constant 0 : i32
    %dma_start3A_69 = tpu.memref_slice %arg5[%dma_start3A_64, %dma_start3A_68] : memref<20x128xi32, #tpu.memory_space<vmem>> -> memref<1x128xi32, #tpu.memory_space<vmem>>
    %dma_start3A_70 = tpu.memref_squeeze %dma_start3A_69 : memref<1x128xi32, #tpu.memory_space<vmem>> -> memref<128xi32, #tpu.memory_space<vmem>>
    %dma_start3A_71 = arith.constant 0 : i32
    %dma_start3A_72 = arith.constant 0 : i32
    %dma_start3A_73 = tpu.memref_slice %arg8[%dma_start3A_71, %dma_start3A_72] : memref<10000x32xf32, #tpu.memory_space<vmem_shared>> -> memref<10000x32xf32, #tpu.memory_space<vmem_shared>>
    tpu.enqueue_indirect_dma source(%dma_start3A_73 : memref<10000x32xf32, #tpu.memory_space<vmem_shared>>) target(%dma_start3A_67 : memref<128x32xf32, #tpu.memory_space<vmem>>) offsets(%dma_start3A_70 : memref<128xi32, #tpu.memory_space<vmem>>) semaphore(%arg9 : memref<!tpu.dma_semaphore, #tpu.memory_space<semaphore_mem>>)
    %dma_start3A_74 = arith.constant 7 : i32
    %dma_start3A_75 = arith.constant 896 : i32
    %dma_start3A_76 = arith.constant 0 : i32
    %dma_start3A_77 = tpu.memref_slice %arg6[%dma_start3A_75, %dma_start3A_76] : memref<1280x32xf32, #tpu.memory_space<vmem>> -> memref<128x32xf32, #tpu.memory_space<vmem>>
    %dma_start3A_78 = arith.constant 0 : i32
    %dma_start3A_79 = tpu.memref_slice %arg5[%dma_start3A_74, %dma_start3A_78] : memref<20x128xi32, #tpu.memory_space<vmem>> -> memref<1x128xi32, #tpu.memory_space<vmem>>
    %dma_start3A_80 = tpu.memref_squeeze %dma_start3A_79 : memref<1x128xi32, #tpu.memory_space<vmem>> -> memref<128xi32, #tpu.memory_space<vmem>>
    %dma_start3A_81 = arith.constant 0 : i32
    %dma_start3A_82 = arith.constant 0 : i32
    %dma_start3A_83 = tpu.memref_slice %arg8[%dma_start3A_81, %dma_start3A_82] : memref<10000x32xf32, #tpu.memory_space<vmem_shared>> -> memref<10000x32xf32, #tpu.memory_space<vmem_shared>>
    tpu.enqueue_indirect_dma source(%dma_start3A_83 : memref<10000x32xf32, #tpu.memory_space<vmem_shared>>) target(%dma_start3A_77 : memref<128x32xf32, #tpu.memory_space<vmem>>) offsets(%dma_start3A_80 : memref<128xi32, #tpu.memory_space<vmem>>) semaphore(%arg9 : memref<!tpu.dma_semaphore, #tpu.memory_space<semaphore_mem>>)
    %dma_start3A_84 = arith.constant 8 : i32
    %dma_start3A_85 = arith.constant 1024 : i32
    %dma_start3A_86 = arith.constant 0 : i32
    %dma_start3A_87 = tpu.memref_slice %arg6[%dma_start3A_85, %dma_start3A_86] : memref<1280x32xf32, #tpu.memory_space<vmem>> -> memref<128x32xf32, #tpu.memory_space<vmem>>
    %dma_start3A_88 = arith.constant 0 : i32
    %dma_start3A_89 = tpu.memref_slice %arg5[%dma_start3A_84, %dma_start3A_88] : memref<20x128xi32, #tpu.memory_space<vmem>> -> memref<1x128xi32, #tpu.memory_space<vmem>>
    %dma_start3A_90 = tpu.memref_squeeze %dma_start3A_89 : memref<1x128xi32, #tpu.memory_space<vmem>> -> memref<128xi32, #tpu.memory_space<vmem>>
    %dma_start3A_91 = arith.constant 0 : i32
    %dma_start3A_92 = arith.constant 0 : i32
    %dma_start3A_93 = tpu.memref_slice %arg8[%dma_start3A_91, %dma_start3A_92] : memref<10000x32xf32, #tpu.memory_space<vmem_shared>> -> memref<10000x32xf32, #tpu.memory_space<vmem_shared>>
    tpu.enqueue_indirect_dma source(%dma_start3A_93 : memref<10000x32xf32, #tpu.memory_space<vmem_shared>>) target(%dma_start3A_87 : memref<128x32xf32, #tpu.memory_space<vmem>>) offsets(%dma_start3A_90 : memref<128xi32, #tpu.memory_space<vmem>>) semaphore(%arg9 : memref<!tpu.dma_semaphore, #tpu.memory_space<semaphore_mem>>)
    %dma_start3A_94 = arith.constant 9 : i32
    %dma_start3A_95 = arith.constant 1152 : i32
    %dma_start3A_96 = arith.constant 0 : i32
    %dma_start3A_97 = tpu.memref_slice %arg6[%dma_start3A_95, %dma_start3A_96] : memref<1280x32xf32, #tpu.memory_space<vmem>> -> memref<128x32xf32, #tpu.memory_space<vmem>>
    %dma_start3A_98 = arith.constant 0 : i32
    %dma_start3A_99 = tpu.memref_slice %arg5[%dma_start3A_94, %dma_start3A_98] : memref<20x128xi32, #tpu.memory_space<vmem>> -> memref<1x128xi32, #tpu.memory_space<vmem>>
    %dma_start3A_100 = tpu.memref_squeeze %dma_start3A_99 : memref<1x128xi32, #tpu.memory_space<vmem>> -> memref<128xi32, #tpu.memory_space<vmem>>
    %dma_start3A_101 = arith.constant 0 : i32
    %dma_start3A_102 = arith.constant 0 : i32
    %dma_start3A_103 = tpu.memref_slice %arg8[%dma_start3A_101, %dma_start3A_102] : memref<10000x32xf32, #tpu.memory_space<vmem_shared>> -> memref<10000x32xf32, #tpu.memory_space<vmem_shared>>
    tpu.enqueue_indirect_dma source(%dma_start3A_103 : memref<10000x32xf32, #tpu.memory_space<vmem_shared>>) target(%dma_start3A_97 : memref<128x32xf32, #tpu.memory_space<vmem>>) offsets(%dma_start3A_100 : memref<128xi32, #tpu.memory_space<vmem>>) semaphore(%arg9 : memref<!tpu.dma_semaphore, #tpu.memory_space<semaphore_mem>>)
    %dma_start3A_104 = arith.constant 10 : i32
    %dma_start3A_105 = arith.constant 0 : i32
    %dma_start3A_106 = arith.constant 0 : i32
    %dma_start3A_107 = tpu.memref_slice %arg7[%dma_start3A_105, %dma_start3A_106] : memref<1280x32xf32, #tpu.memory_space<vmem>> -> memref<128x32xf32, #tpu.memory_space<vmem>>
    %dma_start3A_108 = arith.constant 0 : i32
    %dma_start3A_109 = tpu.memref_slice %arg5[%dma_start3A_104, %dma_start3A_108] : memref<20x128xi32, #tpu.memory_space<vmem>> -> memref<1x128xi32, #tpu.memory_space<vmem>>
    %dma_start3A_110 = tpu.memref_squeeze %dma_start3A_109 : memref<1x128xi32, #tpu.memory_space<vmem>> -> memref<128xi32, #tpu.memory_space<vmem>>
    %dma_start3A_111 = arith.constant 0 : i32
    %dma_start3A_112 = arith.constant 0 : i32
    %dma_start3A_113 = tpu.memref_slice %arg8[%dma_start3A_111, %dma_start3A_112] : memref<10000x32xf32, #tpu.memory_space<vmem_shared>> -> memref<10000x32xf32, #tpu.memory_space<vmem_shared>>
    tpu.enqueue_indirect_dma source(%dma_start3A_113 : memref<10000x32xf32, #tpu.memory_space<vmem_shared>>) target(%dma_start3A_107 : memref<128x32xf32, #tpu.memory_space<vmem>>) offsets(%dma_start3A_110 : memref<128xi32, #tpu.memory_space<vmem>>) semaphore(%arg10 : memref<!tpu.dma_semaphore, #tpu.memory_space<semaphore_mem>>)
    %dma_start3A_114 = arith.constant 11 : i32
    %dma_start3A_115 = arith.constant 128 : i32
    %dma_start3A_116 = arith.constant 0 : i32
    %dma_start3A_117 = tpu.memref_slice %arg7[%dma_start3A_115, %dma_start3A_116] : memref<1280x32xf32, #tpu.memory_space<vmem>> -> memref<128x32xf32, #tpu.memory_space<vmem>>
    %dma_start3A_118 = arith.constant 0 : i32
    %dma_start3A_119 = tpu.memref_slice %arg5[%dma_start3A_114, %dma_start3A_118] : memref<20x128xi32, #tpu.memory_space<vmem>> -> memref<1x128xi32, #tpu.memory_space<vmem>>
    %dma_start3A_120 = tpu.memref_squeeze %dma_start3A_119 : memref<1x128xi32, #tpu.memory_space<vmem>> -> memref<128xi32, #tpu.memory_space<vmem>>
    %dma_start3A_121 = arith.constant 0 : i32
    %dma_start3A_122 = arith.constant 0 : i32
    %dma_start3A_123 = tpu.memref_slice %arg8[%dma_start3A_121, %dma_start3A_122] : memref<10000x32xf32, #tpu.memory_space<vmem_shared>> -> memref<10000x32xf32, #tpu.memory_space<vmem_shared>>
    tpu.enqueue_indirect_dma source(%dma_start3A_123 : memref<10000x32xf32, #tpu.memory_space<vmem_shared>>) target(%dma_start3A_117 : memref<128x32xf32, #tpu.memory_space<vmem>>) offsets(%dma_start3A_120 : memref<128xi32, #tpu.memory_space<vmem>>) semaphore(%arg10 : memref<!tpu.dma_semaphore, #tpu.memory_space<semaphore_mem>>)
    %dma_start3A_124 = arith.constant 12 : i32
    %dma_start3A_125 = arith.constant 256 : i32
    %dma_start3A_126 = arith.constant 0 : i32
    %dma_start3A_127 = tpu.memref_slice %arg7[%dma_start3A_125, %dma_start3A_126] : memref<1280x32xf32, #tpu.memory_space<vmem>> -> memref<128x32xf32, #tpu.memory_space<vmem>>
    %dma_start3A_128 = arith.constant 0 : i32
    %dma_start3A_129 = tpu.memref_slice %arg5[%dma_start3A_124, %dma_start3A_128] : memref<20x128xi32, #tpu.memory_space<vmem>> -> memref<1x128xi32, #tpu.memory_space<vmem>>
    %dma_start3A_130 = tpu.memref_squeeze %dma_start3A_129 : memref<1x128xi32, #tpu.memory_space<vmem>> -> memref<128xi32, #tpu.memory_space<vmem>>
    %dma_start3A_131 = arith.constant 0 : i32
    %dma_start3A_132 = arith.constant 0 : i32
    %dma_start3A_133 = tpu.memref_slice %arg8[%dma_start3A_131, %dma_start3A_132] : memref<10000x32xf32, #tpu.memory_space<vmem_shared>> -> memref<10000x32xf32, #tpu.memory_space<vmem_shared>>
    tpu.enqueue_indirect_dma source(%dma_start3A_133 : memref<10000x32xf32, #tpu.memory_space<vmem_shared>>) target(%dma_start3A_127 : memref<128x32xf32, #tpu.memory_space<vmem>>) offsets(%dma_start3A_130 : memref<128xi32, #tpu.memory_space<vmem>>) semaphore(%arg10 : memref<!tpu.dma_semaphore, #tpu.memory_space<semaphore_mem>>)
    %dma_start3A_134 = arith.constant 13 : i32
    %dma_start3A_135 = arith.constant 384 : i32
    %dma_start3A_136 = arith.constant 0 : i32
    %dma_start3A_137 = tpu.memref_slice %arg7[%dma_start3A_135, %dma_start3A_136] : memref<1280x32xf32, #tpu.memory_space<vmem>> -> memref<128x32xf32, #tpu.memory_space<vmem>>
    %dma_start3A_138 = arith.constant 0 : i32
    %dma_start3A_139 = tpu.memref_slice %arg5[%dma_start3A_134, %dma_start3A_138] : memref<20x128xi32, #tpu.memory_space<vmem>> -> memref<1x128xi32, #tpu.memory_space<vmem>>
    %dma_start3A_140 = tpu.memref_squeeze %dma_start3A_139 : memref<1x128xi32, #tpu.memory_space<vmem>> -> memref<128xi32, #tpu.memory_space<vmem>>
    %dma_start3A_141 = arith.constant 0 : i32
    %dma_start3A_142 = arith.constant 0 : i32
    %dma_start3A_143 = tpu.memref_slice %arg8[%dma_start3A_141, %dma_start3A_142] : memref<10000x32xf32, #tpu.memory_space<vmem_shared>> -> memref<10000x32xf32, #tpu.memory_space<vmem_shared>>
    tpu.enqueue_indirect_dma source(%dma_start3A_143 : memref<10000x32xf32, #tpu.memory_space<vmem_shared>>) target(%dma_start3A_137 : memref<128x32xf32, #tpu.memory_space<vmem>>) offsets(%dma_start3A_140 : memref<128xi32, #tpu.memory_space<vmem>>) semaphore(%arg10 : memref<!tpu.dma_semaphore, #tpu.memory_space<semaphore_mem>>)
    %dma_start3A_144 = arith.constant 14 : i32
    %dma_start3A_145 = arith.constant 512 : i32
    %dma_start3A_146 = arith.constant 0 : i32
    %dma_start3A_147 = tpu.memref_slice %arg7[%dma_start3A_145, %dma_start3A_146] : memref<1280x32xf32, #tpu.memory_space<vmem>> -> memref<128x32xf32, #tpu.memory_space<vmem>>
    %dma_start3A_148 = arith.constant 0 : i32
    %dma_start3A_149 = tpu.memref_slice %arg5[%dma_start3A_144, %dma_start3A_148] : memref<20x128xi32, #tpu.memory_space<vmem>> -> memref<1x128xi32, #tpu.memory_space<vmem>>
    %dma_start3A_150 = tpu.memref_squeeze %dma_start3A_149 : memref<1x128xi32, #tpu.memory_space<vmem>> -> memref<128xi32, #tpu.memory_space<vmem>>
    %dma_start3A_151 = arith.constant 0 : i32
    %dma_start3A_152 = arith.constant 0 : i32
    %dma_start3A_153 = tpu.memref_slice %arg8[%dma_start3A_151, %dma_start3A_152] : memref<10000x32xf32, #tpu.memory_space<vmem_shared>> -> memref<10000x32xf32, #tpu.memory_space<vmem_shared>>
    tpu.enqueue_indirect_dma source(%dma_start3A_153 : memref<10000x32xf32, #tpu.memory_space<vmem_shared>>) target(%dma_start3A_147 : memref<128x32xf32, #tpu.memory_space<vmem>>) offsets(%dma_start3A_150 : memref<128xi32, #tpu.memory_space<vmem>>) semaphore(%arg10 : memref<!tpu.dma_semaphore, #tpu.memory_space<semaphore_mem>>)
    %dma_start3A_154 = arith.constant 15 : i32
    %dma_start3A_155 = arith.constant 640 : i32
    %dma_start3A_156 = arith.constant 0 : i32
    %dma_start3A_157 = tpu.memref_slice %arg7[%dma_start3A_155, %dma_start3A_156] : memref<1280x32xf32, #tpu.memory_space<vmem>> -> memref<128x32xf32, #tpu.memory_space<vmem>>
    %dma_start3A_158 = arith.constant 0 : i32
    %dma_start3A_159 = tpu.memref_slice %arg5[%dma_start3A_154, %dma_start3A_158] : memref<20x128xi32, #tpu.memory_space<vmem>> -> memref<1x128xi32, #tpu.memory_space<vmem>>
    %dma_start3A_160 = tpu.memref_squeeze %dma_start3A_159 : memref<1x128xi32, #tpu.memory_space<vmem>> -> memref<128xi32, #tpu.memory_space<vmem>>
    %dma_start3A_161 = arith.constant 0 : i32
    %dma_start3A_162 = arith.constant 0 : i32
    %dma_start3A_163 = tpu.memref_slice %arg8[%dma_start3A_161, %dma_start3A_162] : memref<10000x32xf32, #tpu.memory_space<vmem_shared>> -> memref<10000x32xf32, #tpu.memory_space<vmem_shared>>
    tpu.enqueue_indirect_dma source(%dma_start3A_163 : memref<10000x32xf32, #tpu.memory_space<vmem_shared>>) target(%dma_start3A_157 : memref<128x32xf32, #tpu.memory_space<vmem>>) offsets(%dma_start3A_160 : memref<128xi32, #tpu.memory_space<vmem>>) semaphore(%arg10 : memref<!tpu.dma_semaphore, #tpu.memory_space<semaphore_mem>>)
    %dma_start3A_164 = arith.constant 16 : i32
    %dma_start3A_165 = arith.constant 768 : i32
    %dma_start3A_166 = arith.constant 0 : i32
    %dma_start3A_167 = tpu.memref_slice %arg7[%dma_start3A_165, %dma_start3A_166] : memref<1280x32xf32, #tpu.memory_space<vmem>> -> memref<128x32xf32, #tpu.memory_space<vmem>>
    %dma_start3A_168 = arith.constant 0 : i32
    %dma_start3A_169 = tpu.memref_slice %arg5[%dma_start3A_164, %dma_start3A_168] : memref<20x128xi32, #tpu.memory_space<vmem>> -> memref<1x128xi32, #tpu.memory_space<vmem>>
    %dma_start3A_170 = tpu.memref_squeeze %dma_start3A_169 : memref<1x128xi32, #tpu.memory_space<vmem>> -> memref<128xi32, #tpu.memory_space<vmem>>
    %dma_start3A_171 = arith.constant 0 : i32
    %dma_start3A_172 = arith.constant 0 : i32
    %dma_start3A_173 = tpu.memref_slice %arg8[%dma_start3A_171, %dma_start3A_172] : memref<10000x32xf32, #tpu.memory_space<vmem_shared>> -> memref<10000x32xf32, #tpu.memory_space<vmem_shared>>
    tpu.enqueue_indirect_dma source(%dma_start3A_173 : memref<10000x32xf32, #tpu.memory_space<vmem_shared>>) target(%dma_start3A_167 : memref<128x32xf32, #tpu.memory_space<vmem>>) offsets(%dma_start3A_170 : memref<128xi32, #tpu.memory_space<vmem>>) semaphore(%arg10 : memref<!tpu.dma_semaphore, #tpu.memory_space<semaphore_mem>>)
    %dma_start3A_174 = arith.constant 17 : i32
    %dma_start3A_175 = arith.constant 896 : i32
    %dma_start3A_176 = arith.constant 0 : i32
    %dma_start3A_177 = tpu.memref_slice %arg7[%dma_start3A_175, %dma_start3A_176] : memref<1280x32xf32, #tpu.memory_space<vmem>> -> memref<128x32xf32, #tpu.memory_space<vmem>>
    %dma_start3A_178 = arith.constant 0 : i32
    %dma_start3A_179 = tpu.memref_slice %arg5[%dma_start3A_174, %dma_start3A_178] : memref<20x128xi32, #tpu.memory_space<vmem>> -> memref<1x128xi32, #tpu.memory_space<vmem>>
    %dma_start3A_180 = tpu.memref_squeeze %dma_start3A_179 : memref<1x128xi32, #tpu.memory_space<vmem>> -> memref<128xi32, #tpu.memory_space<vmem>>
    %dma_start3A_181 = arith.constant 0 : i32
    %dma_start3A_182 = arith.constant 0 : i32
    %dma_start3A_183 = tpu.memref_slice %arg8[%dma_start3A_181, %dma_start3A_182] : memref<10000x32xf32, #tpu.memory_space<vmem_shared>> -> memref<10000x32xf32, #tpu.memory_space<vmem_shared>>
    tpu.enqueue_indirect_dma source(%dma_start3A_183 : memref<10000x32xf32, #tpu.memory_space<vmem_shared>>) target(%dma_start3A_177 : memref<128x32xf32, #tpu.memory_space<vmem>>) offsets(%dma_start3A_180 : memref<128xi32, #tpu.memory_space<vmem>>) semaphore(%arg10 : memref<!tpu.dma_semaphore, #tpu.memory_space<semaphore_mem>>)
    %dma_start3A_184 = arith.constant 18 : i32
    %dma_start3A_185 = arith.constant 1024 : i32
    %dma_start3A_186 = arith.constant 0 : i32
    %dma_start3A_187 = tpu.memref_slice %arg7[%dma_start3A_185, %dma_start3A_186] : memref<1280x32xf32, #tpu.memory_space<vmem>> -> memref<128x32xf32, #tpu.memory_space<vmem>>
    %dma_start3A_188 = arith.constant 0 : i32
    %dma_start3A_189 = tpu.memref_slice %arg5[%dma_start3A_184, %dma_start3A_188] : memref<20x128xi32, #tpu.memory_space<vmem>> -> memref<1x128xi32, #tpu.memory_space<vmem>>
    %dma_start3A_190 = tpu.memref_squeeze %dma_start3A_189 : memref<1x128xi32, #tpu.memory_space<vmem>> -> memref<128xi32, #tpu.memory_space<vmem>>
    %dma_start3A_191 = arith.constant 0 : i32
    %dma_start3A_192 = arith.constant 0 : i32
    %dma_start3A_193 = tpu.memref_slice %arg8[%dma_start3A_191, %dma_start3A_192] : memref<10000x32xf32, #tpu.memory_space<vmem_shared>> -> memref<10000x32xf32, #tpu.memory_space<vmem_shared>>
    tpu.enqueue_indirect_dma source(%dma_start3A_193 : memref<10000x32xf32, #tpu.memory_space<vmem_shared>>) target(%dma_start3A_187 : memref<128x32xf32, #tpu.memory_space<vmem>>) offsets(%dma_start3A_190 : memref<128xi32, #tpu.memory_space<vmem>>) semaphore(%arg10 : memref<!tpu.dma_semaphore, #tpu.memory_space<semaphore_mem>>)
    %dma_start3A_194 = arith.constant 19 : i32
    %dma_start3A_195 = arith.constant 1152 : i32
    %dma_start3A_196 = arith.constant 0 : i32
    %dma_start3A_197 = tpu.memref_slice %arg7[%dma_start3A_195, %dma_start3A_196] : memref<1280x32xf32, #tpu.memory_space<vmem>> -> memref<128x32xf32, #tpu.memory_space<vmem>>
    %dma_start3A_198 = arith.constant 0 : i32
    %dma_start3A_199 = tpu.memref_slice %arg5[%dma_start3A_194, %dma_start3A_198] : memref<20x128xi32, #tpu.memory_space<vmem>> -> memref<1x128xi32, #tpu.memory_space<vmem>>
    %dma_start3A_200 = tpu.memref_squeeze %dma_start3A_199 : memref<1x128xi32, #tpu.memory_space<vmem>> -> memref<128xi32, #tpu.memory_space<vmem>>
    %dma_start3A_201 = arith.constant 0 : i32
    %dma_start3A_202 = arith.constant 0 : i32
    %dma_start3A_203 = tpu.memref_slice %arg8[%dma_start3A_201, %dma_start3A_202] : memref<10000x32xf32, #tpu.memory_space<vmem_shared>> -> memref<10000x32xf32, #tpu.memory_space<vmem_shared>>
    tpu.enqueue_indirect_dma source(%dma_start3A_203 : memref<10000x32xf32, #tpu.memory_space<vmem_shared>>) target(%dma_start3A_197 : memref<128x32xf32, #tpu.memory_space<vmem>>) offsets(%dma_start3A_200 : memref<128xi32, #tpu.memory_space<vmem>>) semaphore(%arg10 : memref<!tpu.dma_semaphore, #tpu.memory_space<semaphore_mem>>)
    %dma_wait3A = arith.constant 0 : i32
    %dma_wait3A_204 = arith.constant 0 : i32
    %dma_wait3A_205 = arith.constant 0 : i32
    %dma_wait3A_206 = tpu.memref_slice %arg6[%dma_wait3A_204, %dma_wait3A_205] : memref<1280x32xf32, #tpu.memory_space<vmem>> -> memref<128x32xf32, #tpu.memory_space<vmem>>
    %dma_wait3A_207 = arith.constant 0 : i32
    %dma_wait3A_208 = tpu.memref_slice %arg5[%dma_wait3A, %dma_wait3A_207] : memref<20x128xi32, #tpu.memory_space<vmem>> -> memref<1x128xi32, #tpu.memory_space<vmem>>
    %dma_wait3A_209 = tpu.memref_squeeze %dma_wait3A_208 : memref<1x128xi32, #tpu.memory_space<vmem>> -> memref<128xi32, #tpu.memory_space<vmem>>
    %dma_wait3A_210 = arith.constant 0 : i32
    %dma_wait3A_211 = arith.constant 0 : i32
    %dma_wait3A_212 = tpu.memref_slice %arg8[%dma_wait3A_210, %dma_wait3A_211] : memref<10000x32xf32, #tpu.memory_space<vmem_shared>> -> memref<10000x32xf32, #tpu.memory_space<vmem_shared>>
    tpu.wait_indirect_dma semaphore(%arg9 : memref<!tpu.dma_semaphore, #tpu.memory_space<semaphore_mem>>) src(%dma_wait3A_212 : memref<10000x32xf32, #tpu.memory_space<vmem_shared>>) dst(%dma_wait3A_206 : memref<128x32xf32, #tpu.memory_space<vmem>>)
    %dma_wait3A_213 = arith.constant 1 : i32
    %dma_wait3A_214 = arith.constant 128 : i32
    %dma_wait3A_215 = arith.constant 0 : i32
    %dma_wait3A_216 = tpu.memref_slice %arg6[%dma_wait3A_214, %dma_wait3A_215] : memref<1280x32xf32, #tpu.memory_space<vmem>> -> memref<128x32xf32, #tpu.memory_space<vmem>>
    %dma_wait3A_217 = arith.constant 0 : i32
    %dma_wait3A_218 = tpu.memref_slice %arg5[%dma_wait3A_213, %dma_wait3A_217] : memref<20x128xi32, #tpu.memory_space<vmem>> -> memref<1x128xi32, #tpu.memory_space<vmem>>
    %dma_wait3A_219 = tpu.memref_squeeze %dma_wait3A_218 : memref<1x128xi32, #tpu.memory_space<vmem>> -> memref<128xi32, #tpu.memory_space<vmem>>
    %dma_wait3A_220 = arith.constant 0 : i32
    %dma_wait3A_221 = arith.constant 0 : i32
    %dma_wait3A_222 = tpu.memref_slice %arg8[%dma_wait3A_220, %dma_wait3A_221] : memref<10000x32xf32, #tpu.memory_space<vmem_shared>> -> memref<10000x32xf32, #tpu.memory_space<vmem_shared>>
    tpu.wait_indirect_dma semaphore(%arg9 : memref<!tpu.dma_semaphore, #tpu.memory_space<semaphore_mem>>) src(%dma_wait3A_222 : memref<10000x32xf32, #tpu.memory_space<vmem_shared>>) dst(%dma_wait3A_216 : memref<128x32xf32, #tpu.memory_space<vmem>>)
    %dma_wait3A_223 = arith.constant 2 : i32
    %dma_wait3A_224 = arith.constant 256 : i32
    %dma_wait3A_225 = arith.constant 0 : i32
    %dma_wait3A_226 = tpu.memref_slice %arg6[%dma_wait3A_224, %dma_wait3A_225] : memref<1280x32xf32, #tpu.memory_space<vmem>> -> memref<128x32xf32, #tpu.memory_space<vmem>>
    %dma_wait3A_227 = arith.constant 0 : i32
    %dma_wait3A_228 = tpu.memref_slice %arg5[%dma_wait3A_223, %dma_wait3A_227] : memref<20x128xi32, #tpu.memory_space<vmem>> -> memref<1x128xi32, #tpu.memory_space<vmem>>
    %dma_wait3A_229 = tpu.memref_squeeze %dma_wait3A_228 : memref<1x128xi32, #tpu.memory_space<vmem>> -> memref<128xi32, #tpu.memory_space<vmem>>
    %dma_wait3A_230 = arith.constant 0 : i32
    %dma_wait3A_231 = arith.constant 0 : i32
    %dma_wait3A_232 = tpu.memref_slice %arg8[%dma_wait3A_230, %dma_wait3A_231] : memref<10000x32xf32, #tpu.memory_space<vmem_shared>> -> memref<10000x32xf32, #tpu.memory_space<vmem_shared>>
    tpu.wait_indirect_dma semaphore(%arg9 : memref<!tpu.dma_semaphore, #tpu.memory_space<semaphore_mem>>) src(%dma_wait3A_232 : memref<10000x32xf32, #tpu.memory_space<vmem_shared>>) dst(%dma_wait3A_226 : memref<128x32xf32, #tpu.memory_space<vmem>>)
    %dma_wait3A_233 = arith.constant 3 : i32
    %dma_wait3A_234 = arith.constant 384 : i32
    %dma_wait3A_235 = arith.constant 0 : i32
    %dma_wait3A_236 = tpu.memref_slice %arg6[%dma_wait3A_234, %dma_wait3A_235] : memref<1280x32xf32, #tpu.memory_space<vmem>> -> memref<128x32xf32, #tpu.memory_space<vmem>>
    %dma_wait3A_237 = arith.constant 0 : i32
    %dma_wait3A_238 = tpu.memref_slice %arg5[%dma_wait3A_233, %dma_wait3A_237] : memref<20x128xi32, #tpu.memory_space<vmem>> -> memref<1x128xi32, #tpu.memory_space<vmem>>
    %dma_wait3A_239 = tpu.memref_squeeze %dma_wait3A_238 : memref<1x128xi32, #tpu.memory_space<vmem>> -> memref<128xi32, #tpu.memory_space<vmem>>
    %dma_wait3A_240 = arith.constant 0 : i32
    %dma_wait3A_241 = arith.constant 0 : i32
    %dma_wait3A_242 = tpu.memref_slice %arg8[%dma_wait3A_240, %dma_wait3A_241] : memref<10000x32xf32, #tpu.memory_space<vmem_shared>> -> memref<10000x32xf32, #tpu.memory_space<vmem_shared>>
    tpu.wait_indirect_dma semaphore(%arg9 : memref<!tpu.dma_semaphore, #tpu.memory_space<semaphore_mem>>) src(%dma_wait3A_242 : memref<10000x32xf32, #tpu.memory_space<vmem_shared>>) dst(%dma_wait3A_236 : memref<128x32xf32, #tpu.memory_space<vmem>>)
    %dma_wait3A_243 = arith.constant 4 : i32
    %dma_wait3A_244 = arith.constant 512 : i32
    %dma_wait3A_245 = arith.constant 0 : i32
    %dma_wait3A_246 = tpu.memref_slice %arg6[%dma_wait3A_244, %dma_wait3A_245] : memref<1280x32xf32, #tpu.memory_space<vmem>> -> memref<128x32xf32, #tpu.memory_space<vmem>>
    %dma_wait3A_247 = arith.constant 0 : i32
    %dma_wait3A_248 = tpu.memref_slice %arg5[%dma_wait3A_243, %dma_wait3A_247] : memref<20x128xi32, #tpu.memory_space<vmem>> -> memref<1x128xi32, #tpu.memory_space<vmem>>
    %dma_wait3A_249 = tpu.memref_squeeze %dma_wait3A_248 : memref<1x128xi32, #tpu.memory_space<vmem>> -> memref<128xi32, #tpu.memory_space<vmem>>
    %dma_wait3A_250 = arith.constant 0 : i32
    %dma_wait3A_251 = arith.constant 0 : i32
    %dma_wait3A_252 = tpu.memref_slice %arg8[%dma_wait3A_250, %dma_wait3A_251] : memref<10000x32xf32, #tpu.memory_space<vmem_shared>> -> memref<10000x32xf32, #tpu.memory_space<vmem_shared>>
    tpu.wait_indirect_dma semaphore(%arg9 : memref<!tpu.dma_semaphore, #tpu.memory_space<semaphore_mem>>) src(%dma_wait3A_252 : memref<10000x32xf32, #tpu.memory_space<vmem_shared>>) dst(%dma_wait3A_246 : memref<128x32xf32, #tpu.memory_space<vmem>>)
    %dma_wait3A_253 = arith.constant 5 : i32
    %dma_wait3A_254 = arith.constant 640 : i32
    %dma_wait3A_255 = arith.constant 0 : i32
    %dma_wait3A_256 = tpu.memref_slice %arg6[%dma_wait3A_254, %dma_wait3A_255] : memref<1280x32xf32, #tpu.memory_space<vmem>> -> memref<128x32xf32, #tpu.memory_space<vmem>>
    %dma_wait3A_257 = arith.constant 0 : i32
    %dma_wait3A_258 = tpu.memref_slice %arg5[%dma_wait3A_253, %dma_wait3A_257] : memref<20x128xi32, #tpu.memory_space<vmem>> -> memref<1x128xi32, #tpu.memory_space<vmem>>
    %dma_wait3A_259 = tpu.memref_squeeze %dma_wait3A_258 : memref<1x128xi32, #tpu.memory_space<vmem>> -> memref<128xi32, #tpu.memory_space<vmem>>
    %dma_wait3A_260 = arith.constant 0 : i32
    %dma_wait3A_261 = arith.constant 0 : i32
    %dma_wait3A_262 = tpu.memref_slice %arg8[%dma_wait3A_260, %dma_wait3A_261] : memref<10000x32xf32, #tpu.memory_space<vmem_shared>> -> memref<10000x32xf32, #tpu.memory_space<vmem_shared>>
    tpu.wait_indirect_dma semaphore(%arg9 : memref<!tpu.dma_semaphore, #tpu.memory_space<semaphore_mem>>) src(%dma_wait3A_262 : memref<10000x32xf32, #tpu.memory_space<vmem_shared>>) dst(%dma_wait3A_256 : memref<128x32xf32, #tpu.memory_space<vmem>>)
    %dma_wait3A_263 = arith.constant 6 : i32
    %dma_wait3A_264 = arith.constant 768 : i32
    %dma_wait3A_265 = arith.constant 0 : i32
    %dma_wait3A_266 = tpu.memref_slice %arg6[%dma_wait3A_264, %dma_wait3A_265] : memref<1280x32xf32, #tpu.memory_space<vmem>> -> memref<128x32xf32, #tpu.memory_space<vmem>>
    %dma_wait3A_267 = arith.constant 0 : i32
    %dma_wait3A_268 = tpu.memref_slice %arg5[%dma_wait3A_263, %dma_wait3A_267] : memref<20x128xi32, #tpu.memory_space<vmem>> -> memref<1x128xi32, #tpu.memory_space<vmem>>
    %dma_wait3A_269 = tpu.memref_squeeze %dma_wait3A_268 : memref<1x128xi32, #tpu.memory_space<vmem>> -> memref<128xi32, #tpu.memory_space<vmem>>
    %dma_wait3A_270 = arith.constant 0 : i32
    %dma_wait3A_271 = arith.constant 0 : i32
    %dma_wait3A_272 = tpu.memref_slice %arg8[%dma_wait3A_270, %dma_wait3A_271] : memref<10000x32xf32, #tpu.memory_space<vmem_shared>> -> memref<10000x32xf32, #tpu.memory_space<vmem_shared>>
    tpu.wait_indirect_dma semaphore(%arg9 : memref<!tpu.dma_semaphore, #tpu.memory_space<semaphore_mem>>) src(%dma_wait3A_272 : memref<10000x32xf32, #tpu.memory_space<vmem_shared>>) dst(%dma_wait3A_266 : memref<128x32xf32, #tpu.memory_space<vmem>>)
    %dma_wait3A_273 = arith.constant 7 : i32
    %dma_wait3A_274 = arith.constant 896 : i32
    %dma_wait3A_275 = arith.constant 0 : i32
    %dma_wait3A_276 = tpu.memref_slice %arg6[%dma_wait3A_274, %dma_wait3A_275] : memref<1280x32xf32, #tpu.memory_space<vmem>> -> memref<128x32xf32, #tpu.memory_space<vmem>>
    %dma_wait3A_277 = arith.constant 0 : i32
    %dma_wait3A_278 = tpu.memref_slice %arg5[%dma_wait3A_273, %dma_wait3A_277] : memref<20x128xi32, #tpu.memory_space<vmem>> -> memref<1x128xi32, #tpu.memory_space<vmem>>
    %dma_wait3A_279 = tpu.memref_squeeze %dma_wait3A_278 : memref<1x128xi32, #tpu.memory_space<vmem>> -> memref<128xi32, #tpu.memory_space<vmem>>
    %dma_wait3A_280 = arith.constant 0 : i32
    %dma_wait3A_281 = arith.constant 0 : i32
    %dma_wait3A_282 = tpu.memref_slice %arg8[%dma_wait3A_280, %dma_wait3A_281] : memref<10000x32xf32, #tpu.memory_space<vmem_shared>> -> memref<10000x32xf32, #tpu.memory_space<vmem_shared>>
    tpu.wait_indirect_dma semaphore(%arg9 : memref<!tpu.dma_semaphore, #tpu.memory_space<semaphore_mem>>) src(%dma_wait3A_282 : memref<10000x32xf32, #tpu.memory_space<vmem_shared>>) dst(%dma_wait3A_276 : memref<128x32xf32, #tpu.memory_space<vmem>>)
    %dma_wait3A_283 = arith.constant 8 : i32
    %dma_wait3A_284 = arith.constant 1024 : i32
    %dma_wait3A_285 = arith.constant 0 : i32
    %dma_wait3A_286 = tpu.memref_slice %arg6[%dma_wait3A_284, %dma_wait3A_285] : memref<1280x32xf32, #tpu.memory_space<vmem>> -> memref<128x32xf32, #tpu.memory_space<vmem>>
    %dma_wait3A_287 = arith.constant 0 : i32
    %dma_wait3A_288 = tpu.memref_slice %arg5[%dma_wait3A_283, %dma_wait3A_287] : memref<20x128xi32, #tpu.memory_space<vmem>> -> memref<1x128xi32, #tpu.memory_space<vmem>>
    %dma_wait3A_289 = tpu.memref_squeeze %dma_wait3A_288 : memref<1x128xi32, #tpu.memory_space<vmem>> -> memref<128xi32, #tpu.memory_space<vmem>>
    %dma_wait3A_290 = arith.constant 0 : i32
    %dma_wait3A_291 = arith.constant 0 : i32
    %dma_wait3A_292 = tpu.memref_slice %arg8[%dma_wait3A_290, %dma_wait3A_291] : memref<10000x32xf32, #tpu.memory_space<vmem_shared>> -> memref<10000x32xf32, #tpu.memory_space<vmem_shared>>
    tpu.wait_indirect_dma semaphore(%arg9 : memref<!tpu.dma_semaphore, #tpu.memory_space<semaphore_mem>>) src(%dma_wait3A_292 : memref<10000x32xf32, #tpu.memory_space<vmem_shared>>) dst(%dma_wait3A_286 : memref<128x32xf32, #tpu.memory_space<vmem>>)
    %dma_wait3A_293 = arith.constant 9 : i32
    %dma_wait3A_294 = arith.constant 1152 : i32
    %dma_wait3A_295 = arith.constant 0 : i32
    %dma_wait3A_296 = tpu.memref_slice %arg6[%dma_wait3A_294, %dma_wait3A_295] : memref<1280x32xf32, #tpu.memory_space<vmem>> -> memref<128x32xf32, #tpu.memory_space<vmem>>
    %dma_wait3A_297 = arith.constant 0 : i32
    %dma_wait3A_298 = tpu.memref_slice %arg5[%dma_wait3A_293, %dma_wait3A_297] : memref<20x128xi32, #tpu.memory_space<vmem>> -> memref<1x128xi32, #tpu.memory_space<vmem>>
    %dma_wait3A_299 = tpu.memref_squeeze %dma_wait3A_298 : memref<1x128xi32, #tpu.memory_space<vmem>> -> memref<128xi32, #tpu.memory_space<vmem>>
    %dma_wait3A_300 = arith.constant 0 : i32
    %dma_wait3A_301 = arith.constant 0 : i32
    %dma_wait3A_302 = tpu.memref_slice %arg8[%dma_wait3A_300, %dma_wait3A_301] : memref<10000x32xf32, #tpu.memory_space<vmem_shared>> -> memref<10000x32xf32, #tpu.memory_space<vmem_shared>>
    tpu.wait_indirect_dma semaphore(%arg9 : memref<!tpu.dma_semaphore, #tpu.memory_space<semaphore_mem>>) src(%dma_wait3A_302 : memref<10000x32xf32, #tpu.memory_space<vmem_shared>>) dst(%dma_wait3A_296 : memref<128x32xf32, #tpu.memory_space<vmem>>)
    %add3A_303 = arith.constant 0 : i32
    %add3A_304 = arith.addi %mul3A_2, %add3A_303 : i32
    %mul3A_305 = arith.constant 128 : i32
    %mul3A_306 = arith.muli %add3A_304, %mul3A_305 : i32
    %dma_start3A_307 = arith.constant 0 : i32
    %dma_start3A_308 = tpu.memref_slice %arg4[%mul3A_306, %dma_start3A_307] : memref<81920x32xf32, #tpu.memory_space<hbm>> -> memref<1280x32xf32, #tpu.memory_space<hbm>>
    %dma_start3A_309 = arith.constant 0 : i32
    %dma_start3A_310 = tpu.memref_slice %arg4[%mul3A_306, %dma_start3A_309] : memref<81920x32xf32, #tpu.memory_space<hbm>> -> memref<1280x32xf32, #tpu.memory_space<hbm>>
    tpu.enqueue_dma source(%arg6 : memref<1280x32xf32, #tpu.memory_space<vmem>>) target(%dma_start3A_310 : memref<1280x32xf32, #tpu.memory_space<hbm>>) target_semaphore(%arg11 : memref<!tpu.dma_semaphore, #tpu.memory_space<semaphore_mem>>)
    %dma_wait3A_311 = arith.constant 10 : i32
    %dma_wait3A_312 = arith.constant 0 : i32
    %dma_wait3A_313 = arith.constant 0 : i32
    %dma_wait3A_314 = tpu.memref_slice %arg7[%dma_wait3A_312, %dma_wait3A_313] : memref<1280x32xf32, #tpu.memory_space<vmem>> -> memref<128x32xf32, #tpu.memory_space<vmem>>
    %dma_wait3A_315 = arith.constant 0 : i32
    %dma_wait3A_316 = tpu.memref_slice %arg5[%dma_wait3A_311, %dma_wait3A_315] : memref<20x128xi32, #tpu.memory_space<vmem>> -> memref<1x128xi32, #tpu.memory_space<vmem>>
    %dma_wait3A_317 = tpu.memref_squeeze %dma_wait3A_316 : memref<1x128xi32, #tpu.memory_space<vmem>> -> memref<128xi32, #tpu.memory_space<vmem>>
    %dma_wait3A_318 = arith.constant 0 : i32
    %dma_wait3A_319 = arith.constant 0 : i32
    %dma_wait3A_320 = tpu.memref_slice %arg8[%dma_wait3A_318, %dma_wait3A_319] : memref<10000x32xf32, #tpu.memory_space<vmem_shared>> -> memref<10000x32xf32, #tpu.memory_space<vmem_shared>>
    tpu.wait_indirect_dma semaphore(%arg10 : memref<!tpu.dma_semaphore, #tpu.memory_space<semaphore_mem>>) src(%dma_wait3A_320 : memref<10000x32xf32, #tpu.memory_space<vmem_shared>>) dst(%dma_wait3A_314 : memref<128x32xf32, #tpu.memory_space<vmem>>)
    %dma_wait3A_321 = arith.constant 11 : i32
    %dma_wait3A_322 = arith.constant 128 : i32
    %dma_wait3A_323 = arith.constant 0 : i32
    %dma_wait3A_324 = tpu.memref_slice %arg7[%dma_wait3A_322, %dma_wait3A_323] : memref<1280x32xf32, #tpu.memory_space<vmem>> -> memref<128x32xf32, #tpu.memory_space<vmem>>
    %dma_wait3A_325 = arith.constant 0 : i32
    %dma_wait3A_326 = tpu.memref_slice %arg5[%dma_wait3A_321, %dma_wait3A_325] : memref<20x128xi32, #tpu.memory_space<vmem>> -> memref<1x128xi32, #tpu.memory_space<vmem>>
    %dma_wait3A_327 = tpu.memref_squeeze %dma_wait3A_326 : memref<1x128xi32, #tpu.memory_space<vmem>> -> memref<128xi32, #tpu.memory_space<vmem>>
    %dma_wait3A_328 = arith.constant 0 : i32
    %dma_wait3A_329 = arith.constant 0 : i32
    %dma_wait3A_330 = tpu.memref_slice %arg8[%dma_wait3A_328, %dma_wait3A_329] : memref<10000x32xf32, #tpu.memory_space<vmem_shared>> -> memref<10000x32xf32, #tpu.memory_space<vmem_shared>>
    tpu.wait_indirect_dma semaphore(%arg10 : memref<!tpu.dma_semaphore, #tpu.memory_space<semaphore_mem>>) src(%dma_wait3A_330 : memref<10000x32xf32, #tpu.memory_space<vmem_shared>>) dst(%dma_wait3A_324 : memref<128x32xf32, #tpu.memory_space<vmem>>)
    %dma_wait3A_331 = arith.constant 12 : i32
    %dma_wait3A_332 = arith.constant 256 : i32
    %dma_wait3A_333 = arith.constant 0 : i32
    %dma_wait3A_334 = tpu.memref_slice %arg7[%dma_wait3A_332, %dma_wait3A_333] : memref<1280x32xf32, #tpu.memory_space<vmem>> -> memref<128x32xf32, #tpu.memory_space<vmem>>
    %dma_wait3A_335 = arith.constant 0 : i32
    %dma_wait3A_336 = tpu.memref_slice %arg5[%dma_wait3A_331, %dma_wait3A_335] : memref<20x128xi32, #tpu.memory_space<vmem>> -> memref<1x128xi32, #tpu.memory_space<vmem>>
    %dma_wait3A_337 = tpu.memref_squeeze %dma_wait3A_336 : memref<1x128xi32, #tpu.memory_space<vmem>> -> memref<128xi32, #tpu.memory_space<vmem>>
    %dma_wait3A_338 = arith.constant 0 : i32
    %dma_wait3A_339 = arith.constant 0 : i32
    %dma_wait3A_340 = tpu.memref_slice %arg8[%dma_wait3A_338, %dma_wait3A_339] : memref<10000x32xf32, #tpu.memory_space<vmem_shared>> -> memref<10000x32xf32, #tpu.memory_space<vmem_shared>>
    tpu.wait_indirect_dma semaphore(%arg10 : memref<!tpu.dma_semaphore, #tpu.memory_space<semaphore_mem>>) src(%dma_wait3A_340 : memref<10000x32xf32, #tpu.memory_space<vmem_shared>>) dst(%dma_wait3A_334 : memref<128x32xf32, #tpu.memory_space<vmem>>)
    %dma_wait3A_341 = arith.constant 13 : i32
    %dma_wait3A_342 = arith.constant 384 : i32
    %dma_wait3A_343 = arith.constant 0 : i32
    %dma_wait3A_344 = tpu.memref_slice %arg7[%dma_wait3A_342, %dma_wait3A_343] : memref<1280x32xf32, #tpu.memory_space<vmem>> -> memref<128x32xf32, #tpu.memory_space<vmem>>
    %dma_wait3A_345 = arith.constant 0 : i32
    %dma_wait3A_346 = tpu.memref_slice %arg5[%dma_wait3A_341, %dma_wait3A_345] : memref<20x128xi32, #tpu.memory_space<vmem>> -> memref<1x128xi32, #tpu.memory_space<vmem>>
    %dma_wait3A_347 = tpu.memref_squeeze %dma_wait3A_346 : memref<1x128xi32, #tpu.memory_space<vmem>> -> memref<128xi32, #tpu.memory_space<vmem>>
    %dma_wait3A_348 = arith.constant 0 : i32
    %dma_wait3A_349 = arith.constant 0 : i32
    %dma_wait3A_350 = tpu.memref_slice %arg8[%dma_wait3A_348, %dma_wait3A_349] : memref<10000x32xf32, #tpu.memory_space<vmem_shared>> -> memref<10000x32xf32, #tpu.memory_space<vmem_shared>>
    tpu.wait_indirect_dma semaphore(%arg10 : memref<!tpu.dma_semaphore, #tpu.memory_space<semaphore_mem>>) src(%dma_wait3A_350 : memref<10000x32xf32, #tpu.memory_space<vmem_shared>>) dst(%dma_wait3A_344 : memref<128x32xf32, #tpu.memory_space<vmem>>)
    %dma_wait3A_351 = arith.constant 14 : i32
    %dma_wait3A_352 = arith.constant 512 : i32
    %dma_wait3A_353 = arith.constant 0 : i32
    %dma_wait3A_354 = tpu.memref_slice %arg7[%dma_wait3A_352, %dma_wait3A_353] : memref<1280x32xf32, #tpu.memory_space<vmem>> -> memref<128x32xf32, #tpu.memory_space<vmem>>
    %dma_wait3A_355 = arith.constant 0 : i32
    %dma_wait3A_356 = tpu.memref_slice %arg5[%dma_wait3A_351, %dma_wait3A_355] : memref<20x128xi32, #tpu.memory_space<vmem>> -> memref<1x128xi32, #tpu.memory_space<vmem>>
    %dma_wait3A_357 = tpu.memref_squeeze %dma_wait3A_356 : memref<1x128xi32, #tpu.memory_space<vmem>> -> memref<128xi32, #tpu.memory_space<vmem>>
    %dma_wait3A_358 = arith.constant 0 : i32
    %dma_wait3A_359 = arith.constant 0 : i32
    %dma_wait3A_360 = tpu.memref_slice %arg8[%dma_wait3A_358, %dma_wait3A_359] : memref<10000x32xf32, #tpu.memory_space<vmem_shared>> -> memref<10000x32xf32, #tpu.memory_space<vmem_shared>>
    tpu.wait_indirect_dma semaphore(%arg10 : memref<!tpu.dma_semaphore, #tpu.memory_space<semaphore_mem>>) src(%dma_wait3A_360 : memref<10000x32xf32, #tpu.memory_space<vmem_shared>>) dst(%dma_wait3A_354 : memref<128x32xf32, #tpu.memory_space<vmem>>)
    %dma_wait3A_361 = arith.constant 15 : i32
    %dma_wait3A_362 = arith.constant 640 : i32
    %dma_wait3A_363 = arith.constant 0 : i32
    %dma_wait3A_364 = tpu.memref_slice %arg7[%dma_wait3A_362, %dma_wait3A_363] : memref<1280x32xf32, #tpu.memory_space<vmem>> -> memref<128x32xf32, #tpu.memory_space<vmem>>
    %dma_wait3A_365 = arith.constant 0 : i32
    %dma_wait3A_366 = tpu.memref_slice %arg5[%dma_wait3A_361, %dma_wait3A_365] : memref<20x128xi32, #tpu.memory_space<vmem>> -> memref<1x128xi32, #tpu.memory_space<vmem>>
    %dma_wait3A_367 = tpu.memref_squeeze %dma_wait3A_366 : memref<1x128xi32, #tpu.memory_space<vmem>> -> memref<128xi32, #tpu.memory_space<vmem>>
    %dma_wait3A_368 = arith.constant 0 : i32
    %dma_wait3A_369 = arith.constant 0 : i32
    %dma_wait3A_370 = tpu.memref_slice %arg8[%dma_wait3A_368, %dma_wait3A_369] : memref<10000x32xf32, #tpu.memory_space<vmem_shared>> -> memref<10000x32xf32, #tpu.memory_space<vmem_shared>>
    tpu.wait_indirect_dma semaphore(%arg10 : memref<!tpu.dma_semaphore, #tpu.memory_space<semaphore_mem>>) src(%dma_wait3A_370 : memref<10000x32xf32, #tpu.memory_space<vmem_shared>>) dst(%dma_wait3A_364 : memref<128x32xf32, #tpu.memory_space<vmem>>)
    %dma_wait3A_371 = arith.constant 16 : i32
    %dma_wait3A_372 = arith.constant 768 : i32
    %dma_wait3A_373 = arith.constant 0 : i32
    %dma_wait3A_374 = tpu.memref_slice %arg7[%dma_wait3A_372, %dma_wait3A_373] : memref<1280x32xf32, #tpu.memory_space<vmem>> -> memref<128x32xf32, #tpu.memory_space<vmem>>
    %dma_wait3A_375 = arith.constant 0 : i32
    %dma_wait3A_376 = tpu.memref_slice %arg5[%dma_wait3A_371, %dma_wait3A_375] : memref<20x128xi32, #tpu.memory_space<vmem>> -> memref<1x128xi32, #tpu.memory_space<vmem>>
    %dma_wait3A_377 = tpu.memref_squeeze %dma_wait3A_376 : memref<1x128xi32, #tpu.memory_space<vmem>> -> memref<128xi32, #tpu.memory_space<vmem>>
    %dma_wait3A_378 = arith.constant 0 : i32
    %dma_wait3A_379 = arith.constant 0 : i32
    %dma_wait3A_380 = tpu.memref_slice %arg8[%dma_wait3A_378, %dma_wait3A_379] : memref<10000x32xf32, #tpu.memory_space<vmem_shared>> -> memref<10000x32xf32, #tpu.memory_space<vmem_shared>>
    tpu.wait_indirect_dma semaphore(%arg10 : memref<!tpu.dma_semaphore, #tpu.memory_space<semaphore_mem>>) src(%dma_wait3A_380 : memref<10000x32xf32, #tpu.memory_space<vmem_shared>>) dst(%dma_wait3A_374 : memref<128x32xf32, #tpu.memory_space<vmem>>)
    %dma_wait3A_381 = arith.constant 17 : i32
    %dma_wait3A_382 = arith.constant 896 : i32
    %dma_wait3A_383 = arith.constant 0 : i32
    %dma_wait3A_384 = tpu.memref_slice %arg7[%dma_wait3A_382, %dma_wait3A_383] : memref<1280x32xf32, #tpu.memory_space<vmem>> -> memref<128x32xf32, #tpu.memory_space<vmem>>
    %dma_wait3A_385 = arith.constant 0 : i32
    %dma_wait3A_386 = tpu.memref_slice %arg5[%dma_wait3A_381, %dma_wait3A_385] : memref<20x128xi32, #tpu.memory_space<vmem>> -> memref<1x128xi32, #tpu.memory_space<vmem>>
    %dma_wait3A_387 = tpu.memref_squeeze %dma_wait3A_386 : memref<1x128xi32, #tpu.memory_space<vmem>> -> memref<128xi32, #tpu.memory_space<vmem>>
    %dma_wait3A_388 = arith.constant 0 : i32
    %dma_wait3A_389 = arith.constant 0 : i32
    %dma_wait3A_390 = tpu.memref_slice %arg8[%dma_wait3A_388, %dma_wait3A_389] : memref<10000x32xf32, #tpu.memory_space<vmem_shared>> -> memref<10000x32xf32, #tpu.memory_space<vmem_shared>>
    tpu.wait_indirect_dma semaphore(%arg10 : memref<!tpu.dma_semaphore, #tpu.memory_space<semaphore_mem>>) src(%dma_wait3A_390 : memref<10000x32xf32, #tpu.memory_space<vmem_shared>>) dst(%dma_wait3A_384 : memref<128x32xf32, #tpu.memory_space<vmem>>)
    %dma_wait3A_391 = arith.constant 18 : i32
    %dma_wait3A_392 = arith.constant 1024 : i32
    %dma_wait3A_393 = arith.constant 0 : i32
    %dma_wait3A_394 = tpu.memref_slice %arg7[%dma_wait3A_392, %dma_wait3A_393] : memref<1280x32xf32, #tpu.memory_space<vmem>> -> memref<128x32xf32, #tpu.memory_space<vmem>>
    %dma_wait3A_395 = arith.constant 0 : i32
    %dma_wait3A_396 = tpu.memref_slice %arg5[%dma_wait3A_391, %dma_wait3A_395] : memref<20x128xi32, #tpu.memory_space<vmem>> -> memref<1x128xi32, #tpu.memory_space<vmem>>
    %dma_wait3A_397 = tpu.memref_squeeze %dma_wait3A_396 : memref<1x128xi32, #tpu.memory_space<vmem>> -> memref<128xi32, #tpu.memory_space<vmem>>
    %dma_wait3A_398 = arith.constant 0 : i32
    %dma_wait3A_399 = arith.constant 0 : i32
    %dma_wait3A_400 = tpu.memref_slice %arg8[%dma_wait3A_398, %dma_wait3A_399] : memref<10000x32xf32, #tpu.memory_space<vmem_shared>> -> memref<10000x32xf32, #tpu.memory_space<vmem_shared>>
    tpu.wait_indirect_dma semaphore(%arg10 : memref<!tpu.dma_semaphore, #tpu.memory_space<semaphore_mem>>) src(%dma_wait3A_400 : memref<10000x32xf32, #tpu.memory_space<vmem_shared>>) dst(%dma_wait3A_394 : memref<128x32xf32, #tpu.memory_space<vmem>>)
    %dma_wait3A_401 = arith.constant 19 : i32
    %dma_wait3A_402 = arith.constant 1152 : i32
    %dma_wait3A_403 = arith.constant 0 : i32
    %dma_wait3A_404 = tpu.memref_slice %arg7[%dma_wait3A_402, %dma_wait3A_403] : memref<1280x32xf32, #tpu.memory_space<vmem>> -> memref<128x32xf32, #tpu.memory_space<vmem>>
    %dma_wait3A_405 = arith.constant 0 : i32
    %dma_wait3A_406 = tpu.memref_slice %arg5[%dma_wait3A_401, %dma_wait3A_405] : memref<20x128xi32, #tpu.memory_space<vmem>> -> memref<1x128xi32, #tpu.memory_space<vmem>>
    %dma_wait3A_407 = tpu.memref_squeeze %dma_wait3A_406 : memref<1x128xi32, #tpu.memory_space<vmem>> -> memref<128xi32, #tpu.memory_space<vmem>>
    %dma_wait3A_408 = arith.constant 0 : i32
    %dma_wait3A_409 = arith.constant 0 : i32
    %dma_wait3A_410 = tpu.memref_slice %arg8[%dma_wait3A_408, %dma_wait3A_409] : memref<10000x32xf32, #tpu.memory_space<vmem_shared>> -> memref<10000x32xf32, #tpu.memory_space<vmem_shared>>
    tpu.wait_indirect_dma semaphore(%arg10 : memref<!tpu.dma_semaphore, #tpu.memory_space<semaphore_mem>>) src(%dma_wait3A_410 : memref<10000x32xf32, #tpu.memory_space<vmem_shared>>) dst(%dma_wait3A_404 : memref<128x32xf32, #tpu.memory_space<vmem>>)
    %add3A_411 = arith.constant 10 : i32
    %add3A_412 = arith.addi %mul3A_2, %add3A_411 : i32
    %mul3A_413 = arith.constant 128 : i32
    %mul3A_414 = arith.muli %add3A_412, %mul3A_413 : i32
    %dma_start3A_415 = arith.constant 0 : i32
    %dma_start3A_416 = tpu.memref_slice %arg4[%mul3A_414, %dma_start3A_415] : memref<81920x32xf32, #tpu.memory_space<hbm>> -> memref<1280x32xf32, #tpu.memory_space<hbm>>
    %dma_start3A_417 = arith.constant 0 : i32
    %dma_start3A_418 = tpu.memref_slice %arg4[%mul3A_414, %dma_start3A_417] : memref<81920x32xf32, #tpu.memory_space<hbm>> -> memref<1280x32xf32, #tpu.memory_space<hbm>>
    tpu.enqueue_dma source(%arg7 : memref<1280x32xf32, #tpu.memory_space<vmem>>) target(%dma_start3A_418 : memref<1280x32xf32, #tpu.memory_space<hbm>>) target_semaphore(%arg12 : memref<!tpu.dma_semaphore, #tpu.memory_space<semaphore_mem>>)
    %dma_wait3A_419 = arith.constant 0 : i32
    %dma_wait3A_420 = tpu.memref_slice %arg4[%mul3A_306, %dma_wait3A_419] : memref<81920x32xf32, #tpu.memory_space<hbm>> -> memref<1280x32xf32, #tpu.memory_space<hbm>>
    %dma_wait3A_421 = arith.constant 0 : i32
    %dma_wait3A_422 = tpu.memref_slice %arg4[%mul3A_306, %dma_wait3A_421] : memref<81920x32xf32, #tpu.memory_space<hbm>> -> memref<1280x32xf32, #tpu.memory_space<hbm>>
    tpu.wait_dma2 semaphore(%arg11 : memref<!tpu.dma_semaphore, #tpu.memory_space<semaphore_mem>>) src(%arg6 : memref<1280x32xf32, #tpu.memory_space<vmem>>) dst(%dma_wait3A_422 : memref<1280x32xf32, #tpu.memory_space<hbm>>)
    %dma_wait3A_423 = arith.constant 0 : i32
    %dma_wait3A_424 = tpu.memref_slice %arg4[%mul3A_414, %dma_wait3A_423] : memref<81920x32xf32, #tpu.memory_space<hbm>> -> memref<1280x32xf32, #tpu.memory_space<hbm>>
    %dma_wait3A_425 = arith.constant 0 : i32
    %dma_wait3A_426 = tpu.memref_slice %arg4[%mul3A_414, %dma_wait3A_425] : memref<81920x32xf32, #tpu.memory_space<hbm>> -> memref<1280x32xf32, #tpu.memory_space<hbm>>
    tpu.wait_dma2 semaphore(%arg12 : memref<!tpu.dma_semaphore, #tpu.memory_space<semaphore_mem>>) src(%arg7 : memref<1280x32xf32, #tpu.memory_space<vmem>>) dst(%dma_wait3A_426 : memref<1280x32xf32, #tpu.memory_space<hbm>>)
    return
  }
}

#map = affine_map<(d0, d1) -> (0, 0)>
#map1 = affine_map<(d0, d1) -> (0, 0, 0)>
module attributes {stable_mosaic.version = 14 : i64} {
  func.func @_scatter_body(%arg0: i32, %arg1: i32, %arg2: memref<81920x48xf32, #tpu.memory_space<hbm>>, %arg3: memref<640x128xi32, #tpu.memory_space<hbm>>, %arg4: memref<2048x48xf32, #tpu.memory_space<hbm>>, %arg5: memref<2x2048x48xf32, #tpu.memory_space<hbm>>, %arg6: memref<20x128xi32, #tpu.memory_space<vmem>>, %arg7: memref<640x48xf32, #tpu.memory_space<vmem>>, %arg8: memref<640x48xf32, #tpu.memory_space<vmem>>, %arg9: memref<2048x48xf32, #tpu.memory_space<vmem_shared>>, %arg10: memref<!tpu.dma_semaphore, #tpu.memory_space<semaphore_mem>>, %arg11: memref<!tpu.dma_semaphore, #tpu.memory_space<semaphore_mem>>, %arg12: memref<!tpu.dma_semaphore, #tpu.memory_space<semaphore_mem>>, %arg13: memref<!tpu.dma_semaphore, #tpu.memory_space<semaphore_mem>>) attributes {dimension_semantics = [#tpu.dimension_semantics<core_parallel>, #tpu.dimension_semantics<subcore_parallel>], iteration_bounds = array<i64: 2, 16>, scalar_prefetch = 0 : i64, scratch_operands = 8 : i64, tpu.core_type = #tpu.core_type<sc_vector_subcore>, window_params = [{transform_indices = #map}, {transform_indices = #map}, {transform_indices = #map}, {transform_indices = #map1}]} {
    %mul3A = arith.constant 2 : i32
    %mul3A_0 = arith.muli %arg1, %mul3A : i32
    %add3A = arith.addi %mul3A_0, %arg0 : i32
    %eq3A = arith.constant 0 : i32
    %eq3A_1 = arith.cmpi eq, %arg1, %eq3A : i32
    %convert_element_type3A = arith.extui %eq3A_1 : i1 to i32
    %cond3A = arith.constant 0 : i32
    %cond3A_2 = arith.cmpi ne, %convert_element_type3A, %cond3A : i32
    scf.if %cond3A_2 {
      "tpu.region"() ({
        %run_scoped3A = tpu.sem_alloc : memref<!tpu.dma_semaphore, #tpu.memory_space<semaphore_mem>>
        tpu.enqueue_dma source(%arg4 : memref<2048x48xf32, #tpu.memory_space<hbm>>) target(%arg9 : memref<2048x48xf32, #tpu.memory_space<vmem_shared>>) target_semaphore(%run_scoped3A : memref<!tpu.dma_semaphore, #tpu.memory_space<semaphore_mem>>)
        tpu.wait_dma2 semaphore(%run_scoped3A : memref<!tpu.dma_semaphore, #tpu.memory_space<semaphore_mem>>) src(%arg4 : memref<2048x48xf32, #tpu.memory_space<hbm>>) dst(%arg9 : memref<2048x48xf32, #tpu.memory_space<vmem_shared>>)
        tpu.yield
      }) : () -> ()
    } else {
    }
    %barrier3A = arith.constant 0 : index
    tpu.barrier barrier_id(%barrier3A)
    %mul3A_3 = arith.constant 20 : i32
    %mul3A_4 = arith.muli %add3A, %mul3A_3 : i32
    "tpu.region"() ({
      %run_scoped3A = tpu.sem_alloc : memref<!tpu.dma_semaphore, #tpu.memory_space<semaphore_mem>>
      %dma_start3A_457 = arith.constant 0 : i32
      %dma_start3A_458 = tpu.memref_slice %arg3[%mul3A_4, %dma_start3A_457] : memref<640x128xi32, #tpu.memory_space<hbm>> -> memref<20x128xi32, #tpu.memory_space<hbm>>
      %dma_start3A_459 = arith.constant 0 : i32
      %dma_start3A_460 = tpu.memref_slice %arg3[%mul3A_4, %dma_start3A_459] : memref<640x128xi32, #tpu.memory_space<hbm>> -> memref<20x128xi32, #tpu.memory_space<hbm>>
      tpu.enqueue_dma source(%dma_start3A_460 : memref<20x128xi32, #tpu.memory_space<hbm>>) target(%arg6 : memref<20x128xi32, #tpu.memory_space<vmem>>) target_semaphore(%run_scoped3A : memref<!tpu.dma_semaphore, #tpu.memory_space<semaphore_mem>>)
      %dma_wait3A_461 = arith.constant 0 : i32
      %dma_wait3A_462 = tpu.memref_slice %arg3[%mul3A_4, %dma_wait3A_461] : memref<640x128xi32, #tpu.memory_space<hbm>> -> memref<20x128xi32, #tpu.memory_space<hbm>>
      %dma_wait3A_463 = arith.constant 0 : i32
      %dma_wait3A_464 = tpu.memref_slice %arg3[%mul3A_4, %dma_wait3A_463] : memref<640x128xi32, #tpu.memory_space<hbm>> -> memref<20x128xi32, #tpu.memory_space<hbm>>
      tpu.wait_dma2 semaphore(%run_scoped3A : memref<!tpu.dma_semaphore, #tpu.memory_space<semaphore_mem>>) src(%dma_wait3A_464 : memref<20x128xi32, #tpu.memory_space<hbm>>) dst(%arg6 : memref<20x128xi32, #tpu.memory_space<vmem>>)
      tpu.yield
    }) : () -> ()
    %add3A_5 = arith.constant 0 : i32
    %add3A_6 = arith.addi %mul3A_4, %add3A_5 : i32
    %mul3A_7 = arith.constant 128 : i32
    %mul3A_8 = arith.muli %add3A_6, %mul3A_7 : i32
    %dma_start3A = arith.constant 0 : i32
    %dma_start3A_9 = tpu.memref_slice %arg2[%mul3A_8, %dma_start3A] : memref<81920x48xf32, #tpu.memory_space<hbm>> -> memref<640x48xf32, #tpu.memory_space<hbm>>
    %dma_start3A_10 = arith.constant 0 : i32
    %dma_start3A_11 = tpu.memref_slice %arg2[%mul3A_8, %dma_start3A_10] : memref<81920x48xf32, #tpu.memory_space<hbm>> -> memref<640x48xf32, #tpu.memory_space<hbm>>
    tpu.enqueue_dma source(%dma_start3A_11 : memref<640x48xf32, #tpu.memory_space<hbm>>) target(%arg7 : memref<640x48xf32, #tpu.memory_space<vmem>>) target_semaphore(%arg10 : memref<!tpu.dma_semaphore, #tpu.memory_space<semaphore_mem>>)
    %add3A_12 = arith.constant 5 : i32
    %add3A_13 = arith.addi %mul3A_4, %add3A_12 : i32
    %mul3A_14 = arith.constant 128 : i32
    %mul3A_15 = arith.muli %add3A_13, %mul3A_14 : i32
    %dma_start3A_16 = arith.constant 0 : i32
    %dma_start3A_17 = tpu.memref_slice %arg2[%mul3A_15, %dma_start3A_16] : memref<81920x48xf32, #tpu.memory_space<hbm>> -> memref<640x48xf32, #tpu.memory_space<hbm>>
    %dma_start3A_18 = arith.constant 0 : i32
    %dma_start3A_19 = tpu.memref_slice %arg2[%mul3A_15, %dma_start3A_18] : memref<81920x48xf32, #tpu.memory_space<hbm>> -> memref<640x48xf32, #tpu.memory_space<hbm>>
    tpu.enqueue_dma source(%dma_start3A_19 : memref<640x48xf32, #tpu.memory_space<hbm>>) target(%arg8 : memref<640x48xf32, #tpu.memory_space<vmem>>) target_semaphore(%arg11 : memref<!tpu.dma_semaphore, #tpu.memory_space<semaphore_mem>>)
    %dma_wait3A = arith.constant 0 : i32
    %dma_wait3A_20 = tpu.memref_slice %arg2[%mul3A_8, %dma_wait3A] : memref<81920x48xf32, #tpu.memory_space<hbm>> -> memref<640x48xf32, #tpu.memory_space<hbm>>
    %dma_wait3A_21 = arith.constant 0 : i32
    %dma_wait3A_22 = tpu.memref_slice %arg2[%mul3A_8, %dma_wait3A_21] : memref<81920x48xf32, #tpu.memory_space<hbm>> -> memref<640x48xf32, #tpu.memory_space<hbm>>
    tpu.wait_dma2 semaphore(%arg10 : memref<!tpu.dma_semaphore, #tpu.memory_space<semaphore_mem>>) src(%dma_wait3A_22 : memref<640x48xf32, #tpu.memory_space<hbm>>) dst(%arg7 : memref<640x48xf32, #tpu.memory_space<vmem>>)
    %dma_start3A_23 = arith.constant 0 : i32
    %dma_start3A_24 = arith.constant 0 : i32
    %dma_start3A_25 = arith.constant 0 : i32
    %dma_start3A_26 = tpu.memref_slice %arg7[%dma_start3A_24, %dma_start3A_25] : memref<640x48xf32, #tpu.memory_space<vmem>> -> memref<128x48xf32, #tpu.memory_space<vmem>>
    %dma_start3A_27 = arith.constant 0 : i32
    %dma_start3A_28 = tpu.memref_slice %arg6[%dma_start3A_23, %dma_start3A_27] : memref<20x128xi32, #tpu.memory_space<vmem>> -> memref<1x128xi32, #tpu.memory_space<vmem>>
    %dma_start3A_29 = tpu.memref_squeeze %dma_start3A_28 : memref<1x128xi32, #tpu.memory_space<vmem>> -> memref<128xi32, #tpu.memory_space<vmem>>
    %dma_start3A_30 = arith.constant 0 : i32
    %dma_start3A_31 = arith.constant 0 : i32
    %dma_start3A_32 = tpu.memref_slice %arg9[%dma_start3A_30, %dma_start3A_31] : memref<2048x48xf32, #tpu.memory_space<vmem_shared>> -> memref<2048x48xf32, #tpu.memory_space<vmem_shared>>
    tpu.enqueue_indirect_dma source(%dma_start3A_26 : memref<128x48xf32, #tpu.memory_space<vmem>>) target(%dma_start3A_32 : memref<2048x48xf32, #tpu.memory_space<vmem_shared>>) offsets(%dma_start3A_29 : memref<128xi32, #tpu.memory_space<vmem>>) semaphore(%arg12 : memref<!tpu.dma_semaphore, #tpu.memory_space<semaphore_mem>>) {add = true}
    %dma_start3A_33 = arith.constant 1 : i32
    %dma_start3A_34 = arith.constant 128 : i32
    %dma_start3A_35 = arith.constant 0 : i32
    %dma_start3A_36 = tpu.memref_slice %arg7[%dma_start3A_34, %dma_start3A_35] : memref<640x48xf32, #tpu.memory_space<vmem>> -> memref<128x48xf32, #tpu.memory_space<vmem>>
    %dma_start3A_37 = arith.constant 0 : i32
    %dma_start3A_38 = tpu.memref_slice %arg6[%dma_start3A_33, %dma_start3A_37] : memref<20x128xi32, #tpu.memory_space<vmem>> -> memref<1x128xi32, #tpu.memory_space<vmem>>
    %dma_start3A_39 = tpu.memref_squeeze %dma_start3A_38 : memref<1x128xi32, #tpu.memory_space<vmem>> -> memref<128xi32, #tpu.memory_space<vmem>>
    %dma_start3A_40 = arith.constant 0 : i32
    %dma_start3A_41 = arith.constant 0 : i32
    %dma_start3A_42 = tpu.memref_slice %arg9[%dma_start3A_40, %dma_start3A_41] : memref<2048x48xf32, #tpu.memory_space<vmem_shared>> -> memref<2048x48xf32, #tpu.memory_space<vmem_shared>>
    tpu.enqueue_indirect_dma source(%dma_start3A_36 : memref<128x48xf32, #tpu.memory_space<vmem>>) target(%dma_start3A_42 : memref<2048x48xf32, #tpu.memory_space<vmem_shared>>) offsets(%dma_start3A_39 : memref<128xi32, #tpu.memory_space<vmem>>) semaphore(%arg12 : memref<!tpu.dma_semaphore, #tpu.memory_space<semaphore_mem>>) {add = true}
    %dma_start3A_43 = arith.constant 2 : i32
    %dma_start3A_44 = arith.constant 256 : i32
    %dma_start3A_45 = arith.constant 0 : i32
    %dma_start3A_46 = tpu.memref_slice %arg7[%dma_start3A_44, %dma_start3A_45] : memref<640x48xf32, #tpu.memory_space<vmem>> -> memref<128x48xf32, #tpu.memory_space<vmem>>
    %dma_start3A_47 = arith.constant 0 : i32
    %dma_start3A_48 = tpu.memref_slice %arg6[%dma_start3A_43, %dma_start3A_47] : memref<20x128xi32, #tpu.memory_space<vmem>> -> memref<1x128xi32, #tpu.memory_space<vmem>>
    %dma_start3A_49 = tpu.memref_squeeze %dma_start3A_48 : memref<1x128xi32, #tpu.memory_space<vmem>> -> memref<128xi32, #tpu.memory_space<vmem>>
    %dma_start3A_50 = arith.constant 0 : i32
    %dma_start3A_51 = arith.constant 0 : i32
    %dma_start3A_52 = tpu.memref_slice %arg9[%dma_start3A_50, %dma_start3A_51] : memref<2048x48xf32, #tpu.memory_space<vmem_shared>> -> memref<2048x48xf32, #tpu.memory_space<vmem_shared>>
    tpu.enqueue_indirect_dma source(%dma_start3A_46 : memref<128x48xf32, #tpu.memory_space<vmem>>) target(%dma_start3A_52 : memref<2048x48xf32, #tpu.memory_space<vmem_shared>>) offsets(%dma_start3A_49 : memref<128xi32, #tpu.memory_space<vmem>>) semaphore(%arg12 : memref<!tpu.dma_semaphore, #tpu.memory_space<semaphore_mem>>) {add = true}
    %dma_start3A_53 = arith.constant 3 : i32
    %dma_start3A_54 = arith.constant 384 : i32
    %dma_start3A_55 = arith.constant 0 : i32
    %dma_start3A_56 = tpu.memref_slice %arg7[%dma_start3A_54, %dma_start3A_55] : memref<640x48xf32, #tpu.memory_space<vmem>> -> memref<128x48xf32, #tpu.memory_space<vmem>>
    %dma_start3A_57 = arith.constant 0 : i32
    %dma_start3A_58 = tpu.memref_slice %arg6[%dma_start3A_53, %dma_start3A_57] : memref<20x128xi32, #tpu.memory_space<vmem>> -> memref<1x128xi32, #tpu.memory_space<vmem>>
    %dma_start3A_59 = tpu.memref_squeeze %dma_start3A_58 : memref<1x128xi32, #tpu.memory_space<vmem>> -> memref<128xi32, #tpu.memory_space<vmem>>
    %dma_start3A_60 = arith.constant 0 : i32
    %dma_start3A_61 = arith.constant 0 : i32
    %dma_start3A_62 = tpu.memref_slice %arg9[%dma_start3A_60, %dma_start3A_61] : memref<2048x48xf32, #tpu.memory_space<vmem_shared>> -> memref<2048x48xf32, #tpu.memory_space<vmem_shared>>
    tpu.enqueue_indirect_dma source(%dma_start3A_56 : memref<128x48xf32, #tpu.memory_space<vmem>>) target(%dma_start3A_62 : memref<2048x48xf32, #tpu.memory_space<vmem_shared>>) offsets(%dma_start3A_59 : memref<128xi32, #tpu.memory_space<vmem>>) semaphore(%arg12 : memref<!tpu.dma_semaphore, #tpu.memory_space<semaphore_mem>>) {add = true}
    %dma_start3A_63 = arith.constant 4 : i32
    %dma_start3A_64 = arith.constant 512 : i32
    %dma_start3A_65 = arith.constant 0 : i32
    %dma_start3A_66 = tpu.memref_slice %arg7[%dma_start3A_64, %dma_start3A_65] : memref<640x48xf32, #tpu.memory_space<vmem>> -> memref<128x48xf32, #tpu.memory_space<vmem>>
    %dma_start3A_67 = arith.constant 0 : i32
    %dma_start3A_68 = tpu.memref_slice %arg6[%dma_start3A_63, %dma_start3A_67] : memref<20x128xi32, #tpu.memory_space<vmem>> -> memref<1x128xi32, #tpu.memory_space<vmem>>
    %dma_start3A_69 = tpu.memref_squeeze %dma_start3A_68 : memref<1x128xi32, #tpu.memory_space<vmem>> -> memref<128xi32, #tpu.memory_space<vmem>>
    %dma_start3A_70 = arith.constant 0 : i32
    %dma_start3A_71 = arith.constant 0 : i32
    %dma_start3A_72 = tpu.memref_slice %arg9[%dma_start3A_70, %dma_start3A_71] : memref<2048x48xf32, #tpu.memory_space<vmem_shared>> -> memref<2048x48xf32, #tpu.memory_space<vmem_shared>>
    tpu.enqueue_indirect_dma source(%dma_start3A_66 : memref<128x48xf32, #tpu.memory_space<vmem>>) target(%dma_start3A_72 : memref<2048x48xf32, #tpu.memory_space<vmem_shared>>) offsets(%dma_start3A_69 : memref<128xi32, #tpu.memory_space<vmem>>) semaphore(%arg12 : memref<!tpu.dma_semaphore, #tpu.memory_space<semaphore_mem>>) {add = true}
    %dma_wait3A_73 = arith.constant 0 : i32
    %dma_wait3A_74 = arith.constant 0 : i32
    %dma_wait3A_75 = arith.constant 0 : i32
    %dma_wait3A_76 = tpu.memref_slice %arg7[%dma_wait3A_74, %dma_wait3A_75] : memref<640x48xf32, #tpu.memory_space<vmem>> -> memref<128x48xf32, #tpu.memory_space<vmem>>
    %dma_wait3A_77 = arith.constant 0 : i32
    %dma_wait3A_78 = tpu.memref_slice %arg6[%dma_wait3A_73, %dma_wait3A_77] : memref<20x128xi32, #tpu.memory_space<vmem>> -> memref<1x128xi32, #tpu.memory_space<vmem>>
    %dma_wait3A_79 = tpu.memref_squeeze %dma_wait3A_78 : memref<1x128xi32, #tpu.memory_space<vmem>> -> memref<128xi32, #tpu.memory_space<vmem>>
    %dma_wait3A_80 = arith.constant 0 : i32
    %dma_wait3A_81 = arith.constant 0 : i32
    %dma_wait3A_82 = tpu.memref_slice %arg9[%dma_wait3A_80, %dma_wait3A_81] : memref<2048x48xf32, #tpu.memory_space<vmem_shared>> -> memref<2048x48xf32, #tpu.memory_space<vmem_shared>>
    tpu.wait_indirect_dma semaphore(%arg12 : memref<!tpu.dma_semaphore, #tpu.memory_space<semaphore_mem>>) src(%dma_wait3A_76 : memref<128x48xf32, #tpu.memory_space<vmem>>) dst(%dma_wait3A_82 : memref<2048x48xf32, #tpu.memory_space<vmem_shared>>)
    %dma_wait3A_83 = arith.constant 1 : i32
    %dma_wait3A_84 = arith.constant 128 : i32
    %dma_wait3A_85 = arith.constant 0 : i32
    %dma_wait3A_86 = tpu.memref_slice %arg7[%dma_wait3A_84, %dma_wait3A_85] : memref<640x48xf32, #tpu.memory_space<vmem>> -> memref<128x48xf32, #tpu.memory_space<vmem>>
    %dma_wait3A_87 = arith.constant 0 : i32
    %dma_wait3A_88 = tpu.memref_slice %arg6[%dma_wait3A_83, %dma_wait3A_87] : memref<20x128xi32, #tpu.memory_space<vmem>> -> memref<1x128xi32, #tpu.memory_space<vmem>>
    %dma_wait3A_89 = tpu.memref_squeeze %dma_wait3A_88 : memref<1x128xi32, #tpu.memory_space<vmem>> -> memref<128xi32, #tpu.memory_space<vmem>>
    %dma_wait3A_90 = arith.constant 0 : i32
    %dma_wait3A_91 = arith.constant 0 : i32
    %dma_wait3A_92 = tpu.memref_slice %arg9[%dma_wait3A_90, %dma_wait3A_91] : memref<2048x48xf32, #tpu.memory_space<vmem_shared>> -> memref<2048x48xf32, #tpu.memory_space<vmem_shared>>
    tpu.wait_indirect_dma semaphore(%arg12 : memref<!tpu.dma_semaphore, #tpu.memory_space<semaphore_mem>>) src(%dma_wait3A_86 : memref<128x48xf32, #tpu.memory_space<vmem>>) dst(%dma_wait3A_92 : memref<2048x48xf32, #tpu.memory_space<vmem_shared>>)
    %dma_wait3A_93 = arith.constant 2 : i32
    %dma_wait3A_94 = arith.constant 256 : i32
    %dma_wait3A_95 = arith.constant 0 : i32
    %dma_wait3A_96 = tpu.memref_slice %arg7[%dma_wait3A_94, %dma_wait3A_95] : memref<640x48xf32, #tpu.memory_space<vmem>> -> memref<128x48xf32, #tpu.memory_space<vmem>>
    %dma_wait3A_97 = arith.constant 0 : i32
    %dma_wait3A_98 = tpu.memref_slice %arg6[%dma_wait3A_93, %dma_wait3A_97] : memref<20x128xi32, #tpu.memory_space<vmem>> -> memref<1x128xi32, #tpu.memory_space<vmem>>
    %dma_wait3A_99 = tpu.memref_squeeze %dma_wait3A_98 : memref<1x128xi32, #tpu.memory_space<vmem>> -> memref<128xi32, #tpu.memory_space<vmem>>
    %dma_wait3A_100 = arith.constant 0 : i32
    %dma_wait3A_101 = arith.constant 0 : i32
    %dma_wait3A_102 = tpu.memref_slice %arg9[%dma_wait3A_100, %dma_wait3A_101] : memref<2048x48xf32, #tpu.memory_space<vmem_shared>> -> memref<2048x48xf32, #tpu.memory_space<vmem_shared>>
    tpu.wait_indirect_dma semaphore(%arg12 : memref<!tpu.dma_semaphore, #tpu.memory_space<semaphore_mem>>) src(%dma_wait3A_96 : memref<128x48xf32, #tpu.memory_space<vmem>>) dst(%dma_wait3A_102 : memref<2048x48xf32, #tpu.memory_space<vmem_shared>>)
    %dma_wait3A_103 = arith.constant 3 : i32
    %dma_wait3A_104 = arith.constant 384 : i32
    %dma_wait3A_105 = arith.constant 0 : i32
    %dma_wait3A_106 = tpu.memref_slice %arg7[%dma_wait3A_104, %dma_wait3A_105] : memref<640x48xf32, #tpu.memory_space<vmem>> -> memref<128x48xf32, #tpu.memory_space<vmem>>
    %dma_wait3A_107 = arith.constant 0 : i32
    %dma_wait3A_108 = tpu.memref_slice %arg6[%dma_wait3A_103, %dma_wait3A_107] : memref<20x128xi32, #tpu.memory_space<vmem>> -> memref<1x128xi32, #tpu.memory_space<vmem>>
    %dma_wait3A_109 = tpu.memref_squeeze %dma_wait3A_108 : memref<1x128xi32, #tpu.memory_space<vmem>> -> memref<128xi32, #tpu.memory_space<vmem>>
    %dma_wait3A_110 = arith.constant 0 : i32
    %dma_wait3A_111 = arith.constant 0 : i32
    %dma_wait3A_112 = tpu.memref_slice %arg9[%dma_wait3A_110, %dma_wait3A_111] : memref<2048x48xf32, #tpu.memory_space<vmem_shared>> -> memref<2048x48xf32, #tpu.memory_space<vmem_shared>>
    tpu.wait_indirect_dma semaphore(%arg12 : memref<!tpu.dma_semaphore, #tpu.memory_space<semaphore_mem>>) src(%dma_wait3A_106 : memref<128x48xf32, #tpu.memory_space<vmem>>) dst(%dma_wait3A_112 : memref<2048x48xf32, #tpu.memory_space<vmem_shared>>)
    %dma_wait3A_113 = arith.constant 4 : i32
    %dma_wait3A_114 = arith.constant 512 : i32
    %dma_wait3A_115 = arith.constant 0 : i32
    %dma_wait3A_116 = tpu.memref_slice %arg7[%dma_wait3A_114, %dma_wait3A_115] : memref<640x48xf32, #tpu.memory_space<vmem>> -> memref<128x48xf32, #tpu.memory_space<vmem>>
    %dma_wait3A_117 = arith.constant 0 : i32
    %dma_wait3A_118 = tpu.memref_slice %arg6[%dma_wait3A_113, %dma_wait3A_117] : memref<20x128xi32, #tpu.memory_space<vmem>> -> memref<1x128xi32, #tpu.memory_space<vmem>>
    %dma_wait3A_119 = tpu.memref_squeeze %dma_wait3A_118 : memref<1x128xi32, #tpu.memory_space<vmem>> -> memref<128xi32, #tpu.memory_space<vmem>>
    %dma_wait3A_120 = arith.constant 0 : i32
    %dma_wait3A_121 = arith.constant 0 : i32
    %dma_wait3A_122 = tpu.memref_slice %arg9[%dma_wait3A_120, %dma_wait3A_121] : memref<2048x48xf32, #tpu.memory_space<vmem_shared>> -> memref<2048x48xf32, #tpu.memory_space<vmem_shared>>
    tpu.wait_indirect_dma semaphore(%arg12 : memref<!tpu.dma_semaphore, #tpu.memory_space<semaphore_mem>>) src(%dma_wait3A_116 : memref<128x48xf32, #tpu.memory_space<vmem>>) dst(%dma_wait3A_122 : memref<2048x48xf32, #tpu.memory_space<vmem_shared>>)
    %add3A_123 = arith.constant 10 : i32
    %add3A_124 = arith.addi %mul3A_4, %add3A_123 : i32
    %mul3A_125 = arith.constant 128 : i32
    %mul3A_126 = arith.muli %add3A_124, %mul3A_125 : i32
    %dma_start3A_127 = arith.constant 0 : i32
    %dma_start3A_128 = tpu.memref_slice %arg2[%mul3A_126, %dma_start3A_127] : memref<81920x48xf32, #tpu.memory_space<hbm>> -> memref<640x48xf32, #tpu.memory_space<hbm>>
    %dma_start3A_129 = arith.constant 0 : i32
    %dma_start3A_130 = tpu.memref_slice %arg2[%mul3A_126, %dma_start3A_129] : memref<81920x48xf32, #tpu.memory_space<hbm>> -> memref<640x48xf32, #tpu.memory_space<hbm>>
    tpu.enqueue_dma source(%dma_start3A_130 : memref<640x48xf32, #tpu.memory_space<hbm>>) target(%arg7 : memref<640x48xf32, #tpu.memory_space<vmem>>) target_semaphore(%arg10 : memref<!tpu.dma_semaphore, #tpu.memory_space<semaphore_mem>>)
    %dma_wait3A_131 = arith.constant 0 : i32
    %dma_wait3A_132 = tpu.memref_slice %arg2[%mul3A_15, %dma_wait3A_131] : memref<81920x48xf32, #tpu.memory_space<hbm>> -> memref<640x48xf32, #tpu.memory_space<hbm>>
    %dma_wait3A_133 = arith.constant 0 : i32
    %dma_wait3A_134 = tpu.memref_slice %arg2[%mul3A_15, %dma_wait3A_133] : memref<81920x48xf32, #tpu.memory_space<hbm>> -> memref<640x48xf32, #tpu.memory_space<hbm>>
    tpu.wait_dma2 semaphore(%arg11 : memref<!tpu.dma_semaphore, #tpu.memory_space<semaphore_mem>>) src(%dma_wait3A_134 : memref<640x48xf32, #tpu.memory_space<hbm>>) dst(%arg8 : memref<640x48xf32, #tpu.memory_space<vmem>>)
    %dma_start3A_135 = arith.constant 5 : i32
    %dma_start3A_136 = arith.constant 0 : i32
    %dma_start3A_137 = arith.constant 0 : i32
    %dma_start3A_138 = tpu.memref_slice %arg8[%dma_start3A_136, %dma_start3A_137] : memref<640x48xf32, #tpu.memory_space<vmem>> -> memref<128x48xf32, #tpu.memory_space<vmem>>
    %dma_start3A_139 = arith.constant 0 : i32
    %dma_start3A_140 = tpu.memref_slice %arg6[%dma_start3A_135, %dma_start3A_139] : memref<20x128xi32, #tpu.memory_space<vmem>> -> memref<1x128xi32, #tpu.memory_space<vmem>>
    %dma_start3A_141 = tpu.memref_squeeze %dma_start3A_140 : memref<1x128xi32, #tpu.memory_space<vmem>> -> memref<128xi32, #tpu.memory_space<vmem>>
    %dma_start3A_142 = arith.constant 0 : i32
    %dma_start3A_143 = arith.constant 0 : i32
    %dma_start3A_144 = tpu.memref_slice %arg9[%dma_start3A_142, %dma_start3A_143] : memref<2048x48xf32, #tpu.memory_space<vmem_shared>> -> memref<2048x48xf32, #tpu.memory_space<vmem_shared>>
    tpu.enqueue_indirect_dma source(%dma_start3A_138 : memref<128x48xf32, #tpu.memory_space<vmem>>) target(%dma_start3A_144 : memref<2048x48xf32, #tpu.memory_space<vmem_shared>>) offsets(%dma_start3A_141 : memref<128xi32, #tpu.memory_space<vmem>>) semaphore(%arg13 : memref<!tpu.dma_semaphore, #tpu.memory_space<semaphore_mem>>) {add = true}
    %dma_start3A_145 = arith.constant 6 : i32
    %dma_start3A_146 = arith.constant 128 : i32
    %dma_start3A_147 = arith.constant 0 : i32
    %dma_start3A_148 = tpu.memref_slice %arg8[%dma_start3A_146, %dma_start3A_147] : memref<640x48xf32, #tpu.memory_space<vmem>> -> memref<128x48xf32, #tpu.memory_space<vmem>>
    %dma_start3A_149 = arith.constant 0 : i32
    %dma_start3A_150 = tpu.memref_slice %arg6[%dma_start3A_145, %dma_start3A_149] : memref<20x128xi32, #tpu.memory_space<vmem>> -> memref<1x128xi32, #tpu.memory_space<vmem>>
    %dma_start3A_151 = tpu.memref_squeeze %dma_start3A_150 : memref<1x128xi32, #tpu.memory_space<vmem>> -> memref<128xi32, #tpu.memory_space<vmem>>
    %dma_start3A_152 = arith.constant 0 : i32
    %dma_start3A_153 = arith.constant 0 : i32
    %dma_start3A_154 = tpu.memref_slice %arg9[%dma_start3A_152, %dma_start3A_153] : memref<2048x48xf32, #tpu.memory_space<vmem_shared>> -> memref<2048x48xf32, #tpu.memory_space<vmem_shared>>
    tpu.enqueue_indirect_dma source(%dma_start3A_148 : memref<128x48xf32, #tpu.memory_space<vmem>>) target(%dma_start3A_154 : memref<2048x48xf32, #tpu.memory_space<vmem_shared>>) offsets(%dma_start3A_151 : memref<128xi32, #tpu.memory_space<vmem>>) semaphore(%arg13 : memref<!tpu.dma_semaphore, #tpu.memory_space<semaphore_mem>>) {add = true}
    %dma_start3A_155 = arith.constant 7 : i32
    %dma_start3A_156 = arith.constant 256 : i32
    %dma_start3A_157 = arith.constant 0 : i32
    %dma_start3A_158 = tpu.memref_slice %arg8[%dma_start3A_156, %dma_start3A_157] : memref<640x48xf32, #tpu.memory_space<vmem>> -> memref<128x48xf32, #tpu.memory_space<vmem>>
    %dma_start3A_159 = arith.constant 0 : i32
    %dma_start3A_160 = tpu.memref_slice %arg6[%dma_start3A_155, %dma_start3A_159] : memref<20x128xi32, #tpu.memory_space<vmem>> -> memref<1x128xi32, #tpu.memory_space<vmem>>
    %dma_start3A_161 = tpu.memref_squeeze %dma_start3A_160 : memref<1x128xi32, #tpu.memory_space<vmem>> -> memref<128xi32, #tpu.memory_space<vmem>>
    %dma_start3A_162 = arith.constant 0 : i32
    %dma_start3A_163 = arith.constant 0 : i32
    %dma_start3A_164 = tpu.memref_slice %arg9[%dma_start3A_162, %dma_start3A_163] : memref<2048x48xf32, #tpu.memory_space<vmem_shared>> -> memref<2048x48xf32, #tpu.memory_space<vmem_shared>>
    tpu.enqueue_indirect_dma source(%dma_start3A_158 : memref<128x48xf32, #tpu.memory_space<vmem>>) target(%dma_start3A_164 : memref<2048x48xf32, #tpu.memory_space<vmem_shared>>) offsets(%dma_start3A_161 : memref<128xi32, #tpu.memory_space<vmem>>) semaphore(%arg13 : memref<!tpu.dma_semaphore, #tpu.memory_space<semaphore_mem>>) {add = true}
    %dma_start3A_165 = arith.constant 8 : i32
    %dma_start3A_166 = arith.constant 384 : i32
    %dma_start3A_167 = arith.constant 0 : i32
    %dma_start3A_168 = tpu.memref_slice %arg8[%dma_start3A_166, %dma_start3A_167] : memref<640x48xf32, #tpu.memory_space<vmem>> -> memref<128x48xf32, #tpu.memory_space<vmem>>
    %dma_start3A_169 = arith.constant 0 : i32
    %dma_start3A_170 = tpu.memref_slice %arg6[%dma_start3A_165, %dma_start3A_169] : memref<20x128xi32, #tpu.memory_space<vmem>> -> memref<1x128xi32, #tpu.memory_space<vmem>>
    %dma_start3A_171 = tpu.memref_squeeze %dma_start3A_170 : memref<1x128xi32, #tpu.memory_space<vmem>> -> memref<128xi32, #tpu.memory_space<vmem>>
    %dma_start3A_172 = arith.constant 0 : i32
    %dma_start3A_173 = arith.constant 0 : i32
    %dma_start3A_174 = tpu.memref_slice %arg9[%dma_start3A_172, %dma_start3A_173] : memref<2048x48xf32, #tpu.memory_space<vmem_shared>> -> memref<2048x48xf32, #tpu.memory_space<vmem_shared>>
    tpu.enqueue_indirect_dma source(%dma_start3A_168 : memref<128x48xf32, #tpu.memory_space<vmem>>) target(%dma_start3A_174 : memref<2048x48xf32, #tpu.memory_space<vmem_shared>>) offsets(%dma_start3A_171 : memref<128xi32, #tpu.memory_space<vmem>>) semaphore(%arg13 : memref<!tpu.dma_semaphore, #tpu.memory_space<semaphore_mem>>) {add = true}
    %dma_start3A_175 = arith.constant 9 : i32
    %dma_start3A_176 = arith.constant 512 : i32
    %dma_start3A_177 = arith.constant 0 : i32
    %dma_start3A_178 = tpu.memref_slice %arg8[%dma_start3A_176, %dma_start3A_177] : memref<640x48xf32, #tpu.memory_space<vmem>> -> memref<128x48xf32, #tpu.memory_space<vmem>>
    %dma_start3A_179 = arith.constant 0 : i32
    %dma_start3A_180 = tpu.memref_slice %arg6[%dma_start3A_175, %dma_start3A_179] : memref<20x128xi32, #tpu.memory_space<vmem>> -> memref<1x128xi32, #tpu.memory_space<vmem>>
    %dma_start3A_181 = tpu.memref_squeeze %dma_start3A_180 : memref<1x128xi32, #tpu.memory_space<vmem>> -> memref<128xi32, #tpu.memory_space<vmem>>
    %dma_start3A_182 = arith.constant 0 : i32
    %dma_start3A_183 = arith.constant 0 : i32
    %dma_start3A_184 = tpu.memref_slice %arg9[%dma_start3A_182, %dma_start3A_183] : memref<2048x48xf32, #tpu.memory_space<vmem_shared>> -> memref<2048x48xf32, #tpu.memory_space<vmem_shared>>
    tpu.enqueue_indirect_dma source(%dma_start3A_178 : memref<128x48xf32, #tpu.memory_space<vmem>>) target(%dma_start3A_184 : memref<2048x48xf32, #tpu.memory_space<vmem_shared>>) offsets(%dma_start3A_181 : memref<128xi32, #tpu.memory_space<vmem>>) semaphore(%arg13 : memref<!tpu.dma_semaphore, #tpu.memory_space<semaphore_mem>>) {add = true}
    %dma_wait3A_185 = arith.constant 5 : i32
    %dma_wait3A_186 = arith.constant 0 : i32
    %dma_wait3A_187 = arith.constant 0 : i32
    %dma_wait3A_188 = tpu.memref_slice %arg8[%dma_wait3A_186, %dma_wait3A_187] : memref<640x48xf32, #tpu.memory_space<vmem>> -> memref<128x48xf32, #tpu.memory_space<vmem>>
    %dma_wait3A_189 = arith.constant 0 : i32
    %dma_wait3A_190 = tpu.memref_slice %arg6[%dma_wait3A_185, %dma_wait3A_189] : memref<20x128xi32, #tpu.memory_space<vmem>> -> memref<1x128xi32, #tpu.memory_space<vmem>>
    %dma_wait3A_191 = tpu.memref_squeeze %dma_wait3A_190 : memref<1x128xi32, #tpu.memory_space<vmem>> -> memref<128xi32, #tpu.memory_space<vmem>>
    %dma_wait3A_192 = arith.constant 0 : i32
    %dma_wait3A_193 = arith.constant 0 : i32
    %dma_wait3A_194 = tpu.memref_slice %arg9[%dma_wait3A_192, %dma_wait3A_193] : memref<2048x48xf32, #tpu.memory_space<vmem_shared>> -> memref<2048x48xf32, #tpu.memory_space<vmem_shared>>
    tpu.wait_indirect_dma semaphore(%arg13 : memref<!tpu.dma_semaphore, #tpu.memory_space<semaphore_mem>>) src(%dma_wait3A_188 : memref<128x48xf32, #tpu.memory_space<vmem>>) dst(%dma_wait3A_194 : memref<2048x48xf32, #tpu.memory_space<vmem_shared>>)
    %dma_wait3A_195 = arith.constant 6 : i32
    %dma_wait3A_196 = arith.constant 128 : i32
    %dma_wait3A_197 = arith.constant 0 : i32
    %dma_wait3A_198 = tpu.memref_slice %arg8[%dma_wait3A_196, %dma_wait3A_197] : memref<640x48xf32, #tpu.memory_space<vmem>> -> memref<128x48xf32, #tpu.memory_space<vmem>>
    %dma_wait3A_199 = arith.constant 0 : i32
    %dma_wait3A_200 = tpu.memref_slice %arg6[%dma_wait3A_195, %dma_wait3A_199] : memref<20x128xi32, #tpu.memory_space<vmem>> -> memref<1x128xi32, #tpu.memory_space<vmem>>
    %dma_wait3A_201 = tpu.memref_squeeze %dma_wait3A_200 : memref<1x128xi32, #tpu.memory_space<vmem>> -> memref<128xi32, #tpu.memory_space<vmem>>
    %dma_wait3A_202 = arith.constant 0 : i32
    %dma_wait3A_203 = arith.constant 0 : i32
    %dma_wait3A_204 = tpu.memref_slice %arg9[%dma_wait3A_202, %dma_wait3A_203] : memref<2048x48xf32, #tpu.memory_space<vmem_shared>> -> memref<2048x48xf32, #tpu.memory_space<vmem_shared>>
    tpu.wait_indirect_dma semaphore(%arg13 : memref<!tpu.dma_semaphore, #tpu.memory_space<semaphore_mem>>) src(%dma_wait3A_198 : memref<128x48xf32, #tpu.memory_space<vmem>>) dst(%dma_wait3A_204 : memref<2048x48xf32, #tpu.memory_space<vmem_shared>>)
    %dma_wait3A_205 = arith.constant 7 : i32
    %dma_wait3A_206 = arith.constant 256 : i32
    %dma_wait3A_207 = arith.constant 0 : i32
    %dma_wait3A_208 = tpu.memref_slice %arg8[%dma_wait3A_206, %dma_wait3A_207] : memref<640x48xf32, #tpu.memory_space<vmem>> -> memref<128x48xf32, #tpu.memory_space<vmem>>
    %dma_wait3A_209 = arith.constant 0 : i32
    %dma_wait3A_210 = tpu.memref_slice %arg6[%dma_wait3A_205, %dma_wait3A_209] : memref<20x128xi32, #tpu.memory_space<vmem>> -> memref<1x128xi32, #tpu.memory_space<vmem>>
    %dma_wait3A_211 = tpu.memref_squeeze %dma_wait3A_210 : memref<1x128xi32, #tpu.memory_space<vmem>> -> memref<128xi32, #tpu.memory_space<vmem>>
    %dma_wait3A_212 = arith.constant 0 : i32
    %dma_wait3A_213 = arith.constant 0 : i32
    %dma_wait3A_214 = tpu.memref_slice %arg9[%dma_wait3A_212, %dma_wait3A_213] : memref<2048x48xf32, #tpu.memory_space<vmem_shared>> -> memref<2048x48xf32, #tpu.memory_space<vmem_shared>>
    tpu.wait_indirect_dma semaphore(%arg13 : memref<!tpu.dma_semaphore, #tpu.memory_space<semaphore_mem>>) src(%dma_wait3A_208 : memref<128x48xf32, #tpu.memory_space<vmem>>) dst(%dma_wait3A_214 : memref<2048x48xf32, #tpu.memory_space<vmem_shared>>)
    %dma_wait3A_215 = arith.constant 8 : i32
    %dma_wait3A_216 = arith.constant 384 : i32
    %dma_wait3A_217 = arith.constant 0 : i32
    %dma_wait3A_218 = tpu.memref_slice %arg8[%dma_wait3A_216, %dma_wait3A_217] : memref<640x48xf32, #tpu.memory_space<vmem>> -> memref<128x48xf32, #tpu.memory_space<vmem>>
    %dma_wait3A_219 = arith.constant 0 : i32
    %dma_wait3A_220 = tpu.memref_slice %arg6[%dma_wait3A_215, %dma_wait3A_219] : memref<20x128xi32, #tpu.memory_space<vmem>> -> memref<1x128xi32, #tpu.memory_space<vmem>>
    %dma_wait3A_221 = tpu.memref_squeeze %dma_wait3A_220 : memref<1x128xi32, #tpu.memory_space<vmem>> -> memref<128xi32, #tpu.memory_space<vmem>>
    %dma_wait3A_222 = arith.constant 0 : i32
    %dma_wait3A_223 = arith.constant 0 : i32
    %dma_wait3A_224 = tpu.memref_slice %arg9[%dma_wait3A_222, %dma_wait3A_223] : memref<2048x48xf32, #tpu.memory_space<vmem_shared>> -> memref<2048x48xf32, #tpu.memory_space<vmem_shared>>
    tpu.wait_indirect_dma semaphore(%arg13 : memref<!tpu.dma_semaphore, #tpu.memory_space<semaphore_mem>>) src(%dma_wait3A_218 : memref<128x48xf32, #tpu.memory_space<vmem>>) dst(%dma_wait3A_224 : memref<2048x48xf32, #tpu.memory_space<vmem_shared>>)
    %dma_wait3A_225 = arith.constant 9 : i32
    %dma_wait3A_226 = arith.constant 512 : i32
    %dma_wait3A_227 = arith.constant 0 : i32
    %dma_wait3A_228 = tpu.memref_slice %arg8[%dma_wait3A_226, %dma_wait3A_227] : memref<640x48xf32, #tpu.memory_space<vmem>> -> memref<128x48xf32, #tpu.memory_space<vmem>>
    %dma_wait3A_229 = arith.constant 0 : i32
    %dma_wait3A_230 = tpu.memref_slice %arg6[%dma_wait3A_225, %dma_wait3A_229] : memref<20x128xi32, #tpu.memory_space<vmem>> -> memref<1x128xi32, #tpu.memory_space<vmem>>
    %dma_wait3A_231 = tpu.memref_squeeze %dma_wait3A_230 : memref<1x128xi32, #tpu.memory_space<vmem>> -> memref<128xi32, #tpu.memory_space<vmem>>
    %dma_wait3A_232 = arith.constant 0 : i32
    %dma_wait3A_233 = arith.constant 0 : i32
    %dma_wait3A_234 = tpu.memref_slice %arg9[%dma_wait3A_232, %dma_wait3A_233] : memref<2048x48xf32, #tpu.memory_space<vmem_shared>> -> memref<2048x48xf32, #tpu.memory_space<vmem_shared>>
    tpu.wait_indirect_dma semaphore(%arg13 : memref<!tpu.dma_semaphore, #tpu.memory_space<semaphore_mem>>) src(%dma_wait3A_228 : memref<128x48xf32, #tpu.memory_space<vmem>>) dst(%dma_wait3A_234 : memref<2048x48xf32, #tpu.memory_space<vmem_shared>>)
    %add3A_235 = arith.constant 15 : i32
    %add3A_236 = arith.addi %mul3A_4, %add3A_235 : i32
    %mul3A_237 = arith.constant 128 : i32
    %mul3A_238 = arith.muli %add3A_236, %mul3A_237 : i32
    %dma_start3A_239 = arith.constant 0 : i32
    %dma_start3A_240 = tpu.memref_slice %arg2[%mul3A_238, %dma_start3A_239] : memref<81920x48xf32, #tpu.memory_space<hbm>> -> memref<640x48xf32, #tpu.memory_space<hbm>>
    %dma_start3A_241 = arith.constant 0 : i32
    %dma_start3A_242 = tpu.memref_slice %arg2[%mul3A_238, %dma_start3A_241] : memref<81920x48xf32, #tpu.memory_space<hbm>> -> memref<640x48xf32, #tpu.memory_space<hbm>>
    tpu.enqueue_dma source(%dma_start3A_242 : memref<640x48xf32, #tpu.memory_space<hbm>>) target(%arg8 : memref<640x48xf32, #tpu.memory_space<vmem>>) target_semaphore(%arg11 : memref<!tpu.dma_semaphore, #tpu.memory_space<semaphore_mem>>)
    %dma_wait3A_243 = arith.constant 0 : i32
    %dma_wait3A_244 = tpu.memref_slice %arg2[%mul3A_126, %dma_wait3A_243] : memref<81920x48xf32, #tpu.memory_space<hbm>> -> memref<640x48xf32, #tpu.memory_space<hbm>>
    %dma_wait3A_245 = arith.constant 0 : i32
    %dma_wait3A_246 = tpu.memref_slice %arg2[%mul3A_126, %dma_wait3A_245] : memref<81920x48xf32, #tpu.memory_space<hbm>> -> memref<640x48xf32, #tpu.memory_space<hbm>>
    tpu.wait_dma2 semaphore(%arg10 : memref<!tpu.dma_semaphore, #tpu.memory_space<semaphore_mem>>) src(%dma_wait3A_246 : memref<640x48xf32, #tpu.memory_space<hbm>>) dst(%arg7 : memref<640x48xf32, #tpu.memory_space<vmem>>)
    %dma_start3A_247 = arith.constant 10 : i32
    %dma_start3A_248 = arith.constant 0 : i32
    %dma_start3A_249 = arith.constant 0 : i32
    %dma_start3A_250 = tpu.memref_slice %arg7[%dma_start3A_248, %dma_start3A_249] : memref<640x48xf32, #tpu.memory_space<vmem>> -> memref<128x48xf32, #tpu.memory_space<vmem>>
    %dma_start3A_251 = arith.constant 0 : i32
    %dma_start3A_252 = tpu.memref_slice %arg6[%dma_start3A_247, %dma_start3A_251] : memref<20x128xi32, #tpu.memory_space<vmem>> -> memref<1x128xi32, #tpu.memory_space<vmem>>
    %dma_start3A_253 = tpu.memref_squeeze %dma_start3A_252 : memref<1x128xi32, #tpu.memory_space<vmem>> -> memref<128xi32, #tpu.memory_space<vmem>>
    %dma_start3A_254 = arith.constant 0 : i32
    %dma_start3A_255 = arith.constant 0 : i32
    %dma_start3A_256 = tpu.memref_slice %arg9[%dma_start3A_254, %dma_start3A_255] : memref<2048x48xf32, #tpu.memory_space<vmem_shared>> -> memref<2048x48xf32, #tpu.memory_space<vmem_shared>>
    tpu.enqueue_indirect_dma source(%dma_start3A_250 : memref<128x48xf32, #tpu.memory_space<vmem>>) target(%dma_start3A_256 : memref<2048x48xf32, #tpu.memory_space<vmem_shared>>) offsets(%dma_start3A_253 : memref<128xi32, #tpu.memory_space<vmem>>) semaphore(%arg12 : memref<!tpu.dma_semaphore, #tpu.memory_space<semaphore_mem>>) {add = true}
    %dma_start3A_257 = arith.constant 11 : i32
    %dma_start3A_258 = arith.constant 128 : i32
    %dma_start3A_259 = arith.constant 0 : i32
    %dma_start3A_260 = tpu.memref_slice %arg7[%dma_start3A_258, %dma_start3A_259] : memref<640x48xf32, #tpu.memory_space<vmem>> -> memref<128x48xf32, #tpu.memory_space<vmem>>
    %dma_start3A_261 = arith.constant 0 : i32
    %dma_start3A_262 = tpu.memref_slice %arg6[%dma_start3A_257, %dma_start3A_261] : memref<20x128xi32, #tpu.memory_space<vmem>> -> memref<1x128xi32, #tpu.memory_space<vmem>>
    %dma_start3A_263 = tpu.memref_squeeze %dma_start3A_262 : memref<1x128xi32, #tpu.memory_space<vmem>> -> memref<128xi32, #tpu.memory_space<vmem>>
    %dma_start3A_264 = arith.constant 0 : i32
    %dma_start3A_265 = arith.constant 0 : i32
    %dma_start3A_266 = tpu.memref_slice %arg9[%dma_start3A_264, %dma_start3A_265] : memref<2048x48xf32, #tpu.memory_space<vmem_shared>> -> memref<2048x48xf32, #tpu.memory_space<vmem_shared>>
    tpu.enqueue_indirect_dma source(%dma_start3A_260 : memref<128x48xf32, #tpu.memory_space<vmem>>) target(%dma_start3A_266 : memref<2048x48xf32, #tpu.memory_space<vmem_shared>>) offsets(%dma_start3A_263 : memref<128xi32, #tpu.memory_space<vmem>>) semaphore(%arg12 : memref<!tpu.dma_semaphore, #tpu.memory_space<semaphore_mem>>) {add = true}
    %dma_start3A_267 = arith.constant 12 : i32
    %dma_start3A_268 = arith.constant 256 : i32
    %dma_start3A_269 = arith.constant 0 : i32
    %dma_start3A_270 = tpu.memref_slice %arg7[%dma_start3A_268, %dma_start3A_269] : memref<640x48xf32, #tpu.memory_space<vmem>> -> memref<128x48xf32, #tpu.memory_space<vmem>>
    %dma_start3A_271 = arith.constant 0 : i32
    %dma_start3A_272 = tpu.memref_slice %arg6[%dma_start3A_267, %dma_start3A_271] : memref<20x128xi32, #tpu.memory_space<vmem>> -> memref<1x128xi32, #tpu.memory_space<vmem>>
    %dma_start3A_273 = tpu.memref_squeeze %dma_start3A_272 : memref<1x128xi32, #tpu.memory_space<vmem>> -> memref<128xi32, #tpu.memory_space<vmem>>
    %dma_start3A_274 = arith.constant 0 : i32
    %dma_start3A_275 = arith.constant 0 : i32
    %dma_start3A_276 = tpu.memref_slice %arg9[%dma_start3A_274, %dma_start3A_275] : memref<2048x48xf32, #tpu.memory_space<vmem_shared>> -> memref<2048x48xf32, #tpu.memory_space<vmem_shared>>
    tpu.enqueue_indirect_dma source(%dma_start3A_270 : memref<128x48xf32, #tpu.memory_space<vmem>>) target(%dma_start3A_276 : memref<2048x48xf32, #tpu.memory_space<vmem_shared>>) offsets(%dma_start3A_273 : memref<128xi32, #tpu.memory_space<vmem>>) semaphore(%arg12 : memref<!tpu.dma_semaphore, #tpu.memory_space<semaphore_mem>>) {add = true}
    %dma_start3A_277 = arith.constant 13 : i32
    %dma_start3A_278 = arith.constant 384 : i32
    %dma_start3A_279 = arith.constant 0 : i32
    %dma_start3A_280 = tpu.memref_slice %arg7[%dma_start3A_278, %dma_start3A_279] : memref<640x48xf32, #tpu.memory_space<vmem>> -> memref<128x48xf32, #tpu.memory_space<vmem>>
    %dma_start3A_281 = arith.constant 0 : i32
    %dma_start3A_282 = tpu.memref_slice %arg6[%dma_start3A_277, %dma_start3A_281] : memref<20x128xi32, #tpu.memory_space<vmem>> -> memref<1x128xi32, #tpu.memory_space<vmem>>
    %dma_start3A_283 = tpu.memref_squeeze %dma_start3A_282 : memref<1x128xi32, #tpu.memory_space<vmem>> -> memref<128xi32, #tpu.memory_space<vmem>>
    %dma_start3A_284 = arith.constant 0 : i32
    %dma_start3A_285 = arith.constant 0 : i32
    %dma_start3A_286 = tpu.memref_slice %arg9[%dma_start3A_284, %dma_start3A_285] : memref<2048x48xf32, #tpu.memory_space<vmem_shared>> -> memref<2048x48xf32, #tpu.memory_space<vmem_shared>>
    tpu.enqueue_indirect_dma source(%dma_start3A_280 : memref<128x48xf32, #tpu.memory_space<vmem>>) target(%dma_start3A_286 : memref<2048x48xf32, #tpu.memory_space<vmem_shared>>) offsets(%dma_start3A_283 : memref<128xi32, #tpu.memory_space<vmem>>) semaphore(%arg12 : memref<!tpu.dma_semaphore, #tpu.memory_space<semaphore_mem>>) {add = true}
    %dma_start3A_287 = arith.constant 14 : i32
    %dma_start3A_288 = arith.constant 512 : i32
    %dma_start3A_289 = arith.constant 0 : i32
    %dma_start3A_290 = tpu.memref_slice %arg7[%dma_start3A_288, %dma_start3A_289] : memref<640x48xf32, #tpu.memory_space<vmem>> -> memref<128x48xf32, #tpu.memory_space<vmem>>
    %dma_start3A_291 = arith.constant 0 : i32
    %dma_start3A_292 = tpu.memref_slice %arg6[%dma_start3A_287, %dma_start3A_291] : memref<20x128xi32, #tpu.memory_space<vmem>> -> memref<1x128xi32, #tpu.memory_space<vmem>>
    %dma_start3A_293 = tpu.memref_squeeze %dma_start3A_292 : memref<1x128xi32, #tpu.memory_space<vmem>> -> memref<128xi32, #tpu.memory_space<vmem>>
    %dma_start3A_294 = arith.constant 0 : i32
    %dma_start3A_295 = arith.constant 0 : i32
    %dma_start3A_296 = tpu.memref_slice %arg9[%dma_start3A_294, %dma_start3A_295] : memref<2048x48xf32, #tpu.memory_space<vmem_shared>> -> memref<2048x48xf32, #tpu.memory_space<vmem_shared>>
    tpu.enqueue_indirect_dma source(%dma_start3A_290 : memref<128x48xf32, #tpu.memory_space<vmem>>) target(%dma_start3A_296 : memref<2048x48xf32, #tpu.memory_space<vmem_shared>>) offsets(%dma_start3A_293 : memref<128xi32, #tpu.memory_space<vmem>>) semaphore(%arg12 : memref<!tpu.dma_semaphore, #tpu.memory_space<semaphore_mem>>) {add = true}
    %dma_wait3A_297 = arith.constant 0 : i32
    %dma_wait3A_298 = tpu.memref_slice %arg2[%mul3A_238, %dma_wait3A_297] : memref<81920x48xf32, #tpu.memory_space<hbm>> -> memref<640x48xf32, #tpu.memory_space<hbm>>
    %dma_wait3A_299 = arith.constant 0 : i32
    %dma_wait3A_300 = tpu.memref_slice %arg2[%mul3A_238, %dma_wait3A_299] : memref<81920x48xf32, #tpu.memory_space<hbm>> -> memref<640x48xf32, #tpu.memory_space<hbm>>
    tpu.wait_dma2 semaphore(%arg11 : memref<!tpu.dma_semaphore, #tpu.memory_space<semaphore_mem>>) src(%dma_wait3A_300 : memref<640x48xf32, #tpu.memory_space<hbm>>) dst(%arg8 : memref<640x48xf32, #tpu.memory_space<vmem>>)
    %dma_start3A_301 = arith.constant 15 : i32
    %dma_start3A_302 = arith.constant 0 : i32
    %dma_start3A_303 = arith.constant 0 : i32
    %dma_start3A_304 = tpu.memref_slice %arg8[%dma_start3A_302, %dma_start3A_303] : memref<640x48xf32, #tpu.memory_space<vmem>> -> memref<128x48xf32, #tpu.memory_space<vmem>>
    %dma_start3A_305 = arith.constant 0 : i32
    %dma_start3A_306 = tpu.memref_slice %arg6[%dma_start3A_301, %dma_start3A_305] : memref<20x128xi32, #tpu.memory_space<vmem>> -> memref<1x128xi32, #tpu.memory_space<vmem>>
    %dma_start3A_307 = tpu.memref_squeeze %dma_start3A_306 : memref<1x128xi32, #tpu.memory_space<vmem>> -> memref<128xi32, #tpu.memory_space<vmem>>
    %dma_start3A_308 = arith.constant 0 : i32
    %dma_start3A_309 = arith.constant 0 : i32
    %dma_start3A_310 = tpu.memref_slice %arg9[%dma_start3A_308, %dma_start3A_309] : memref<2048x48xf32, #tpu.memory_space<vmem_shared>> -> memref<2048x48xf32, #tpu.memory_space<vmem_shared>>
    tpu.enqueue_indirect_dma source(%dma_start3A_304 : memref<128x48xf32, #tpu.memory_space<vmem>>) target(%dma_start3A_310 : memref<2048x48xf32, #tpu.memory_space<vmem_shared>>) offsets(%dma_start3A_307 : memref<128xi32, #tpu.memory_space<vmem>>) semaphore(%arg13 : memref<!tpu.dma_semaphore, #tpu.memory_space<semaphore_mem>>) {add = true}
    %dma_start3A_311 = arith.constant 16 : i32
    %dma_start3A_312 = arith.constant 128 : i32
    %dma_start3A_313 = arith.constant 0 : i32
    %dma_start3A_314 = tpu.memref_slice %arg8[%dma_start3A_312, %dma_start3A_313] : memref<640x48xf32, #tpu.memory_space<vmem>> -> memref<128x48xf32, #tpu.memory_space<vmem>>
    %dma_start3A_315 = arith.constant 0 : i32
    %dma_start3A_316 = tpu.memref_slice %arg6[%dma_start3A_311, %dma_start3A_315] : memref<20x128xi32, #tpu.memory_space<vmem>> -> memref<1x128xi32, #tpu.memory_space<vmem>>
    %dma_start3A_317 = tpu.memref_squeeze %dma_start3A_316 : memref<1x128xi32, #tpu.memory_space<vmem>> -> memref<128xi32, #tpu.memory_space<vmem>>
    %dma_start3A_318 = arith.constant 0 : i32
    %dma_start3A_319 = arith.constant 0 : i32
    %dma_start3A_320 = tpu.memref_slice %arg9[%dma_start3A_318, %dma_start3A_319] : memref<2048x48xf32, #tpu.memory_space<vmem_shared>> -> memref<2048x48xf32, #tpu.memory_space<vmem_shared>>
    tpu.enqueue_indirect_dma source(%dma_start3A_314 : memref<128x48xf32, #tpu.memory_space<vmem>>) target(%dma_start3A_320 : memref<2048x48xf32, #tpu.memory_space<vmem_shared>>) offsets(%dma_start3A_317 : memref<128xi32, #tpu.memory_space<vmem>>) semaphore(%arg13 : memref<!tpu.dma_semaphore, #tpu.memory_space<semaphore_mem>>) {add = true}
    %dma_start3A_321 = arith.constant 17 : i32
    %dma_start3A_322 = arith.constant 256 : i32
    %dma_start3A_323 = arith.constant 0 : i32
    %dma_start3A_324 = tpu.memref_slice %arg8[%dma_start3A_322, %dma_start3A_323] : memref<640x48xf32, #tpu.memory_space<vmem>> -> memref<128x48xf32, #tpu.memory_space<vmem>>
    %dma_start3A_325 = arith.constant 0 : i32
    %dma_start3A_326 = tpu.memref_slice %arg6[%dma_start3A_321, %dma_start3A_325] : memref<20x128xi32, #tpu.memory_space<vmem>> -> memref<1x128xi32, #tpu.memory_space<vmem>>
    %dma_start3A_327 = tpu.memref_squeeze %dma_start3A_326 : memref<1x128xi32, #tpu.memory_space<vmem>> -> memref<128xi32, #tpu.memory_space<vmem>>
    %dma_start3A_328 = arith.constant 0 : i32
    %dma_start3A_329 = arith.constant 0 : i32
    %dma_start3A_330 = tpu.memref_slice %arg9[%dma_start3A_328, %dma_start3A_329] : memref<2048x48xf32, #tpu.memory_space<vmem_shared>> -> memref<2048x48xf32, #tpu.memory_space<vmem_shared>>
    tpu.enqueue_indirect_dma source(%dma_start3A_324 : memref<128x48xf32, #tpu.memory_space<vmem>>) target(%dma_start3A_330 : memref<2048x48xf32, #tpu.memory_space<vmem_shared>>) offsets(%dma_start3A_327 : memref<128xi32, #tpu.memory_space<vmem>>) semaphore(%arg13 : memref<!tpu.dma_semaphore, #tpu.memory_space<semaphore_mem>>) {add = true}
    %dma_start3A_331 = arith.constant 18 : i32
    %dma_start3A_332 = arith.constant 384 : i32
    %dma_start3A_333 = arith.constant 0 : i32
    %dma_start3A_334 = tpu.memref_slice %arg8[%dma_start3A_332, %dma_start3A_333] : memref<640x48xf32, #tpu.memory_space<vmem>> -> memref<128x48xf32, #tpu.memory_space<vmem>>
    %dma_start3A_335 = arith.constant 0 : i32
    %dma_start3A_336 = tpu.memref_slice %arg6[%dma_start3A_331, %dma_start3A_335] : memref<20x128xi32, #tpu.memory_space<vmem>> -> memref<1x128xi32, #tpu.memory_space<vmem>>
    %dma_start3A_337 = tpu.memref_squeeze %dma_start3A_336 : memref<1x128xi32, #tpu.memory_space<vmem>> -> memref<128xi32, #tpu.memory_space<vmem>>
    %dma_start3A_338 = arith.constant 0 : i32
    %dma_start3A_339 = arith.constant 0 : i32
    %dma_start3A_340 = tpu.memref_slice %arg9[%dma_start3A_338, %dma_start3A_339] : memref<2048x48xf32, #tpu.memory_space<vmem_shared>> -> memref<2048x48xf32, #tpu.memory_space<vmem_shared>>
    tpu.enqueue_indirect_dma source(%dma_start3A_334 : memref<128x48xf32, #tpu.memory_space<vmem>>) target(%dma_start3A_340 : memref<2048x48xf32, #tpu.memory_space<vmem_shared>>) offsets(%dma_start3A_337 : memref<128xi32, #tpu.memory_space<vmem>>) semaphore(%arg13 : memref<!tpu.dma_semaphore, #tpu.memory_space<semaphore_mem>>) {add = true}
    %dma_start3A_341 = arith.constant 19 : i32
    %dma_start3A_342 = arith.constant 512 : i32
    %dma_start3A_343 = arith.constant 0 : i32
    %dma_start3A_344 = tpu.memref_slice %arg8[%dma_start3A_342, %dma_start3A_343] : memref<640x48xf32, #tpu.memory_space<vmem>> -> memref<128x48xf32, #tpu.memory_space<vmem>>
    %dma_start3A_345 = arith.constant 0 : i32
    %dma_start3A_346 = tpu.memref_slice %arg6[%dma_start3A_341, %dma_start3A_345] : memref<20x128xi32, #tpu.memory_space<vmem>> -> memref<1x128xi32, #tpu.memory_space<vmem>>
    %dma_start3A_347 = tpu.memref_squeeze %dma_start3A_346 : memref<1x128xi32, #tpu.memory_space<vmem>> -> memref<128xi32, #tpu.memory_space<vmem>>
    %dma_start3A_348 = arith.constant 0 : i32
    %dma_start3A_349 = arith.constant 0 : i32
    %dma_start3A_350 = tpu.memref_slice %arg9[%dma_start3A_348, %dma_start3A_349] : memref<2048x48xf32, #tpu.memory_space<vmem_shared>> -> memref<2048x48xf32, #tpu.memory_space<vmem_shared>>
    tpu.enqueue_indirect_dma source(%dma_start3A_344 : memref<128x48xf32, #tpu.memory_space<vmem>>) target(%dma_start3A_350 : memref<2048x48xf32, #tpu.memory_space<vmem_shared>>) offsets(%dma_start3A_347 : memref<128xi32, #tpu.memory_space<vmem>>) semaphore(%arg13 : memref<!tpu.dma_semaphore, #tpu.memory_space<semaphore_mem>>) {add = true}
    %dma_wait3A_351 = arith.constant 10 : i32
    %dma_wait3A_352 = arith.constant 0 : i32
    %dma_wait3A_353 = arith.constant 0 : i32
    %dma_wait3A_354 = tpu.memref_slice %arg7[%dma_wait3A_352, %dma_wait3A_353] : memref<640x48xf32, #tpu.memory_space<vmem>> -> memref<128x48xf32, #tpu.memory_space<vmem>>
    %dma_wait3A_355 = arith.constant 0 : i32
    %dma_wait3A_356 = tpu.memref_slice %arg6[%dma_wait3A_351, %dma_wait3A_355] : memref<20x128xi32, #tpu.memory_space<vmem>> -> memref<1x128xi32, #tpu.memory_space<vmem>>
    %dma_wait3A_357 = tpu.memref_squeeze %dma_wait3A_356 : memref<1x128xi32, #tpu.memory_space<vmem>> -> memref<128xi32, #tpu.memory_space<vmem>>
    %dma_wait3A_358 = arith.constant 0 : i32
    %dma_wait3A_359 = arith.constant 0 : i32
    %dma_wait3A_360 = tpu.memref_slice %arg9[%dma_wait3A_358, %dma_wait3A_359] : memref<2048x48xf32, #tpu.memory_space<vmem_shared>> -> memref<2048x48xf32, #tpu.memory_space<vmem_shared>>
    tpu.wait_indirect_dma semaphore(%arg12 : memref<!tpu.dma_semaphore, #tpu.memory_space<semaphore_mem>>) src(%dma_wait3A_354 : memref<128x48xf32, #tpu.memory_space<vmem>>) dst(%dma_wait3A_360 : memref<2048x48xf32, #tpu.memory_space<vmem_shared>>)
    %dma_wait3A_361 = arith.constant 11 : i32
    %dma_wait3A_362 = arith.constant 128 : i32
    %dma_wait3A_363 = arith.constant 0 : i32
    %dma_wait3A_364 = tpu.memref_slice %arg7[%dma_wait3A_362, %dma_wait3A_363] : memref<640x48xf32, #tpu.memory_space<vmem>> -> memref<128x48xf32, #tpu.memory_space<vmem>>
    %dma_wait3A_365 = arith.constant 0 : i32
    %dma_wait3A_366 = tpu.memref_slice %arg6[%dma_wait3A_361, %dma_wait3A_365] : memref<20x128xi32, #tpu.memory_space<vmem>> -> memref<1x128xi32, #tpu.memory_space<vmem>>
    %dma_wait3A_367 = tpu.memref_squeeze %dma_wait3A_366 : memref<1x128xi32, #tpu.memory_space<vmem>> -> memref<128xi32, #tpu.memory_space<vmem>>
    %dma_wait3A_368 = arith.constant 0 : i32
    %dma_wait3A_369 = arith.constant 0 : i32
    %dma_wait3A_370 = tpu.memref_slice %arg9[%dma_wait3A_368, %dma_wait3A_369] : memref<2048x48xf32, #tpu.memory_space<vmem_shared>> -> memref<2048x48xf32, #tpu.memory_space<vmem_shared>>
    tpu.wait_indirect_dma semaphore(%arg12 : memref<!tpu.dma_semaphore, #tpu.memory_space<semaphore_mem>>) src(%dma_wait3A_364 : memref<128x48xf32, #tpu.memory_space<vmem>>) dst(%dma_wait3A_370 : memref<2048x48xf32, #tpu.memory_space<vmem_shared>>)
    %dma_wait3A_371 = arith.constant 12 : i32
    %dma_wait3A_372 = arith.constant 256 : i32
    %dma_wait3A_373 = arith.constant 0 : i32
    %dma_wait3A_374 = tpu.memref_slice %arg7[%dma_wait3A_372, %dma_wait3A_373] : memref<640x48xf32, #tpu.memory_space<vmem>> -> memref<128x48xf32, #tpu.memory_space<vmem>>
    %dma_wait3A_375 = arith.constant 0 : i32
    %dma_wait3A_376 = tpu.memref_slice %arg6[%dma_wait3A_371, %dma_wait3A_375] : memref<20x128xi32, #tpu.memory_space<vmem>> -> memref<1x128xi32, #tpu.memory_space<vmem>>
    %dma_wait3A_377 = tpu.memref_squeeze %dma_wait3A_376 : memref<1x128xi32, #tpu.memory_space<vmem>> -> memref<128xi32, #tpu.memory_space<vmem>>
    %dma_wait3A_378 = arith.constant 0 : i32
    %dma_wait3A_379 = arith.constant 0 : i32
    %dma_wait3A_380 = tpu.memref_slice %arg9[%dma_wait3A_378, %dma_wait3A_379] : memref<2048x48xf32, #tpu.memory_space<vmem_shared>> -> memref<2048x48xf32, #tpu.memory_space<vmem_shared>>
    tpu.wait_indirect_dma semaphore(%arg12 : memref<!tpu.dma_semaphore, #tpu.memory_space<semaphore_mem>>) src(%dma_wait3A_374 : memref<128x48xf32, #tpu.memory_space<vmem>>) dst(%dma_wait3A_380 : memref<2048x48xf32, #tpu.memory_space<vmem_shared>>)
    %dma_wait3A_381 = arith.constant 13 : i32
    %dma_wait3A_382 = arith.constant 384 : i32
    %dma_wait3A_383 = arith.constant 0 : i32
    %dma_wait3A_384 = tpu.memref_slice %arg7[%dma_wait3A_382, %dma_wait3A_383] : memref<640x48xf32, #tpu.memory_space<vmem>> -> memref<128x48xf32, #tpu.memory_space<vmem>>
    %dma_wait3A_385 = arith.constant 0 : i32
    %dma_wait3A_386 = tpu.memref_slice %arg6[%dma_wait3A_381, %dma_wait3A_385] : memref<20x128xi32, #tpu.memory_space<vmem>> -> memref<1x128xi32, #tpu.memory_space<vmem>>
    %dma_wait3A_387 = tpu.memref_squeeze %dma_wait3A_386 : memref<1x128xi32, #tpu.memory_space<vmem>> -> memref<128xi32, #tpu.memory_space<vmem>>
    %dma_wait3A_388 = arith.constant 0 : i32
    %dma_wait3A_389 = arith.constant 0 : i32
    %dma_wait3A_390 = tpu.memref_slice %arg9[%dma_wait3A_388, %dma_wait3A_389] : memref<2048x48xf32, #tpu.memory_space<vmem_shared>> -> memref<2048x48xf32, #tpu.memory_space<vmem_shared>>
    tpu.wait_indirect_dma semaphore(%arg12 : memref<!tpu.dma_semaphore, #tpu.memory_space<semaphore_mem>>) src(%dma_wait3A_384 : memref<128x48xf32, #tpu.memory_space<vmem>>) dst(%dma_wait3A_390 : memref<2048x48xf32, #tpu.memory_space<vmem_shared>>)
    %dma_wait3A_391 = arith.constant 14 : i32
    %dma_wait3A_392 = arith.constant 512 : i32
    %dma_wait3A_393 = arith.constant 0 : i32
    %dma_wait3A_394 = tpu.memref_slice %arg7[%dma_wait3A_392, %dma_wait3A_393] : memref<640x48xf32, #tpu.memory_space<vmem>> -> memref<128x48xf32, #tpu.memory_space<vmem>>
    %dma_wait3A_395 = arith.constant 0 : i32
    %dma_wait3A_396 = tpu.memref_slice %arg6[%dma_wait3A_391, %dma_wait3A_395] : memref<20x128xi32, #tpu.memory_space<vmem>> -> memref<1x128xi32, #tpu.memory_space<vmem>>
    %dma_wait3A_397 = tpu.memref_squeeze %dma_wait3A_396 : memref<1x128xi32, #tpu.memory_space<vmem>> -> memref<128xi32, #tpu.memory_space<vmem>>
    %dma_wait3A_398 = arith.constant 0 : i32
    %dma_wait3A_399 = arith.constant 0 : i32
    %dma_wait3A_400 = tpu.memref_slice %arg9[%dma_wait3A_398, %dma_wait3A_399] : memref<2048x48xf32, #tpu.memory_space<vmem_shared>> -> memref<2048x48xf32, #tpu.memory_space<vmem_shared>>
    tpu.wait_indirect_dma semaphore(%arg12 : memref<!tpu.dma_semaphore, #tpu.memory_space<semaphore_mem>>) src(%dma_wait3A_394 : memref<128x48xf32, #tpu.memory_space<vmem>>) dst(%dma_wait3A_400 : memref<2048x48xf32, #tpu.memory_space<vmem_shared>>)
    %dma_wait3A_401 = arith.constant 15 : i32
    %dma_wait3A_402 = arith.constant 0 : i32
    %dma_wait3A_403 = arith.constant 0 : i32
    %dma_wait3A_404 = tpu.memref_slice %arg8[%dma_wait3A_402, %dma_wait3A_403] : memref<640x48xf32, #tpu.memory_space<vmem>> -> memref<128x48xf32, #tpu.memory_space<vmem>>
    %dma_wait3A_405 = arith.constant 0 : i32
    %dma_wait3A_406 = tpu.memref_slice %arg6[%dma_wait3A_401, %dma_wait3A_405] : memref<20x128xi32, #tpu.memory_space<vmem>> -> memref<1x128xi32, #tpu.memory_space<vmem>>
    %dma_wait3A_407 = tpu.memref_squeeze %dma_wait3A_406 : memref<1x128xi32, #tpu.memory_space<vmem>> -> memref<128xi32, #tpu.memory_space<vmem>>
    %dma_wait3A_408 = arith.constant 0 : i32
    %dma_wait3A_409 = arith.constant 0 : i32
    %dma_wait3A_410 = tpu.memref_slice %arg9[%dma_wait3A_408, %dma_wait3A_409] : memref<2048x48xf32, #tpu.memory_space<vmem_shared>> -> memref<2048x48xf32, #tpu.memory_space<vmem_shared>>
    tpu.wait_indirect_dma semaphore(%arg13 : memref<!tpu.dma_semaphore, #tpu.memory_space<semaphore_mem>>) src(%dma_wait3A_404 : memref<128x48xf32, #tpu.memory_space<vmem>>) dst(%dma_wait3A_410 : memref<2048x48xf32, #tpu.memory_space<vmem_shared>>)
    %dma_wait3A_411 = arith.constant 16 : i32
    %dma_wait3A_412 = arith.constant 128 : i32
    %dma_wait3A_413 = arith.constant 0 : i32
    %dma_wait3A_414 = tpu.memref_slice %arg8[%dma_wait3A_412, %dma_wait3A_413] : memref<640x48xf32, #tpu.memory_space<vmem>> -> memref<128x48xf32, #tpu.memory_space<vmem>>
    %dma_wait3A_415 = arith.constant 0 : i32
    %dma_wait3A_416 = tpu.memref_slice %arg6[%dma_wait3A_411, %dma_wait3A_415] : memref<20x128xi32, #tpu.memory_space<vmem>> -> memref<1x128xi32, #tpu.memory_space<vmem>>
    %dma_wait3A_417 = tpu.memref_squeeze %dma_wait3A_416 : memref<1x128xi32, #tpu.memory_space<vmem>> -> memref<128xi32, #tpu.memory_space<vmem>>
    %dma_wait3A_418 = arith.constant 0 : i32
    %dma_wait3A_419 = arith.constant 0 : i32
    %dma_wait3A_420 = tpu.memref_slice %arg9[%dma_wait3A_418, %dma_wait3A_419] : memref<2048x48xf32, #tpu.memory_space<vmem_shared>> -> memref<2048x48xf32, #tpu.memory_space<vmem_shared>>
    tpu.wait_indirect_dma semaphore(%arg13 : memref<!tpu.dma_semaphore, #tpu.memory_space<semaphore_mem>>) src(%dma_wait3A_414 : memref<128x48xf32, #tpu.memory_space<vmem>>) dst(%dma_wait3A_420 : memref<2048x48xf32, #tpu.memory_space<vmem_shared>>)
    %dma_wait3A_421 = arith.constant 17 : i32
    %dma_wait3A_422 = arith.constant 256 : i32
    %dma_wait3A_423 = arith.constant 0 : i32
    %dma_wait3A_424 = tpu.memref_slice %arg8[%dma_wait3A_422, %dma_wait3A_423] : memref<640x48xf32, #tpu.memory_space<vmem>> -> memref<128x48xf32, #tpu.memory_space<vmem>>
    %dma_wait3A_425 = arith.constant 0 : i32
    %dma_wait3A_426 = tpu.memref_slice %arg6[%dma_wait3A_421, %dma_wait3A_425] : memref<20x128xi32, #tpu.memory_space<vmem>> -> memref<1x128xi32, #tpu.memory_space<vmem>>
    %dma_wait3A_427 = tpu.memref_squeeze %dma_wait3A_426 : memref<1x128xi32, #tpu.memory_space<vmem>> -> memref<128xi32, #tpu.memory_space<vmem>>
    %dma_wait3A_428 = arith.constant 0 : i32
    %dma_wait3A_429 = arith.constant 0 : i32
    %dma_wait3A_430 = tpu.memref_slice %arg9[%dma_wait3A_428, %dma_wait3A_429] : memref<2048x48xf32, #tpu.memory_space<vmem_shared>> -> memref<2048x48xf32, #tpu.memory_space<vmem_shared>>
    tpu.wait_indirect_dma semaphore(%arg13 : memref<!tpu.dma_semaphore, #tpu.memory_space<semaphore_mem>>) src(%dma_wait3A_424 : memref<128x48xf32, #tpu.memory_space<vmem>>) dst(%dma_wait3A_430 : memref<2048x48xf32, #tpu.memory_space<vmem_shared>>)
    %dma_wait3A_431 = arith.constant 18 : i32
    %dma_wait3A_432 = arith.constant 384 : i32
    %dma_wait3A_433 = arith.constant 0 : i32
    %dma_wait3A_434 = tpu.memref_slice %arg8[%dma_wait3A_432, %dma_wait3A_433] : memref<640x48xf32, #tpu.memory_space<vmem>> -> memref<128x48xf32, #tpu.memory_space<vmem>>
    %dma_wait3A_435 = arith.constant 0 : i32
    %dma_wait3A_436 = tpu.memref_slice %arg6[%dma_wait3A_431, %dma_wait3A_435] : memref<20x128xi32, #tpu.memory_space<vmem>> -> memref<1x128xi32, #tpu.memory_space<vmem>>
    %dma_wait3A_437 = tpu.memref_squeeze %dma_wait3A_436 : memref<1x128xi32, #tpu.memory_space<vmem>> -> memref<128xi32, #tpu.memory_space<vmem>>
    %dma_wait3A_438 = arith.constant 0 : i32
    %dma_wait3A_439 = arith.constant 0 : i32
    %dma_wait3A_440 = tpu.memref_slice %arg9[%dma_wait3A_438, %dma_wait3A_439] : memref<2048x48xf32, #tpu.memory_space<vmem_shared>> -> memref<2048x48xf32, #tpu.memory_space<vmem_shared>>
    tpu.wait_indirect_dma semaphore(%arg13 : memref<!tpu.dma_semaphore, #tpu.memory_space<semaphore_mem>>) src(%dma_wait3A_434 : memref<128x48xf32, #tpu.memory_space<vmem>>) dst(%dma_wait3A_440 : memref<2048x48xf32, #tpu.memory_space<vmem_shared>>)
    %dma_wait3A_441 = arith.constant 19 : i32
    %dma_wait3A_442 = arith.constant 512 : i32
    %dma_wait3A_443 = arith.constant 0 : i32
    %dma_wait3A_444 = tpu.memref_slice %arg8[%dma_wait3A_442, %dma_wait3A_443] : memref<640x48xf32, #tpu.memory_space<vmem>> -> memref<128x48xf32, #tpu.memory_space<vmem>>
    %dma_wait3A_445 = arith.constant 0 : i32
    %dma_wait3A_446 = tpu.memref_slice %arg6[%dma_wait3A_441, %dma_wait3A_445] : memref<20x128xi32, #tpu.memory_space<vmem>> -> memref<1x128xi32, #tpu.memory_space<vmem>>
    %dma_wait3A_447 = tpu.memref_squeeze %dma_wait3A_446 : memref<1x128xi32, #tpu.memory_space<vmem>> -> memref<128xi32, #tpu.memory_space<vmem>>
    %dma_wait3A_448 = arith.constant 0 : i32
    %dma_wait3A_449 = arith.constant 0 : i32
    %dma_wait3A_450 = tpu.memref_slice %arg9[%dma_wait3A_448, %dma_wait3A_449] : memref<2048x48xf32, #tpu.memory_space<vmem_shared>> -> memref<2048x48xf32, #tpu.memory_space<vmem_shared>>
    tpu.wait_indirect_dma semaphore(%arg13 : memref<!tpu.dma_semaphore, #tpu.memory_space<semaphore_mem>>) src(%dma_wait3A_444 : memref<128x48xf32, #tpu.memory_space<vmem>>) dst(%dma_wait3A_450 : memref<2048x48xf32, #tpu.memory_space<vmem_shared>>)
    %barrier3A_451 = arith.constant 0 : index
    tpu.barrier barrier_id(%barrier3A_451)
    %eq3A_452 = arith.constant 0 : i32
    %eq3A_453 = arith.cmpi eq, %arg1, %eq3A_452 : i32
    %convert_element_type3A_454 = arith.extui %eq3A_453 : i1 to i32
    %cond3A_455 = arith.constant 0 : i32
    %cond3A_456 = arith.cmpi ne, %convert_element_type3A_454, %cond3A_455 : i32
    scf.if %cond3A_456 {
      "tpu.region"() ({
        %run_scoped3A = tpu.sem_alloc : memref<!tpu.dma_semaphore, #tpu.memory_space<semaphore_mem>>
        %dma_start3A_457 = arith.constant 0 : i32
        %dma_start3A_458 = arith.constant 0 : i32
        %dma_start3A_459 = tpu.memref_slice %arg5[%arg0, %dma_start3A_457, %dma_start3A_458] : memref<2x2048x48xf32, #tpu.memory_space<hbm>> -> memref<1x2048x48xf32, #tpu.memory_space<hbm>>
        %dma_start3A_460 = tpu.memref_squeeze %dma_start3A_459 : memref<1x2048x48xf32, #tpu.memory_space<hbm>> -> memref<2048x48xf32, #tpu.memory_space<hbm>>
        tpu.enqueue_dma source(%arg9 : memref<2048x48xf32, #tpu.memory_space<vmem_shared>>) target(%dma_start3A_460 : memref<2048x48xf32, #tpu.memory_space<hbm>>) target_semaphore(%run_scoped3A : memref<!tpu.dma_semaphore, #tpu.memory_space<semaphore_mem>>)
        %dma_wait3A_461 = arith.constant 0 : i32
        %dma_wait3A_462 = arith.constant 0 : i32
        %dma_wait3A_463 = tpu.memref_slice %arg5[%arg0, %dma_wait3A_461, %dma_wait3A_462] : memref<2x2048x48xf32, #tpu.memory_space<hbm>> -> memref<1x2048x48xf32, #tpu.memory_space<hbm>>
        %dma_wait3A_464 = tpu.memref_squeeze %dma_wait3A_463 : memref<1x2048x48xf32, #tpu.memory_space<hbm>> -> memref<2048x48xf32, #tpu.memory_space<hbm>>
        tpu.wait_dma2 semaphore(%run_scoped3A : memref<!tpu.dma_semaphore, #tpu.memory_space<semaphore_mem>>) src(%arg9 : memref<2048x48xf32, #tpu.memory_space<vmem_shared>>) dst(%dma_wait3A_464 : memref<2048x48xf32, #tpu.memory_space<hbm>>)
        tpu.yield
      }) : () -> ()
    } else {
    }
    return
  }
}

#map = affine_map<(d0, d1) -> (0, 0)>
module attributes {stable_mosaic.version = 14 : i64} {
  func.func @_gather_body(%arg0: i32, %arg1: i32, %arg2: memref<10000x32xf32, #tpu.memory_space<hbm>>, %arg3: memref<640x128xi32, #tpu.memory_space<hbm>>, %arg4: memref<81920x32xf32, #tpu.memory_space<hbm>>, %arg5: memref<20x128xi32, #tpu.memory_space<vmem>>, %arg6: memref<1280x32xf32, #tpu.memory_space<vmem>>, %arg7: memref<1280x32xf32, #tpu.memory_space<vmem>>, %arg8: memref<10000x32xf32, #tpu.memory_space<vmem_shared>>, %arg9: memref<!tpu.dma_semaphore, #tpu.memory_space<semaphore_mem>>, %arg10: memref<!tpu.dma_semaphore, #tpu.memory_space<semaphore_mem>>, %arg11: memref<!tpu.dma_semaphore, #tpu.memory_space<semaphore_mem>>, %arg12: memref<!tpu.dma_semaphore, #tpu.memory_space<semaphore_mem>>) attributes {dimension_semantics = [#tpu.dimension_semantics<core_parallel>, #tpu.dimension_semantics<subcore_parallel>], iteration_bounds = array<i64: 2, 16>, scalar_prefetch = 0 : i64, scratch_operands = 8 : i64, tpu.core_type = #tpu.core_type<sc_vector_subcore>, window_params = [{transform_indices = #map}, {transform_indices = #map}, {transform_indices = #map}]} {
    %mul3A = arith.constant 2 : i32
    %mul3A_0 = arith.muli %arg1, %mul3A : i32
    %add3A = arith.addi %mul3A_0, %arg0 : i32
    %mul3A_1 = arith.constant 20 : i32
    %mul3A_2 = arith.muli %add3A, %mul3A_1 : i32
    %eq3A = arith.constant 0 : i32
    %eq3A_3 = arith.cmpi eq, %arg1, %eq3A : i32
    %convert_element_type3A = arith.extui %eq3A_3 : i1 to i32
    %cond3A = arith.constant 0 : i32
    %cond3A_4 = arith.cmpi ne, %convert_element_type3A, %cond3A : i32
    scf.if %cond3A_4 {
      "tpu.region"() ({
        %run_scoped3A = tpu.sem_alloc : memref<!tpu.dma_semaphore, #tpu.memory_space<semaphore_mem>>
        tpu.enqueue_dma source(%arg2 : memref<10000x32xf32, #tpu.memory_space<hbm>>) target(%arg8 : memref<10000x32xf32, #tpu.memory_space<vmem_shared>>) target_semaphore(%run_scoped3A : memref<!tpu.dma_semaphore, #tpu.memory_space<semaphore_mem>>)
        tpu.wait_dma2 semaphore(%run_scoped3A : memref<!tpu.dma_semaphore, #tpu.memory_space<semaphore_mem>>) src(%arg2 : memref<10000x32xf32, #tpu.memory_space<hbm>>) dst(%arg8 : memref<10000x32xf32, #tpu.memory_space<vmem_shared>>)
        tpu.yield
      }) : () -> ()
    } else {
    }
    "tpu.region"() ({
      %run_scoped3A = tpu.sem_alloc : memref<!tpu.dma_semaphore, #tpu.memory_space<semaphore_mem>>
      %dma_start3A_427 = arith.constant 0 : i32
      %dma_start3A_428 = tpu.memref_slice %arg3[%mul3A_2, %dma_start3A_427] : memref<640x128xi32, #tpu.memory_space<hbm>> -> memref<20x128xi32, #tpu.memory_space<hbm>>
      %dma_start3A_429 = arith.constant 0 : i32
      %dma_start3A_430 = tpu.memref_slice %arg3[%mul3A_2, %dma_start3A_429] : memref<640x128xi32, #tpu.memory_space<hbm>> -> memref<20x128xi32, #tpu.memory_space<hbm>>
      tpu.enqueue_dma source(%dma_start3A_430 : memref<20x128xi32, #tpu.memory_space<hbm>>) target(%arg5 : memref<20x128xi32, #tpu.memory_space<vmem>>) target_semaphore(%run_scoped3A : memref<!tpu.dma_semaphore, #tpu.memory_space<semaphore_mem>>)
      %dma_wait3A_431 = arith.constant 0 : i32
      %dma_wait3A_432 = tpu.memref_slice %arg3[%mul3A_2, %dma_wait3A_431] : memref<640x128xi32, #tpu.memory_space<hbm>> -> memref<20x128xi32, #tpu.memory_space<hbm>>
      %dma_wait3A_433 = arith.constant 0 : i32
      %dma_wait3A_434 = tpu.memref_slice %arg3[%mul3A_2, %dma_wait3A_433] : memref<640x128xi32, #tpu.memory_space<hbm>> -> memref<20x128xi32, #tpu.memory_space<hbm>>
      tpu.wait_dma2 semaphore(%run_scoped3A : memref<!tpu.dma_semaphore, #tpu.memory_space<semaphore_mem>>) src(%dma_wait3A_434 : memref<20x128xi32, #tpu.memory_space<hbm>>) dst(%arg5 : memref<20x128xi32, #tpu.memory_space<vmem>>)
      tpu.yield
    }) : () -> ()
    %barrier3A = arith.constant 0 : index
    tpu.barrier barrier_id(%barrier3A)
    %dma_start3A = arith.constant 0 : i32
    %dma_start3A_5 = arith.constant 0 : i32
    %dma_start3A_6 = arith.constant 0 : i32
    %dma_start3A_7 = tpu.memref_slice %arg6[%dma_start3A_5, %dma_start3A_6] : memref<1280x32xf32, #tpu.memory_space<vmem>> -> memref<128x32xf32, #tpu.memory_space<vmem>>
    %dma_start3A_8 = arith.constant 0 : i32
    %dma_start3A_9 = tpu.memref_slice %arg5[%dma_start3A, %dma_start3A_8] : memref<20x128xi32, #tpu.memory_space<vmem>> -> memref<1x128xi32, #tpu.memory_space<vmem>>
    %dma_start3A_10 = tpu.memref_squeeze %dma_start3A_9 : memref<1x128xi32, #tpu.memory_space<vmem>> -> memref<128xi32, #tpu.memory_space<vmem>>
    %dma_start3A_11 = arith.constant 0 : i32
    %dma_start3A_12 = arith.constant 0 : i32
    %dma_start3A_13 = tpu.memref_slice %arg8[%dma_start3A_11, %dma_start3A_12] : memref<10000x32xf32, #tpu.memory_space<vmem_shared>> -> memref<10000x32xf32, #tpu.memory_space<vmem_shared>>
    tpu.enqueue_indirect_dma source(%dma_start3A_13 : memref<10000x32xf32, #tpu.memory_space<vmem_shared>>) target(%dma_start3A_7 : memref<128x32xf32, #tpu.memory_space<vmem>>) offsets(%dma_start3A_10 : memref<128xi32, #tpu.memory_space<vmem>>) semaphore(%arg9 : memref<!tpu.dma_semaphore, #tpu.memory_space<semaphore_mem>>)
    %dma_start3A_14 = arith.constant 1 : i32
    %dma_start3A_15 = arith.constant 128 : i32
    %dma_start3A_16 = arith.constant 0 : i32
    %dma_start3A_17 = tpu.memref_slice %arg6[%dma_start3A_15, %dma_start3A_16] : memref<1280x32xf32, #tpu.memory_space<vmem>> -> memref<128x32xf32, #tpu.memory_space<vmem>>
    %dma_start3A_18 = arith.constant 0 : i32
    %dma_start3A_19 = tpu.memref_slice %arg5[%dma_start3A_14, %dma_start3A_18] : memref<20x128xi32, #tpu.memory_space<vmem>> -> memref<1x128xi32, #tpu.memory_space<vmem>>
    %dma_start3A_20 = tpu.memref_squeeze %dma_start3A_19 : memref<1x128xi32, #tpu.memory_space<vmem>> -> memref<128xi32, #tpu.memory_space<vmem>>
    %dma_start3A_21 = arith.constant 0 : i32
    %dma_start3A_22 = arith.constant 0 : i32
    %dma_start3A_23 = tpu.memref_slice %arg8[%dma_start3A_21, %dma_start3A_22] : memref<10000x32xf32, #tpu.memory_space<vmem_shared>> -> memref<10000x32xf32, #tpu.memory_space<vmem_shared>>
    tpu.enqueue_indirect_dma source(%dma_start3A_23 : memref<10000x32xf32, #tpu.memory_space<vmem_shared>>) target(%dma_start3A_17 : memref<128x32xf32, #tpu.memory_space<vmem>>) offsets(%dma_start3A_20 : memref<128xi32, #tpu.memory_space<vmem>>) semaphore(%arg9 : memref<!tpu.dma_semaphore, #tpu.memory_space<semaphore_mem>>)
    %dma_start3A_24 = arith.constant 2 : i32
    %dma_start3A_25 = arith.constant 256 : i32
    %dma_start3A_26 = arith.constant 0 : i32
    %dma_start3A_27 = tpu.memref_slice %arg6[%dma_start3A_25, %dma_start3A_26] : memref<1280x32xf32, #tpu.memory_space<vmem>> -> memref<128x32xf32, #tpu.memory_space<vmem>>
    %dma_start3A_28 = arith.constant 0 : i32
    %dma_start3A_29 = tpu.memref_slice %arg5[%dma_start3A_24, %dma_start3A_28] : memref<20x128xi32, #tpu.memory_space<vmem>> -> memref<1x128xi32, #tpu.memory_space<vmem>>
    %dma_start3A_30 = tpu.memref_squeeze %dma_start3A_29 : memref<1x128xi32, #tpu.memory_space<vmem>> -> memref<128xi32, #tpu.memory_space<vmem>>
    %dma_start3A_31 = arith.constant 0 : i32
    %dma_start3A_32 = arith.constant 0 : i32
    %dma_start3A_33 = tpu.memref_slice %arg8[%dma_start3A_31, %dma_start3A_32] : memref<10000x32xf32, #tpu.memory_space<vmem_shared>> -> memref<10000x32xf32, #tpu.memory_space<vmem_shared>>
    tpu.enqueue_indirect_dma source(%dma_start3A_33 : memref<10000x32xf32, #tpu.memory_space<vmem_shared>>) target(%dma_start3A_27 : memref<128x32xf32, #tpu.memory_space<vmem>>) offsets(%dma_start3A_30 : memref<128xi32, #tpu.memory_space<vmem>>) semaphore(%arg9 : memref<!tpu.dma_semaphore, #tpu.memory_space<semaphore_mem>>)
    %dma_start3A_34 = arith.constant 3 : i32
    %dma_start3A_35 = arith.constant 384 : i32
    %dma_start3A_36 = arith.constant 0 : i32
    %dma_start3A_37 = tpu.memref_slice %arg6[%dma_start3A_35, %dma_start3A_36] : memref<1280x32xf32, #tpu.memory_space<vmem>> -> memref<128x32xf32, #tpu.memory_space<vmem>>
    %dma_start3A_38 = arith.constant 0 : i32
    %dma_start3A_39 = tpu.memref_slice %arg5[%dma_start3A_34, %dma_start3A_38] : memref<20x128xi32, #tpu.memory_space<vmem>> -> memref<1x128xi32, #tpu.memory_space<vmem>>
    %dma_start3A_40 = tpu.memref_squeeze %dma_start3A_39 : memref<1x128xi32, #tpu.memory_space<vmem>> -> memref<128xi32, #tpu.memory_space<vmem>>
    %dma_start3A_41 = arith.constant 0 : i32
    %dma_start3A_42 = arith.constant 0 : i32
    %dma_start3A_43 = tpu.memref_slice %arg8[%dma_start3A_41, %dma_start3A_42] : memref<10000x32xf32, #tpu.memory_space<vmem_shared>> -> memref<10000x32xf32, #tpu.memory_space<vmem_shared>>
    tpu.enqueue_indirect_dma source(%dma_start3A_43 : memref<10000x32xf32, #tpu.memory_space<vmem_shared>>) target(%dma_start3A_37 : memref<128x32xf32, #tpu.memory_space<vmem>>) offsets(%dma_start3A_40 : memref<128xi32, #tpu.memory_space<vmem>>) semaphore(%arg9 : memref<!tpu.dma_semaphore, #tpu.memory_space<semaphore_mem>>)
    %dma_start3A_44 = arith.constant 4 : i32
    %dma_start3A_45 = arith.constant 512 : i32
    %dma_start3A_46 = arith.constant 0 : i32
    %dma_start3A_47 = tpu.memref_slice %arg6[%dma_start3A_45, %dma_start3A_46] : memref<1280x32xf32, #tpu.memory_space<vmem>> -> memref<128x32xf32, #tpu.memory_space<vmem>>
    %dma_start3A_48 = arith.constant 0 : i32
    %dma_start3A_49 = tpu.memref_slice %arg5[%dma_start3A_44, %dma_start3A_48] : memref<20x128xi32, #tpu.memory_space<vmem>> -> memref<1x128xi32, #tpu.memory_space<vmem>>
    %dma_start3A_50 = tpu.memref_squeeze %dma_start3A_49 : memref<1x128xi32, #tpu.memory_space<vmem>> -> memref<128xi32, #tpu.memory_space<vmem>>
    %dma_start3A_51 = arith.constant 0 : i32
    %dma_start3A_52 = arith.constant 0 : i32
    %dma_start3A_53 = tpu.memref_slice %arg8[%dma_start3A_51, %dma_start3A_52] : memref<10000x32xf32, #tpu.memory_space<vmem_shared>> -> memref<10000x32xf32, #tpu.memory_space<vmem_shared>>
    tpu.enqueue_indirect_dma source(%dma_start3A_53 : memref<10000x32xf32, #tpu.memory_space<vmem_shared>>) target(%dma_start3A_47 : memref<128x32xf32, #tpu.memory_space<vmem>>) offsets(%dma_start3A_50 : memref<128xi32, #tpu.memory_space<vmem>>) semaphore(%arg9 : memref<!tpu.dma_semaphore, #tpu.memory_space<semaphore_mem>>)
    %dma_start3A_54 = arith.constant 5 : i32
    %dma_start3A_55 = arith.constant 640 : i32
    %dma_start3A_56 = arith.constant 0 : i32
    %dma_start3A_57 = tpu.memref_slice %arg6[%dma_start3A_55, %dma_start3A_56] : memref<1280x32xf32, #tpu.memory_space<vmem>> -> memref<128x32xf32, #tpu.memory_space<vmem>>
    %dma_start3A_58 = arith.constant 0 : i32
    %dma_start3A_59 = tpu.memref_slice %arg5[%dma_start3A_54, %dma_start3A_58] : memref<20x128xi32, #tpu.memory_space<vmem>> -> memref<1x128xi32, #tpu.memory_space<vmem>>
    %dma_start3A_60 = tpu.memref_squeeze %dma_start3A_59 : memref<1x128xi32, #tpu.memory_space<vmem>> -> memref<128xi32, #tpu.memory_space<vmem>>
    %dma_start3A_61 = arith.constant 0 : i32
    %dma_start3A_62 = arith.constant 0 : i32
    %dma_start3A_63 = tpu.memref_slice %arg8[%dma_start3A_61, %dma_start3A_62] : memref<10000x32xf32, #tpu.memory_space<vmem_shared>> -> memref<10000x32xf32, #tpu.memory_space<vmem_shared>>
    tpu.enqueue_indirect_dma source(%dma_start3A_63 : memref<10000x32xf32, #tpu.memory_space<vmem_shared>>) target(%dma_start3A_57 : memref<128x32xf32, #tpu.memory_space<vmem>>) offsets(%dma_start3A_60 : memref<128xi32, #tpu.memory_space<vmem>>) semaphore(%arg9 : memref<!tpu.dma_semaphore, #tpu.memory_space<semaphore_mem>>)
    %dma_start3A_64 = arith.constant 6 : i32
    %dma_start3A_65 = arith.constant 768 : i32
    %dma_start3A_66 = arith.constant 0 : i32
    %dma_start3A_67 = tpu.memref_slice %arg6[%dma_start3A_65, %dma_start3A_66] : memref<1280x32xf32, #tpu.memory_space<vmem>> -> memref<128x32xf32, #tpu.memory_space<vmem>>
    %dma_start3A_68 = arith.constant 0 : i32
    %dma_start3A_69 = tpu.memref_slice %arg5[%dma_start3A_64, %dma_start3A_68] : memref<20x128xi32, #tpu.memory_space<vmem>> -> memref<1x128xi32, #tpu.memory_space<vmem>>
    %dma_start3A_70 = tpu.memref_squeeze %dma_start3A_69 : memref<1x128xi32, #tpu.memory_space<vmem>> -> memref<128xi32, #tpu.memory_space<vmem>>
    %dma_start3A_71 = arith.constant 0 : i32
    %dma_start3A_72 = arith.constant 0 : i32
    %dma_start3A_73 = tpu.memref_slice %arg8[%dma_start3A_71, %dma_start3A_72] : memref<10000x32xf32, #tpu.memory_space<vmem_shared>> -> memref<10000x32xf32, #tpu.memory_space<vmem_shared>>
    tpu.enqueue_indirect_dma source(%dma_start3A_73 : memref<10000x32xf32, #tpu.memory_space<vmem_shared>>) target(%dma_start3A_67 : memref<128x32xf32, #tpu.memory_space<vmem>>) offsets(%dma_start3A_70 : memref<128xi32, #tpu.memory_space<vmem>>) semaphore(%arg9 : memref<!tpu.dma_semaphore, #tpu.memory_space<semaphore_mem>>)
    %dma_start3A_74 = arith.constant 7 : i32
    %dma_start3A_75 = arith.constant 896 : i32
    %dma_start3A_76 = arith.constant 0 : i32
    %dma_start3A_77 = tpu.memref_slice %arg6[%dma_start3A_75, %dma_start3A_76] : memref<1280x32xf32, #tpu.memory_space<vmem>> -> memref<128x32xf32, #tpu.memory_space<vmem>>
    %dma_start3A_78 = arith.constant 0 : i32
    %dma_start3A_79 = tpu.memref_slice %arg5[%dma_start3A_74, %dma_start3A_78] : memref<20x128xi32, #tpu.memory_space<vmem>> -> memref<1x128xi32, #tpu.memory_space<vmem>>
    %dma_start3A_80 = tpu.memref_squeeze %dma_start3A_79 : memref<1x128xi32, #tpu.memory_space<vmem>> -> memref<128xi32, #tpu.memory_space<vmem>>
    %dma_start3A_81 = arith.constant 0 : i32
    %dma_start3A_82 = arith.constant 0 : i32
    %dma_start3A_83 = tpu.memref_slice %arg8[%dma_start3A_81, %dma_start3A_82] : memref<10000x32xf32, #tpu.memory_space<vmem_shared>> -> memref<10000x32xf32, #tpu.memory_space<vmem_shared>>
    tpu.enqueue_indirect_dma source(%dma_start3A_83 : memref<10000x32xf32, #tpu.memory_space<vmem_shared>>) target(%dma_start3A_77 : memref<128x32xf32, #tpu.memory_space<vmem>>) offsets(%dma_start3A_80 : memref<128xi32, #tpu.memory_space<vmem>>) semaphore(%arg9 : memref<!tpu.dma_semaphore, #tpu.memory_space<semaphore_mem>>)
    %dma_start3A_84 = arith.constant 8 : i32
    %dma_start3A_85 = arith.constant 1024 : i32
    %dma_start3A_86 = arith.constant 0 : i32
    %dma_start3A_87 = tpu.memref_slice %arg6[%dma_start3A_85, %dma_start3A_86] : memref<1280x32xf32, #tpu.memory_space<vmem>> -> memref<128x32xf32, #tpu.memory_space<vmem>>
    %dma_start3A_88 = arith.constant 0 : i32
    %dma_start3A_89 = tpu.memref_slice %arg5[%dma_start3A_84, %dma_start3A_88] : memref<20x128xi32, #tpu.memory_space<vmem>> -> memref<1x128xi32, #tpu.memory_space<vmem>>
    %dma_start3A_90 = tpu.memref_squeeze %dma_start3A_89 : memref<1x128xi32, #tpu.memory_space<vmem>> -> memref<128xi32, #tpu.memory_space<vmem>>
    %dma_start3A_91 = arith.constant 0 : i32
    %dma_start3A_92 = arith.constant 0 : i32
    %dma_start3A_93 = tpu.memref_slice %arg8[%dma_start3A_91, %dma_start3A_92] : memref<10000x32xf32, #tpu.memory_space<vmem_shared>> -> memref<10000x32xf32, #tpu.memory_space<vmem_shared>>
    tpu.enqueue_indirect_dma source(%dma_start3A_93 : memref<10000x32xf32, #tpu.memory_space<vmem_shared>>) target(%dma_start3A_87 : memref<128x32xf32, #tpu.memory_space<vmem>>) offsets(%dma_start3A_90 : memref<128xi32, #tpu.memory_space<vmem>>) semaphore(%arg9 : memref<!tpu.dma_semaphore, #tpu.memory_space<semaphore_mem>>)
    %dma_start3A_94 = arith.constant 9 : i32
    %dma_start3A_95 = arith.constant 1152 : i32
    %dma_start3A_96 = arith.constant 0 : i32
    %dma_start3A_97 = tpu.memref_slice %arg6[%dma_start3A_95, %dma_start3A_96] : memref<1280x32xf32, #tpu.memory_space<vmem>> -> memref<128x32xf32, #tpu.memory_space<vmem>>
    %dma_start3A_98 = arith.constant 0 : i32
    %dma_start3A_99 = tpu.memref_slice %arg5[%dma_start3A_94, %dma_start3A_98] : memref<20x128xi32, #tpu.memory_space<vmem>> -> memref<1x128xi32, #tpu.memory_space<vmem>>
    %dma_start3A_100 = tpu.memref_squeeze %dma_start3A_99 : memref<1x128xi32, #tpu.memory_space<vmem>> -> memref<128xi32, #tpu.memory_space<vmem>>
    %dma_start3A_101 = arith.constant 0 : i32
    %dma_start3A_102 = arith.constant 0 : i32
    %dma_start3A_103 = tpu.memref_slice %arg8[%dma_start3A_101, %dma_start3A_102] : memref<10000x32xf32, #tpu.memory_space<vmem_shared>> -> memref<10000x32xf32, #tpu.memory_space<vmem_shared>>
    tpu.enqueue_indirect_dma source(%dma_start3A_103 : memref<10000x32xf32, #tpu.memory_space<vmem_shared>>) target(%dma_start3A_97 : memref<128x32xf32, #tpu.memory_space<vmem>>) offsets(%dma_start3A_100 : memref<128xi32, #tpu.memory_space<vmem>>) semaphore(%arg9 : memref<!tpu.dma_semaphore, #tpu.memory_space<semaphore_mem>>)
    %dma_start3A_104 = arith.constant 10 : i32
    %dma_start3A_105 = arith.constant 0 : i32
    %dma_start3A_106 = arith.constant 0 : i32
    %dma_start3A_107 = tpu.memref_slice %arg7[%dma_start3A_105, %dma_start3A_106] : memref<1280x32xf32, #tpu.memory_space<vmem>> -> memref<128x32xf32, #tpu.memory_space<vmem>>
    %dma_start3A_108 = arith.constant 0 : i32
    %dma_start3A_109 = tpu.memref_slice %arg5[%dma_start3A_104, %dma_start3A_108] : memref<20x128xi32, #tpu.memory_space<vmem>> -> memref<1x128xi32, #tpu.memory_space<vmem>>
    %dma_start3A_110 = tpu.memref_squeeze %dma_start3A_109 : memref<1x128xi32, #tpu.memory_space<vmem>> -> memref<128xi32, #tpu.memory_space<vmem>>
    %dma_start3A_111 = arith.constant 0 : i32
    %dma_start3A_112 = arith.constant 0 : i32
    %dma_start3A_113 = tpu.memref_slice %arg8[%dma_start3A_111, %dma_start3A_112] : memref<10000x32xf32, #tpu.memory_space<vmem_shared>> -> memref<10000x32xf32, #tpu.memory_space<vmem_shared>>
    tpu.enqueue_indirect_dma source(%dma_start3A_113 : memref<10000x32xf32, #tpu.memory_space<vmem_shared>>) target(%dma_start3A_107 : memref<128x32xf32, #tpu.memory_space<vmem>>) offsets(%dma_start3A_110 : memref<128xi32, #tpu.memory_space<vmem>>) semaphore(%arg10 : memref<!tpu.dma_semaphore, #tpu.memory_space<semaphore_mem>>)
    %dma_start3A_114 = arith.constant 11 : i32
    %dma_start3A_115 = arith.constant 128 : i32
    %dma_start3A_116 = arith.constant 0 : i32
    %dma_start3A_117 = tpu.memref_slice %arg7[%dma_start3A_115, %dma_start3A_116] : memref<1280x32xf32, #tpu.memory_space<vmem>> -> memref<128x32xf32, #tpu.memory_space<vmem>>
    %dma_start3A_118 = arith.constant 0 : i32
    %dma_start3A_119 = tpu.memref_slice %arg5[%dma_start3A_114, %dma_start3A_118] : memref<20x128xi32, #tpu.memory_space<vmem>> -> memref<1x128xi32, #tpu.memory_space<vmem>>
    %dma_start3A_120 = tpu.memref_squeeze %dma_start3A_119 : memref<1x128xi32, #tpu.memory_space<vmem>> -> memref<128xi32, #tpu.memory_space<vmem>>
    %dma_start3A_121 = arith.constant 0 : i32
    %dma_start3A_122 = arith.constant 0 : i32
    %dma_start3A_123 = tpu.memref_slice %arg8[%dma_start3A_121, %dma_start3A_122] : memref<10000x32xf32, #tpu.memory_space<vmem_shared>> -> memref<10000x32xf32, #tpu.memory_space<vmem_shared>>
    tpu.enqueue_indirect_dma source(%dma_start3A_123 : memref<10000x32xf32, #tpu.memory_space<vmem_shared>>) target(%dma_start3A_117 : memref<128x32xf32, #tpu.memory_space<vmem>>) offsets(%dma_start3A_120 : memref<128xi32, #tpu.memory_space<vmem>>) semaphore(%arg10 : memref<!tpu.dma_semaphore, #tpu.memory_space<semaphore_mem>>)
    %dma_start3A_124 = arith.constant 12 : i32
    %dma_start3A_125 = arith.constant 256 : i32
    %dma_start3A_126 = arith.constant 0 : i32
    %dma_start3A_127 = tpu.memref_slice %arg7[%dma_start3A_125, %dma_start3A_126] : memref<1280x32xf32, #tpu.memory_space<vmem>> -> memref<128x32xf32, #tpu.memory_space<vmem>>
    %dma_start3A_128 = arith.constant 0 : i32
    %dma_start3A_129 = tpu.memref_slice %arg5[%dma_start3A_124, %dma_start3A_128] : memref<20x128xi32, #tpu.memory_space<vmem>> -> memref<1x128xi32, #tpu.memory_space<vmem>>
    %dma_start3A_130 = tpu.memref_squeeze %dma_start3A_129 : memref<1x128xi32, #tpu.memory_space<vmem>> -> memref<128xi32, #tpu.memory_space<vmem>>
    %dma_start3A_131 = arith.constant 0 : i32
    %dma_start3A_132 = arith.constant 0 : i32
    %dma_start3A_133 = tpu.memref_slice %arg8[%dma_start3A_131, %dma_start3A_132] : memref<10000x32xf32, #tpu.memory_space<vmem_shared>> -> memref<10000x32xf32, #tpu.memory_space<vmem_shared>>
    tpu.enqueue_indirect_dma source(%dma_start3A_133 : memref<10000x32xf32, #tpu.memory_space<vmem_shared>>) target(%dma_start3A_127 : memref<128x32xf32, #tpu.memory_space<vmem>>) offsets(%dma_start3A_130 : memref<128xi32, #tpu.memory_space<vmem>>) semaphore(%arg10 : memref<!tpu.dma_semaphore, #tpu.memory_space<semaphore_mem>>)
    %dma_start3A_134 = arith.constant 13 : i32
    %dma_start3A_135 = arith.constant 384 : i32
    %dma_start3A_136 = arith.constant 0 : i32
    %dma_start3A_137 = tpu.memref_slice %arg7[%dma_start3A_135, %dma_start3A_136] : memref<1280x32xf32, #tpu.memory_space<vmem>> -> memref<128x32xf32, #tpu.memory_space<vmem>>
    %dma_start3A_138 = arith.constant 0 : i32
    %dma_start3A_139 = tpu.memref_slice %arg5[%dma_start3A_134, %dma_start3A_138] : memref<20x128xi32, #tpu.memory_space<vmem>> -> memref<1x128xi32, #tpu.memory_space<vmem>>
    %dma_start3A_140 = tpu.memref_squeeze %dma_start3A_139 : memref<1x128xi32, #tpu.memory_space<vmem>> -> memref<128xi32, #tpu.memory_space<vmem>>
    %dma_start3A_141 = arith.constant 0 : i32
    %dma_start3A_142 = arith.constant 0 : i32
    %dma_start3A_143 = tpu.memref_slice %arg8[%dma_start3A_141, %dma_start3A_142] : memref<10000x32xf32, #tpu.memory_space<vmem_shared>> -> memref<10000x32xf32, #tpu.memory_space<vmem_shared>>
    tpu.enqueue_indirect_dma source(%dma_start3A_143 : memref<10000x32xf32, #tpu.memory_space<vmem_shared>>) target(%dma_start3A_137 : memref<128x32xf32, #tpu.memory_space<vmem>>) offsets(%dma_start3A_140 : memref<128xi32, #tpu.memory_space<vmem>>) semaphore(%arg10 : memref<!tpu.dma_semaphore, #tpu.memory_space<semaphore_mem>>)
    %dma_start3A_144 = arith.constant 14 : i32
    %dma_start3A_145 = arith.constant 512 : i32
    %dma_start3A_146 = arith.constant 0 : i32
    %dma_start3A_147 = tpu.memref_slice %arg7[%dma_start3A_145, %dma_start3A_146] : memref<1280x32xf32, #tpu.memory_space<vmem>> -> memref<128x32xf32, #tpu.memory_space<vmem>>
    %dma_start3A_148 = arith.constant 0 : i32
    %dma_start3A_149 = tpu.memref_slice %arg5[%dma_start3A_144, %dma_start3A_148] : memref<20x128xi32, #tpu.memory_space<vmem>> -> memref<1x128xi32, #tpu.memory_space<vmem>>
    %dma_start3A_150 = tpu.memref_squeeze %dma_start3A_149 : memref<1x128xi32, #tpu.memory_space<vmem>> -> memref<128xi32, #tpu.memory_space<vmem>>
    %dma_start3A_151 = arith.constant 0 : i32
    %dma_start3A_152 = arith.constant 0 : i32
    %dma_start3A_153 = tpu.memref_slice %arg8[%dma_start3A_151, %dma_start3A_152] : memref<10000x32xf32, #tpu.memory_space<vmem_shared>> -> memref<10000x32xf32, #tpu.memory_space<vmem_shared>>
    tpu.enqueue_indirect_dma source(%dma_start3A_153 : memref<10000x32xf32, #tpu.memory_space<vmem_shared>>) target(%dma_start3A_147 : memref<128x32xf32, #tpu.memory_space<vmem>>) offsets(%dma_start3A_150 : memref<128xi32, #tpu.memory_space<vmem>>) semaphore(%arg10 : memref<!tpu.dma_semaphore, #tpu.memory_space<semaphore_mem>>)
    %dma_start3A_154 = arith.constant 15 : i32
    %dma_start3A_155 = arith.constant 640 : i32
    %dma_start3A_156 = arith.constant 0 : i32
    %dma_start3A_157 = tpu.memref_slice %arg7[%dma_start3A_155, %dma_start3A_156] : memref<1280x32xf32, #tpu.memory_space<vmem>> -> memref<128x32xf32, #tpu.memory_space<vmem>>
    %dma_start3A_158 = arith.constant 0 : i32
    %dma_start3A_159 = tpu.memref_slice %arg5[%dma_start3A_154, %dma_start3A_158] : memref<20x128xi32, #tpu.memory_space<vmem>> -> memref<1x128xi32, #tpu.memory_space<vmem>>
    %dma_start3A_160 = tpu.memref_squeeze %dma_start3A_159 : memref<1x128xi32, #tpu.memory_space<vmem>> -> memref<128xi32, #tpu.memory_space<vmem>>
    %dma_start3A_161 = arith.constant 0 : i32
    %dma_start3A_162 = arith.constant 0 : i32
    %dma_start3A_163 = tpu.memref_slice %arg8[%dma_start3A_161, %dma_start3A_162] : memref<10000x32xf32, #tpu.memory_space<vmem_shared>> -> memref<10000x32xf32, #tpu.memory_space<vmem_shared>>
    tpu.enqueue_indirect_dma source(%dma_start3A_163 : memref<10000x32xf32, #tpu.memory_space<vmem_shared>>) target(%dma_start3A_157 : memref<128x32xf32, #tpu.memory_space<vmem>>) offsets(%dma_start3A_160 : memref<128xi32, #tpu.memory_space<vmem>>) semaphore(%arg10 : memref<!tpu.dma_semaphore, #tpu.memory_space<semaphore_mem>>)
    %dma_start3A_164 = arith.constant 16 : i32
    %dma_start3A_165 = arith.constant 768 : i32
    %dma_start3A_166 = arith.constant 0 : i32
    %dma_start3A_167 = tpu.memref_slice %arg7[%dma_start3A_165, %dma_start3A_166] : memref<1280x32xf32, #tpu.memory_space<vmem>> -> memref<128x32xf32, #tpu.memory_space<vmem>>
    %dma_start3A_168 = arith.constant 0 : i32
    %dma_start3A_169 = tpu.memref_slice %arg5[%dma_start3A_164, %dma_start3A_168] : memref<20x128xi32, #tpu.memory_space<vmem>> -> memref<1x128xi32, #tpu.memory_space<vmem>>
    %dma_start3A_170 = tpu.memref_squeeze %dma_start3A_169 : memref<1x128xi32, #tpu.memory_space<vmem>> -> memref<128xi32, #tpu.memory_space<vmem>>
    %dma_start3A_171 = arith.constant 0 : i32
    %dma_start3A_172 = arith.constant 0 : i32
    %dma_start3A_173 = tpu.memref_slice %arg8[%dma_start3A_171, %dma_start3A_172] : memref<10000x32xf32, #tpu.memory_space<vmem_shared>> -> memref<10000x32xf32, #tpu.memory_space<vmem_shared>>
    tpu.enqueue_indirect_dma source(%dma_start3A_173 : memref<10000x32xf32, #tpu.memory_space<vmem_shared>>) target(%dma_start3A_167 : memref<128x32xf32, #tpu.memory_space<vmem>>) offsets(%dma_start3A_170 : memref<128xi32, #tpu.memory_space<vmem>>) semaphore(%arg10 : memref<!tpu.dma_semaphore, #tpu.memory_space<semaphore_mem>>)
    %dma_start3A_174 = arith.constant 17 : i32
    %dma_start3A_175 = arith.constant 896 : i32
    %dma_start3A_176 = arith.constant 0 : i32
    %dma_start3A_177 = tpu.memref_slice %arg7[%dma_start3A_175, %dma_start3A_176] : memref<1280x32xf32, #tpu.memory_space<vmem>> -> memref<128x32xf32, #tpu.memory_space<vmem>>
    %dma_start3A_178 = arith.constant 0 : i32
    %dma_start3A_179 = tpu.memref_slice %arg5[%dma_start3A_174, %dma_start3A_178] : memref<20x128xi32, #tpu.memory_space<vmem>> -> memref<1x128xi32, #tpu.memory_space<vmem>>
    %dma_start3A_180 = tpu.memref_squeeze %dma_start3A_179 : memref<1x128xi32, #tpu.memory_space<vmem>> -> memref<128xi32, #tpu.memory_space<vmem>>
    %dma_start3A_181 = arith.constant 0 : i32
    %dma_start3A_182 = arith.constant 0 : i32
    %dma_start3A_183 = tpu.memref_slice %arg8[%dma_start3A_181, %dma_start3A_182] : memref<10000x32xf32, #tpu.memory_space<vmem_shared>> -> memref<10000x32xf32, #tpu.memory_space<vmem_shared>>
    tpu.enqueue_indirect_dma source(%dma_start3A_183 : memref<10000x32xf32, #tpu.memory_space<vmem_shared>>) target(%dma_start3A_177 : memref<128x32xf32, #tpu.memory_space<vmem>>) offsets(%dma_start3A_180 : memref<128xi32, #tpu.memory_space<vmem>>) semaphore(%arg10 : memref<!tpu.dma_semaphore, #tpu.memory_space<semaphore_mem>>)
    %dma_start3A_184 = arith.constant 18 : i32
    %dma_start3A_185 = arith.constant 1024 : i32
    %dma_start3A_186 = arith.constant 0 : i32
    %dma_start3A_187 = tpu.memref_slice %arg7[%dma_start3A_185, %dma_start3A_186] : memref<1280x32xf32, #tpu.memory_space<vmem>> -> memref<128x32xf32, #tpu.memory_space<vmem>>
    %dma_start3A_188 = arith.constant 0 : i32
    %dma_start3A_189 = tpu.memref_slice %arg5[%dma_start3A_184, %dma_start3A_188] : memref<20x128xi32, #tpu.memory_space<vmem>> -> memref<1x128xi32, #tpu.memory_space<vmem>>
    %dma_start3A_190 = tpu.memref_squeeze %dma_start3A_189 : memref<1x128xi32, #tpu.memory_space<vmem>> -> memref<128xi32, #tpu.memory_space<vmem>>
    %dma_start3A_191 = arith.constant 0 : i32
    %dma_start3A_192 = arith.constant 0 : i32
    %dma_start3A_193 = tpu.memref_slice %arg8[%dma_start3A_191, %dma_start3A_192] : memref<10000x32xf32, #tpu.memory_space<vmem_shared>> -> memref<10000x32xf32, #tpu.memory_space<vmem_shared>>
    tpu.enqueue_indirect_dma source(%dma_start3A_193 : memref<10000x32xf32, #tpu.memory_space<vmem_shared>>) target(%dma_start3A_187 : memref<128x32xf32, #tpu.memory_space<vmem>>) offsets(%dma_start3A_190 : memref<128xi32, #tpu.memory_space<vmem>>) semaphore(%arg10 : memref<!tpu.dma_semaphore, #tpu.memory_space<semaphore_mem>>)
    %dma_start3A_194 = arith.constant 19 : i32
    %dma_start3A_195 = arith.constant 1152 : i32
    %dma_start3A_196 = arith.constant 0 : i32
    %dma_start3A_197 = tpu.memref_slice %arg7[%dma_start3A_195, %dma_start3A_196] : memref<1280x32xf32, #tpu.memory_space<vmem>> -> memref<128x32xf32, #tpu.memory_space<vmem>>
    %dma_start3A_198 = arith.constant 0 : i32
    %dma_start3A_199 = tpu.memref_slice %arg5[%dma_start3A_194, %dma_start3A_198] : memref<20x128xi32, #tpu.memory_space<vmem>> -> memref<1x128xi32, #tpu.memory_space<vmem>>
    %dma_start3A_200 = tpu.memref_squeeze %dma_start3A_199 : memref<1x128xi32, #tpu.memory_space<vmem>> -> memref<128xi32, #tpu.memory_space<vmem>>
    %dma_start3A_201 = arith.constant 0 : i32
    %dma_start3A_202 = arith.constant 0 : i32
    %dma_start3A_203 = tpu.memref_slice %arg8[%dma_start3A_201, %dma_start3A_202] : memref<10000x32xf32, #tpu.memory_space<vmem_shared>> -> memref<10000x32xf32, #tpu.memory_space<vmem_shared>>
    tpu.enqueue_indirect_dma source(%dma_start3A_203 : memref<10000x32xf32, #tpu.memory_space<vmem_shared>>) target(%dma_start3A_197 : memref<128x32xf32, #tpu.memory_space<vmem>>) offsets(%dma_start3A_200 : memref<128xi32, #tpu.memory_space<vmem>>) semaphore(%arg10 : memref<!tpu.dma_semaphore, #tpu.memory_space<semaphore_mem>>)
    %dma_wait3A = arith.constant 0 : i32
    %dma_wait3A_204 = arith.constant 0 : i32
    %dma_wait3A_205 = arith.constant 0 : i32
    %dma_wait3A_206 = tpu.memref_slice %arg6[%dma_wait3A_204, %dma_wait3A_205] : memref<1280x32xf32, #tpu.memory_space<vmem>> -> memref<128x32xf32, #tpu.memory_space<vmem>>
    %dma_wait3A_207 = arith.constant 0 : i32
    %dma_wait3A_208 = tpu.memref_slice %arg5[%dma_wait3A, %dma_wait3A_207] : memref<20x128xi32, #tpu.memory_space<vmem>> -> memref<1x128xi32, #tpu.memory_space<vmem>>
    %dma_wait3A_209 = tpu.memref_squeeze %dma_wait3A_208 : memref<1x128xi32, #tpu.memory_space<vmem>> -> memref<128xi32, #tpu.memory_space<vmem>>
    %dma_wait3A_210 = arith.constant 0 : i32
    %dma_wait3A_211 = arith.constant 0 : i32
    %dma_wait3A_212 = tpu.memref_slice %arg8[%dma_wait3A_210, %dma_wait3A_211] : memref<10000x32xf32, #tpu.memory_space<vmem_shared>> -> memref<10000x32xf32, #tpu.memory_space<vmem_shared>>
    tpu.wait_indirect_dma semaphore(%arg9 : memref<!tpu.dma_semaphore, #tpu.memory_space<semaphore_mem>>) src(%dma_wait3A_212 : memref<10000x32xf32, #tpu.memory_space<vmem_shared>>) dst(%dma_wait3A_206 : memref<128x32xf32, #tpu.memory_space<vmem>>)
    %dma_wait3A_213 = arith.constant 1 : i32
    %dma_wait3A_214 = arith.constant 128 : i32
    %dma_wait3A_215 = arith.constant 0 : i32
    %dma_wait3A_216 = tpu.memref_slice %arg6[%dma_wait3A_214, %dma_wait3A_215] : memref<1280x32xf32, #tpu.memory_space<vmem>> -> memref<128x32xf32, #tpu.memory_space<vmem>>
    %dma_wait3A_217 = arith.constant 0 : i32
    %dma_wait3A_218 = tpu.memref_slice %arg5[%dma_wait3A_213, %dma_wait3A_217] : memref<20x128xi32, #tpu.memory_space<vmem>> -> memref<1x128xi32, #tpu.memory_space<vmem>>
    %dma_wait3A_219 = tpu.memref_squeeze %dma_wait3A_218 : memref<1x128xi32, #tpu.memory_space<vmem>> -> memref<128xi32, #tpu.memory_space<vmem>>
    %dma_wait3A_220 = arith.constant 0 : i32
    %dma_wait3A_221 = arith.constant 0 : i32
    %dma_wait3A_222 = tpu.memref_slice %arg8[%dma_wait3A_220, %dma_wait3A_221] : memref<10000x32xf32, #tpu.memory_space<vmem_shared>> -> memref<10000x32xf32, #tpu.memory_space<vmem_shared>>
    tpu.wait_indirect_dma semaphore(%arg9 : memref<!tpu.dma_semaphore, #tpu.memory_space<semaphore_mem>>) src(%dma_wait3A_222 : memref<10000x32xf32, #tpu.memory_space<vmem_shared>>) dst(%dma_wait3A_216 : memref<128x32xf32, #tpu.memory_space<vmem>>)
    %dma_wait3A_223 = arith.constant 2 : i32
    %dma_wait3A_224 = arith.constant 256 : i32
    %dma_wait3A_225 = arith.constant 0 : i32
    %dma_wait3A_226 = tpu.memref_slice %arg6[%dma_wait3A_224, %dma_wait3A_225] : memref<1280x32xf32, #tpu.memory_space<vmem>> -> memref<128x32xf32, #tpu.memory_space<vmem>>
    %dma_wait3A_227 = arith.constant 0 : i32
    %dma_wait3A_228 = tpu.memref_slice %arg5[%dma_wait3A_223, %dma_wait3A_227] : memref<20x128xi32, #tpu.memory_space<vmem>> -> memref<1x128xi32, #tpu.memory_space<vmem>>
    %dma_wait3A_229 = tpu.memref_squeeze %dma_wait3A_228 : memref<1x128xi32, #tpu.memory_space<vmem>> -> memref<128xi32, #tpu.memory_space<vmem>>
    %dma_wait3A_230 = arith.constant 0 : i32
    %dma_wait3A_231 = arith.constant 0 : i32
    %dma_wait3A_232 = tpu.memref_slice %arg8[%dma_wait3A_230, %dma_wait3A_231] : memref<10000x32xf32, #tpu.memory_space<vmem_shared>> -> memref<10000x32xf32, #tpu.memory_space<vmem_shared>>
    tpu.wait_indirect_dma semaphore(%arg9 : memref<!tpu.dma_semaphore, #tpu.memory_space<semaphore_mem>>) src(%dma_wait3A_232 : memref<10000x32xf32, #tpu.memory_space<vmem_shared>>) dst(%dma_wait3A_226 : memref<128x32xf32, #tpu.memory_space<vmem>>)
    %dma_wait3A_233 = arith.constant 3 : i32
    %dma_wait3A_234 = arith.constant 384 : i32
    %dma_wait3A_235 = arith.constant 0 : i32
    %dma_wait3A_236 = tpu.memref_slice %arg6[%dma_wait3A_234, %dma_wait3A_235] : memref<1280x32xf32, #tpu.memory_space<vmem>> -> memref<128x32xf32, #tpu.memory_space<vmem>>
    %dma_wait3A_237 = arith.constant 0 : i32
    %dma_wait3A_238 = tpu.memref_slice %arg5[%dma_wait3A_233, %dma_wait3A_237] : memref<20x128xi32, #tpu.memory_space<vmem>> -> memref<1x128xi32, #tpu.memory_space<vmem>>
    %dma_wait3A_239 = tpu.memref_squeeze %dma_wait3A_238 : memref<1x128xi32, #tpu.memory_space<vmem>> -> memref<128xi32, #tpu.memory_space<vmem>>
    %dma_wait3A_240 = arith.constant 0 : i32
    %dma_wait3A_241 = arith.constant 0 : i32
    %dma_wait3A_242 = tpu.memref_slice %arg8[%dma_wait3A_240, %dma_wait3A_241] : memref<10000x32xf32, #tpu.memory_space<vmem_shared>> -> memref<10000x32xf32, #tpu.memory_space<vmem_shared>>
    tpu.wait_indirect_dma semaphore(%arg9 : memref<!tpu.dma_semaphore, #tpu.memory_space<semaphore_mem>>) src(%dma_wait3A_242 : memref<10000x32xf32, #tpu.memory_space<vmem_shared>>) dst(%dma_wait3A_236 : memref<128x32xf32, #tpu.memory_space<vmem>>)
    %dma_wait3A_243 = arith.constant 4 : i32
    %dma_wait3A_244 = arith.constant 512 : i32
    %dma_wait3A_245 = arith.constant 0 : i32
    %dma_wait3A_246 = tpu.memref_slice %arg6[%dma_wait3A_244, %dma_wait3A_245] : memref<1280x32xf32, #tpu.memory_space<vmem>> -> memref<128x32xf32, #tpu.memory_space<vmem>>
    %dma_wait3A_247 = arith.constant 0 : i32
    %dma_wait3A_248 = tpu.memref_slice %arg5[%dma_wait3A_243, %dma_wait3A_247] : memref<20x128xi32, #tpu.memory_space<vmem>> -> memref<1x128xi32, #tpu.memory_space<vmem>>
    %dma_wait3A_249 = tpu.memref_squeeze %dma_wait3A_248 : memref<1x128xi32, #tpu.memory_space<vmem>> -> memref<128xi32, #tpu.memory_space<vmem>>
    %dma_wait3A_250 = arith.constant 0 : i32
    %dma_wait3A_251 = arith.constant 0 : i32
    %dma_wait3A_252 = tpu.memref_slice %arg8[%dma_wait3A_250, %dma_wait3A_251] : memref<10000x32xf32, #tpu.memory_space<vmem_shared>> -> memref<10000x32xf32, #tpu.memory_space<vmem_shared>>
    tpu.wait_indirect_dma semaphore(%arg9 : memref<!tpu.dma_semaphore, #tpu.memory_space<semaphore_mem>>) src(%dma_wait3A_252 : memref<10000x32xf32, #tpu.memory_space<vmem_shared>>) dst(%dma_wait3A_246 : memref<128x32xf32, #tpu.memory_space<vmem>>)
    %dma_wait3A_253 = arith.constant 5 : i32
    %dma_wait3A_254 = arith.constant 640 : i32
    %dma_wait3A_255 = arith.constant 0 : i32
    %dma_wait3A_256 = tpu.memref_slice %arg6[%dma_wait3A_254, %dma_wait3A_255] : memref<1280x32xf32, #tpu.memory_space<vmem>> -> memref<128x32xf32, #tpu.memory_space<vmem>>
    %dma_wait3A_257 = arith.constant 0 : i32
    %dma_wait3A_258 = tpu.memref_slice %arg5[%dma_wait3A_253, %dma_wait3A_257] : memref<20x128xi32, #tpu.memory_space<vmem>> -> memref<1x128xi32, #tpu.memory_space<vmem>>
    %dma_wait3A_259 = tpu.memref_squeeze %dma_wait3A_258 : memref<1x128xi32, #tpu.memory_space<vmem>> -> memref<128xi32, #tpu.memory_space<vmem>>
    %dma_wait3A_260 = arith.constant 0 : i32
    %dma_wait3A_261 = arith.constant 0 : i32
    %dma_wait3A_262 = tpu.memref_slice %arg8[%dma_wait3A_260, %dma_wait3A_261] : memref<10000x32xf32, #tpu.memory_space<vmem_shared>> -> memref<10000x32xf32, #tpu.memory_space<vmem_shared>>
    tpu.wait_indirect_dma semaphore(%arg9 : memref<!tpu.dma_semaphore, #tpu.memory_space<semaphore_mem>>) src(%dma_wait3A_262 : memref<10000x32xf32, #tpu.memory_space<vmem_shared>>) dst(%dma_wait3A_256 : memref<128x32xf32, #tpu.memory_space<vmem>>)
    %dma_wait3A_263 = arith.constant 6 : i32
    %dma_wait3A_264 = arith.constant 768 : i32
    %dma_wait3A_265 = arith.constant 0 : i32
    %dma_wait3A_266 = tpu.memref_slice %arg6[%dma_wait3A_264, %dma_wait3A_265] : memref<1280x32xf32, #tpu.memory_space<vmem>> -> memref<128x32xf32, #tpu.memory_space<vmem>>
    %dma_wait3A_267 = arith.constant 0 : i32
    %dma_wait3A_268 = tpu.memref_slice %arg5[%dma_wait3A_263, %dma_wait3A_267] : memref<20x128xi32, #tpu.memory_space<vmem>> -> memref<1x128xi32, #tpu.memory_space<vmem>>
    %dma_wait3A_269 = tpu.memref_squeeze %dma_wait3A_268 : memref<1x128xi32, #tpu.memory_space<vmem>> -> memref<128xi32, #tpu.memory_space<vmem>>
    %dma_wait3A_270 = arith.constant 0 : i32
    %dma_wait3A_271 = arith.constant 0 : i32
    %dma_wait3A_272 = tpu.memref_slice %arg8[%dma_wait3A_270, %dma_wait3A_271] : memref<10000x32xf32, #tpu.memory_space<vmem_shared>> -> memref<10000x32xf32, #tpu.memory_space<vmem_shared>>
    tpu.wait_indirect_dma semaphore(%arg9 : memref<!tpu.dma_semaphore, #tpu.memory_space<semaphore_mem>>) src(%dma_wait3A_272 : memref<10000x32xf32, #tpu.memory_space<vmem_shared>>) dst(%dma_wait3A_266 : memref<128x32xf32, #tpu.memory_space<vmem>>)
    %dma_wait3A_273 = arith.constant 7 : i32
    %dma_wait3A_274 = arith.constant 896 : i32
    %dma_wait3A_275 = arith.constant 0 : i32
    %dma_wait3A_276 = tpu.memref_slice %arg6[%dma_wait3A_274, %dma_wait3A_275] : memref<1280x32xf32, #tpu.memory_space<vmem>> -> memref<128x32xf32, #tpu.memory_space<vmem>>
    %dma_wait3A_277 = arith.constant 0 : i32
    %dma_wait3A_278 = tpu.memref_slice %arg5[%dma_wait3A_273, %dma_wait3A_277] : memref<20x128xi32, #tpu.memory_space<vmem>> -> memref<1x128xi32, #tpu.memory_space<vmem>>
    %dma_wait3A_279 = tpu.memref_squeeze %dma_wait3A_278 : memref<1x128xi32, #tpu.memory_space<vmem>> -> memref<128xi32, #tpu.memory_space<vmem>>
    %dma_wait3A_280 = arith.constant 0 : i32
    %dma_wait3A_281 = arith.constant 0 : i32
    %dma_wait3A_282 = tpu.memref_slice %arg8[%dma_wait3A_280, %dma_wait3A_281] : memref<10000x32xf32, #tpu.memory_space<vmem_shared>> -> memref<10000x32xf32, #tpu.memory_space<vmem_shared>>
    tpu.wait_indirect_dma semaphore(%arg9 : memref<!tpu.dma_semaphore, #tpu.memory_space<semaphore_mem>>) src(%dma_wait3A_282 : memref<10000x32xf32, #tpu.memory_space<vmem_shared>>) dst(%dma_wait3A_276 : memref<128x32xf32, #tpu.memory_space<vmem>>)
    %dma_wait3A_283 = arith.constant 8 : i32
    %dma_wait3A_284 = arith.constant 1024 : i32
    %dma_wait3A_285 = arith.constant 0 : i32
    %dma_wait3A_286 = tpu.memref_slice %arg6[%dma_wait3A_284, %dma_wait3A_285] : memref<1280x32xf32, #tpu.memory_space<vmem>> -> memref<128x32xf32, #tpu.memory_space<vmem>>
    %dma_wait3A_287 = arith.constant 0 : i32
    %dma_wait3A_288 = tpu.memref_slice %arg5[%dma_wait3A_283, %dma_wait3A_287] : memref<20x128xi32, #tpu.memory_space<vmem>> -> memref<1x128xi32, #tpu.memory_space<vmem>>
    %dma_wait3A_289 = tpu.memref_squeeze %dma_wait3A_288 : memref<1x128xi32, #tpu.memory_space<vmem>> -> memref<128xi32, #tpu.memory_space<vmem>>
    %dma_wait3A_290 = arith.constant 0 : i32
    %dma_wait3A_291 = arith.constant 0 : i32
    %dma_wait3A_292 = tpu.memref_slice %arg8[%dma_wait3A_290, %dma_wait3A_291] : memref<10000x32xf32, #tpu.memory_space<vmem_shared>> -> memref<10000x32xf32, #tpu.memory_space<vmem_shared>>
    tpu.wait_indirect_dma semaphore(%arg9 : memref<!tpu.dma_semaphore, #tpu.memory_space<semaphore_mem>>) src(%dma_wait3A_292 : memref<10000x32xf32, #tpu.memory_space<vmem_shared>>) dst(%dma_wait3A_286 : memref<128x32xf32, #tpu.memory_space<vmem>>)
    %dma_wait3A_293 = arith.constant 9 : i32
    %dma_wait3A_294 = arith.constant 1152 : i32
    %dma_wait3A_295 = arith.constant 0 : i32
    %dma_wait3A_296 = tpu.memref_slice %arg6[%dma_wait3A_294, %dma_wait3A_295] : memref<1280x32xf32, #tpu.memory_space<vmem>> -> memref<128x32xf32, #tpu.memory_space<vmem>>
    %dma_wait3A_297 = arith.constant 0 : i32
    %dma_wait3A_298 = tpu.memref_slice %arg5[%dma_wait3A_293, %dma_wait3A_297] : memref<20x128xi32, #tpu.memory_space<vmem>> -> memref<1x128xi32, #tpu.memory_space<vmem>>
    %dma_wait3A_299 = tpu.memref_squeeze %dma_wait3A_298 : memref<1x128xi32, #tpu.memory_space<vmem>> -> memref<128xi32, #tpu.memory_space<vmem>>
    %dma_wait3A_300 = arith.constant 0 : i32
    %dma_wait3A_301 = arith.constant 0 : i32
    %dma_wait3A_302 = tpu.memref_slice %arg8[%dma_wait3A_300, %dma_wait3A_301] : memref<10000x32xf32, #tpu.memory_space<vmem_shared>> -> memref<10000x32xf32, #tpu.memory_space<vmem_shared>>
    tpu.wait_indirect_dma semaphore(%arg9 : memref<!tpu.dma_semaphore, #tpu.memory_space<semaphore_mem>>) src(%dma_wait3A_302 : memref<10000x32xf32, #tpu.memory_space<vmem_shared>>) dst(%dma_wait3A_296 : memref<128x32xf32, #tpu.memory_space<vmem>>)
    %add3A_303 = arith.constant 0 : i32
    %add3A_304 = arith.addi %mul3A_2, %add3A_303 : i32
    %mul3A_305 = arith.constant 128 : i32
    %mul3A_306 = arith.muli %add3A_304, %mul3A_305 : i32
    %dma_start3A_307 = arith.constant 0 : i32
    %dma_start3A_308 = tpu.memref_slice %arg4[%mul3A_306, %dma_start3A_307] : memref<81920x32xf32, #tpu.memory_space<hbm>> -> memref<1280x32xf32, #tpu.memory_space<hbm>>
    %dma_start3A_309 = arith.constant 0 : i32
    %dma_start3A_310 = tpu.memref_slice %arg4[%mul3A_306, %dma_start3A_309] : memref<81920x32xf32, #tpu.memory_space<hbm>> -> memref<1280x32xf32, #tpu.memory_space<hbm>>
    tpu.enqueue_dma source(%arg6 : memref<1280x32xf32, #tpu.memory_space<vmem>>) target(%dma_start3A_310 : memref<1280x32xf32, #tpu.memory_space<hbm>>) target_semaphore(%arg11 : memref<!tpu.dma_semaphore, #tpu.memory_space<semaphore_mem>>)
    %dma_wait3A_311 = arith.constant 10 : i32
    %dma_wait3A_312 = arith.constant 0 : i32
    %dma_wait3A_313 = arith.constant 0 : i32
    %dma_wait3A_314 = tpu.memref_slice %arg7[%dma_wait3A_312, %dma_wait3A_313] : memref<1280x32xf32, #tpu.memory_space<vmem>> -> memref<128x32xf32, #tpu.memory_space<vmem>>
    %dma_wait3A_315 = arith.constant 0 : i32
    %dma_wait3A_316 = tpu.memref_slice %arg5[%dma_wait3A_311, %dma_wait3A_315] : memref<20x128xi32, #tpu.memory_space<vmem>> -> memref<1x128xi32, #tpu.memory_space<vmem>>
    %dma_wait3A_317 = tpu.memref_squeeze %dma_wait3A_316 : memref<1x128xi32, #tpu.memory_space<vmem>> -> memref<128xi32, #tpu.memory_space<vmem>>
    %dma_wait3A_318 = arith.constant 0 : i32
    %dma_wait3A_319 = arith.constant 0 : i32
    %dma_wait3A_320 = tpu.memref_slice %arg8[%dma_wait3A_318, %dma_wait3A_319] : memref<10000x32xf32, #tpu.memory_space<vmem_shared>> -> memref<10000x32xf32, #tpu.memory_space<vmem_shared>>
    tpu.wait_indirect_dma semaphore(%arg10 : memref<!tpu.dma_semaphore, #tpu.memory_space<semaphore_mem>>) src(%dma_wait3A_320 : memref<10000x32xf32, #tpu.memory_space<vmem_shared>>) dst(%dma_wait3A_314 : memref<128x32xf32, #tpu.memory_space<vmem>>)
    %dma_wait3A_321 = arith.constant 11 : i32
    %dma_wait3A_322 = arith.constant 128 : i32
    %dma_wait3A_323 = arith.constant 0 : i32
    %dma_wait3A_324 = tpu.memref_slice %arg7[%dma_wait3A_322, %dma_wait3A_323] : memref<1280x32xf32, #tpu.memory_space<vmem>> -> memref<128x32xf32, #tpu.memory_space<vmem>>
    %dma_wait3A_325 = arith.constant 0 : i32
    %dma_wait3A_326 = tpu.memref_slice %arg5[%dma_wait3A_321, %dma_wait3A_325] : memref<20x128xi32, #tpu.memory_space<vmem>> -> memref<1x128xi32, #tpu.memory_space<vmem>>
    %dma_wait3A_327 = tpu.memref_squeeze %dma_wait3A_326 : memref<1x128xi32, #tpu.memory_space<vmem>> -> memref<128xi32, #tpu.memory_space<vmem>>
    %dma_wait3A_328 = arith.constant 0 : i32
    %dma_wait3A_329 = arith.constant 0 : i32
    %dma_wait3A_330 = tpu.memref_slice %arg8[%dma_wait3A_328, %dma_wait3A_329] : memref<10000x32xf32, #tpu.memory_space<vmem_shared>> -> memref<10000x32xf32, #tpu.memory_space<vmem_shared>>
    tpu.wait_indirect_dma semaphore(%arg10 : memref<!tpu.dma_semaphore, #tpu.memory_space<semaphore_mem>>) src(%dma_wait3A_330 : memref<10000x32xf32, #tpu.memory_space<vmem_shared>>) dst(%dma_wait3A_324 : memref<128x32xf32, #tpu.memory_space<vmem>>)
    %dma_wait3A_331 = arith.constant 12 : i32
    %dma_wait3A_332 = arith.constant 256 : i32
    %dma_wait3A_333 = arith.constant 0 : i32
    %dma_wait3A_334 = tpu.memref_slice %arg7[%dma_wait3A_332, %dma_wait3A_333] : memref<1280x32xf32, #tpu.memory_space<vmem>> -> memref<128x32xf32, #tpu.memory_space<vmem>>
    %dma_wait3A_335 = arith.constant 0 : i32
    %dma_wait3A_336 = tpu.memref_slice %arg5[%dma_wait3A_331, %dma_wait3A_335] : memref<20x128xi32, #tpu.memory_space<vmem>> -> memref<1x128xi32, #tpu.memory_space<vmem>>
    %dma_wait3A_337 = tpu.memref_squeeze %dma_wait3A_336 : memref<1x128xi32, #tpu.memory_space<vmem>> -> memref<128xi32, #tpu.memory_space<vmem>>
    %dma_wait3A_338 = arith.constant 0 : i32
    %dma_wait3A_339 = arith.constant 0 : i32
    %dma_wait3A_340 = tpu.memref_slice %arg8[%dma_wait3A_338, %dma_wait3A_339] : memref<10000x32xf32, #tpu.memory_space<vmem_shared>> -> memref<10000x32xf32, #tpu.memory_space<vmem_shared>>
    tpu.wait_indirect_dma semaphore(%arg10 : memref<!tpu.dma_semaphore, #tpu.memory_space<semaphore_mem>>) src(%dma_wait3A_340 : memref<10000x32xf32, #tpu.memory_space<vmem_shared>>) dst(%dma_wait3A_334 : memref<128x32xf32, #tpu.memory_space<vmem>>)
    %dma_wait3A_341 = arith.constant 13 : i32
    %dma_wait3A_342 = arith.constant 384 : i32
    %dma_wait3A_343 = arith.constant 0 : i32
    %dma_wait3A_344 = tpu.memref_slice %arg7[%dma_wait3A_342, %dma_wait3A_343] : memref<1280x32xf32, #tpu.memory_space<vmem>> -> memref<128x32xf32, #tpu.memory_space<vmem>>
    %dma_wait3A_345 = arith.constant 0 : i32
    %dma_wait3A_346 = tpu.memref_slice %arg5[%dma_wait3A_341, %dma_wait3A_345] : memref<20x128xi32, #tpu.memory_space<vmem>> -> memref<1x128xi32, #tpu.memory_space<vmem>>
    %dma_wait3A_347 = tpu.memref_squeeze %dma_wait3A_346 : memref<1x128xi32, #tpu.memory_space<vmem>> -> memref<128xi32, #tpu.memory_space<vmem>>
    %dma_wait3A_348 = arith.constant 0 : i32
    %dma_wait3A_349 = arith.constant 0 : i32
    %dma_wait3A_350 = tpu.memref_slice %arg8[%dma_wait3A_348, %dma_wait3A_349] : memref<10000x32xf32, #tpu.memory_space<vmem_shared>> -> memref<10000x32xf32, #tpu.memory_space<vmem_shared>>
    tpu.wait_indirect_dma semaphore(%arg10 : memref<!tpu.dma_semaphore, #tpu.memory_space<semaphore_mem>>) src(%dma_wait3A_350 : memref<10000x32xf32, #tpu.memory_space<vmem_shared>>) dst(%dma_wait3A_344 : memref<128x32xf32, #tpu.memory_space<vmem>>)
    %dma_wait3A_351 = arith.constant 14 : i32
    %dma_wait3A_352 = arith.constant 512 : i32
    %dma_wait3A_353 = arith.constant 0 : i32
    %dma_wait3A_354 = tpu.memref_slice %arg7[%dma_wait3A_352, %dma_wait3A_353] : memref<1280x32xf32, #tpu.memory_space<vmem>> -> memref<128x32xf32, #tpu.memory_space<vmem>>
    %dma_wait3A_355 = arith.constant 0 : i32
    %dma_wait3A_356 = tpu.memref_slice %arg5[%dma_wait3A_351, %dma_wait3A_355] : memref<20x128xi32, #tpu.memory_space<vmem>> -> memref<1x128xi32, #tpu.memory_space<vmem>>
    %dma_wait3A_357 = tpu.memref_squeeze %dma_wait3A_356 : memref<1x128xi32, #tpu.memory_space<vmem>> -> memref<128xi32, #tpu.memory_space<vmem>>
    %dma_wait3A_358 = arith.constant 0 : i32
    %dma_wait3A_359 = arith.constant 0 : i32
    %dma_wait3A_360 = tpu.memref_slice %arg8[%dma_wait3A_358, %dma_wait3A_359] : memref<10000x32xf32, #tpu.memory_space<vmem_shared>> -> memref<10000x32xf32, #tpu.memory_space<vmem_shared>>
    tpu.wait_indirect_dma semaphore(%arg10 : memref<!tpu.dma_semaphore, #tpu.memory_space<semaphore_mem>>) src(%dma_wait3A_360 : memref<10000x32xf32, #tpu.memory_space<vmem_shared>>) dst(%dma_wait3A_354 : memref<128x32xf32, #tpu.memory_space<vmem>>)
    %dma_wait3A_361 = arith.constant 15 : i32
    %dma_wait3A_362 = arith.constant 640 : i32
    %dma_wait3A_363 = arith.constant 0 : i32
    %dma_wait3A_364 = tpu.memref_slice %arg7[%dma_wait3A_362, %dma_wait3A_363] : memref<1280x32xf32, #tpu.memory_space<vmem>> -> memref<128x32xf32, #tpu.memory_space<vmem>>
    %dma_wait3A_365 = arith.constant 0 : i32
    %dma_wait3A_366 = tpu.memref_slice %arg5[%dma_wait3A_361, %dma_wait3A_365] : memref<20x128xi32, #tpu.memory_space<vmem>> -> memref<1x128xi32, #tpu.memory_space<vmem>>
    %dma_wait3A_367 = tpu.memref_squeeze %dma_wait3A_366 : memref<1x128xi32, #tpu.memory_space<vmem>> -> memref<128xi32, #tpu.memory_space<vmem>>
    %dma_wait3A_368 = arith.constant 0 : i32
    %dma_wait3A_369 = arith.constant 0 : i32
    %dma_wait3A_370 = tpu.memref_slice %arg8[%dma_wait3A_368, %dma_wait3A_369] : memref<10000x32xf32, #tpu.memory_space<vmem_shared>> -> memref<10000x32xf32, #tpu.memory_space<vmem_shared>>
    tpu.wait_indirect_dma semaphore(%arg10 : memref<!tpu.dma_semaphore, #tpu.memory_space<semaphore_mem>>) src(%dma_wait3A_370 : memref<10000x32xf32, #tpu.memory_space<vmem_shared>>) dst(%dma_wait3A_364 : memref<128x32xf32, #tpu.memory_space<vmem>>)
    %dma_wait3A_371 = arith.constant 16 : i32
    %dma_wait3A_372 = arith.constant 768 : i32
    %dma_wait3A_373 = arith.constant 0 : i32
    %dma_wait3A_374 = tpu.memref_slice %arg7[%dma_wait3A_372, %dma_wait3A_373] : memref<1280x32xf32, #tpu.memory_space<vmem>> -> memref<128x32xf32, #tpu.memory_space<vmem>>
    %dma_wait3A_375 = arith.constant 0 : i32
    %dma_wait3A_376 = tpu.memref_slice %arg5[%dma_wait3A_371, %dma_wait3A_375] : memref<20x128xi32, #tpu.memory_space<vmem>> -> memref<1x128xi32, #tpu.memory_space<vmem>>
    %dma_wait3A_377 = tpu.memref_squeeze %dma_wait3A_376 : memref<1x128xi32, #tpu.memory_space<vmem>> -> memref<128xi32, #tpu.memory_space<vmem>>
    %dma_wait3A_378 = arith.constant 0 : i32
    %dma_wait3A_379 = arith.constant 0 : i32
    %dma_wait3A_380 = tpu.memref_slice %arg8[%dma_wait3A_378, %dma_wait3A_379] : memref<10000x32xf32, #tpu.memory_space<vmem_shared>> -> memref<10000x32xf32, #tpu.memory_space<vmem_shared>>
    tpu.wait_indirect_dma semaphore(%arg10 : memref<!tpu.dma_semaphore, #tpu.memory_space<semaphore_mem>>) src(%dma_wait3A_380 : memref<10000x32xf32, #tpu.memory_space<vmem_shared>>) dst(%dma_wait3A_374 : memref<128x32xf32, #tpu.memory_space<vmem>>)
    %dma_wait3A_381 = arith.constant 17 : i32
    %dma_wait3A_382 = arith.constant 896 : i32
    %dma_wait3A_383 = arith.constant 0 : i32
    %dma_wait3A_384 = tpu.memref_slice %arg7[%dma_wait3A_382, %dma_wait3A_383] : memref<1280x32xf32, #tpu.memory_space<vmem>> -> memref<128x32xf32, #tpu.memory_space<vmem>>
    %dma_wait3A_385 = arith.constant 0 : i32
    %dma_wait3A_386 = tpu.memref_slice %arg5[%dma_wait3A_381, %dma_wait3A_385] : memref<20x128xi32, #tpu.memory_space<vmem>> -> memref<1x128xi32, #tpu.memory_space<vmem>>
    %dma_wait3A_387 = tpu.memref_squeeze %dma_wait3A_386 : memref<1x128xi32, #tpu.memory_space<vmem>> -> memref<128xi32, #tpu.memory_space<vmem>>
    %dma_wait3A_388 = arith.constant 0 : i32
    %dma_wait3A_389 = arith.constant 0 : i32
    %dma_wait3A_390 = tpu.memref_slice %arg8[%dma_wait3A_388, %dma_wait3A_389] : memref<10000x32xf32, #tpu.memory_space<vmem_shared>> -> memref<10000x32xf32, #tpu.memory_space<vmem_shared>>
    tpu.wait_indirect_dma semaphore(%arg10 : memref<!tpu.dma_semaphore, #tpu.memory_space<semaphore_mem>>) src(%dma_wait3A_390 : memref<10000x32xf32, #tpu.memory_space<vmem_shared>>) dst(%dma_wait3A_384 : memref<128x32xf32, #tpu.memory_space<vmem>>)
    %dma_wait3A_391 = arith.constant 18 : i32
    %dma_wait3A_392 = arith.constant 1024 : i32
    %dma_wait3A_393 = arith.constant 0 : i32
    %dma_wait3A_394 = tpu.memref_slice %arg7[%dma_wait3A_392, %dma_wait3A_393] : memref<1280x32xf32, #tpu.memory_space<vmem>> -> memref<128x32xf32, #tpu.memory_space<vmem>>
    %dma_wait3A_395 = arith.constant 0 : i32
    %dma_wait3A_396 = tpu.memref_slice %arg5[%dma_wait3A_391, %dma_wait3A_395] : memref<20x128xi32, #tpu.memory_space<vmem>> -> memref<1x128xi32, #tpu.memory_space<vmem>>
    %dma_wait3A_397 = tpu.memref_squeeze %dma_wait3A_396 : memref<1x128xi32, #tpu.memory_space<vmem>> -> memref<128xi32, #tpu.memory_space<vmem>>
    %dma_wait3A_398 = arith.constant 0 : i32
    %dma_wait3A_399 = arith.constant 0 : i32
    %dma_wait3A_400 = tpu.memref_slice %arg8[%dma_wait3A_398, %dma_wait3A_399] : memref<10000x32xf32, #tpu.memory_space<vmem_shared>> -> memref<10000x32xf32, #tpu.memory_space<vmem_shared>>
    tpu.wait_indirect_dma semaphore(%arg10 : memref<!tpu.dma_semaphore, #tpu.memory_space<semaphore_mem>>) src(%dma_wait3A_400 : memref<10000x32xf32, #tpu.memory_space<vmem_shared>>) dst(%dma_wait3A_394 : memref<128x32xf32, #tpu.memory_space<vmem>>)
    %dma_wait3A_401 = arith.constant 19 : i32
    %dma_wait3A_402 = arith.constant 1152 : i32
    %dma_wait3A_403 = arith.constant 0 : i32
    %dma_wait3A_404 = tpu.memref_slice %arg7[%dma_wait3A_402, %dma_wait3A_403] : memref<1280x32xf32, #tpu.memory_space<vmem>> -> memref<128x32xf32, #tpu.memory_space<vmem>>
    %dma_wait3A_405 = arith.constant 0 : i32
    %dma_wait3A_406 = tpu.memref_slice %arg5[%dma_wait3A_401, %dma_wait3A_405] : memref<20x128xi32, #tpu.memory_space<vmem>> -> memref<1x128xi32, #tpu.memory_space<vmem>>
    %dma_wait3A_407 = tpu.memref_squeeze %dma_wait3A_406 : memref<1x128xi32, #tpu.memory_space<vmem>> -> memref<128xi32, #tpu.memory_space<vmem>>
    %dma_wait3A_408 = arith.constant 0 : i32
    %dma_wait3A_409 = arith.constant 0 : i32
    %dma_wait3A_410 = tpu.memref_slice %arg8[%dma_wait3A_408, %dma_wait3A_409] : memref<10000x32xf32, #tpu.memory_space<vmem_shared>> -> memref<10000x32xf32, #tpu.memory_space<vmem_shared>>
    tpu.wait_indirect_dma semaphore(%arg10 : memref<!tpu.dma_semaphore, #tpu.memory_space<semaphore_mem>>) src(%dma_wait3A_410 : memref<10000x32xf32, #tpu.memory_space<vmem_shared>>) dst(%dma_wait3A_404 : memref<128x32xf32, #tpu.memory_space<vmem>>)
    %add3A_411 = arith.constant 10 : i32
    %add3A_412 = arith.addi %mul3A_2, %add3A_411 : i32
    %mul3A_413 = arith.constant 128 : i32
    %mul3A_414 = arith.muli %add3A_412, %mul3A_413 : i32
    %dma_start3A_415 = arith.constant 0 : i32
    %dma_start3A_416 = tpu.memref_slice %arg4[%mul3A_414, %dma_start3A_415] : memref<81920x32xf32, #tpu.memory_space<hbm>> -> memref<1280x32xf32, #tpu.memory_space<hbm>>
    %dma_start3A_417 = arith.constant 0 : i32
    %dma_start3A_418 = tpu.memref_slice %arg4[%mul3A_414, %dma_start3A_417] : memref<81920x32xf32, #tpu.memory_space<hbm>> -> memref<1280x32xf32, #tpu.memory_space<hbm>>
    tpu.enqueue_dma source(%arg7 : memref<1280x32xf32, #tpu.memory_space<vmem>>) target(%dma_start3A_418 : memref<1280x32xf32, #tpu.memory_space<hbm>>) target_semaphore(%arg12 : memref<!tpu.dma_semaphore, #tpu.memory_space<semaphore_mem>>)
    %dma_wait3A_419 = arith.constant 0 : i32
    %dma_wait3A_420 = tpu.memref_slice %arg4[%mul3A_306, %dma_wait3A_419] : memref<81920x32xf32, #tpu.memory_space<hbm>> -> memref<1280x32xf32, #tpu.memory_space<hbm>>
    %dma_wait3A_421 = arith.constant 0 : i32
    %dma_wait3A_422 = tpu.memref_slice %arg4[%mul3A_306, %dma_wait3A_421] : memref<81920x32xf32, #tpu.memory_space<hbm>> -> memref<1280x32xf32, #tpu.memory_space<hbm>>
    tpu.wait_dma2 semaphore(%arg11 : memref<!tpu.dma_semaphore, #tpu.memory_space<semaphore_mem>>) src(%arg6 : memref<1280x32xf32, #tpu.memory_space<vmem>>) dst(%dma_wait3A_422 : memref<1280x32xf32, #tpu.memory_space<hbm>>)
    %dma_wait3A_423 = arith.constant 0 : i32
    %dma_wait3A_424 = tpu.memref_slice %arg4[%mul3A_414, %dma_wait3A_423] : memref<81920x32xf32, #tpu.memory_space<hbm>> -> memref<1280x32xf32, #tpu.memory_space<hbm>>
    %dma_wait3A_425 = arith.constant 0 : i32
    %dma_wait3A_426 = tpu.memref_slice %arg4[%mul3A_414, %dma_wait3A_425] : memref<81920x32xf32, #tpu.memory_space<hbm>> -> memref<1280x32xf32, #tpu.memory_space<hbm>>
    tpu.wait_dma2 semaphore(%arg12 : memref<!tpu.dma_semaphore, #tpu.memory_space<semaphore_mem>>) src(%arg7 : memref<1280x32xf32, #tpu.memory_space<vmem>>) dst(%dma_wait3A_426 : memref<1280x32xf32, #tpu.memory_space<hbm>>)
    return
  }
}

#map = affine_map<(d0, d1) -> (0, 0)>
#map1 = affine_map<(d0, d1) -> (0, 0, 0)>
module attributes {stable_mosaic.version = 14 : i64} {
  func.func @_scatter_body(%arg0: i32, %arg1: i32, %arg2: memref<81920x48xf32, #tpu.memory_space<hbm>>, %arg3: memref<640x128xi32, #tpu.memory_space<hbm>>, %arg4: memref<2048x48xf32, #tpu.memory_space<hbm>>, %arg5: memref<2x2048x48xf32, #tpu.memory_space<hbm>>, %arg6: memref<20x128xi32, #tpu.memory_space<vmem>>, %arg7: memref<640x48xf32, #tpu.memory_space<vmem>>, %arg8: memref<640x48xf32, #tpu.memory_space<vmem>>, %arg9: memref<2048x48xf32, #tpu.memory_space<vmem_shared>>, %arg10: memref<!tpu.dma_semaphore, #tpu.memory_space<semaphore_mem>>, %arg11: memref<!tpu.dma_semaphore, #tpu.memory_space<semaphore_mem>>, %arg12: memref<!tpu.dma_semaphore, #tpu.memory_space<semaphore_mem>>, %arg13: memref<!tpu.dma_semaphore, #tpu.memory_space<semaphore_mem>>) attributes {dimension_semantics = [#tpu.dimension_semantics<core_parallel>, #tpu.dimension_semantics<subcore_parallel>], iteration_bounds = array<i64: 2, 16>, scalar_prefetch = 0 : i64, scratch_operands = 8 : i64, tpu.core_type = #tpu.core_type<sc_vector_subcore>, window_params = [{transform_indices = #map}, {transform_indices = #map}, {transform_indices = #map}, {transform_indices = #map1}]} {
    %mul3A = arith.constant 2 : i32
    %mul3A_0 = arith.muli %arg1, %mul3A : i32
    %add3A = arith.addi %mul3A_0, %arg0 : i32
    %eq3A = arith.constant 0 : i32
    %eq3A_1 = arith.cmpi eq, %arg1, %eq3A : i32
    %convert_element_type3A = arith.extui %eq3A_1 : i1 to i32
    %cond3A = arith.constant 0 : i32
    %cond3A_2 = arith.cmpi ne, %convert_element_type3A, %cond3A : i32
    scf.if %cond3A_2 {
      "tpu.region"() ({
        %run_scoped3A = tpu.sem_alloc : memref<!tpu.dma_semaphore, #tpu.memory_space<semaphore_mem>>
        tpu.enqueue_dma source(%arg4 : memref<2048x48xf32, #tpu.memory_space<hbm>>) target(%arg9 : memref<2048x48xf32, #tpu.memory_space<vmem_shared>>) target_semaphore(%run_scoped3A : memref<!tpu.dma_semaphore, #tpu.memory_space<semaphore_mem>>)
        tpu.wait_dma2 semaphore(%run_scoped3A : memref<!tpu.dma_semaphore, #tpu.memory_space<semaphore_mem>>) src(%arg4 : memref<2048x48xf32, #tpu.memory_space<hbm>>) dst(%arg9 : memref<2048x48xf32, #tpu.memory_space<vmem_shared>>)
        tpu.yield
      }) : () -> ()
    } else {
    }
    %barrier3A = arith.constant 0 : index
    tpu.barrier barrier_id(%barrier3A)
    %mul3A_3 = arith.constant 20 : i32
    %mul3A_4 = arith.muli %add3A, %mul3A_3 : i32
    "tpu.region"() ({
      %run_scoped3A = tpu.sem_alloc : memref<!tpu.dma_semaphore, #tpu.memory_space<semaphore_mem>>
      %dma_start3A_457 = arith.constant 0 : i32
      %dma_start3A_458 = tpu.memref_slice %arg3[%mul3A_4, %dma_start3A_457] : memref<640x128xi32, #tpu.memory_space<hbm>> -> memref<20x128xi32, #tpu.memory_space<hbm>>
      %dma_start3A_459 = arith.constant 0 : i32
      %dma_start3A_460 = tpu.memref_slice %arg3[%mul3A_4, %dma_start3A_459] : memref<640x128xi32, #tpu.memory_space<hbm>> -> memref<20x128xi32, #tpu.memory_space<hbm>>
      tpu.enqueue_dma source(%dma_start3A_460 : memref<20x128xi32, #tpu.memory_space<hbm>>) target(%arg6 : memref<20x128xi32, #tpu.memory_space<vmem>>) target_semaphore(%run_scoped3A : memref<!tpu.dma_semaphore, #tpu.memory_space<semaphore_mem>>)
      %dma_wait3A_461 = arith.constant 0 : i32
      %dma_wait3A_462 = tpu.memref_slice %arg3[%mul3A_4, %dma_wait3A_461] : memref<640x128xi32, #tpu.memory_space<hbm>> -> memref<20x128xi32, #tpu.memory_space<hbm>>
      %dma_wait3A_463 = arith.constant 0 : i32
      %dma_wait3A_464 = tpu.memref_slice %arg3[%mul3A_4, %dma_wait3A_463] : memref<640x128xi32, #tpu.memory_space<hbm>> -> memref<20x128xi32, #tpu.memory_space<hbm>>
      tpu.wait_dma2 semaphore(%run_scoped3A : memref<!tpu.dma_semaphore, #tpu.memory_space<semaphore_mem>>) src(%dma_wait3A_464 : memref<20x128xi32, #tpu.memory_space<hbm>>) dst(%arg6 : memref<20x128xi32, #tpu.memory_space<vmem>>)
      tpu.yield
    }) : () -> ()
    %add3A_5 = arith.constant 0 : i32
    %add3A_6 = arith.addi %mul3A_4, %add3A_5 : i32
    %mul3A_7 = arith.constant 128 : i32
    %mul3A_8 = arith.muli %add3A_6, %mul3A_7 : i32
    %dma_start3A = arith.constant 0 : i32
    %dma_start3A_9 = tpu.memref_slice %arg2[%mul3A_8, %dma_start3A] : memref<81920x48xf32, #tpu.memory_space<hbm>> -> memref<640x48xf32, #tpu.memory_space<hbm>>
    %dma_start3A_10 = arith.constant 0 : i32
    %dma_start3A_11 = tpu.memref_slice %arg2[%mul3A_8, %dma_start3A_10] : memref<81920x48xf32, #tpu.memory_space<hbm>> -> memref<640x48xf32, #tpu.memory_space<hbm>>
    tpu.enqueue_dma source(%dma_start3A_11 : memref<640x48xf32, #tpu.memory_space<hbm>>) target(%arg7 : memref<640x48xf32, #tpu.memory_space<vmem>>) target_semaphore(%arg10 : memref<!tpu.dma_semaphore, #tpu.memory_space<semaphore_mem>>)
    %add3A_12 = arith.constant 5 : i32
    %add3A_13 = arith.addi %mul3A_4, %add3A_12 : i32
    %mul3A_14 = arith.constant 128 : i32
    %mul3A_15 = arith.muli %add3A_13, %mul3A_14 : i32
    %dma_start3A_16 = arith.constant 0 : i32
    %dma_start3A_17 = tpu.memref_slice %arg2[%mul3A_15, %dma_start3A_16] : memref<81920x48xf32, #tpu.memory_space<hbm>> -> memref<640x48xf32, #tpu.memory_space<hbm>>
    %dma_start3A_18 = arith.constant 0 : i32
    %dma_start3A_19 = tpu.memref_slice %arg2[%mul3A_15, %dma_start3A_18] : memref<81920x48xf32, #tpu.memory_space<hbm>> -> memref<640x48xf32, #tpu.memory_space<hbm>>
    tpu.enqueue_dma source(%dma_start3A_19 : memref<640x48xf32, #tpu.memory_space<hbm>>) target(%arg8 : memref<640x48xf32, #tpu.memory_space<vmem>>) target_semaphore(%arg11 : memref<!tpu.dma_semaphore, #tpu.memory_space<semaphore_mem>>)
    %dma_wait3A = arith.constant 0 : i32
    %dma_wait3A_20 = tpu.memref_slice %arg2[%mul3A_8, %dma_wait3A] : memref<81920x48xf32, #tpu.memory_space<hbm>> -> memref<640x48xf32, #tpu.memory_space<hbm>>
    %dma_wait3A_21 = arith.constant 0 : i32
    %dma_wait3A_22 = tpu.memref_slice %arg2[%mul3A_8, %dma_wait3A_21] : memref<81920x48xf32, #tpu.memory_space<hbm>> -> memref<640x48xf32, #tpu.memory_space<hbm>>
    tpu.wait_dma2 semaphore(%arg10 : memref<!tpu.dma_semaphore, #tpu.memory_space<semaphore_mem>>) src(%dma_wait3A_22 : memref<640x48xf32, #tpu.memory_space<hbm>>) dst(%arg7 : memref<640x48xf32, #tpu.memory_space<vmem>>)
    %dma_start3A_23 = arith.constant 0 : i32
    %dma_start3A_24 = arith.constant 0 : i32
    %dma_start3A_25 = arith.constant 0 : i32
    %dma_start3A_26 = tpu.memref_slice %arg7[%dma_start3A_24, %dma_start3A_25] : memref<640x48xf32, #tpu.memory_space<vmem>> -> memref<128x48xf32, #tpu.memory_space<vmem>>
    %dma_start3A_27 = arith.constant 0 : i32
    %dma_start3A_28 = tpu.memref_slice %arg6[%dma_start3A_23, %dma_start3A_27] : memref<20x128xi32, #tpu.memory_space<vmem>> -> memref<1x128xi32, #tpu.memory_space<vmem>>
    %dma_start3A_29 = tpu.memref_squeeze %dma_start3A_28 : memref<1x128xi32, #tpu.memory_space<vmem>> -> memref<128xi32, #tpu.memory_space<vmem>>
    %dma_start3A_30 = arith.constant 0 : i32
    %dma_start3A_31 = arith.constant 0 : i32
    %dma_start3A_32 = tpu.memref_slice %arg9[%dma_start3A_30, %dma_start3A_31] : memref<2048x48xf32, #tpu.memory_space<vmem_shared>> -> memref<2048x48xf32, #tpu.memory_space<vmem_shared>>
    tpu.enqueue_indirect_dma source(%dma_start3A_26 : memref<128x48xf32, #tpu.memory_space<vmem>>) target(%dma_start3A_32 : memref<2048x48xf32, #tpu.memory_space<vmem_shared>>) offsets(%dma_start3A_29 : memref<128xi32, #tpu.memory_space<vmem>>) semaphore(%arg12 : memref<!tpu.dma_semaphore, #tpu.memory_space<semaphore_mem>>) {add = true}
    %dma_start3A_33 = arith.constant 1 : i32
    %dma_start3A_34 = arith.constant 128 : i32
    %dma_start3A_35 = arith.constant 0 : i32
    %dma_start3A_36 = tpu.memref_slice %arg7[%dma_start3A_34, %dma_start3A_35] : memref<640x48xf32, #tpu.memory_space<vmem>> -> memref<128x48xf32, #tpu.memory_space<vmem>>
    %dma_start3A_37 = arith.constant 0 : i32
    %dma_start3A_38 = tpu.memref_slice %arg6[%dma_start3A_33, %dma_start3A_37] : memref<20x128xi32, #tpu.memory_space<vmem>> -> memref<1x128xi32, #tpu.memory_space<vmem>>
    %dma_start3A_39 = tpu.memref_squeeze %dma_start3A_38 : memref<1x128xi32, #tpu.memory_space<vmem>> -> memref<128xi32, #tpu.memory_space<vmem>>
    %dma_start3A_40 = arith.constant 0 : i32
    %dma_start3A_41 = arith.constant 0 : i32
    %dma_start3A_42 = tpu.memref_slice %arg9[%dma_start3A_40, %dma_start3A_41] : memref<2048x48xf32, #tpu.memory_space<vmem_shared>> -> memref<2048x48xf32, #tpu.memory_space<vmem_shared>>
    tpu.enqueue_indirect_dma source(%dma_start3A_36 : memref<128x48xf32, #tpu.memory_space<vmem>>) target(%dma_start3A_42 : memref<2048x48xf32, #tpu.memory_space<vmem_shared>>) offsets(%dma_start3A_39 : memref<128xi32, #tpu.memory_space<vmem>>) semaphore(%arg12 : memref<!tpu.dma_semaphore, #tpu.memory_space<semaphore_mem>>) {add = true}
    %dma_start3A_43 = arith.constant 2 : i32
    %dma_start3A_44 = arith.constant 256 : i32
    %dma_start3A_45 = arith.constant 0 : i32
    %dma_start3A_46 = tpu.memref_slice %arg7[%dma_start3A_44, %dma_start3A_45] : memref<640x48xf32, #tpu.memory_space<vmem>> -> memref<128x48xf32, #tpu.memory_space<vmem>>
    %dma_start3A_47 = arith.constant 0 : i32
    %dma_start3A_48 = tpu.memref_slice %arg6[%dma_start3A_43, %dma_start3A_47] : memref<20x128xi32, #tpu.memory_space<vmem>> -> memref<1x128xi32, #tpu.memory_space<vmem>>
    %dma_start3A_49 = tpu.memref_squeeze %dma_start3A_48 : memref<1x128xi32, #tpu.memory_space<vmem>> -> memref<128xi32, #tpu.memory_space<vmem>>
    %dma_start3A_50 = arith.constant 0 : i32
    %dma_start3A_51 = arith.constant 0 : i32
    %dma_start3A_52 = tpu.memref_slice %arg9[%dma_start3A_50, %dma_start3A_51] : memref<2048x48xf32, #tpu.memory_space<vmem_shared>> -> memref<2048x48xf32, #tpu.memory_space<vmem_shared>>
    tpu.enqueue_indirect_dma source(%dma_start3A_46 : memref<128x48xf32, #tpu.memory_space<vmem>>) target(%dma_start3A_52 : memref<2048x48xf32, #tpu.memory_space<vmem_shared>>) offsets(%dma_start3A_49 : memref<128xi32, #tpu.memory_space<vmem>>) semaphore(%arg12 : memref<!tpu.dma_semaphore, #tpu.memory_space<semaphore_mem>>) {add = true}
    %dma_start3A_53 = arith.constant 3 : i32
    %dma_start3A_54 = arith.constant 384 : i32
    %dma_start3A_55 = arith.constant 0 : i32
    %dma_start3A_56 = tpu.memref_slice %arg7[%dma_start3A_54, %dma_start3A_55] : memref<640x48xf32, #tpu.memory_space<vmem>> -> memref<128x48xf32, #tpu.memory_space<vmem>>
    %dma_start3A_57 = arith.constant 0 : i32
    %dma_start3A_58 = tpu.memref_slice %arg6[%dma_start3A_53, %dma_start3A_57] : memref<20x128xi32, #tpu.memory_space<vmem>> -> memref<1x128xi32, #tpu.memory_space<vmem>>
    %dma_start3A_59 = tpu.memref_squeeze %dma_start3A_58 : memref<1x128xi32, #tpu.memory_space<vmem>> -> memref<128xi32, #tpu.memory_space<vmem>>
    %dma_start3A_60 = arith.constant 0 : i32
    %dma_start3A_61 = arith.constant 0 : i32
    %dma_start3A_62 = tpu.memref_slice %arg9[%dma_start3A_60, %dma_start3A_61] : memref<2048x48xf32, #tpu.memory_space<vmem_shared>> -> memref<2048x48xf32, #tpu.memory_space<vmem_shared>>
    tpu.enqueue_indirect_dma source(%dma_start3A_56 : memref<128x48xf32, #tpu.memory_space<vmem>>) target(%dma_start3A_62 : memref<2048x48xf32, #tpu.memory_space<vmem_shared>>) offsets(%dma_start3A_59 : memref<128xi32, #tpu.memory_space<vmem>>) semaphore(%arg12 : memref<!tpu.dma_semaphore, #tpu.memory_space<semaphore_mem>>) {add = true}
    %dma_start3A_63 = arith.constant 4 : i32
    %dma_start3A_64 = arith.constant 512 : i32
    %dma_start3A_65 = arith.constant 0 : i32
    %dma_start3A_66 = tpu.memref_slice %arg7[%dma_start3A_64, %dma_start3A_65] : memref<640x48xf32, #tpu.memory_space<vmem>> -> memref<128x48xf32, #tpu.memory_space<vmem>>
    %dma_start3A_67 = arith.constant 0 : i32
    %dma_start3A_68 = tpu.memref_slice %arg6[%dma_start3A_63, %dma_start3A_67] : memref<20x128xi32, #tpu.memory_space<vmem>> -> memref<1x128xi32, #tpu.memory_space<vmem>>
    %dma_start3A_69 = tpu.memref_squeeze %dma_start3A_68 : memref<1x128xi32, #tpu.memory_space<vmem>> -> memref<128xi32, #tpu.memory_space<vmem>>
    %dma_start3A_70 = arith.constant 0 : i32
    %dma_start3A_71 = arith.constant 0 : i32
    %dma_start3A_72 = tpu.memref_slice %arg9[%dma_start3A_70, %dma_start3A_71] : memref<2048x48xf32, #tpu.memory_space<vmem_shared>> -> memref<2048x48xf32, #tpu.memory_space<vmem_shared>>
    tpu.enqueue_indirect_dma source(%dma_start3A_66 : memref<128x48xf32, #tpu.memory_space<vmem>>) target(%dma_start3A_72 : memref<2048x48xf32, #tpu.memory_space<vmem_shared>>) offsets(%dma_start3A_69 : memref<128xi32, #tpu.memory_space<vmem>>) semaphore(%arg12 : memref<!tpu.dma_semaphore, #tpu.memory_space<semaphore_mem>>) {add = true}
    %dma_wait3A_73 = arith.constant 0 : i32
    %dma_wait3A_74 = arith.constant 0 : i32
    %dma_wait3A_75 = arith.constant 0 : i32
    %dma_wait3A_76 = tpu.memref_slice %arg7[%dma_wait3A_74, %dma_wait3A_75] : memref<640x48xf32, #tpu.memory_space<vmem>> -> memref<128x48xf32, #tpu.memory_space<vmem>>
    %dma_wait3A_77 = arith.constant 0 : i32
    %dma_wait3A_78 = tpu.memref_slice %arg6[%dma_wait3A_73, %dma_wait3A_77] : memref<20x128xi32, #tpu.memory_space<vmem>> -> memref<1x128xi32, #tpu.memory_space<vmem>>
    %dma_wait3A_79 = tpu.memref_squeeze %dma_wait3A_78 : memref<1x128xi32, #tpu.memory_space<vmem>> -> memref<128xi32, #tpu.memory_space<vmem>>
    %dma_wait3A_80 = arith.constant 0 : i32
    %dma_wait3A_81 = arith.constant 0 : i32
    %dma_wait3A_82 = tpu.memref_slice %arg9[%dma_wait3A_80, %dma_wait3A_81] : memref<2048x48xf32, #tpu.memory_space<vmem_shared>> -> memref<2048x48xf32, #tpu.memory_space<vmem_shared>>
    tpu.wait_indirect_dma semaphore(%arg12 : memref<!tpu.dma_semaphore, #tpu.memory_space<semaphore_mem>>) src(%dma_wait3A_76 : memref<128x48xf32, #tpu.memory_space<vmem>>) dst(%dma_wait3A_82 : memref<2048x48xf32, #tpu.memory_space<vmem_shared>>)
    %dma_wait3A_83 = arith.constant 1 : i32
    %dma_wait3A_84 = arith.constant 128 : i32
    %dma_wait3A_85 = arith.constant 0 : i32
    %dma_wait3A_86 = tpu.memref_slice %arg7[%dma_wait3A_84, %dma_wait3A_85] : memref<640x48xf32, #tpu.memory_space<vmem>> -> memref<128x48xf32, #tpu.memory_space<vmem>>
    %dma_wait3A_87 = arith.constant 0 : i32
    %dma_wait3A_88 = tpu.memref_slice %arg6[%dma_wait3A_83, %dma_wait3A_87] : memref<20x128xi32, #tpu.memory_space<vmem>> -> memref<1x128xi32, #tpu.memory_space<vmem>>
    %dma_wait3A_89 = tpu.memref_squeeze %dma_wait3A_88 : memref<1x128xi32, #tpu.memory_space<vmem>> -> memref<128xi32, #tpu.memory_space<vmem>>
    %dma_wait3A_90 = arith.constant 0 : i32
    %dma_wait3A_91 = arith.constant 0 : i32
    %dma_wait3A_92 = tpu.memref_slice %arg9[%dma_wait3A_90, %dma_wait3A_91] : memref<2048x48xf32, #tpu.memory_space<vmem_shared>> -> memref<2048x48xf32, #tpu.memory_space<vmem_shared>>
    tpu.wait_indirect_dma semaphore(%arg12 : memref<!tpu.dma_semaphore, #tpu.memory_space<semaphore_mem>>) src(%dma_wait3A_86 : memref<128x48xf32, #tpu.memory_space<vmem>>) dst(%dma_wait3A_92 : memref<2048x48xf32, #tpu.memory_space<vmem_shared>>)
    %dma_wait3A_93 = arith.constant 2 : i32
    %dma_wait3A_94 = arith.constant 256 : i32
    %dma_wait3A_95 = arith.constant 0 : i32
    %dma_wait3A_96 = tpu.memref_slice %arg7[%dma_wait3A_94, %dma_wait3A_95] : memref<640x48xf32, #tpu.memory_space<vmem>> -> memref<128x48xf32, #tpu.memory_space<vmem>>
    %dma_wait3A_97 = arith.constant 0 : i32
    %dma_wait3A_98 = tpu.memref_slice %arg6[%dma_wait3A_93, %dma_wait3A_97] : memref<20x128xi32, #tpu.memory_space<vmem>> -> memref<1x128xi32, #tpu.memory_space<vmem>>
    %dma_wait3A_99 = tpu.memref_squeeze %dma_wait3A_98 : memref<1x128xi32, #tpu.memory_space<vmem>> -> memref<128xi32, #tpu.memory_space<vmem>>
    %dma_wait3A_100 = arith.constant 0 : i32
    %dma_wait3A_101 = arith.constant 0 : i32
    %dma_wait3A_102 = tpu.memref_slice %arg9[%dma_wait3A_100, %dma_wait3A_101] : memref<2048x48xf32, #tpu.memory_space<vmem_shared>> -> memref<2048x48xf32, #tpu.memory_space<vmem_shared>>
    tpu.wait_indirect_dma semaphore(%arg12 : memref<!tpu.dma_semaphore, #tpu.memory_space<semaphore_mem>>) src(%dma_wait3A_96 : memref<128x48xf32, #tpu.memory_space<vmem>>) dst(%dma_wait3A_102 : memref<2048x48xf32, #tpu.memory_space<vmem_shared>>)
    %dma_wait3A_103 = arith.constant 3 : i32
    %dma_wait3A_104 = arith.constant 384 : i32
    %dma_wait3A_105 = arith.constant 0 : i32
    %dma_wait3A_106 = tpu.memref_slice %arg7[%dma_wait3A_104, %dma_wait3A_105] : memref<640x48xf32, #tpu.memory_space<vmem>> -> memref<128x48xf32, #tpu.memory_space<vmem>>
    %dma_wait3A_107 = arith.constant 0 : i32
    %dma_wait3A_108 = tpu.memref_slice %arg6[%dma_wait3A_103, %dma_wait3A_107] : memref<20x128xi32, #tpu.memory_space<vmem>> -> memref<1x128xi32, #tpu.memory_space<vmem>>
    %dma_wait3A_109 = tpu.memref_squeeze %dma_wait3A_108 : memref<1x128xi32, #tpu.memory_space<vmem>> -> memref<128xi32, #tpu.memory_space<vmem>>
    %dma_wait3A_110 = arith.constant 0 : i32
    %dma_wait3A_111 = arith.constant 0 : i32
    %dma_wait3A_112 = tpu.memref_slice %arg9[%dma_wait3A_110, %dma_wait3A_111] : memref<2048x48xf32, #tpu.memory_space<vmem_shared>> -> memref<2048x48xf32, #tpu.memory_space<vmem_shared>>
    tpu.wait_indirect_dma semaphore(%arg12 : memref<!tpu.dma_semaphore, #tpu.memory_space<semaphore_mem>>) src(%dma_wait3A_106 : memref<128x48xf32, #tpu.memory_space<vmem>>) dst(%dma_wait3A_112 : memref<2048x48xf32, #tpu.memory_space<vmem_shared>>)
    %dma_wait3A_113 = arith.constant 4 : i32
    %dma_wait3A_114 = arith.constant 512 : i32
    %dma_wait3A_115 = arith.constant 0 : i32
    %dma_wait3A_116 = tpu.memref_slice %arg7[%dma_wait3A_114, %dma_wait3A_115] : memref<640x48xf32, #tpu.memory_space<vmem>> -> memref<128x48xf32, #tpu.memory_space<vmem>>
    %dma_wait3A_117 = arith.constant 0 : i32
    %dma_wait3A_118 = tpu.memref_slice %arg6[%dma_wait3A_113, %dma_wait3A_117] : memref<20x128xi32, #tpu.memory_space<vmem>> -> memref<1x128xi32, #tpu.memory_space<vmem>>
    %dma_wait3A_119 = tpu.memref_squeeze %dma_wait3A_118 : memref<1x128xi32, #tpu.memory_space<vmem>> -> memref<128xi32, #tpu.memory_space<vmem>>
    %dma_wait3A_120 = arith.constant 0 : i32
    %dma_wait3A_121 = arith.constant 0 : i32
    %dma_wait3A_122 = tpu.memref_slice %arg9[%dma_wait3A_120, %dma_wait3A_121] : memref<2048x48xf32, #tpu.memory_space<vmem_shared>> -> memref<2048x48xf32, #tpu.memory_space<vmem_shared>>
    tpu.wait_indirect_dma semaphore(%arg12 : memref<!tpu.dma_semaphore, #tpu.memory_space<semaphore_mem>>) src(%dma_wait3A_116 : memref<128x48xf32, #tpu.memory_space<vmem>>) dst(%dma_wait3A_122 : memref<2048x48xf32, #tpu.memory_space<vmem_shared>>)
    %add3A_123 = arith.constant 10 : i32
    %add3A_124 = arith.addi %mul3A_4, %add3A_123 : i32
    %mul3A_125 = arith.constant 128 : i32
    %mul3A_126 = arith.muli %add3A_124, %mul3A_125 : i32
    %dma_start3A_127 = arith.constant 0 : i32
    %dma_start3A_128 = tpu.memref_slice %arg2[%mul3A_126, %dma_start3A_127] : memref<81920x48xf32, #tpu.memory_space<hbm>> -> memref<640x48xf32, #tpu.memory_space<hbm>>
    %dma_start3A_129 = arith.constant 0 : i32
    %dma_start3A_130 = tpu.memref_slice %arg2[%mul3A_126, %dma_start3A_129] : memref<81920x48xf32, #tpu.memory_space<hbm>> -> memref<640x48xf32, #tpu.memory_space<hbm>>
    tpu.enqueue_dma source(%dma_start3A_130 : memref<640x48xf32, #tpu.memory_space<hbm>>) target(%arg7 : memref<640x48xf32, #tpu.memory_space<vmem>>) target_semaphore(%arg10 : memref<!tpu.dma_semaphore, #tpu.memory_space<semaphore_mem>>)
    %dma_wait3A_131 = arith.constant 0 : i32
    %dma_wait3A_132 = tpu.memref_slice %arg2[%mul3A_15, %dma_wait3A_131] : memref<81920x48xf32, #tpu.memory_space<hbm>> -> memref<640x48xf32, #tpu.memory_space<hbm>>
    %dma_wait3A_133 = arith.constant 0 : i32
    %dma_wait3A_134 = tpu.memref_slice %arg2[%mul3A_15, %dma_wait3A_133] : memref<81920x48xf32, #tpu.memory_space<hbm>> -> memref<640x48xf32, #tpu.memory_space<hbm>>
    tpu.wait_dma2 semaphore(%arg11 : memref<!tpu.dma_semaphore, #tpu.memory_space<semaphore_mem>>) src(%dma_wait3A_134 : memref<640x48xf32, #tpu.memory_space<hbm>>) dst(%arg8 : memref<640x48xf32, #tpu.memory_space<vmem>>)
    %dma_start3A_135 = arith.constant 5 : i32
    %dma_start3A_136 = arith.constant 0 : i32
    %dma_start3A_137 = arith.constant 0 : i32
    %dma_start3A_138 = tpu.memref_slice %arg8[%dma_start3A_136, %dma_start3A_137] : memref<640x48xf32, #tpu.memory_space<vmem>> -> memref<128x48xf32, #tpu.memory_space<vmem>>
    %dma_start3A_139 = arith.constant 0 : i32
    %dma_start3A_140 = tpu.memref_slice %arg6[%dma_start3A_135, %dma_start3A_139] : memref<20x128xi32, #tpu.memory_space<vmem>> -> memref<1x128xi32, #tpu.memory_space<vmem>>
    %dma_start3A_141 = tpu.memref_squeeze %dma_start3A_140 : memref<1x128xi32, #tpu.memory_space<vmem>> -> memref<128xi32, #tpu.memory_space<vmem>>
    %dma_start3A_142 = arith.constant 0 : i32
    %dma_start3A_143 = arith.constant 0 : i32
    %dma_start3A_144 = tpu.memref_slice %arg9[%dma_start3A_142, %dma_start3A_143] : memref<2048x48xf32, #tpu.memory_space<vmem_shared>> -> memref<2048x48xf32, #tpu.memory_space<vmem_shared>>
    tpu.enqueue_indirect_dma source(%dma_start3A_138 : memref<128x48xf32, #tpu.memory_space<vmem>>) target(%dma_start3A_144 : memref<2048x48xf32, #tpu.memory_space<vmem_shared>>) offsets(%dma_start3A_141 : memref<128xi32, #tpu.memory_space<vmem>>) semaphore(%arg13 : memref<!tpu.dma_semaphore, #tpu.memory_space<semaphore_mem>>) {add = true}
    %dma_start3A_145 = arith.constant 6 : i32
    %dma_start3A_146 = arith.constant 128 : i32
    %dma_start3A_147 = arith.constant 0 : i32
    %dma_start3A_148 = tpu.memref_slice %arg8[%dma_start3A_146, %dma_start3A_147] : memref<640x48xf32, #tpu.memory_space<vmem>> -> memref<128x48xf32, #tpu.memory_space<vmem>>
    %dma_start3A_149 = arith.constant 0 : i32
    %dma_start3A_150 = tpu.memref_slice %arg6[%dma_start3A_145, %dma_start3A_149] : memref<20x128xi32, #tpu.memory_space<vmem>> -> memref<1x128xi32, #tpu.memory_space<vmem>>
    %dma_start3A_151 = tpu.memref_squeeze %dma_start3A_150 : memref<1x128xi32, #tpu.memory_space<vmem>> -> memref<128xi32, #tpu.memory_space<vmem>>
    %dma_start3A_152 = arith.constant 0 : i32
    %dma_start3A_153 = arith.constant 0 : i32
    %dma_start3A_154 = tpu.memref_slice %arg9[%dma_start3A_152, %dma_start3A_153] : memref<2048x48xf32, #tpu.memory_space<vmem_shared>> -> memref<2048x48xf32, #tpu.memory_space<vmem_shared>>
    tpu.enqueue_indirect_dma source(%dma_start3A_148 : memref<128x48xf32, #tpu.memory_space<vmem>>) target(%dma_start3A_154 : memref<2048x48xf32, #tpu.memory_space<vmem_shared>>) offsets(%dma_start3A_151 : memref<128xi32, #tpu.memory_space<vmem>>) semaphore(%arg13 : memref<!tpu.dma_semaphore, #tpu.memory_space<semaphore_mem>>) {add = true}
    %dma_start3A_155 = arith.constant 7 : i32
    %dma_start3A_156 = arith.constant 256 : i32
    %dma_start3A_157 = arith.constant 0 : i32
    %dma_start3A_158 = tpu.memref_slice %arg8[%dma_start3A_156, %dma_start3A_157] : memref<640x48xf32, #tpu.memory_space<vmem>> -> memref<128x48xf32, #tpu.memory_space<vmem>>
    %dma_start3A_159 = arith.constant 0 : i32
    %dma_start3A_160 = tpu.memref_slice %arg6[%dma_start3A_155, %dma_start3A_159] : memref<20x128xi32, #tpu.memory_space<vmem>> -> memref<1x128xi32, #tpu.memory_space<vmem>>
    %dma_start3A_161 = tpu.memref_squeeze %dma_start3A_160 : memref<1x128xi32, #tpu.memory_space<vmem>> -> memref<128xi32, #tpu.memory_space<vmem>>
    %dma_start3A_162 = arith.constant 0 : i32
    %dma_start3A_163 = arith.constant 0 : i32
    %dma_start3A_164 = tpu.memref_slice %arg9[%dma_start3A_162, %dma_start3A_163] : memref<2048x48xf32, #tpu.memory_space<vmem_shared>> -> memref<2048x48xf32, #tpu.memory_space<vmem_shared>>
    tpu.enqueue_indirect_dma source(%dma_start3A_158 : memref<128x48xf32, #tpu.memory_space<vmem>>) target(%dma_start3A_164 : memref<2048x48xf32, #tpu.memory_space<vmem_shared>>) offsets(%dma_start3A_161 : memref<128xi32, #tpu.memory_space<vmem>>) semaphore(%arg13 : memref<!tpu.dma_semaphore, #tpu.memory_space<semaphore_mem>>) {add = true}
    %dma_start3A_165 = arith.constant 8 : i32
    %dma_start3A_166 = arith.constant 384 : i32
    %dma_start3A_167 = arith.constant 0 : i32
    %dma_start3A_168 = tpu.memref_slice %arg8[%dma_start3A_166, %dma_start3A_167] : memref<640x48xf32, #tpu.memory_space<vmem>> -> memref<128x48xf32, #tpu.memory_space<vmem>>
    %dma_start3A_169 = arith.constant 0 : i32
    %dma_start3A_170 = tpu.memref_slice %arg6[%dma_start3A_165, %dma_start3A_169] : memref<20x128xi32, #tpu.memory_space<vmem>> -> memref<1x128xi32, #tpu.memory_space<vmem>>
    %dma_start3A_171 = tpu.memref_squeeze %dma_start3A_170 : memref<1x128xi32, #tpu.memory_space<vmem>> -> memref<128xi32, #tpu.memory_space<vmem>>
    %dma_start3A_172 = arith.constant 0 : i32
    %dma_start3A_173 = arith.constant 0 : i32
    %dma_start3A_174 = tpu.memref_slice %arg9[%dma_start3A_172, %dma_start3A_173] : memref<2048x48xf32, #tpu.memory_space<vmem_shared>> -> memref<2048x48xf32, #tpu.memory_space<vmem_shared>>
    tpu.enqueue_indirect_dma source(%dma_start3A_168 : memref<128x48xf32, #tpu.memory_space<vmem>>) target(%dma_start3A_174 : memref<2048x48xf32, #tpu.memory_space<vmem_shared>>) offsets(%dma_start3A_171 : memref<128xi32, #tpu.memory_space<vmem>>) semaphore(%arg13 : memref<!tpu.dma_semaphore, #tpu.memory_space<semaphore_mem>>) {add = true}
    %dma_start3A_175 = arith.constant 9 : i32
    %dma_start3A_176 = arith.constant 512 : i32
    %dma_start3A_177 = arith.constant 0 : i32
    %dma_start3A_178 = tpu.memref_slice %arg8[%dma_start3A_176, %dma_start3A_177] : memref<640x48xf32, #tpu.memory_space<vmem>> -> memref<128x48xf32, #tpu.memory_space<vmem>>
    %dma_start3A_179 = arith.constant 0 : i32
    %dma_start3A_180 = tpu.memref_slice %arg6[%dma_start3A_175, %dma_start3A_179] : memref<20x128xi32, #tpu.memory_space<vmem>> -> memref<1x128xi32, #tpu.memory_space<vmem>>
    %dma_start3A_181 = tpu.memref_squeeze %dma_start3A_180 : memref<1x128xi32, #tpu.memory_space<vmem>> -> memref<128xi32, #tpu.memory_space<vmem>>
    %dma_start3A_182 = arith.constant 0 : i32
    %dma_start3A_183 = arith.constant 0 : i32
    %dma_start3A_184 = tpu.memref_slice %arg9[%dma_start3A_182, %dma_start3A_183] : memref<2048x48xf32, #tpu.memory_space<vmem_shared>> -> memref<2048x48xf32, #tpu.memory_space<vmem_shared>>
    tpu.enqueue_indirect_dma source(%dma_start3A_178 : memref<128x48xf32, #tpu.memory_space<vmem>>) target(%dma_start3A_184 : memref<2048x48xf32, #tpu.memory_space<vmem_shared>>) offsets(%dma_start3A_181 : memref<128xi32, #tpu.memory_space<vmem>>) semaphore(%arg13 : memref<!tpu.dma_semaphore, #tpu.memory_space<semaphore_mem>>) {add = true}
    %dma_wait3A_185 = arith.constant 5 : i32
    %dma_wait3A_186 = arith.constant 0 : i32
    %dma_wait3A_187 = arith.constant 0 : i32
    %dma_wait3A_188 = tpu.memref_slice %arg8[%dma_wait3A_186, %dma_wait3A_187] : memref<640x48xf32, #tpu.memory_space<vmem>> -> memref<128x48xf32, #tpu.memory_space<vmem>>
    %dma_wait3A_189 = arith.constant 0 : i32
    %dma_wait3A_190 = tpu.memref_slice %arg6[%dma_wait3A_185, %dma_wait3A_189] : memref<20x128xi32, #tpu.memory_space<vmem>> -> memref<1x128xi32, #tpu.memory_space<vmem>>
    %dma_wait3A_191 = tpu.memref_squeeze %dma_wait3A_190 : memref<1x128xi32, #tpu.memory_space<vmem>> -> memref<128xi32, #tpu.memory_space<vmem>>
    %dma_wait3A_192 = arith.constant 0 : i32
    %dma_wait3A_193 = arith.constant 0 : i32
    %dma_wait3A_194 = tpu.memref_slice %arg9[%dma_wait3A_192, %dma_wait3A_193] : memref<2048x48xf32, #tpu.memory_space<vmem_shared>> -> memref<2048x48xf32, #tpu.memory_space<vmem_shared>>
    tpu.wait_indirect_dma semaphore(%arg13 : memref<!tpu.dma_semaphore, #tpu.memory_space<semaphore_mem>>) src(%dma_wait3A_188 : memref<128x48xf32, #tpu.memory_space<vmem>>) dst(%dma_wait3A_194 : memref<2048x48xf32, #tpu.memory_space<vmem_shared>>)
    %dma_wait3A_195 = arith.constant 6 : i32
    %dma_wait3A_196 = arith.constant 128 : i32
    %dma_wait3A_197 = arith.constant 0 : i32
    %dma_wait3A_198 = tpu.memref_slice %arg8[%dma_wait3A_196, %dma_wait3A_197] : memref<640x48xf32, #tpu.memory_space<vmem>> -> memref<128x48xf32, #tpu.memory_space<vmem>>
    %dma_wait3A_199 = arith.constant 0 : i32
    %dma_wait3A_200 = tpu.memref_slice %arg6[%dma_wait3A_195, %dma_wait3A_199] : memref<20x128xi32, #tpu.memory_space<vmem>> -> memref<1x128xi32, #tpu.memory_space<vmem>>
    %dma_wait3A_201 = tpu.memref_squeeze %dma_wait3A_200 : memref<1x128xi32, #tpu.memory_space<vmem>> -> memref<128xi32, #tpu.memory_space<vmem>>
    %dma_wait3A_202 = arith.constant 0 : i32
    %dma_wait3A_203 = arith.constant 0 : i32
    %dma_wait3A_204 = tpu.memref_slice %arg9[%dma_wait3A_202, %dma_wait3A_203] : memref<2048x48xf32, #tpu.memory_space<vmem_shared>> -> memref<2048x48xf32, #tpu.memory_space<vmem_shared>>
    tpu.wait_indirect_dma semaphore(%arg13 : memref<!tpu.dma_semaphore, #tpu.memory_space<semaphore_mem>>) src(%dma_wait3A_198 : memref<128x48xf32, #tpu.memory_space<vmem>>) dst(%dma_wait3A_204 : memref<2048x48xf32, #tpu.memory_space<vmem_shared>>)
    %dma_wait3A_205 = arith.constant 7 : i32
    %dma_wait3A_206 = arith.constant 256 : i32
    %dma_wait3A_207 = arith.constant 0 : i32
    %dma_wait3A_208 = tpu.memref_slice %arg8[%dma_wait3A_206, %dma_wait3A_207] : memref<640x48xf32, #tpu.memory_space<vmem>> -> memref<128x48xf32, #tpu.memory_space<vmem>>
    %dma_wait3A_209 = arith.constant 0 : i32
    %dma_wait3A_210 = tpu.memref_slice %arg6[%dma_wait3A_205, %dma_wait3A_209] : memref<20x128xi32, #tpu.memory_space<vmem>> -> memref<1x128xi32, #tpu.memory_space<vmem>>
    %dma_wait3A_211 = tpu.memref_squeeze %dma_wait3A_210 : memref<1x128xi32, #tpu.memory_space<vmem>> -> memref<128xi32, #tpu.memory_space<vmem>>
    %dma_wait3A_212 = arith.constant 0 : i32
    %dma_wait3A_213 = arith.constant 0 : i32
    %dma_wait3A_214 = tpu.memref_slice %arg9[%dma_wait3A_212, %dma_wait3A_213] : memref<2048x48xf32, #tpu.memory_space<vmem_shared>> -> memref<2048x48xf32, #tpu.memory_space<vmem_shared>>
    tpu.wait_indirect_dma semaphore(%arg13 : memref<!tpu.dma_semaphore, #tpu.memory_space<semaphore_mem>>) src(%dma_wait3A_208 : memref<128x48xf32, #tpu.memory_space<vmem>>) dst(%dma_wait3A_214 : memref<2048x48xf32, #tpu.memory_space<vmem_shared>>)
    %dma_wait3A_215 = arith.constant 8 : i32
    %dma_wait3A_216 = arith.constant 384 : i32
    %dma_wait3A_217 = arith.constant 0 : i32
    %dma_wait3A_218 = tpu.memref_slice %arg8[%dma_wait3A_216, %dma_wait3A_217] : memref<640x48xf32, #tpu.memory_space<vmem>> -> memref<128x48xf32, #tpu.memory_space<vmem>>
    %dma_wait3A_219 = arith.constant 0 : i32
    %dma_wait3A_220 = tpu.memref_slice %arg6[%dma_wait3A_215, %dma_wait3A_219] : memref<20x128xi32, #tpu.memory_space<vmem>> -> memref<1x128xi32, #tpu.memory_space<vmem>>
    %dma_wait3A_221 = tpu.memref_squeeze %dma_wait3A_220 : memref<1x128xi32, #tpu.memory_space<vmem>> -> memref<128xi32, #tpu.memory_space<vmem>>
    %dma_wait3A_222 = arith.constant 0 : i32
    %dma_wait3A_223 = arith.constant 0 : i32
    %dma_wait3A_224 = tpu.memref_slice %arg9[%dma_wait3A_222, %dma_wait3A_223] : memref<2048x48xf32, #tpu.memory_space<vmem_shared>> -> memref<2048x48xf32, #tpu.memory_space<vmem_shared>>
    tpu.wait_indirect_dma semaphore(%arg13 : memref<!tpu.dma_semaphore, #tpu.memory_space<semaphore_mem>>) src(%dma_wait3A_218 : memref<128x48xf32, #tpu.memory_space<vmem>>) dst(%dma_wait3A_224 : memref<2048x48xf32, #tpu.memory_space<vmem_shared>>)
    %dma_wait3A_225 = arith.constant 9 : i32
    %dma_wait3A_226 = arith.constant 512 : i32
    %dma_wait3A_227 = arith.constant 0 : i32
    %dma_wait3A_228 = tpu.memref_slice %arg8[%dma_wait3A_226, %dma_wait3A_227] : memref<640x48xf32, #tpu.memory_space<vmem>> -> memref<128x48xf32, #tpu.memory_space<vmem>>
    %dma_wait3A_229 = arith.constant 0 : i32
    %dma_wait3A_230 = tpu.memref_slice %arg6[%dma_wait3A_225, %dma_wait3A_229] : memref<20x128xi32, #tpu.memory_space<vmem>> -> memref<1x128xi32, #tpu.memory_space<vmem>>
    %dma_wait3A_231 = tpu.memref_squeeze %dma_wait3A_230 : memref<1x128xi32, #tpu.memory_space<vmem>> -> memref<128xi32, #tpu.memory_space<vmem>>
    %dma_wait3A_232 = arith.constant 0 : i32
    %dma_wait3A_233 = arith.constant 0 : i32
    %dma_wait3A_234 = tpu.memref_slice %arg9[%dma_wait3A_232, %dma_wait3A_233] : memref<2048x48xf32, #tpu.memory_space<vmem_shared>> -> memref<2048x48xf32, #tpu.memory_space<vmem_shared>>
    tpu.wait_indirect_dma semaphore(%arg13 : memref<!tpu.dma_semaphore, #tpu.memory_space<semaphore_mem>>) src(%dma_wait3A_228 : memref<128x48xf32, #tpu.memory_space<vmem>>) dst(%dma_wait3A_234 : memref<2048x48xf32, #tpu.memory_space<vmem_shared>>)
    %add3A_235 = arith.constant 15 : i32
    %add3A_236 = arith.addi %mul3A_4, %add3A_235 : i32
    %mul3A_237 = arith.constant 128 : i32
    %mul3A_238 = arith.muli %add3A_236, %mul3A_237 : i32
    %dma_start3A_239 = arith.constant 0 : i32
    %dma_start3A_240 = tpu.memref_slice %arg2[%mul3A_238, %dma_start3A_239] : memref<81920x48xf32, #tpu.memory_space<hbm>> -> memref<640x48xf32, #tpu.memory_space<hbm>>
    %dma_start3A_241 = arith.constant 0 : i32
    %dma_start3A_242 = tpu.memref_slice %arg2[%mul3A_238, %dma_start3A_241] : memref<81920x48xf32, #tpu.memory_space<hbm>> -> memref<640x48xf32, #tpu.memory_space<hbm>>
    tpu.enqueue_dma source(%dma_start3A_242 : memref<640x48xf32, #tpu.memory_space<hbm>>) target(%arg8 : memref<640x48xf32, #tpu.memory_space<vmem>>) target_semaphore(%arg11 : memref<!tpu.dma_semaphore, #tpu.memory_space<semaphore_mem>>)
    %dma_wait3A_243 = arith.constant 0 : i32
    %dma_wait3A_244 = tpu.memref_slice %arg2[%mul3A_126, %dma_wait3A_243] : memref<81920x48xf32, #tpu.memory_space<hbm>> -> memref<640x48xf32, #tpu.memory_space<hbm>>
    %dma_wait3A_245 = arith.constant 0 : i32
    %dma_wait3A_246 = tpu.memref_slice %arg2[%mul3A_126, %dma_wait3A_245] : memref<81920x48xf32, #tpu.memory_space<hbm>> -> memref<640x48xf32, #tpu.memory_space<hbm>>
    tpu.wait_dma2 semaphore(%arg10 : memref<!tpu.dma_semaphore, #tpu.memory_space<semaphore_mem>>) src(%dma_wait3A_246 : memref<640x48xf32, #tpu.memory_space<hbm>>) dst(%arg7 : memref<640x48xf32, #tpu.memory_space<vmem>>)
    %dma_start3A_247 = arith.constant 10 : i32
    %dma_start3A_248 = arith.constant 0 : i32
    %dma_start3A_249 = arith.constant 0 : i32
    %dma_start3A_250 = tpu.memref_slice %arg7[%dma_start3A_248, %dma_start3A_249] : memref<640x48xf32, #tpu.memory_space<vmem>> -> memref<128x48xf32, #tpu.memory_space<vmem>>
    %dma_start3A_251 = arith.constant 0 : i32
    %dma_start3A_252 = tpu.memref_slice %arg6[%dma_start3A_247, %dma_start3A_251] : memref<20x128xi32, #tpu.memory_space<vmem>> -> memref<1x128xi32, #tpu.memory_space<vmem>>
    %dma_start3A_253 = tpu.memref_squeeze %dma_start3A_252 : memref<1x128xi32, #tpu.memory_space<vmem>> -> memref<128xi32, #tpu.memory_space<vmem>>
    %dma_start3A_254 = arith.constant 0 : i32
    %dma_start3A_255 = arith.constant 0 : i32
    %dma_start3A_256 = tpu.memref_slice %arg9[%dma_start3A_254, %dma_start3A_255] : memref<2048x48xf32, #tpu.memory_space<vmem_shared>> -> memref<2048x48xf32, #tpu.memory_space<vmem_shared>>
    tpu.enqueue_indirect_dma source(%dma_start3A_250 : memref<128x48xf32, #tpu.memory_space<vmem>>) target(%dma_start3A_256 : memref<2048x48xf32, #tpu.memory_space<vmem_shared>>) offsets(%dma_start3A_253 : memref<128xi32, #tpu.memory_space<vmem>>) semaphore(%arg12 : memref<!tpu.dma_semaphore, #tpu.memory_space<semaphore_mem>>) {add = true}
    %dma_start3A_257 = arith.constant 11 : i32
    %dma_start3A_258 = arith.constant 128 : i32
    %dma_start3A_259 = arith.constant 0 : i32
    %dma_start3A_260 = tpu.memref_slice %arg7[%dma_start3A_258, %dma_start3A_259] : memref<640x48xf32, #tpu.memory_space<vmem>> -> memref<128x48xf32, #tpu.memory_space<vmem>>
    %dma_start3A_261 = arith.constant 0 : i32
    %dma_start3A_262 = tpu.memref_slice %arg6[%dma_start3A_257, %dma_start3A_261] : memref<20x128xi32, #tpu.memory_space<vmem>> -> memref<1x128xi32, #tpu.memory_space<vmem>>
    %dma_start3A_263 = tpu.memref_squeeze %dma_start3A_262 : memref<1x128xi32, #tpu.memory_space<vmem>> -> memref<128xi32, #tpu.memory_space<vmem>>
    %dma_start3A_264 = arith.constant 0 : i32
    %dma_start3A_265 = arith.constant 0 : i32
    %dma_start3A_266 = tpu.memref_slice %arg9[%dma_start3A_264, %dma_start3A_265] : memref<2048x48xf32, #tpu.memory_space<vmem_shared>> -> memref<2048x48xf32, #tpu.memory_space<vmem_shared>>
    tpu.enqueue_indirect_dma source(%dma_start3A_260 : memref<128x48xf32, #tpu.memory_space<vmem>>) target(%dma_start3A_266 : memref<2048x48xf32, #tpu.memory_space<vmem_shared>>) offsets(%dma_start3A_263 : memref<128xi32, #tpu.memory_space<vmem>>) semaphore(%arg12 : memref<!tpu.dma_semaphore, #tpu.memory_space<semaphore_mem>>) {add = true}
    %dma_start3A_267 = arith.constant 12 : i32
    %dma_start3A_268 = arith.constant 256 : i32
    %dma_start3A_269 = arith.constant 0 : i32
    %dma_start3A_270 = tpu.memref_slice %arg7[%dma_start3A_268, %dma_start3A_269] : memref<640x48xf32, #tpu.memory_space<vmem>> -> memref<128x48xf32, #tpu.memory_space<vmem>>
    %dma_start3A_271 = arith.constant 0 : i32
    %dma_start3A_272 = tpu.memref_slice %arg6[%dma_start3A_267, %dma_start3A_271] : memref<20x128xi32, #tpu.memory_space<vmem>> -> memref<1x128xi32, #tpu.memory_space<vmem>>
    %dma_start3A_273 = tpu.memref_squeeze %dma_start3A_272 : memref<1x128xi32, #tpu.memory_space<vmem>> -> memref<128xi32, #tpu.memory_space<vmem>>
    %dma_start3A_274 = arith.constant 0 : i32
    %dma_start3A_275 = arith.constant 0 : i32
    %dma_start3A_276 = tpu.memref_slice %arg9[%dma_start3A_274, %dma_start3A_275] : memref<2048x48xf32, #tpu.memory_space<vmem_shared>> -> memref<2048x48xf32, #tpu.memory_space<vmem_shared>>
    tpu.enqueue_indirect_dma source(%dma_start3A_270 : memref<128x48xf32, #tpu.memory_space<vmem>>) target(%dma_start3A_276 : memref<2048x48xf32, #tpu.memory_space<vmem_shared>>) offsets(%dma_start3A_273 : memref<128xi32, #tpu.memory_space<vmem>>) semaphore(%arg12 : memref<!tpu.dma_semaphore, #tpu.memory_space<semaphore_mem>>) {add = true}
    %dma_start3A_277 = arith.constant 13 : i32
    %dma_start3A_278 = arith.constant 384 : i32
    %dma_start3A_279 = arith.constant 0 : i32
    %dma_start3A_280 = tpu.memref_slice %arg7[%dma_start3A_278, %dma_start3A_279] : memref<640x48xf32, #tpu.memory_space<vmem>> -> memref<128x48xf32, #tpu.memory_space<vmem>>
    %dma_start3A_281 = arith.constant 0 : i32
    %dma_start3A_282 = tpu.memref_slice %arg6[%dma_start3A_277, %dma_start3A_281] : memref<20x128xi32, #tpu.memory_space<vmem>> -> memref<1x128xi32, #tpu.memory_space<vmem>>
    %dma_start3A_283 = tpu.memref_squeeze %dma_start3A_282 : memref<1x128xi32, #tpu.memory_space<vmem>> -> memref<128xi32, #tpu.memory_space<vmem>>
    %dma_start3A_284 = arith.constant 0 : i32
    %dma_start3A_285 = arith.constant 0 : i32
    %dma_start3A_286 = tpu.memref_slice %arg9[%dma_start3A_284, %dma_start3A_285] : memref<2048x48xf32, #tpu.memory_space<vmem_shared>> -> memref<2048x48xf32, #tpu.memory_space<vmem_shared>>
    tpu.enqueue_indirect_dma source(%dma_start3A_280 : memref<128x48xf32, #tpu.memory_space<vmem>>) target(%dma_start3A_286 : memref<2048x48xf32, #tpu.memory_space<vmem_shared>>) offsets(%dma_start3A_283 : memref<128xi32, #tpu.memory_space<vmem>>) semaphore(%arg12 : memref<!tpu.dma_semaphore, #tpu.memory_space<semaphore_mem>>) {add = true}
    %dma_start3A_287 = arith.constant 14 : i32
    %dma_start3A_288 = arith.constant 512 : i32
    %dma_start3A_289 = arith.constant 0 : i32
    %dma_start3A_290 = tpu.memref_slice %arg7[%dma_start3A_288, %dma_start3A_289] : memref<640x48xf32, #tpu.memory_space<vmem>> -> memref<128x48xf32, #tpu.memory_space<vmem>>
    %dma_start3A_291 = arith.constant 0 : i32
    %dma_start3A_292 = tpu.memref_slice %arg6[%dma_start3A_287, %dma_start3A_291] : memref<20x128xi32, #tpu.memory_space<vmem>> -> memref<1x128xi32, #tpu.memory_space<vmem>>
    %dma_start3A_293 = tpu.memref_squeeze %dma_start3A_292 : memref<1x128xi32, #tpu.memory_space<vmem>> -> memref<128xi32, #tpu.memory_space<vmem>>
    %dma_start3A_294 = arith.constant 0 : i32
    %dma_start3A_295 = arith.constant 0 : i32
    %dma_start3A_296 = tpu.memref_slice %arg9[%dma_start3A_294, %dma_start3A_295] : memref<2048x48xf32, #tpu.memory_space<vmem_shared>> -> memref<2048x48xf32, #tpu.memory_space<vmem_shared>>
    tpu.enqueue_indirect_dma source(%dma_start3A_290 : memref<128x48xf32, #tpu.memory_space<vmem>>) target(%dma_start3A_296 : memref<2048x48xf32, #tpu.memory_space<vmem_shared>>) offsets(%dma_start3A_293 : memref<128xi32, #tpu.memory_space<vmem>>) semaphore(%arg12 : memref<!tpu.dma_semaphore, #tpu.memory_space<semaphore_mem>>) {add = true}
    %dma_wait3A_297 = arith.constant 0 : i32
    %dma_wait3A_298 = tpu.memref_slice %arg2[%mul3A_238, %dma_wait3A_297] : memref<81920x48xf32, #tpu.memory_space<hbm>> -> memref<640x48xf32, #tpu.memory_space<hbm>>
    %dma_wait3A_299 = arith.constant 0 : i32
    %dma_wait3A_300 = tpu.memref_slice %arg2[%mul3A_238, %dma_wait3A_299] : memref<81920x48xf32, #tpu.memory_space<hbm>> -> memref<640x48xf32, #tpu.memory_space<hbm>>
    tpu.wait_dma2 semaphore(%arg11 : memref<!tpu.dma_semaphore, #tpu.memory_space<semaphore_mem>>) src(%dma_wait3A_300 : memref<640x48xf32, #tpu.memory_space<hbm>>) dst(%arg8 : memref<640x48xf32, #tpu.memory_space<vmem>>)
    %dma_start3A_301 = arith.constant 15 : i32
    %dma_start3A_302 = arith.constant 0 : i32
    %dma_start3A_303 = arith.constant 0 : i32
    %dma_start3A_304 = tpu.memref_slice %arg8[%dma_start3A_302, %dma_start3A_303] : memref<640x48xf32, #tpu.memory_space<vmem>> -> memref<128x48xf32, #tpu.memory_space<vmem>>
    %dma_start3A_305 = arith.constant 0 : i32
    %dma_start3A_306 = tpu.memref_slice %arg6[%dma_start3A_301, %dma_start3A_305] : memref<20x128xi32, #tpu.memory_space<vmem>> -> memref<1x128xi32, #tpu.memory_space<vmem>>
    %dma_start3A_307 = tpu.memref_squeeze %dma_start3A_306 : memref<1x128xi32, #tpu.memory_space<vmem>> -> memref<128xi32, #tpu.memory_space<vmem>>
    %dma_start3A_308 = arith.constant 0 : i32
    %dma_start3A_309 = arith.constant 0 : i32
    %dma_start3A_310 = tpu.memref_slice %arg9[%dma_start3A_308, %dma_start3A_309] : memref<2048x48xf32, #tpu.memory_space<vmem_shared>> -> memref<2048x48xf32, #tpu.memory_space<vmem_shared>>
    tpu.enqueue_indirect_dma source(%dma_start3A_304 : memref<128x48xf32, #tpu.memory_space<vmem>>) target(%dma_start3A_310 : memref<2048x48xf32, #tpu.memory_space<vmem_shared>>) offsets(%dma_start3A_307 : memref<128xi32, #tpu.memory_space<vmem>>) semaphore(%arg13 : memref<!tpu.dma_semaphore, #tpu.memory_space<semaphore_mem>>) {add = true}
    %dma_start3A_311 = arith.constant 16 : i32
    %dma_start3A_312 = arith.constant 128 : i32
    %dma_start3A_313 = arith.constant 0 : i32
    %dma_start3A_314 = tpu.memref_slice %arg8[%dma_start3A_312, %dma_start3A_313] : memref<640x48xf32, #tpu.memory_space<vmem>> -> memref<128x48xf32, #tpu.memory_space<vmem>>
    %dma_start3A_315 = arith.constant 0 : i32
    %dma_start3A_316 = tpu.memref_slice %arg6[%dma_start3A_311, %dma_start3A_315] : memref<20x128xi32, #tpu.memory_space<vmem>> -> memref<1x128xi32, #tpu.memory_space<vmem>>
    %dma_start3A_317 = tpu.memref_squeeze %dma_start3A_316 : memref<1x128xi32, #tpu.memory_space<vmem>> -> memref<128xi32, #tpu.memory_space<vmem>>
    %dma_start3A_318 = arith.constant 0 : i32
    %dma_start3A_319 = arith.constant 0 : i32
    %dma_start3A_320 = tpu.memref_slice %arg9[%dma_start3A_318, %dma_start3A_319] : memref<2048x48xf32, #tpu.memory_space<vmem_shared>> -> memref<2048x48xf32, #tpu.memory_space<vmem_shared>>
    tpu.enqueue_indirect_dma source(%dma_start3A_314 : memref<128x48xf32, #tpu.memory_space<vmem>>) target(%dma_start3A_320 : memref<2048x48xf32, #tpu.memory_space<vmem_shared>>) offsets(%dma_start3A_317 : memref<128xi32, #tpu.memory_space<vmem>>) semaphore(%arg13 : memref<!tpu.dma_semaphore, #tpu.memory_space<semaphore_mem>>) {add = true}
    %dma_start3A_321 = arith.constant 17 : i32
    %dma_start3A_322 = arith.constant 256 : i32
    %dma_start3A_323 = arith.constant 0 : i32
    %dma_start3A_324 = tpu.memref_slice %arg8[%dma_start3A_322, %dma_start3A_323] : memref<640x48xf32, #tpu.memory_space<vmem>> -> memref<128x48xf32, #tpu.memory_space<vmem>>
    %dma_start3A_325 = arith.constant 0 : i32
    %dma_start3A_326 = tpu.memref_slice %arg6[%dma_start3A_321, %dma_start3A_325] : memref<20x128xi32, #tpu.memory_space<vmem>> -> memref<1x128xi32, #tpu.memory_space<vmem>>
    %dma_start3A_327 = tpu.memref_squeeze %dma_start3A_326 : memref<1x128xi32, #tpu.memory_space<vmem>> -> memref<128xi32, #tpu.memory_space<vmem>>
    %dma_start3A_328 = arith.constant 0 : i32
    %dma_start3A_329 = arith.constant 0 : i32
    %dma_start3A_330 = tpu.memref_slice %arg9[%dma_start3A_328, %dma_start3A_329] : memref<2048x48xf32, #tpu.memory_space<vmem_shared>> -> memref<2048x48xf32, #tpu.memory_space<vmem_shared>>
    tpu.enqueue_indirect_dma source(%dma_start3A_324 : memref<128x48xf32, #tpu.memory_space<vmem>>) target(%dma_start3A_330 : memref<2048x48xf32, #tpu.memory_space<vmem_shared>>) offsets(%dma_start3A_327 : memref<128xi32, #tpu.memory_space<vmem>>) semaphore(%arg13 : memref<!tpu.dma_semaphore, #tpu.memory_space<semaphore_mem>>) {add = true}
    %dma_start3A_331 = arith.constant 18 : i32
    %dma_start3A_332 = arith.constant 384 : i32
    %dma_start3A_333 = arith.constant 0 : i32
    %dma_start3A_334 = tpu.memref_slice %arg8[%dma_start3A_332, %dma_start3A_333] : memref<640x48xf32, #tpu.memory_space<vmem>> -> memref<128x48xf32, #tpu.memory_space<vmem>>
    %dma_start3A_335 = arith.constant 0 : i32
    %dma_start3A_336 = tpu.memref_slice %arg6[%dma_start3A_331, %dma_start3A_335] : memref<20x128xi32, #tpu.memory_space<vmem>> -> memref<1x128xi32, #tpu.memory_space<vmem>>
    %dma_start3A_337 = tpu.memref_squeeze %dma_start3A_336 : memref<1x128xi32, #tpu.memory_space<vmem>> -> memref<128xi32, #tpu.memory_space<vmem>>
    %dma_start3A_338 = arith.constant 0 : i32
    %dma_start3A_339 = arith.constant 0 : i32
    %dma_start3A_340 = tpu.memref_slice %arg9[%dma_start3A_338, %dma_start3A_339] : memref<2048x48xf32, #tpu.memory_space<vmem_shared>> -> memref<2048x48xf32, #tpu.memory_space<vmem_shared>>
    tpu.enqueue_indirect_dma source(%dma_start3A_334 : memref<128x48xf32, #tpu.memory_space<vmem>>) target(%dma_start3A_340 : memref<2048x48xf32, #tpu.memory_space<vmem_shared>>) offsets(%dma_start3A_337 : memref<128xi32, #tpu.memory_space<vmem>>) semaphore(%arg13 : memref<!tpu.dma_semaphore, #tpu.memory_space<semaphore_mem>>) {add = true}
    %dma_start3A_341 = arith.constant 19 : i32
    %dma_start3A_342 = arith.constant 512 : i32
    %dma_start3A_343 = arith.constant 0 : i32
    %dma_start3A_344 = tpu.memref_slice %arg8[%dma_start3A_342, %dma_start3A_343] : memref<640x48xf32, #tpu.memory_space<vmem>> -> memref<128x48xf32, #tpu.memory_space<vmem>>
    %dma_start3A_345 = arith.constant 0 : i32
    %dma_start3A_346 = tpu.memref_slice %arg6[%dma_start3A_341, %dma_start3A_345] : memref<20x128xi32, #tpu.memory_space<vmem>> -> memref<1x128xi32, #tpu.memory_space<vmem>>
    %dma_start3A_347 = tpu.memref_squeeze %dma_start3A_346 : memref<1x128xi32, #tpu.memory_space<vmem>> -> memref<128xi32, #tpu.memory_space<vmem>>
    %dma_start3A_348 = arith.constant 0 : i32
    %dma_start3A_349 = arith.constant 0 : i32
    %dma_start3A_350 = tpu.memref_slice %arg9[%dma_start3A_348, %dma_start3A_349] : memref<2048x48xf32, #tpu.memory_space<vmem_shared>> -> memref<2048x48xf32, #tpu.memory_space<vmem_shared>>
    tpu.enqueue_indirect_dma source(%dma_start3A_344 : memref<128x48xf32, #tpu.memory_space<vmem>>) target(%dma_start3A_350 : memref<2048x48xf32, #tpu.memory_space<vmem_shared>>) offsets(%dma_start3A_347 : memref<128xi32, #tpu.memory_space<vmem>>) semaphore(%arg13 : memref<!tpu.dma_semaphore, #tpu.memory_space<semaphore_mem>>) {add = true}
    %dma_wait3A_351 = arith.constant 10 : i32
    %dma_wait3A_352 = arith.constant 0 : i32
    %dma_wait3A_353 = arith.constant 0 : i32
    %dma_wait3A_354 = tpu.memref_slice %arg7[%dma_wait3A_352, %dma_wait3A_353] : memref<640x48xf32, #tpu.memory_space<vmem>> -> memref<128x48xf32, #tpu.memory_space<vmem>>
    %dma_wait3A_355 = arith.constant 0 : i32
    %dma_wait3A_356 = tpu.memref_slice %arg6[%dma_wait3A_351, %dma_wait3A_355] : memref<20x128xi32, #tpu.memory_space<vmem>> -> memref<1x128xi32, #tpu.memory_space<vmem>>
    %dma_wait3A_357 = tpu.memref_squeeze %dma_wait3A_356 : memref<1x128xi32, #tpu.memory_space<vmem>> -> memref<128xi32, #tpu.memory_space<vmem>>
    %dma_wait3A_358 = arith.constant 0 : i32
    %dma_wait3A_359 = arith.constant 0 : i32
    %dma_wait3A_360 = tpu.memref_slice %arg9[%dma_wait3A_358, %dma_wait3A_359] : memref<2048x48xf32, #tpu.memory_space<vmem_shared>> -> memref<2048x48xf32, #tpu.memory_space<vmem_shared>>
    tpu.wait_indirect_dma semaphore(%arg12 : memref<!tpu.dma_semaphore, #tpu.memory_space<semaphore_mem>>) src(%dma_wait3A_354 : memref<128x48xf32, #tpu.memory_space<vmem>>) dst(%dma_wait3A_360 : memref<2048x48xf32, #tpu.memory_space<vmem_shared>>)
    %dma_wait3A_361 = arith.constant 11 : i32
    %dma_wait3A_362 = arith.constant 128 : i32
    %dma_wait3A_363 = arith.constant 0 : i32
    %dma_wait3A_364 = tpu.memref_slice %arg7[%dma_wait3A_362, %dma_wait3A_363] : memref<640x48xf32, #tpu.memory_space<vmem>> -> memref<128x48xf32, #tpu.memory_space<vmem>>
    %dma_wait3A_365 = arith.constant 0 : i32
    %dma_wait3A_366 = tpu.memref_slice %arg6[%dma_wait3A_361, %dma_wait3A_365] : memref<20x128xi32, #tpu.memory_space<vmem>> -> memref<1x128xi32, #tpu.memory_space<vmem>>
    %dma_wait3A_367 = tpu.memref_squeeze %dma_wait3A_366 : memref<1x128xi32, #tpu.memory_space<vmem>> -> memref<128xi32, #tpu.memory_space<vmem>>
    %dma_wait3A_368 = arith.constant 0 : i32
    %dma_wait3A_369 = arith.constant 0 : i32
    %dma_wait3A_370 = tpu.memref_slice %arg9[%dma_wait3A_368, %dma_wait3A_369] : memref<2048x48xf32, #tpu.memory_space<vmem_shared>> -> memref<2048x48xf32, #tpu.memory_space<vmem_shared>>
    tpu.wait_indirect_dma semaphore(%arg12 : memref<!tpu.dma_semaphore, #tpu.memory_space<semaphore_mem>>) src(%dma_wait3A_364 : memref<128x48xf32, #tpu.memory_space<vmem>>) dst(%dma_wait3A_370 : memref<2048x48xf32, #tpu.memory_space<vmem_shared>>)
    %dma_wait3A_371 = arith.constant 12 : i32
    %dma_wait3A_372 = arith.constant 256 : i32
    %dma_wait3A_373 = arith.constant 0 : i32
    %dma_wait3A_374 = tpu.memref_slice %arg7[%dma_wait3A_372, %dma_wait3A_373] : memref<640x48xf32, #tpu.memory_space<vmem>> -> memref<128x48xf32, #tpu.memory_space<vmem>>
    %dma_wait3A_375 = arith.constant 0 : i32
    %dma_wait3A_376 = tpu.memref_slice %arg6[%dma_wait3A_371, %dma_wait3A_375] : memref<20x128xi32, #tpu.memory_space<vmem>> -> memref<1x128xi32, #tpu.memory_space<vmem>>
    %dma_wait3A_377 = tpu.memref_squeeze %dma_wait3A_376 : memref<1x128xi32, #tpu.memory_space<vmem>> -> memref<128xi32, #tpu.memory_space<vmem>>
    %dma_wait3A_378 = arith.constant 0 : i32
    %dma_wait3A_379 = arith.constant 0 : i32
    %dma_wait3A_380 = tpu.memref_slice %arg9[%dma_wait3A_378, %dma_wait3A_379] : memref<2048x48xf32, #tpu.memory_space<vmem_shared>> -> memref<2048x48xf32, #tpu.memory_space<vmem_shared>>
    tpu.wait_indirect_dma semaphore(%arg12 : memref<!tpu.dma_semaphore, #tpu.memory_space<semaphore_mem>>) src(%dma_wait3A_374 : memref<128x48xf32, #tpu.memory_space<vmem>>) dst(%dma_wait3A_380 : memref<2048x48xf32, #tpu.memory_space<vmem_shared>>)
    %dma_wait3A_381 = arith.constant 13 : i32
    %dma_wait3A_382 = arith.constant 384 : i32
    %dma_wait3A_383 = arith.constant 0 : i32
    %dma_wait3A_384 = tpu.memref_slice %arg7[%dma_wait3A_382, %dma_wait3A_383] : memref<640x48xf32, #tpu.memory_space<vmem>> -> memref<128x48xf32, #tpu.memory_space<vmem>>
    %dma_wait3A_385 = arith.constant 0 : i32
    %dma_wait3A_386 = tpu.memref_slice %arg6[%dma_wait3A_381, %dma_wait3A_385] : memref<20x128xi32, #tpu.memory_space<vmem>> -> memref<1x128xi32, #tpu.memory_space<vmem>>
    %dma_wait3A_387 = tpu.memref_squeeze %dma_wait3A_386 : memref<1x128xi32, #tpu.memory_space<vmem>> -> memref<128xi32, #tpu.memory_space<vmem>>
    %dma_wait3A_388 = arith.constant 0 : i32
    %dma_wait3A_389 = arith.constant 0 : i32
    %dma_wait3A_390 = tpu.memref_slice %arg9[%dma_wait3A_388, %dma_wait3A_389] : memref<2048x48xf32, #tpu.memory_space<vmem_shared>> -> memref<2048x48xf32, #tpu.memory_space<vmem_shared>>
    tpu.wait_indirect_dma semaphore(%arg12 : memref<!tpu.dma_semaphore, #tpu.memory_space<semaphore_mem>>) src(%dma_wait3A_384 : memref<128x48xf32, #tpu.memory_space<vmem>>) dst(%dma_wait3A_390 : memref<2048x48xf32, #tpu.memory_space<vmem_shared>>)
    %dma_wait3A_391 = arith.constant 14 : i32
    %dma_wait3A_392 = arith.constant 512 : i32
    %dma_wait3A_393 = arith.constant 0 : i32
    %dma_wait3A_394 = tpu.memref_slice %arg7[%dma_wait3A_392, %dma_wait3A_393] : memref<640x48xf32, #tpu.memory_space<vmem>> -> memref<128x48xf32, #tpu.memory_space<vmem>>
    %dma_wait3A_395 = arith.constant 0 : i32
    %dma_wait3A_396 = tpu.memref_slice %arg6[%dma_wait3A_391, %dma_wait3A_395] : memref<20x128xi32, #tpu.memory_space<vmem>> -> memref<1x128xi32, #tpu.memory_space<vmem>>
    %dma_wait3A_397 = tpu.memref_squeeze %dma_wait3A_396 : memref<1x128xi32, #tpu.memory_space<vmem>> -> memref<128xi32, #tpu.memory_space<vmem>>
    %dma_wait3A_398 = arith.constant 0 : i32
    %dma_wait3A_399 = arith.constant 0 : i32
    %dma_wait3A_400 = tpu.memref_slice %arg9[%dma_wait3A_398, %dma_wait3A_399] : memref<2048x48xf32, #tpu.memory_space<vmem_shared>> -> memref<2048x48xf32, #tpu.memory_space<vmem_shared>>
    tpu.wait_indirect_dma semaphore(%arg12 : memref<!tpu.dma_semaphore, #tpu.memory_space<semaphore_mem>>) src(%dma_wait3A_394 : memref<128x48xf32, #tpu.memory_space<vmem>>) dst(%dma_wait3A_400 : memref<2048x48xf32, #tpu.memory_space<vmem_shared>>)
    %dma_wait3A_401 = arith.constant 15 : i32
    %dma_wait3A_402 = arith.constant 0 : i32
    %dma_wait3A_403 = arith.constant 0 : i32
    %dma_wait3A_404 = tpu.memref_slice %arg8[%dma_wait3A_402, %dma_wait3A_403] : memref<640x48xf32, #tpu.memory_space<vmem>> -> memref<128x48xf32, #tpu.memory_space<vmem>>
    %dma_wait3A_405 = arith.constant 0 : i32
    %dma_wait3A_406 = tpu.memref_slice %arg6[%dma_wait3A_401, %dma_wait3A_405] : memref<20x128xi32, #tpu.memory_space<vmem>> -> memref<1x128xi32, #tpu.memory_space<vmem>>
    %dma_wait3A_407 = tpu.memref_squeeze %dma_wait3A_406 : memref<1x128xi32, #tpu.memory_space<vmem>> -> memref<128xi32, #tpu.memory_space<vmem>>
    %dma_wait3A_408 = arith.constant 0 : i32
    %dma_wait3A_409 = arith.constant 0 : i32
    %dma_wait3A_410 = tpu.memref_slice %arg9[%dma_wait3A_408, %dma_wait3A_409] : memref<2048x48xf32, #tpu.memory_space<vmem_shared>> -> memref<2048x48xf32, #tpu.memory_space<vmem_shared>>
    tpu.wait_indirect_dma semaphore(%arg13 : memref<!tpu.dma_semaphore, #tpu.memory_space<semaphore_mem>>) src(%dma_wait3A_404 : memref<128x48xf32, #tpu.memory_space<vmem>>) dst(%dma_wait3A_410 : memref<2048x48xf32, #tpu.memory_space<vmem_shared>>)
    %dma_wait3A_411 = arith.constant 16 : i32
    %dma_wait3A_412 = arith.constant 128 : i32
    %dma_wait3A_413 = arith.constant 0 : i32
    %dma_wait3A_414 = tpu.memref_slice %arg8[%dma_wait3A_412, %dma_wait3A_413] : memref<640x48xf32, #tpu.memory_space<vmem>> -> memref<128x48xf32, #tpu.memory_space<vmem>>
    %dma_wait3A_415 = arith.constant 0 : i32
    %dma_wait3A_416 = tpu.memref_slice %arg6[%dma_wait3A_411, %dma_wait3A_415] : memref<20x128xi32, #tpu.memory_space<vmem>> -> memref<1x128xi32, #tpu.memory_space<vmem>>
    %dma_wait3A_417 = tpu.memref_squeeze %dma_wait3A_416 : memref<1x128xi32, #tpu.memory_space<vmem>> -> memref<128xi32, #tpu.memory_space<vmem>>
    %dma_wait3A_418 = arith.constant 0 : i32
    %dma_wait3A_419 = arith.constant 0 : i32
    %dma_wait3A_420 = tpu.memref_slice %arg9[%dma_wait3A_418, %dma_wait3A_419] : memref<2048x48xf32, #tpu.memory_space<vmem_shared>> -> memref<2048x48xf32, #tpu.memory_space<vmem_shared>>
    tpu.wait_indirect_dma semaphore(%arg13 : memref<!tpu.dma_semaphore, #tpu.memory_space<semaphore_mem>>) src(%dma_wait3A_414 : memref<128x48xf32, #tpu.memory_space<vmem>>) dst(%dma_wait3A_420 : memref<2048x48xf32, #tpu.memory_space<vmem_shared>>)
    %dma_wait3A_421 = arith.constant 17 : i32
    %dma_wait3A_422 = arith.constant 256 : i32
    %dma_wait3A_423 = arith.constant 0 : i32
    %dma_wait3A_424 = tpu.memref_slice %arg8[%dma_wait3A_422, %dma_wait3A_423] : memref<640x48xf32, #tpu.memory_space<vmem>> -> memref<128x48xf32, #tpu.memory_space<vmem>>
    %dma_wait3A_425 = arith.constant 0 : i32
    %dma_wait3A_426 = tpu.memref_slice %arg6[%dma_wait3A_421, %dma_wait3A_425] : memref<20x128xi32, #tpu.memory_space<vmem>> -> memref<1x128xi32, #tpu.memory_space<vmem>>
    %dma_wait3A_427 = tpu.memref_squeeze %dma_wait3A_426 : memref<1x128xi32, #tpu.memory_space<vmem>> -> memref<128xi32, #tpu.memory_space<vmem>>
    %dma_wait3A_428 = arith.constant 0 : i32
    %dma_wait3A_429 = arith.constant 0 : i32
    %dma_wait3A_430 = tpu.memref_slice %arg9[%dma_wait3A_428, %dma_wait3A_429] : memref<2048x48xf32, #tpu.memory_space<vmem_shared>> -> memref<2048x48xf32, #tpu.memory_space<vmem_shared>>
    tpu.wait_indirect_dma semaphore(%arg13 : memref<!tpu.dma_semaphore, #tpu.memory_space<semaphore_mem>>) src(%dma_wait3A_424 : memref<128x48xf32, #tpu.memory_space<vmem>>) dst(%dma_wait3A_430 : memref<2048x48xf32, #tpu.memory_space<vmem_shared>>)
    %dma_wait3A_431 = arith.constant 18 : i32
    %dma_wait3A_432 = arith.constant 384 : i32
    %dma_wait3A_433 = arith.constant 0 : i32
    %dma_wait3A_434 = tpu.memref_slice %arg8[%dma_wait3A_432, %dma_wait3A_433] : memref<640x48xf32, #tpu.memory_space<vmem>> -> memref<128x48xf32, #tpu.memory_space<vmem>>
    %dma_wait3A_435 = arith.constant 0 : i32
    %dma_wait3A_436 = tpu.memref_slice %arg6[%dma_wait3A_431, %dma_wait3A_435] : memref<20x128xi32, #tpu.memory_space<vmem>> -> memref<1x128xi32, #tpu.memory_space<vmem>>
    %dma_wait3A_437 = tpu.memref_squeeze %dma_wait3A_436 : memref<1x128xi32, #tpu.memory_space<vmem>> -> memref<128xi32, #tpu.memory_space<vmem>>
    %dma_wait3A_438 = arith.constant 0 : i32
    %dma_wait3A_439 = arith.constant 0 : i32
    %dma_wait3A_440 = tpu.memref_slice %arg9[%dma_wait3A_438, %dma_wait3A_439] : memref<2048x48xf32, #tpu.memory_space<vmem_shared>> -> memref<2048x48xf32, #tpu.memory_space<vmem_shared>>
    tpu.wait_indirect_dma semaphore(%arg13 : memref<!tpu.dma_semaphore, #tpu.memory_space<semaphore_mem>>) src(%dma_wait3A_434 : memref<128x48xf32, #tpu.memory_space<vmem>>) dst(%dma_wait3A_440 : memref<2048x48xf32, #tpu.memory_space<vmem_shared>>)
    %dma_wait3A_441 = arith.constant 19 : i32
    %dma_wait3A_442 = arith.constant 512 : i32
    %dma_wait3A_443 = arith.constant 0 : i32
    %dma_wait3A_444 = tpu.memref_slice %arg8[%dma_wait3A_442, %dma_wait3A_443] : memref<640x48xf32, #tpu.memory_space<vmem>> -> memref<128x48xf32, #tpu.memory_space<vmem>>
    %dma_wait3A_445 = arith.constant 0 : i32
    %dma_wait3A_446 = tpu.memref_slice %arg6[%dma_wait3A_441, %dma_wait3A_445] : memref<20x128xi32, #tpu.memory_space<vmem>> -> memref<1x128xi32, #tpu.memory_space<vmem>>
    %dma_wait3A_447 = tpu.memref_squeeze %dma_wait3A_446 : memref<1x128xi32, #tpu.memory_space<vmem>> -> memref<128xi32, #tpu.memory_space<vmem>>
    %dma_wait3A_448 = arith.constant 0 : i32
    %dma_wait3A_449 = arith.constant 0 : i32
    %dma_wait3A_450 = tpu.memref_slice %arg9[%dma_wait3A_448, %dma_wait3A_449] : memref<2048x48xf32, #tpu.memory_space<vmem_shared>> -> memref<2048x48xf32, #tpu.memory_space<vmem_shared>>
    tpu.wait_indirect_dma semaphore(%arg13 : memref<!tpu.dma_semaphore, #tpu.memory_space<semaphore_mem>>) src(%dma_wait3A_444 : memref<128x48xf32, #tpu.memory_space<vmem>>) dst(%dma_wait3A_450 : memref<2048x48xf32, #tpu.memory_space<vmem_shared>>)
    %barrier3A_451 = arith.constant 0 : index
    tpu.barrier barrier_id(%barrier3A_451)
    %eq3A_452 = arith.constant 0 : i32
    %eq3A_453 = arith.cmpi eq, %arg1, %eq3A_452 : i32
    %convert_element_type3A_454 = arith.extui %eq3A_453 : i1 to i32
    %cond3A_455 = arith.constant 0 : i32
    %cond3A_456 = arith.cmpi ne, %convert_element_type3A_454, %cond3A_455 : i32
    scf.if %cond3A_456 {
      "tpu.region"() ({
        %run_scoped3A = tpu.sem_alloc : memref<!tpu.dma_semaphore, #tpu.memory_space<semaphore_mem>>
        %dma_start3A_457 = arith.constant 0 : i32
        %dma_start3A_458 = arith.constant 0 : i32
        %dma_start3A_459 = tpu.memref_slice %arg5[%arg0, %dma_start3A_457, %dma_start3A_458] : memref<2x2048x48xf32, #tpu.memory_space<hbm>> -> memref<1x2048x48xf32, #tpu.memory_space<hbm>>
        %dma_start3A_460 = tpu.memref_squeeze %dma_start3A_459 : memref<1x2048x48xf32, #tpu.memory_space<hbm>> -> memref<2048x48xf32, #tpu.memory_space<hbm>>
        tpu.enqueue_dma source(%arg9 : memref<2048x48xf32, #tpu.memory_space<vmem_shared>>) target(%dma_start3A_460 : memref<2048x48xf32, #tpu.memory_space<hbm>>) target_semaphore(%run_scoped3A : memref<!tpu.dma_semaphore, #tpu.memory_space<semaphore_mem>>)
        %dma_wait3A_461 = arith.constant 0 : i32
        %dma_wait3A_462 = arith.constant 0 : i32
        %dma_wait3A_463 = tpu.memref_slice %arg5[%arg0, %dma_wait3A_461, %dma_wait3A_462] : memref<2x2048x48xf32, #tpu.memory_space<hbm>> -> memref<1x2048x48xf32, #tpu.memory_space<hbm>>
        %dma_wait3A_464 = tpu.memref_squeeze %dma_wait3A_463 : memref<1x2048x48xf32, #tpu.memory_space<hbm>> -> memref<2048x48xf32, #tpu.memory_space<hbm>>
        tpu.wait_dma2 semaphore(%run_scoped3A : memref<!tpu.dma_semaphore, #tpu.memory_space<semaphore_mem>>) src(%arg9 : memref<2048x48xf32, #tpu.memory_space<vmem_shared>>) dst(%dma_wait3A_464 : memref<2048x48xf32, #tpu.memory_space<hbm>>)
        tpu.yield
      }) : () -> ()
    } else {
    }
    return
  }
}

module attributes {stable_mosaic.version = 14 : i64} {
  func.func @_embed_body(%arg0: memref<8000x128xf32, #tpu.memory_space<vmem>>, %arg1: memref<128x64xf32, #tpu.memory_space<vmem>>, %arg2: memref<1x64xf32, #tpu.memory_space<vmem>>, %arg3: memref<64x64xf32, #tpu.memory_space<vmem>>, %arg4: memref<1x64xf32, #tpu.memory_space<vmem>>, %arg5: memref<64x32xf32, #tpu.memory_space<vmem>>, %arg6: memref<1x32xf32, #tpu.memory_space<vmem>>, %arg7: memref<8000x32xf32, #tpu.memory_space<vmem>>) attributes {dimension_semantics = [], scalar_prefetch = 0 : i64, scratch_operands = 0 : i64, tpu.core_type = #tpu.core_type<tc>} {
    %get3A = arith.constant 0 : index
    %get3A_0 = arith.constant 0 : index
    %get3A_1 = vector.load %arg0[%get3A, %get3A_0] : memref<8000x128xf32, #tpu.memory_space<vmem>>, vector<8000x128xf32>
    %get3A_2 = arith.constant 0 : index
    %get3A_3 = arith.constant 0 : index
    %get3A_4 = vector.load %arg1[%get3A_2, %get3A_3] : memref<128x64xf32, #tpu.memory_space<vmem>>, vector<128x64xf32>
    %dot_general3A = arith.constant dense<0.000000e+00> : vector<8000x64xf32>
    %dot_general3A_5 = tpu.matmul %get3A_1, %get3A_4, %dot_general3A {dimension_numbers = #tpu.dot_dimension_numbers<[1], [0], [0], [1], [0, 0, 1, 1], [], []>, transpose_lhs_hint = false} : vector<8000x128xf32>, vector<128x64xf32>, vector<8000x64xf32> -> vector<8000x64xf32>
    %get3A_6 = arith.constant 0 : index
    %get3A_7 = arith.constant 0 : index
    %get3A_8 = vector.load %arg2[%get3A_6, %get3A_7] : memref<1x64xf32, #tpu.memory_space<vmem>>, vector<1x64xf32>
    %add3A = vector.broadcast %get3A_8 : vector<1x64xf32> to vector<8000x64xf32>
    %add3A_9 = arith.addf %dot_general3A_5, %add3A : vector<8000x64xf32>
    %ge3A = arith.constant 0.000000e+00 : f32
    %ge3A_10 = vector.broadcast %ge3A : f32 to vector<8000x64xf32>
    %ge3A_11 = arith.cmpf oge, %add3A_9, %ge3A_10 : vector<8000x64xf32>
    %mul3A = arith.constant 0.00999999977 : f32
    %mul3A_12 = vector.broadcast %mul3A : f32 to vector<8000x64xf32>
    %mul3A_13 = arith.mulf %mul3A_12, %add3A_9 : vector<8000x64xf32>
    %select_n3A = arith.select %ge3A_11, %add3A_9, %mul3A_13 : vector<8000x64xi1>, vector<8000x64xf32>
    %get3A_14 = arith.constant 0 : index
    %get3A_15 = arith.constant 0 : index
    %get3A_16 = vector.load %arg3[%get3A_14, %get3A_15] : memref<64x64xf32, #tpu.memory_space<vmem>>, vector<64x64xf32>
    %dot_general3A_17 = arith.constant dense<0.000000e+00> : vector<8000x64xf32>
    %dot_general3A_18 = tpu.matmul %select_n3A, %get3A_16, %dot_general3A_17 {dimension_numbers = #tpu.dot_dimension_numbers<[1], [0], [0], [1], [0, 0, 1, 1], [], []>, transpose_lhs_hint = false} : vector<8000x64xf32>, vector<64x64xf32>, vector<8000x64xf32> -> vector<8000x64xf32>
    %get3A_19 = arith.constant 0 : index
    %get3A_20 = arith.constant 0 : index
    %get3A_21 = vector.load %arg4[%get3A_19, %get3A_20] : memref<1x64xf32, #tpu.memory_space<vmem>>, vector<1x64xf32>
    %add3A_22 = vector.broadcast %get3A_21 : vector<1x64xf32> to vector<8000x64xf32>
    %add3A_23 = arith.addf %dot_general3A_18, %add3A_22 : vector<8000x64xf32>
    %ge3A_24 = arith.constant 0.000000e+00 : f32
    %ge3A_25 = vector.broadcast %ge3A_24 : f32 to vector<8000x64xf32>
    %ge3A_26 = arith.cmpf oge, %add3A_23, %ge3A_25 : vector<8000x64xf32>
    %mul3A_27 = arith.constant 0.00999999977 : f32
    %mul3A_28 = vector.broadcast %mul3A_27 : f32 to vector<8000x64xf32>
    %mul3A_29 = arith.mulf %mul3A_28, %add3A_23 : vector<8000x64xf32>
    %select_n3A_30 = arith.select %ge3A_26, %add3A_23, %mul3A_29 : vector<8000x64xi1>, vector<8000x64xf32>
    %get3A_31 = arith.constant 0 : index
    %get3A_32 = arith.constant 0 : index
    %get3A_33 = vector.load %arg5[%get3A_31, %get3A_32] : memref<64x32xf32, #tpu.memory_space<vmem>>, vector<64x32xf32>
    %dot_general3A_34 = arith.constant dense<0.000000e+00> : vector<8000x32xf32>
    %dot_general3A_35 = tpu.matmul %select_n3A_30, %get3A_33, %dot_general3A_34 {dimension_numbers = #tpu.dot_dimension_numbers<[1], [0], [0], [1], [0, 0, 1, 1], [], []>, transpose_lhs_hint = false} : vector<8000x64xf32>, vector<64x32xf32>, vector<8000x32xf32> -> vector<8000x32xf32>
    %get3A_36 = arith.constant 0 : index
    %get3A_37 = arith.constant 0 : index
    %get3A_38 = vector.load %arg6[%get3A_36, %get3A_37] : memref<1x32xf32, #tpu.memory_space<vmem>>, vector<1x32xf32>
    %add3A_39 = vector.broadcast %get3A_38 : vector<1x32xf32> to vector<8000x32xf32>
    %add3A_40 = arith.addf %dot_general3A_35, %add3A_39 : vector<8000x32xf32>
    %ge3A_41 = arith.constant 0.000000e+00 : f32
    %ge3A_42 = vector.broadcast %ge3A_41 : f32 to vector<8000x32xf32>
    %ge3A_43 = arith.cmpf oge, %add3A_40, %ge3A_42 : vector<8000x32xf32>
    %mul3A_44 = arith.constant 0.00999999977 : f32
    %mul3A_45 = vector.broadcast %mul3A_44 : f32 to vector<8000x32xf32>
    %mul3A_46 = arith.mulf %mul3A_45, %add3A_40 : vector<8000x32xf32>
    %select_n3A_47 = arith.select %ge3A_43, %add3A_40, %mul3A_46 : vector<8000x32xi1>, vector<8000x32xf32>
    %swap3A = arith.constant 0 : index
    %swap3A_48 = arith.constant 0 : index
    %swap3A_49 = vector.load %arg7[%swap3A, %swap3A_48] : memref<8000x32xf32, #tpu.memory_space<vmem>>, vector<8000x32xf32>
    tpu.vector_store %arg7[%swap3A, %swap3A_48], %select_n3A_47 {strides = array<i32>} : memref<8000x32xf32, #tpu.memory_space<vmem>>, vector<8000x32xf32>,
    return
  }
}

module attributes {stable_mosaic.version = 14 : i64} {
  func.func @_embed_body(%arg0: memref<2000x128xf32, #tpu.memory_space<vmem>>, %arg1: memref<128x64xf32, #tpu.memory_space<vmem>>, %arg2: memref<1x64xf32, #tpu.memory_space<vmem>>, %arg3: memref<64x64xf32, #tpu.memory_space<vmem>>, %arg4: memref<1x64xf32, #tpu.memory_space<vmem>>, %arg5: memref<64x32xf32, #tpu.memory_space<vmem>>, %arg6: memref<1x32xf32, #tpu.memory_space<vmem>>, %arg7: memref<2000x32xf32, #tpu.memory_space<vmem>>) attributes {dimension_semantics = [], scalar_prefetch = 0 : i64, scratch_operands = 0 : i64, tpu.core_type = #tpu.core_type<tc>} {
    %get3A = arith.constant 0 : index
    %get3A_0 = arith.constant 0 : index
    %get3A_1 = vector.load %arg0[%get3A, %get3A_0] : memref<2000x128xf32, #tpu.memory_space<vmem>>, vector<2000x128xf32>
    %get3A_2 = arith.constant 0 : index
    %get3A_3 = arith.constant 0 : index
    %get3A_4 = vector.load %arg1[%get3A_2, %get3A_3] : memref<128x64xf32, #tpu.memory_space<vmem>>, vector<128x64xf32>
    %dot_general3A = arith.constant dense<0.000000e+00> : vector<2000x64xf32>
    %dot_general3A_5 = tpu.matmul %get3A_1, %get3A_4, %dot_general3A {dimension_numbers = #tpu.dot_dimension_numbers<[1], [0], [0], [1], [0, 0, 1, 1], [], []>, transpose_lhs_hint = false} : vector<2000x128xf32>, vector<128x64xf32>, vector<2000x64xf32> -> vector<2000x64xf32>
    %get3A_6 = arith.constant 0 : index
    %get3A_7 = arith.constant 0 : index
    %get3A_8 = vector.load %arg2[%get3A_6, %get3A_7] : memref<1x64xf32, #tpu.memory_space<vmem>>, vector<1x64xf32>
    %add3A = vector.broadcast %get3A_8 : vector<1x64xf32> to vector<2000x64xf32>
    %add3A_9 = arith.addf %dot_general3A_5, %add3A : vector<2000x64xf32>
    %ge3A = arith.constant 0.000000e+00 : f32
    %ge3A_10 = vector.broadcast %ge3A : f32 to vector<2000x64xf32>
    %ge3A_11 = arith.cmpf oge, %add3A_9, %ge3A_10 : vector<2000x64xf32>
    %mul3A = arith.constant 0.00999999977 : f32
    %mul3A_12 = vector.broadcast %mul3A : f32 to vector<2000x64xf32>
    %mul3A_13 = arith.mulf %mul3A_12, %add3A_9 : vector<2000x64xf32>
    %select_n3A = arith.select %ge3A_11, %add3A_9, %mul3A_13 : vector<2000x64xi1>, vector<2000x64xf32>
    %get3A_14 = arith.constant 0 : index
    %get3A_15 = arith.constant 0 : index
    %get3A_16 = vector.load %arg3[%get3A_14, %get3A_15] : memref<64x64xf32, #tpu.memory_space<vmem>>, vector<64x64xf32>
    %dot_general3A_17 = arith.constant dense<0.000000e+00> : vector<2000x64xf32>
    %dot_general3A_18 = tpu.matmul %select_n3A, %get3A_16, %dot_general3A_17 {dimension_numbers = #tpu.dot_dimension_numbers<[1], [0], [0], [1], [0, 0, 1, 1], [], []>, transpose_lhs_hint = false} : vector<2000x64xf32>, vector<64x64xf32>, vector<2000x64xf32> -> vector<2000x64xf32>
    %get3A_19 = arith.constant 0 : index
    %get3A_20 = arith.constant 0 : index
    %get3A_21 = vector.load %arg4[%get3A_19, %get3A_20] : memref<1x64xf32, #tpu.memory_space<vmem>>, vector<1x64xf32>
    %add3A_22 = vector.broadcast %get3A_21 : vector<1x64xf32> to vector<2000x64xf32>
    %add3A_23 = arith.addf %dot_general3A_18, %add3A_22 : vector<2000x64xf32>
    %ge3A_24 = arith.constant 0.000000e+00 : f32
    %ge3A_25 = vector.broadcast %ge3A_24 : f32 to vector<2000x64xf32>
    %ge3A_26 = arith.cmpf oge, %add3A_23, %ge3A_25 : vector<2000x64xf32>
    %mul3A_27 = arith.constant 0.00999999977 : f32
    %mul3A_28 = vector.broadcast %mul3A_27 : f32 to vector<2000x64xf32>
    %mul3A_29 = arith.mulf %mul3A_28, %add3A_23 : vector<2000x64xf32>
    %select_n3A_30 = arith.select %ge3A_26, %add3A_23, %mul3A_29 : vector<2000x64xi1>, vector<2000x64xf32>
    %get3A_31 = arith.constant 0 : index
    %get3A_32 = arith.constant 0 : index
    %get3A_33 = vector.load %arg5[%get3A_31, %get3A_32] : memref<64x32xf32, #tpu.memory_space<vmem>>, vector<64x32xf32>
    %dot_general3A_34 = arith.constant dense<0.000000e+00> : vector<2000x32xf32>
    %dot_general3A_35 = tpu.matmul %select_n3A_30, %get3A_33, %dot_general3A_34 {dimension_numbers = #tpu.dot_dimension_numbers<[1], [0], [0], [1], [0, 0, 1, 1], [], []>, transpose_lhs_hint = false} : vector<2000x64xf32>, vector<64x32xf32>, vector<2000x32xf32> -> vector<2000x32xf32>
    %get3A_36 = arith.constant 0 : index
    %get3A_37 = arith.constant 0 : index
    %get3A_38 = vector.load %arg6[%get3A_36, %get3A_37] : memref<1x32xf32, #tpu.memory_space<vmem>>, vector<1x32xf32>
    %add3A_39 = vector.broadcast %get3A_38 : vector<1x32xf32> to vector<2000x32xf32>
    %add3A_40 = arith.addf %dot_general3A_35, %add3A_39 : vector<2000x32xf32>
    %ge3A_41 = arith.constant 0.000000e+00 : f32
    %ge3A_42 = vector.broadcast %ge3A_41 : f32 to vector<2000x32xf32>
    %ge3A_43 = arith.cmpf oge, %add3A_40, %ge3A_42 : vector<2000x32xf32>
    %mul3A_44 = arith.constant 0.00999999977 : f32
    %mul3A_45 = vector.broadcast %mul3A_44 : f32 to vector<2000x32xf32>
    %mul3A_46 = arith.mulf %mul3A_45, %add3A_40 : vector<2000x32xf32>
    %select_n3A_47 = arith.select %ge3A_43, %add3A_40, %mul3A_46 : vector<2000x32xi1>, vector<2000x32xf32>
    %swap3A = arith.constant 0 : index
    %swap3A_48 = arith.constant 0 : index
    %swap3A_49 = vector.load %arg7[%swap3A, %swap3A_48] : memref<2000x32xf32, #tpu.memory_space<vmem>>, vector<2000x32xf32>
    tpu.vector_store %arg7[%swap3A, %swap3A_48], %select_n3A_47 {strides = array<i32>} : memref<2000x32xf32, #tpu.memory_space<vmem>>, vector<2000x32xf32>,
    return
  }
}

module attributes {stable_mosaic.version = 14 : i64} {
  func.func @_edge_body(%arg0: i32, %arg1: memref<2048x16xf32, #tpu.memory_space<vmem>>, %arg2: memref<2048x32xf32, #tpu.memory_space<vmem>>, %arg3: memref<16x32xf32, #tpu.memory_space<vmem>>, %arg4: memref<1x32xf32, #tpu.memory_space<vmem>>, %arg5: memref<32x32xf32, #tpu.memory_space<vmem>>, %arg6: memref<1x32xf32, #tpu.memory_space<vmem>>, %arg7: memref<32x1024xf32, #tpu.memory_space<vmem>>, %arg8: memref<1x1024xf32, #tpu.memory_space<vmem>>, %arg9: memref<32x1024xf32, #tpu.memory_space<vmem>>, %arg10: memref<128x32xf32, #tpu.memory_space<vmem>>, %arg11: memref<2048x48xf32, #tpu.memory_space<vmem>>) attributes {dimension_semantics = [#tpu.dimension_semantics<arbitrary>], iteration_bounds = array<i64: 40>, scalar_prefetch = 0 : i64, scratch_operands = 0 : i64, tpu.core_type = #tpu.core_type<tc>, window_params = [{transform_indices = @transform_0, window_bounds = array<i64: 2048, 16>}, {transform_indices = @transform_1, window_bounds = array<i64: 2048, 32>}, {pipeline_mode = #tpu.pipeline_mode<synchronous>, transform_indices = @transform_2, window_bounds = array<i64: 16, 32>}, {pipeline_mode = #tpu.pipeline_mode<synchronous>, transform_indices = @transform_3, window_bounds = array<i64: 1, 32>}, {pipeline_mode = #tpu.pipeline_mode<synchronous>, transform_indices = @transform_4, window_bounds = array<i64: 32, 32>}, {pipeline_mode = #tpu.pipeline_mode<synchronous>, transform_indices = @transform_5, window_bounds = array<i64: 1, 32>}, {pipeline_mode = #tpu.pipeline_mode<synchronous>, transform_indices = @transform_6, window_bounds = array<i64: 32, 1024>}, {pipeline_mode = #tpu.pipeline_mode<synchronous>, transform_indices = @transform_7, window_bounds = array<i64: 1, 1024>}, {pipeline_mode = #tpu.pipeline_mode<synchronous>, transform_indices = @transform_8, window_bounds = array<i64: 32, 1024>}, {pipeline_mode = #tpu.pipeline_mode<synchronous>, transform_indices = @transform_9, window_bounds = array<i64: 128, 32>}, {transform_indices = @transform_10, window_bounds = array<i64: 2048, 48>}]} {
    %get3A = arith.constant 0 : index
    %get3A_0 = arith.constant 0 : index
    %get3A_1 = vector.load %arg1[%get3A, %get3A_0] : memref<2048x16xf32, #tpu.memory_space<vmem>>, vector<2048x16xf32>
    %get3A_2 = arith.constant 0 : index
    %get3A_3 = arith.constant 0 : index
    %get3A_4 = vector.load %arg3[%get3A_2, %get3A_3] : memref<16x32xf32, #tpu.memory_space<vmem>>, vector<16x32xf32>
    %dot_general3A = arith.constant dense<0.000000e+00> : vector<2048x32xf32>
    %dot_general3A_5 = tpu.matmul %get3A_1, %get3A_4, %dot_general3A {dimension_numbers = #tpu.dot_dimension_numbers<[1], [0], [0], [1], [0, 0, 1, 1], [], []>, transpose_lhs_hint = false} : vector<2048x16xf32>, vector<16x32xf32>, vector<2048x32xf32> -> vector<2048x32xf32>
    %get3A_6 = arith.constant 0 : index
    %get3A_7 = arith.constant 0 : index
    %get3A_8 = vector.load %arg4[%get3A_6, %get3A_7] : memref<1x32xf32, #tpu.memory_space<vmem>>, vector<1x32xf32>
    %add3A = vector.broadcast %get3A_8 : vector<1x32xf32> to vector<2048x32xf32>
    %add3A_9 = arith.addf %dot_general3A_5, %add3A : vector<2048x32xf32>
    %ge3A = arith.constant 0.000000e+00 : f32
    %ge3A_10 = vector.broadcast %ge3A : f32 to vector<2048x32xf32>
    %ge3A_11 = arith.cmpf oge, %add3A_9, %ge3A_10 : vector<2048x32xf32>
    %mul3A = arith.constant 0.00999999977 : f32
    %mul3A_12 = vector.broadcast %mul3A : f32 to vector<2048x32xf32>
    %mul3A_13 = arith.mulf %mul3A_12, %add3A_9 : vector<2048x32xf32>
    %select_n3A = arith.select %ge3A_11, %add3A_9, %mul3A_13 : vector<2048x32xi1>, vector<2048x32xf32>
    %get3A_14 = arith.constant 0 : index
    %get3A_15 = arith.constant 0 : index
    %get3A_16 = vector.load %arg5[%get3A_14, %get3A_15] : memref<32x32xf32, #tpu.memory_space<vmem>>, vector<32x32xf32>
    %dot_general3A_17 = arith.constant dense<0.000000e+00> : vector<2048x32xf32>
    %dot_general3A_18 = tpu.matmul %select_n3A, %get3A_16, %dot_general3A_17 {dimension_numbers = #tpu.dot_dimension_numbers<[1], [0], [0], [1], [0, 0, 1, 1], [], []>, transpose_lhs_hint = false} : vector<2048x32xf32>, vector<32x32xf32>, vector<2048x32xf32> -> vector<2048x32xf32>
    %get3A_19 = arith.constant 0 : index
    %get3A_20 = arith.constant 0 : index
    %get3A_21 = vector.load %arg6[%get3A_19, %get3A_20] : memref<1x32xf32, #tpu.memory_space<vmem>>, vector<1x32xf32>
    %add3A_22 = vector.broadcast %get3A_21 : vector<1x32xf32> to vector<2048x32xf32>
    %add3A_23 = arith.addf %dot_general3A_18, %add3A_22 : vector<2048x32xf32>
    %ge3A_24 = arith.constant 0.000000e+00 : f32
    %ge3A_25 = vector.broadcast %ge3A_24 : f32 to vector<2048x32xf32>
    %ge3A_26 = arith.cmpf oge, %add3A_23, %ge3A_25 : vector<2048x32xf32>
    %mul3A_27 = arith.constant 0.00999999977 : f32
    %mul3A_28 = vector.broadcast %mul3A_27 : f32 to vector<2048x32xf32>
    %mul3A_29 = arith.mulf %mul3A_28, %add3A_23 : vector<2048x32xf32>
    %select_n3A_30 = arith.select %ge3A_26, %add3A_23, %mul3A_29 : vector<2048x32xi1>, vector<2048x32xf32>
    %get3A_31 = arith.constant 0 : index
    %get3A_32 = arith.constant 0 : index
    %get3A_33 = vector.load %arg2[%get3A_31, %get3A_32] : memref<2048x32xf32, #tpu.memory_space<vmem>>, vector<2048x32xf32>
    %get3A_34 = arith.constant 0 : index
    %get3A_35 = arith.constant 0 : index
    %get3A_36 = vector.load %arg7[%get3A_34, %get3A_35] : memref<32x1024xf32, #tpu.memory_space<vmem>>, vector<32x1024xf32>
    %dot_general3A_37 = arith.constant dense<0.000000e+00> : vector<2048x1024xf32>
    %dot_general3A_38 = tpu.matmul %select_n3A_30, %get3A_36, %dot_general3A_37 {dimension_numbers = #tpu.dot_dimension_numbers<[1], [0], [0], [1], [0, 0, 1, 1], [], []>, transpose_lhs_hint = false} : vector<2048x32xf32>, vector<32x1024xf32>, vector<2048x1024xf32> -> vector<2048x1024xf32>
    %get3A_39 = arith.constant 0 : index
    %get3A_40 = arith.constant 0 : index
    %get3A_41 = vector.load %arg8[%get3A_39, %get3A_40] : memref<1x1024xf32, #tpu.memory_space<vmem>>, vector<1x1024xf32>
    %add3A_42 = vector.broadcast %get3A_41 : vector<1x1024xf32> to vector<2048x1024xf32>
    %add3A_43 = arith.addf %dot_general3A_38, %add3A_42 : vector<2048x1024xf32>
    %get3A_44 = arith.constant 0 : index
    %get3A_45 = arith.constant 0 : index
    %get3A_46 = vector.load %arg9[%get3A_44, %get3A_45] : memref<32x1024xf32, #tpu.memory_space<vmem>>, vector<32x1024xf32>
    %dot_general3A_47 = arith.constant dense<0.000000e+00> : vector<2048x1024xf32>
    %dot_general3A_48 = tpu.matmul %get3A_33, %get3A_46, %dot_general3A_47 {dimension_numbers = #tpu.dot_dimension_numbers<[1], [0], [0], [1], [0, 0, 1, 1], [], []>, transpose_lhs_hint = false} : vector<2048x32xf32>, vector<32x1024xf32>, vector<2048x1024xf32> -> vector<2048x1024xf32>
    %ge3A_49 = arith.constant 0.000000e+00 : f32
    %ge3A_50 = vector.broadcast %ge3A_49 : f32 to vector<2048x1024xf32>
    %ge3A_51 = arith.cmpf oge, %add3A_43, %ge3A_50 : vector<2048x1024xf32>
    %mul3A_52 = arith.constant 0.00999999977 : f32
    %mul3A_53 = vector.broadcast %mul3A_52 : f32 to vector<2048x1024xf32>
    %mul3A_54 = arith.mulf %mul3A_53, %add3A_43 : vector<2048x1024xf32>
    %select_n3A_55 = arith.select %ge3A_51, %add3A_43, %mul3A_54 : vector<2048x1024xi1>, vector<2048x1024xf32>
    %mul3A_56 = arith.mulf %dot_general3A_48, %select_n3A_55 : vector<2048x1024xf32>
    %slice3A = vector.extract_strided_slice %mul3A_56 {offsets = [0, 0], sizes = [2048, 512], strides = [1, 1]} : vector<2048x1024xf32> to vector<2048x512xf32>
    %slice3A_57 = vector.extract_strided_slice %mul3A_56 {offsets = [0, 512], sizes = [2048, 512], strides = [1, 1]} : vector<2048x1024xf32> to vector<2048x512xf32>
    %add3A_58 = arith.addf %slice3A, %slice3A_57 : vector<2048x512xf32>
    %slice3A_59 = vector.extract_strided_slice %add3A_58 {offsets = [0, 0], sizes = [2048, 256], strides = [1, 1]} : vector<2048x512xf32> to vector<2048x256xf32>
    %slice3A_60 = vector.extract_strided_slice %add3A_58 {offsets = [0, 256], sizes = [2048, 256], strides = [1, 1]} : vector<2048x512xf32> to vector<2048x256xf32>
    %add3A_61 = arith.addf %slice3A_59, %slice3A_60 : vector<2048x256xf32>
    %slice3A_62 = vector.extract_strided_slice %add3A_61 {offsets = [0, 0], sizes = [2048, 128], strides = [1, 1]} : vector<2048x256xf32> to vector<2048x128xf32>
    %slice3A_63 = vector.extract_strided_slice %add3A_61 {offsets = [0, 128], sizes = [2048, 128], strides = [1, 1]} : vector<2048x256xf32> to vector<2048x128xf32>
    %add3A_64 = arith.addf %slice3A_62, %slice3A_63 : vector<2048x128xf32>
    %get3A_65 = arith.constant 0 : index
    %get3A_66 = arith.constant 0 : index
    %get3A_67 = vector.load %arg10[%get3A_65, %get3A_66] : memref<128x32xf32, #tpu.memory_space<vmem>>, vector<128x32xf32>
    %dot_general3A_68 = arith.constant dense<0.000000e+00> : vector<2048x32xf32>
    %dot_general3A_69 = tpu.matmul %add3A_64, %get3A_67, %dot_general3A_68 {dimension_numbers = #tpu.dot_dimension_numbers<[1], [0], [0], [1], [0, 0, 1, 1], [], []>, transpose_lhs_hint = false} : vector<2048x128xf32>, vector<128x32xf32>, vector<2048x32xf32> -> vector<2048x32xf32>
    %iota3A = tpu.iota {dimensions = array<i32: 1>} : vector<1x16xi32>
    %eq3A = arith.constant 0 : i32
    %eq3A_70 = vector.broadcast %eq3A : i32 to vector<1x16xi32>
    %eq3A_71 = arith.cmpi eq, %iota3A, %eq3A_70 : vector<1x16xi32>
    %jit3A = arith.constant 1.000000e+00 : f32
    %jit3A_72 = arith.constant 0.000000e+00 : f32
    %broadcast_in_dim3A = vector.broadcast %jit3A : f32 to vector<1x16xf32>
    %broadcast_in_dim3A_73 = vector.broadcast %jit3A_72 : f32 to vector<1x16xf32>
    %select_n3A_74 = arith.select %eq3A_71, %broadcast_in_dim3A, %broadcast_in_dim3A_73 : vector<1x16xi1>, vector<1x16xf32>
    %broadcast_in_dim3A_75 = vector.shape_cast %select_n3A_74 : vector<1x16xf32> to vector<1x16xf32>
    %broadcast_in_dim3A_76 = vector.broadcast %broadcast_in_dim3A_75 : vector<1x16xf32> to vector<2048x16xf32>
    %concatenate3A = tpu.concatenate %dot_general3A_69, %broadcast_in_dim3A_76 in 1 : vector<2048x32xf32>, vector<2048x16xf32> -> vector<2048x48xf32>
    %swap3A = arith.constant 0 : index
    %swap3A_77 = arith.constant 0 : index
    %swap3A_78 = vector.load %arg11[%swap3A, %swap3A_77] : memref<2048x48xf32, #tpu.memory_space<vmem>>, vector<2048x48xf32>
    tpu.vector_store %arg11[%swap3A, %swap3A_77], %concatenate3A {strides = array<i32>} : memref<2048x48xf32, #tpu.memory_space<vmem>>, vector<2048x48xf32>,
    return
  }
  func.func @transform_0(%arg0: i32) -> (i32, i32) {
    %add3A = arith.constant 40 : i32
    %add3A_0 = arith.addi %add3A, %arg0 : i32
    %min3A = arith.constant 78 : i32
    %min3A_1 = arith.minsi %add3A_0, %min3A : i32
    %c0_i32 = arith.constant 0 : i32
    %c0_i32_2 = arith.constant 0 : i32
    return %min3A_1, %c0_i32 : i32, i32
  }
  func.func @transform_1(%arg0: i32) -> (i32, i32) {
    %c0_i32 = arith.constant 0 : i32
    %c0_i32_0 = arith.constant 0 : i32
    return %arg0, %c0_i32 : i32, i32
  }
  func.func @transform_2(%arg0: i32) -> (i32, i32) {
    %c0_i32 = arith.constant 0 : i32
    %c0_i32_0 = arith.constant 0 : i32
    %c0_i32_1 = arith.constant 0 : i32
    return %c0_i32, %c0_i32_0 : i32, i32
  }
  func.func @transform_3(%arg0: i32) -> (i32, i32) {
    %c0_i32 = arith.constant 0 : i32
    %c0_i32_0 = arith.constant 0 : i32
    %c0_i32_1 = arith.constant 0 : i32
    return %c0_i32, %c0_i32_0 : i32, i32
  }
  func.func @transform_4(%arg0: i32) -> (i32, i32) {
    %c0_i32 = arith.constant 0 : i32
    %c0_i32_0 = arith.constant 0 : i32
    %c0_i32_1 = arith.constant 0 : i32
    return %c0_i32, %c0_i32_0 : i32, i32
  }
  func.func @transform_5(%arg0: i32) -> (i32, i32) {
    %c0_i32 = arith.constant 0 : i32
    %c0_i32_0 = arith.constant 0 : i32
    %c0_i32_1 = arith.constant 0 : i32
    return %c0_i32, %c0_i32_0 : i32, i32
  }
  func.func @transform_6(%arg0: i32) -> (i32, i32) {
    %c0_i32 = arith.constant 0 : i32
    %c0_i32_0 = arith.constant 0 : i32
    %c0_i32_1 = arith.constant 0 : i32
    return %c0_i32, %c0_i32_0 : i32, i32
  }
  func.func @transform_7(%arg0: i32) -> (i32, i32) {
    %c0_i32 = arith.constant 0 : i32
    %c0_i32_0 = arith.constant 0 : i32
    %c0_i32_1 = arith.constant 0 : i32
    return %c0_i32, %c0_i32_0 : i32, i32
  }
  func.func @transform_8(%arg0: i32) -> (i32, i32) {
    %c0_i32 = arith.constant 0 : i32
    %c0_i32_0 = arith.constant 0 : i32
    %c0_i32_1 = arith.constant 0 : i32
    return %c0_i32, %c0_i32_0 : i32, i32
  }
  func.func @transform_9(%arg0: i32) -> (i32, i32) {
    %c0_i32 = arith.constant 0 : i32
    %c0_i32_0 = arith.constant 0 : i32
    %c0_i32_1 = arith.constant 0 : i32
    return %c0_i32, %c0_i32_0 : i32, i32
  }
  func.func @transform_10(%arg0: i32) -> (i32, i32) {
    %c0_i32 = arith.constant 0 : i32
    %c0_i32_0 = arith.constant 0 : i32
    return %arg0, %c0_i32 : i32, i32
  }
}

module attributes {stable_mosaic.version = 14 : i64} {
  func.func @_edge_body(%arg0: i32, %arg1: memref<2048x16xf32, #tpu.memory_space<vmem>>, %arg2: memref<2048x32xf32, #tpu.memory_space<vmem>>, %arg3: memref<16x32xf32, #tpu.memory_space<vmem>>, %arg4: memref<1x32xf32, #tpu.memory_space<vmem>>, %arg5: memref<32x32xf32, #tpu.memory_space<vmem>>, %arg6: memref<1x32xf32, #tpu.memory_space<vmem>>, %arg7: memref<32x1024xf32, #tpu.memory_space<vmem>>, %arg8: memref<1x1024xf32, #tpu.memory_space<vmem>>, %arg9: memref<32x1024xf32, #tpu.memory_space<vmem>>, %arg10: memref<128x32xf32, #tpu.memory_space<vmem>>, %arg11: memref<2048x48xf32, #tpu.memory_space<vmem>>) attributes {dimension_semantics = [#tpu.dimension_semantics<arbitrary>], iteration_bounds = array<i64: 40>, scalar_prefetch = 0 : i64, scratch_operands = 0 : i64, tpu.core_type = #tpu.core_type<tc>, window_params = [{transform_indices = @transform_0, window_bounds = array<i64: 2048, 16>}, {transform_indices = @transform_1, window_bounds = array<i64: 2048, 32>}, {pipeline_mode = #tpu.pipeline_mode<synchronous>, transform_indices = @transform_2, window_bounds = array<i64: 16, 32>}, {pipeline_mode = #tpu.pipeline_mode<synchronous>, transform_indices = @transform_3, window_bounds = array<i64: 1, 32>}, {pipeline_mode = #tpu.pipeline_mode<synchronous>, transform_indices = @transform_4, window_bounds = array<i64: 32, 32>}, {pipeline_mode = #tpu.pipeline_mode<synchronous>, transform_indices = @transform_5, window_bounds = array<i64: 1, 32>}, {pipeline_mode = #tpu.pipeline_mode<synchronous>, transform_indices = @transform_6, window_bounds = array<i64: 32, 1024>}, {pipeline_mode = #tpu.pipeline_mode<synchronous>, transform_indices = @transform_7, window_bounds = array<i64: 1, 1024>}, {pipeline_mode = #tpu.pipeline_mode<synchronous>, transform_indices = @transform_8, window_bounds = array<i64: 32, 1024>}, {pipeline_mode = #tpu.pipeline_mode<synchronous>, transform_indices = @transform_9, window_bounds = array<i64: 128, 32>}, {transform_indices = @transform_10, window_bounds = array<i64: 2048, 48>}]} {
    %get3A = arith.constant 0 : index
    %get3A_0 = arith.constant 0 : index
    %get3A_1 = vector.load %arg1[%get3A, %get3A_0] : memref<2048x16xf32, #tpu.memory_space<vmem>>, vector<2048x16xf32>
    %get3A_2 = arith.constant 0 : index
    %get3A_3 = arith.constant 0 : index
    %get3A_4 = vector.load %arg3[%get3A_2, %get3A_3] : memref<16x32xf32, #tpu.memory_space<vmem>>, vector<16x32xf32>
    %dot_general3A = arith.constant dense<0.000000e+00> : vector<2048x32xf32>
    %dot_general3A_5 = tpu.matmul %get3A_1, %get3A_4, %dot_general3A {dimension_numbers = #tpu.dot_dimension_numbers<[1], [0], [0], [1], [0, 0, 1, 1], [], []>, transpose_lhs_hint = false} : vector<2048x16xf32>, vector<16x32xf32>, vector<2048x32xf32> -> vector<2048x32xf32>
    %get3A_6 = arith.constant 0 : index
    %get3A_7 = arith.constant 0 : index
    %get3A_8 = vector.load %arg4[%get3A_6, %get3A_7] : memref<1x32xf32, #tpu.memory_space<vmem>>, vector<1x32xf32>
    %add3A = vector.broadcast %get3A_8 : vector<1x32xf32> to vector<2048x32xf32>
    %add3A_9 = arith.addf %dot_general3A_5, %add3A : vector<2048x32xf32>
    %ge3A = arith.constant 0.000000e+00 : f32
    %ge3A_10 = vector.broadcast %ge3A : f32 to vector<2048x32xf32>
    %ge3A_11 = arith.cmpf oge, %add3A_9, %ge3A_10 : vector<2048x32xf32>
    %mul3A = arith.constant 0.00999999977 : f32
    %mul3A_12 = vector.broadcast %mul3A : f32 to vector<2048x32xf32>
    %mul3A_13 = arith.mulf %mul3A_12, %add3A_9 : vector<2048x32xf32>
    %select_n3A = arith.select %ge3A_11, %add3A_9, %mul3A_13 : vector<2048x32xi1>, vector<2048x32xf32>
    %get3A_14 = arith.constant 0 : index
    %get3A_15 = arith.constant 0 : index
    %get3A_16 = vector.load %arg5[%get3A_14, %get3A_15] : memref<32x32xf32, #tpu.memory_space<vmem>>, vector<32x32xf32>
    %dot_general3A_17 = arith.constant dense<0.000000e+00> : vector<2048x32xf32>
    %dot_general3A_18 = tpu.matmul %select_n3A, %get3A_16, %dot_general3A_17 {dimension_numbers = #tpu.dot_dimension_numbers<[1], [0], [0], [1], [0, 0, 1, 1], [], []>, transpose_lhs_hint = false} : vector<2048x32xf32>, vector<32x32xf32>, vector<2048x32xf32> -> vector<2048x32xf32>
    %get3A_19 = arith.constant 0 : index
    %get3A_20 = arith.constant 0 : index
    %get3A_21 = vector.load %arg6[%get3A_19, %get3A_20] : memref<1x32xf32, #tpu.memory_space<vmem>>, vector<1x32xf32>
    %add3A_22 = vector.broadcast %get3A_21 : vector<1x32xf32> to vector<2048x32xf32>
    %add3A_23 = arith.addf %dot_general3A_18, %add3A_22 : vector<2048x32xf32>
    %ge3A_24 = arith.constant 0.000000e+00 : f32
    %ge3A_25 = vector.broadcast %ge3A_24 : f32 to vector<2048x32xf32>
    %ge3A_26 = arith.cmpf oge, %add3A_23, %ge3A_25 : vector<2048x32xf32>
    %mul3A_27 = arith.constant 0.00999999977 : f32
    %mul3A_28 = vector.broadcast %mul3A_27 : f32 to vector<2048x32xf32>
    %mul3A_29 = arith.mulf %mul3A_28, %add3A_23 : vector<2048x32xf32>
    %select_n3A_30 = arith.select %ge3A_26, %add3A_23, %mul3A_29 : vector<2048x32xi1>, vector<2048x32xf32>
    %get3A_31 = arith.constant 0 : index
    %get3A_32 = arith.constant 0 : index
    %get3A_33 = vector.load %arg2[%get3A_31, %get3A_32] : memref<2048x32xf32, #tpu.memory_space<vmem>>, vector<2048x32xf32>
    %get3A_34 = arith.constant 0 : index
    %get3A_35 = arith.constant 0 : index
    %get3A_36 = vector.load %arg7[%get3A_34, %get3A_35] : memref<32x1024xf32, #tpu.memory_space<vmem>>, vector<32x1024xf32>
    %dot_general3A_37 = arith.constant dense<0.000000e+00> : vector<2048x1024xf32>
    %dot_general3A_38 = tpu.matmul %select_n3A_30, %get3A_36, %dot_general3A_37 {dimension_numbers = #tpu.dot_dimension_numbers<[1], [0], [0], [1], [0, 0, 1, 1], [], []>, transpose_lhs_hint = false} : vector<2048x32xf32>, vector<32x1024xf32>, vector<2048x1024xf32> -> vector<2048x1024xf32>
    %get3A_39 = arith.constant 0 : index
    %get3A_40 = arith.constant 0 : index
    %get3A_41 = vector.load %arg8[%get3A_39, %get3A_40] : memref<1x1024xf32, #tpu.memory_space<vmem>>, vector<1x1024xf32>
    %add3A_42 = vector.broadcast %get3A_41 : vector<1x1024xf32> to vector<2048x1024xf32>
    %add3A_43 = arith.addf %dot_general3A_38, %add3A_42 : vector<2048x1024xf32>
    %get3A_44 = arith.constant 0 : index
    %get3A_45 = arith.constant 0 : index
    %get3A_46 = vector.load %arg9[%get3A_44, %get3A_45] : memref<32x1024xf32, #tpu.memory_space<vmem>>, vector<32x1024xf32>
    %dot_general3A_47 = arith.constant dense<0.000000e+00> : vector<2048x1024xf32>
    %dot_general3A_48 = tpu.matmul %get3A_33, %get3A_46, %dot_general3A_47 {dimension_numbers = #tpu.dot_dimension_numbers<[1], [0], [0], [1], [0, 0, 1, 1], [], []>, transpose_lhs_hint = false} : vector<2048x32xf32>, vector<32x1024xf32>, vector<2048x1024xf32> -> vector<2048x1024xf32>
    %ge3A_49 = arith.constant 0.000000e+00 : f32
    %ge3A_50 = vector.broadcast %ge3A_49 : f32 to vector<2048x1024xf32>
    %ge3A_51 = arith.cmpf oge, %add3A_43, %ge3A_50 : vector<2048x1024xf32>
    %mul3A_52 = arith.constant 0.00999999977 : f32
    %mul3A_53 = vector.broadcast %mul3A_52 : f32 to vector<2048x1024xf32>
    %mul3A_54 = arith.mulf %mul3A_53, %add3A_43 : vector<2048x1024xf32>
    %select_n3A_55 = arith.select %ge3A_51, %add3A_43, %mul3A_54 : vector<2048x1024xi1>, vector<2048x1024xf32>
    %mul3A_56 = arith.mulf %dot_general3A_48, %select_n3A_55 : vector<2048x1024xf32>
    %slice3A = vector.extract_strided_slice %mul3A_56 {offsets = [0, 0], sizes = [2048, 512], strides = [1, 1]} : vector<2048x1024xf32> to vector<2048x512xf32>
    %slice3A_57 = vector.extract_strided_slice %mul3A_56 {offsets = [0, 512], sizes = [2048, 512], strides = [1, 1]} : vector<2048x1024xf32> to vector<2048x512xf32>
    %add3A_58 = arith.addf %slice3A, %slice3A_57 : vector<2048x512xf32>
    %slice3A_59 = vector.extract_strided_slice %add3A_58 {offsets = [0, 0], sizes = [2048, 256], strides = [1, 1]} : vector<2048x512xf32> to vector<2048x256xf32>
    %slice3A_60 = vector.extract_strided_slice %add3A_58 {offsets = [0, 256], sizes = [2048, 256], strides = [1, 1]} : vector<2048x512xf32> to vector<2048x256xf32>
    %add3A_61 = arith.addf %slice3A_59, %slice3A_60 : vector<2048x256xf32>
    %slice3A_62 = vector.extract_strided_slice %add3A_61 {offsets = [0, 0], sizes = [2048, 128], strides = [1, 1]} : vector<2048x256xf32> to vector<2048x128xf32>
    %slice3A_63 = vector.extract_strided_slice %add3A_61 {offsets = [0, 128], sizes = [2048, 128], strides = [1, 1]} : vector<2048x256xf32> to vector<2048x128xf32>
    %add3A_64 = arith.addf %slice3A_62, %slice3A_63 : vector<2048x128xf32>
    %get3A_65 = arith.constant 0 : index
    %get3A_66 = arith.constant 0 : index
    %get3A_67 = vector.load %arg10[%get3A_65, %get3A_66] : memref<128x32xf32, #tpu.memory_space<vmem>>, vector<128x32xf32>
    %dot_general3A_68 = arith.constant dense<0.000000e+00> : vector<2048x32xf32>
    %dot_general3A_69 = tpu.matmul %add3A_64, %get3A_67, %dot_general3A_68 {dimension_numbers = #tpu.dot_dimension_numbers<[1], [0], [0], [1], [0, 0, 1, 1], [], []>, transpose_lhs_hint = false} : vector<2048x128xf32>, vector<128x32xf32>, vector<2048x32xf32> -> vector<2048x32xf32>
    %iota3A = tpu.iota {dimensions = array<i32: 1>} : vector<1x16xi32>
    %eq3A = arith.constant 0 : i32
    %eq3A_70 = vector.broadcast %eq3A : i32 to vector<1x16xi32>
    %eq3A_71 = arith.cmpi eq, %iota3A, %eq3A_70 : vector<1x16xi32>
    %jit3A = arith.constant 1.000000e+00 : f32
    %jit3A_72 = arith.constant 0.000000e+00 : f32
    %broadcast_in_dim3A = vector.broadcast %jit3A : f32 to vector<1x16xf32>
    %broadcast_in_dim3A_73 = vector.broadcast %jit3A_72 : f32 to vector<1x16xf32>
    %select_n3A_74 = arith.select %eq3A_71, %broadcast_in_dim3A, %broadcast_in_dim3A_73 : vector<1x16xi1>, vector<1x16xf32>
    %broadcast_in_dim3A_75 = vector.shape_cast %select_n3A_74 : vector<1x16xf32> to vector<1x16xf32>
    %broadcast_in_dim3A_76 = vector.broadcast %broadcast_in_dim3A_75 : vector<1x16xf32> to vector<2048x16xf32>
    %concatenate3A = tpu.concatenate %dot_general3A_69, %broadcast_in_dim3A_76 in 1 : vector<2048x32xf32>, vector<2048x16xf32> -> vector<2048x48xf32>
    %swap3A = arith.constant 0 : index
    %swap3A_77 = arith.constant 0 : index
    %swap3A_78 = vector.load %arg11[%swap3A, %swap3A_77] : memref<2048x48xf32, #tpu.memory_space<vmem>>, vector<2048x48xf32>
    tpu.vector_store %arg11[%swap3A, %swap3A_77], %concatenate3A {strides = array<i32>} : memref<2048x48xf32, #tpu.memory_space<vmem>>, vector<2048x48xf32>,
    return
  }
  func.func @transform_0(%arg0: i32) -> (i32, i32) {
    %add3A = arith.constant 0 : i32
    %add3A_0 = arith.addi %add3A, %arg0 : i32
    %min3A = arith.constant 78 : i32
    %min3A_1 = arith.minsi %add3A_0, %min3A : i32
    %c0_i32 = arith.constant 0 : i32
    %c0_i32_2 = arith.constant 0 : i32
    return %min3A_1, %c0_i32 : i32, i32
  }
  func.func @transform_1(%arg0: i32) -> (i32, i32) {
    %c0_i32 = arith.constant 0 : i32
    %c0_i32_0 = arith.constant 0 : i32
    return %arg0, %c0_i32 : i32, i32
  }
  func.func @transform_2(%arg0: i32) -> (i32, i32) {
    %c0_i32 = arith.constant 0 : i32
    %c0_i32_0 = arith.constant 0 : i32
    %c0_i32_1 = arith.constant 0 : i32
    return %c0_i32, %c0_i32_0 : i32, i32
  }
  func.func @transform_3(%arg0: i32) -> (i32, i32) {
    %c0_i32 = arith.constant 0 : i32
    %c0_i32_0 = arith.constant 0 : i32
    %c0_i32_1 = arith.constant 0 : i32
    return %c0_i32, %c0_i32_0 : i32, i32
  }
  func.func @transform_4(%arg0: i32) -> (i32, i32) {
    %c0_i32 = arith.constant 0 : i32
    %c0_i32_0 = arith.constant 0 : i32
    %c0_i32_1 = arith.constant 0 : i32
    return %c0_i32, %c0_i32_0 : i32, i32
  }
  func.func @transform_5(%arg0: i32) -> (i32, i32) {
    %c0_i32 = arith.constant 0 : i32
    %c0_i32_0 = arith.constant 0 : i32
    %c0_i32_1 = arith.constant 0 : i32
    return %c0_i32, %c0_i32_0 : i32, i32
  }
  func.func @transform_6(%arg0: i32) -> (i32, i32) {
    %c0_i32 = arith.constant 0 : i32
    %c0_i32_0 = arith.constant 0 : i32
    %c0_i32_1 = arith.constant 0 : i32
    return %c0_i32, %c0_i32_0 : i32, i32
  }
  func.func @transform_7(%arg0: i32) -> (i32, i32) {
    %c0_i32 = arith.constant 0 : i32
    %c0_i32_0 = arith.constant 0 : i32
    %c0_i32_1 = arith.constant 0 : i32
    return %c0_i32, %c0_i32_0 : i32, i32
  }
  func.func @transform_8(%arg0: i32) -> (i32, i32) {
    %c0_i32 = arith.constant 0 : i32
    %c0_i32_0 = arith.constant 0 : i32
    %c0_i32_1 = arith.constant 0 : i32
    return %c0_i32, %c0_i32_0 : i32, i32
  }
  func.func @transform_9(%arg0: i32) -> (i32, i32) {
    %c0_i32 = arith.constant 0 : i32
    %c0_i32_0 = arith.constant 0 : i32
    %c0_i32_1 = arith.constant 0 : i32
    return %c0_i32, %c0_i32_0 : i32, i32
  }
  func.func @transform_10(%arg0: i32) -> (i32, i32) {
    %c0_i32 = arith.constant 0 : i32
    %c0_i32_0 = arith.constant 0 : i32
    return %arg0, %c0_i32 : i32, i32
  }
}

module attributes {stable_mosaic.version = 14 : i64} {
  func.func @_head_body(%arg0: memref<2x2048x48xf32, #tpu.memory_space<vmem>>, %arg1: memref<2x2048x48xf32, #tpu.memory_space<vmem>>, %arg2: memref<2000x32xf32, #tpu.memory_space<vmem>>, %arg3: memref<1x64xf32, #tpu.memory_space<vmem>>, %arg4: memref<1x64xf32, #tpu.memory_space<vmem>>, %arg5: memref<64x32xf32, #tpu.memory_space<vmem>>, %arg6: memref<1x32xf32, #tpu.memory_space<vmem>>, %arg7: memref<32x32xf32, #tpu.memory_space<vmem>>, %arg8: memref<1x32xf32, #tpu.memory_space<vmem>>, %arg9: memref<32x32xf32, #tpu.memory_space<vmem>>, %arg10: memref<1x32xf32, #tpu.memory_space<vmem>>, %arg11: memref<32x32xf32, #tpu.memory_space<vmem>>, %arg12: memref<1x32xf32, #tpu.memory_space<vmem>>, %arg13: memref<32x1xf32, #tpu.memory_space<vmem>>, %arg14: memref<1x1xf32, #tpu.memory_space<vmem>>, %arg15: memref<2000x1xf32, #tpu.memory_space<vmem>>) attributes {dimension_semantics = [], scalar_prefetch = 0 : i64, scratch_operands = 0 : i64, tpu.core_type = #tpu.core_type<tc>} {
    %get3A = arith.constant 0 : index
    %get3A_0 = arith.constant 0 : index
    %get3A_1 = arith.constant 0 : index
    %get3A_2 = vector.load %arg0[%get3A, %get3A_0, %get3A_1] : memref<2x2048x48xf32, #tpu.memory_space<vmem>>, vector<1x2000x48xf32>
    %get3A_3 = vector.shape_cast %get3A_2 : vector<1x2000x48xf32> to vector<2000x48xf32>
    %get3A_4 = arith.constant 1 : index
    %get3A_5 = arith.constant 0 : index
    %get3A_6 = arith.constant 0 : index
    %get3A_7 = vector.load %arg0[%get3A_4, %get3A_5, %get3A_6] : memref<2x2048x48xf32, #tpu.memory_space<vmem>>, vector<1x2000x48xf32>
    %get3A_8 = vector.shape_cast %get3A_7 : vector<1x2000x48xf32> to vector<2000x48xf32>
    %add3A = arith.addf %get3A_3, %get3A_8 : vector<2000x48xf32>
    %get3A_9 = arith.constant 0 : index
    %get3A_10 = arith.constant 0 : index
    %get3A_11 = arith.constant 0 : index
    %get3A_12 = vector.load %arg1[%get3A_9, %get3A_10, %get3A_11] : memref<2x2048x48xf32, #tpu.memory_space<vmem>>, vector<1x2000x48xf32>
    %get3A_13 = vector.shape_cast %get3A_12 : vector<1x2000x48xf32> to vector<2000x48xf32>
    %add3A_14 = arith.addf %add3A, %get3A_13 : vector<2000x48xf32>
    %get3A_15 = arith.constant 1 : index
    %get3A_16 = arith.constant 0 : index
    %get3A_17 = arith.constant 0 : index
    %get3A_18 = vector.load %arg1[%get3A_15, %get3A_16, %get3A_17] : memref<2x2048x48xf32, #tpu.memory_space<vmem>>, vector<1x2000x48xf32>
    %get3A_19 = vector.shape_cast %get3A_18 : vector<1x2000x48xf32> to vector<2000x48xf32>
    %add3A_20 = arith.addf %add3A_14, %get3A_19 : vector<2000x48xf32>
    %slice3A = vector.extract_strided_slice %add3A_20 {offsets = [0, 0], sizes = [2000, 32], strides = [1, 1]} : vector<2000x48xf32> to vector<2000x32xf32>
    %slice3A_21 = vector.extract_strided_slice %add3A_20 {offsets = [0, 32], sizes = [2000, 1], strides = [1, 1]} : vector<2000x48xf32> to vector<2000x1xf32>
    %max3A = arith.constant 1.000000e+00 : f32
    %max3A_22 = vector.broadcast %max3A : f32 to vector<2000x1xf32>
    %max3A_23 = arith.maximumf %slice3A_21, %max3A_22 : vector<2000x1xf32>
    %div3A = vector.broadcast %max3A_23 : vector<2000x1xf32> to vector<2000x32xf32>
    %div3A_24 = arith.divf %slice3A, %div3A : vector<2000x32xf32>
    %get3A_25 = arith.constant 0 : index
    %get3A_26 = arith.constant 0 : index
    %get3A_27 = vector.load %arg2[%get3A_25, %get3A_26] : memref<2000x32xf32, #tpu.memory_space<vmem>>, vector<2000x32xf32>
    %concatenate3A = tpu.concatenate %div3A_24, %get3A_27 in 1 : vector<2000x32xf32>, vector<2000x32xf32> -> vector<2000x64xf32>
    %ge3A = arith.constant 0.000000e+00 : f32
    %ge3A_28 = vector.broadcast %ge3A : f32 to vector<2000x64xf32>
    %ge3A_29 = arith.cmpf oge, %concatenate3A, %ge3A_28 : vector<2000x64xf32>
    %mul3A = arith.constant 0.00999999977 : f32
    %mul3A_30 = vector.broadcast %mul3A : f32 to vector<2000x64xf32>
    %mul3A_31 = arith.mulf %mul3A_30, %concatenate3A : vector<2000x64xf32>
    %select_n3A = arith.select %ge3A_29, %concatenate3A, %mul3A_31 : vector<2000x64xi1>, vector<2000x64xf32>
    %reduce_sum3A = arith.constant dense<0.000000e+00> : vector<64xf32>
    %reduce_sum3A_32 = vector.multi_reduction <add>, %select_n3A, %reduce_sum3A [0] : vector<2000x64xf32> to vector<64xf32>
    %broadcast_in_dim3A = vector.shape_cast %reduce_sum3A_32 : vector<64xf32> to vector<1x64xf32>
    %div3A_33 = arith.constant 2.000000e+03 : f32
    %div3A_34 = vector.broadcast %div3A_33 : f32 to vector<1x64xf32>
    %div3A_35 = arith.divf %broadcast_in_dim3A, %div3A_34 : vector<1x64xf32>
    %sub3A = vector.broadcast %div3A_35 : vector<1x64xf32> to vector<2000x64xf32>
    %sub3A_36 = arith.subf %select_n3A, %sub3A : vector<2000x64xf32>
    %sub3A_37 = vector.broadcast %div3A_35 : vector<1x64xf32> to vector<2000x64xf32>
    %sub3A_38 = arith.subf %select_n3A, %sub3A_37 : vector<2000x64xf32>
    %mul3A_39 = arith.mulf %sub3A_36, %sub3A_38 : vector<2000x64xf32>
    %reduce_sum3A_40 = arith.constant dense<0.000000e+00> : vector<64xf32>
    %reduce_sum3A_41 = vector.multi_reduction <add>, %mul3A_39, %reduce_sum3A_40 [0] : vector<2000x64xf32> to vector<64xf32>
    %broadcast_in_dim3A_42 = vector.shape_cast %reduce_sum3A_41 : vector<64xf32> to vector<1x64xf32>
    %div3A_43 = arith.constant 2.000000e+03 : f32
    %div3A_44 = vector.broadcast %div3A_43 : f32 to vector<1x64xf32>
    %div3A_45 = arith.divf %broadcast_in_dim3A_42, %div3A_44 : vector<1x64xf32>
    %sub3A_46 = vector.broadcast %div3A_35 : vector<1x64xf32> to vector<2000x64xf32>
    %sub3A_47 = arith.subf %select_n3A, %sub3A_46 : vector<2000x64xf32>
    %add3A_48 = arith.constant 9.99999974E-6 : f32
    %add3A_49 = vector.broadcast %add3A_48 : f32 to vector<1x64xf32>
    %add3A_50 = arith.addf %div3A_45, %add3A_49 : vector<1x64xf32>
    %rsqrt3A = math.rsqrt %add3A_50 : vector<1x64xf32>
    %mul3A_51 = vector.broadcast %rsqrt3A : vector<1x64xf32> to vector<2000x64xf32>
    %mul3A_52 = arith.mulf %sub3A_47, %mul3A_51 : vector<2000x64xf32>
    %get3A_53 = arith.constant 0 : index
    %get3A_54 = arith.constant 0 : index
    %get3A_55 = vector.load %arg3[%get3A_53, %get3A_54] : memref<1x64xf32, #tpu.memory_space<vmem>>, vector<1x64xf32>
    %mul3A_56 = vector.broadcast %get3A_55 : vector<1x64xf32> to vector<2000x64xf32>
    %mul3A_57 = arith.mulf %mul3A_52, %mul3A_56 : vector<2000x64xf32>
    %get3A_58 = arith.constant 0 : index
    %get3A_59 = arith.constant 0 : index
    %get3A_60 = vector.load %arg4[%get3A_58, %get3A_59] : memref<1x64xf32, #tpu.memory_space<vmem>>, vector<1x64xf32>
    %add3A_61 = vector.broadcast %get3A_60 : vector<1x64xf32> to vector<2000x64xf32>
    %add3A_62 = arith.addf %mul3A_57, %add3A_61 : vector<2000x64xf32>
    %get3A_63 = arith.constant 0 : index
    %get3A_64 = arith.constant 0 : index
    %get3A_65 = vector.load %arg5[%get3A_63, %get3A_64] : memref<64x32xf32, #tpu.memory_space<vmem>>, vector<64x32xf32>
    %dot_general3A = arith.constant dense<0.000000e+00> : vector<2000x32xf32>
    %dot_general3A_66 = tpu.matmul %add3A_62, %get3A_65, %dot_general3A {dimension_numbers = #tpu.dot_dimension_numbers<[1], [0], [0], [1], [0, 0, 1, 1], [], []>, transpose_lhs_hint = false} : vector<2000x64xf32>, vector<64x32xf32>, vector<2000x32xf32> -> vector<2000x32xf32>
    %get3A_67 = arith.constant 0 : index
    %get3A_68 = arith.constant 0 : index
    %get3A_69 = vector.load %arg6[%get3A_67, %get3A_68] : memref<1x32xf32, #tpu.memory_space<vmem>>, vector<1x32xf32>
    %add3A_70 = vector.broadcast %get3A_69 : vector<1x32xf32> to vector<2000x32xf32>
    %add3A_71 = arith.addf %dot_general3A_66, %add3A_70 : vector<2000x32xf32>
    %ge3A_72 = arith.constant 0.000000e+00 : f32
    %ge3A_73 = vector.broadcast %ge3A_72 : f32 to vector<2000x32xf32>
    %ge3A_74 = arith.cmpf oge, %add3A_71, %ge3A_73 : vector<2000x32xf32>
    %mul3A_75 = arith.constant 0.00999999977 : f32
    %mul3A_76 = vector.broadcast %mul3A_75 : f32 to vector<2000x32xf32>
    %mul3A_77 = arith.mulf %mul3A_76, %add3A_71 : vector<2000x32xf32>
    %select_n3A_78 = arith.select %ge3A_74, %add3A_71, %mul3A_77 : vector<2000x32xi1>, vector<2000x32xf32>
    %get3A_79 = arith.constant 0 : index
    %get3A_80 = arith.constant 0 : index
    %get3A_81 = vector.load %arg7[%get3A_79, %get3A_80] : memref<32x32xf32, #tpu.memory_space<vmem>>, vector<32x32xf32>
    %dot_general3A_82 = arith.constant dense<0.000000e+00> : vector<2000x32xf32>
    %dot_general3A_83 = tpu.matmul %select_n3A_78, %get3A_81, %dot_general3A_82 {dimension_numbers = #tpu.dot_dimension_numbers<[1], [0], [0], [1], [0, 0, 1, 1], [], []>, transpose_lhs_hint = false} : vector<2000x32xf32>, vector<32x32xf32>, vector<2000x32xf32> -> vector<2000x32xf32>
    %get3A_84 = arith.constant 0 : index
    %get3A_85 = arith.constant 0 : index
    %get3A_86 = vector.load %arg8[%get3A_84, %get3A_85] : memref<1x32xf32, #tpu.memory_space<vmem>>, vector<1x32xf32>
    %add3A_87 = vector.broadcast %get3A_86 : vector<1x32xf32> to vector<2000x32xf32>
    %add3A_88 = arith.addf %dot_general3A_83, %add3A_87 : vector<2000x32xf32>
    %ge3A_89 = arith.constant 0.000000e+00 : f32
    %ge3A_90 = vector.broadcast %ge3A_89 : f32 to vector<2000x32xf32>
    %ge3A_91 = arith.cmpf oge, %add3A_88, %ge3A_90 : vector<2000x32xf32>
    %mul3A_92 = arith.constant 0.00999999977 : f32
    %mul3A_93 = vector.broadcast %mul3A_92 : f32 to vector<2000x32xf32>
    %mul3A_94 = arith.mulf %mul3A_93, %add3A_88 : vector<2000x32xf32>
    %select_n3A_95 = arith.select %ge3A_91, %add3A_88, %mul3A_94 : vector<2000x32xi1>, vector<2000x32xf32>
    %get3A_96 = arith.constant 0 : index
    %get3A_97 = arith.constant 0 : index
    %get3A_98 = vector.load %arg9[%get3A_96, %get3A_97] : memref<32x32xf32, #tpu.memory_space<vmem>>, vector<32x32xf32>
    %dot_general3A_99 = arith.constant dense<0.000000e+00> : vector<2000x32xf32>
    %dot_general3A_100 = tpu.matmul %select_n3A_95, %get3A_98, %dot_general3A_99 {dimension_numbers = #tpu.dot_dimension_numbers<[1], [0], [0], [1], [0, 0, 1, 1], [], []>, transpose_lhs_hint = false} : vector<2000x32xf32>, vector<32x32xf32>, vector<2000x32xf32> -> vector<2000x32xf32>
    %get3A_101 = arith.constant 0 : index
    %get3A_102 = arith.constant 0 : index
    %get3A_103 = vector.load %arg10[%get3A_101, %get3A_102] : memref<1x32xf32, #tpu.memory_space<vmem>>, vector<1x32xf32>
    %add3A_104 = vector.broadcast %get3A_103 : vector<1x32xf32> to vector<2000x32xf32>
    %add3A_105 = arith.addf %dot_general3A_100, %add3A_104 : vector<2000x32xf32>
    %get3A_106 = arith.constant 0 : index
    %get3A_107 = arith.constant 0 : index
    %get3A_108 = vector.load %arg11[%get3A_106, %get3A_107] : memref<32x32xf32, #tpu.memory_space<vmem>>, vector<32x32xf32>
    %dot_general3A_109 = arith.constant dense<0.000000e+00> : vector<2000x32xf32>
    %dot_general3A_110 = tpu.matmul %add3A_105, %get3A_108, %dot_general3A_109 {dimension_numbers = #tpu.dot_dimension_numbers<[1], [0], [0], [1], [0, 0, 1, 1], [], []>, transpose_lhs_hint = false} : vector<2000x32xf32>, vector<32x32xf32>, vector<2000x32xf32> -> vector<2000x32xf32>
    %get3A_111 = arith.constant 0 : index
    %get3A_112 = arith.constant 0 : index
    %get3A_113 = vector.load %arg12[%get3A_111, %get3A_112] : memref<1x32xf32, #tpu.memory_space<vmem>>, vector<1x32xf32>
    %add3A_114 = vector.broadcast %get3A_113 : vector<1x32xf32> to vector<2000x32xf32>
    %add3A_115 = arith.addf %dot_general3A_110, %add3A_114 : vector<2000x32xf32>
    %ge3A_116 = arith.constant 0.000000e+00 : f32
    %ge3A_117 = vector.broadcast %ge3A_116 : f32 to vector<2000x32xf32>
    %ge3A_118 = arith.cmpf oge, %add3A_115, %ge3A_117 : vector<2000x32xf32>
    %mul3A_119 = arith.constant 0.00999999977 : f32
    %mul3A_120 = vector.broadcast %mul3A_119 : f32 to vector<2000x32xf32>
    %mul3A_121 = arith.mulf %mul3A_120, %add3A_115 : vector<2000x32xf32>
    %select_n3A_122 = arith.select %ge3A_118, %add3A_115, %mul3A_121 : vector<2000x32xi1>, vector<2000x32xf32>
    %get3A_123 = arith.constant 0 : index
    %get3A_124 = arith.constant 0 : index
    %get3A_125 = vector.load %arg13[%get3A_123, %get3A_124] : memref<32x1xf32, #tpu.memory_space<vmem>>, vector<32x1xf32>
    %dot_general3A_126 = arith.constant dense<0.000000e+00> : vector<2000x1xf32>
    %dot_general3A_127 = tpu.matmul %select_n3A_122, %get3A_125, %dot_general3A_126 {dimension_numbers = #tpu.dot_dimension_numbers<[1], [0], [0], [1], [0, 0, 1, 1], [], []>, transpose_lhs_hint = false} : vector<2000x32xf32>, vector<32x1xf32>, vector<2000x1xf32> -> vector<2000x1xf32>
    %get3A_128 = arith.constant 0 : index
    %get3A_129 = arith.constant 0 : index
    %get3A_130 = vector.load %arg14[%get3A_128, %get3A_129] : memref<1x1xf32, #tpu.memory_space<vmem>>, vector<1x1xf32>
    %add3A_131 = vector.broadcast %get3A_130 : vector<1x1xf32> to vector<2000x1xf32>
    %add3A_132 = arith.addf %dot_general3A_127, %add3A_131 : vector<2000x1xf32>
    %swap3A = arith.constant 0 : index
    %swap3A_133 = arith.constant 0 : index
    %swap3A_134 = vector.load %arg15[%swap3A, %swap3A_133] : memref<2000x1xf32, #tpu.memory_space<vmem>>, vector<2000x1xf32>
    tpu.vector_store %arg15[%swap3A, %swap3A_133], %add3A_132 {strides = array<i32>} : memref<2000x1xf32, #tpu.memory_space<vmem>>, vector<2000x1xf32>,
    return
  }
}

</mosaic_0001>

<sc_bundles>
// kernel: kernel.11.cloned.1.call-start
scs
__scs_entry_jumppad:
0x0: {  	(pc) =	sbr.rel $0x88, $3  }
0x1: {  	(tag) =	ssettag $0x0;
	lr =	simm.s32 $0x1  }
0x2: {  	[smem:$0x3F7F] =	sst lr;
	_ =	strace $0xD0000000  }
0x3: {  	_ = 	snop  }
0x4: {  	_ = 	snop  }
0x5: {  	_ = 	snop  }
0x6: {  	_ = 	snop  }
0x7: {  	_ = 	snop  }
__scs_overlays_trampoline_lowered:
0x8: {  	[smem:$0x3F8E] =	sst s0  }
0x9: {  	[smem:$0x3F8F] =	sst s1  }
0xa: {  	[smem:$0x3F90] =	sst s2  }
0xb: {  	[smem:$0x3F91] =	sst s3  }
0xc: {  	[smem:$0x3F92] =	sst s4  }
0xd: {  	[smem:$0x3F93] =	sst s5  }
0xe: {  	[smem:$0x3F94] =	sst s6  }
0xf: {  	[smem:$0x3F95] =	sst s7  }
0x10: {  	[smem:$0x3F96] =	sst s8  }
0x11: {  	[smem:$0x3F97] =	sst s9;
	s0 =	simm.s32 @!p0 $0x0  }
0x12: {  	s1 =	sld [smem:$0x3F7D];
	s0 =	simm.s32 @p0 $0x1  }
0x13: {  	[smem:$0x3F98] =	sst s0;
	s0 =	simm.s32 @!p1 $0x0  }
0x14: {  	s2 =	sld [smem:$0x3F7C];
	s0 =	simm.s32 @p1 $0x1  }
0x15: {  	[smem:$0x3F99] =	sst s0;
	s0 =	simm.s32 @!p2 $0x0  }
0x16: {  	s3 =	sld [smem:$0x3FDB];
	s0 =	simm.s32 @p2 $0x1  }
0x17: {  	s4 =	simm.s32 $0x1BF5;
	[smem:$0x3F9B] =	sst s0  }
0x18: {  	s0 =	sld [smem:$0x3F7E];
	_ =	swait.ge [sflag:s4], $0x0  }
0x19: {  	s7 =	sld [smem:$0x3F7F]  }
0x1a: {  	s8 =	sadd.s32 $0xFFFFE003, lr  }
0x1b: {  	s9 =	sadd.s32 $0xFFFFFEF7, lr;
	s5 =	simm.s32 $0xFFFFFFFF;
	p2 =	slt.u32 s8, $0xFFFFF086  }
0x1c: {  	p1 =	slt.u32 s9, $0xF7A;
	s5 =	simm.s32 @!p2 $0x0  }
0x1d: {  	s5 =	simm.s32 @p1 $0x1;
	p0 =	seq.s32 s7, s2  }
0x1e: {  	s7 =	smul.u32 @!p0 $0xF7A, s2;
	p2 =	seq.s32 @!p0 s5, $0x0  }
0x1f: {  	s9 =	smul.u32 $0xF7A, s1;
	s8 =	simm.s32 @!p0 $0x1BF5;
	p2 =	por !p2, p0  }
0x20: {  	[sflag:s8] =	ssyncset.s32 @!p0 $0xFFFFF086;
	s6 =	sadd.s32 @!p0 s3, s7;
	s7 =	simm.s32 @!p0 $0x108  }
0x21: {  	s3 =	sadd.s32 s3, s9;
	s6 =	sadd.s32 @!p0 $0x88, s6;
	s7 =	simm.s32 @p2 $0x1082  }
0x22: {  	[simem:s7], [sflag:s8] =	dma.local @!p0 [hbm:s6], $0xF7A  }
0x23: {  	s9 =	sor.u32 $0xD0000000, s2;
	s6 =	simm.s32 $0x108;
	_ =	swait.ge @!p0 [sflag:s8], $0x0  }
0x24: {  	s3 =	sadd.s32 $0x88, s3;
	s6 =	simm.s32 @!p1 $0x1082;
	[sflag:s4] =	ssyncset.s32 $0xFFFFF086  }
0x25: {  	[simem:s6], [sflag:s4] =	dma.local [hbm:s3], $0xF7A  }
0x26: {  	[smem:$0x3F7F] =	sst s1;
	(tag) =	ssettag s2;
	_ =	strace s9  }
0x27: {  	s1 =	sld [smem:$0x3F8F]  }
0x28: {  	s2 =	sld [smem:$0x3F90]  }
0x29: {  	s4 =	sld [smem:$0x3F92]  }
0x2a: {  	p0 =	seq.s32 s5, $0x0;
	s5 =	sld [smem:$0x3F93]  }
0x2b: {  	s6 =	sld [smem:$0x3F94]  }
0x2c: {  	s7 =	sld [smem:$0x3F95]  }
0x2d: {  	s3 =	simm.s32 $0x108;
	s8 =	sld [smem:$0x3F96]  }
0x2e: {  	s3 =	simm.s32 @!p0 $0x1082;
	s9 =	sld [smem:$0x3F97]  }
0x2f: {  	lr =	sadd.s32 s0, s3;
	s0 =	sld [smem:$0x3F8E]  }
0x30: {  	s3 =	sld [smem:$0x3F91]  }
0x31: {  	[smem:$0x3F9A] =	sst s10  }
0x32: {  	s10 =	sld [smem:$0x3F98];
	_ =	sdelay $0x3  }
0x33: {  	p0 =	seq.s32 s10, $0x1;
	s10 =	sld [smem:$0x3F9A];
	_ =	sdelay $0x3  }
0x34: {  	[smem:$0x3F9A] =	sst s10  }
0x35: {  	s10 =	sld [smem:$0x3F99];
	_ =	sdelay $0x3  }
0x36: {  	p1 =	seq.s32 s10, $0x1;
	s10 =	sld [smem:$0x3F9A];
	_ =	sdelay $0x3  }
0x37: {  	[smem:$0x3F9A] =	sst s10  }
0x38: {  	s10 =	sld [smem:$0x3F9B]  }
0x39: {  	_ = 	snop;
	(pc) =	sbr.ind lr, $3  }
0x3a: {  	_ = 	snop  }
0x3b: {  	_ = 	snop  }
0x3c: {  	p2 =	seq.s32 s10, $0x1;
	s10 =	sld [smem:$0x3F9A]  }
0x3d: {  	_ =	shalt  }
0x3e: {  	_ =	shalt  }
0x3f: {  	_ =	shalt  }
0x40: {  	_ =	shalt  }
0x41: {  	_ =	shalt  }
0x42: {  	_ =	shalt  }
0x43: {  	_ =	shalt  }
0x44: {  	_ =	shalt  }
0x45: {  	_ =	shalt  }
0x46: {  	_ =	shalt  }
0x47: {  	_ =	shalt  }
0x48: {  	_ =	shalt  }
0x49: {  	_ =	shalt  }
0x4a: {  	_ =	shalt  }
0x4b: {  	_ =	shalt  }
0x4c: {  	_ =	shalt  }
0x4d: {  	_ =	shalt  }
0x4e: {  	_ =	shalt  }
0x4f: {  	_ =	shalt  }
0x50: {  	_ =	shalt  }
0x51: {  	_ =	shalt  }
0x52: {  	_ =	shalt  }
0x53: {  	_ =	shalt  }
0x54: {  	_ =	shalt  }
0x55: {  	_ =	shalt  }
0x56: {  	_ =	shalt  }
0x57: {  	_ =	shalt  }
0x58: {  	_ =	shalt  }
0x59: {  	_ =	shalt  }
0x5a: {  	_ =	shalt  }
0x5b: {  	_ =	shalt  }
0x5c: {  	_ =	shalt  }
0x5d: {  	_ =	shalt  }
0x5e: {  	_ =	shalt  }
0x5f: {  	_ =	shalt  }
0x60: {  	_ =	shalt  }
0x61: {  	_ =	shalt  }
0x62: {  	_ =	shalt  }
0x63: {  	_ =	shalt  }
0x64: {  	_ =	shalt  }
0x65: {  	_ =	shalt  }
0x66: {  	_ =	shalt  }
0x67: {  	_ =	shalt  }
0x68: {  	_ =	shalt  }
0x69: {  	_ =	shalt  }
0x6a: {  	_ =	shalt  }
0x6b: {  	_ =	shalt  }
0x6c: {  	_ =	shalt  }
0x6d: {  	_ =	shalt  }
0x6e: {  	_ =	shalt  }
0x6f: {  	_ =	shalt  }
0x70: {  	_ =	shalt  }
0x71: {  	_ =	shalt  }
0x72: {  	_ =	shalt  }
0x73: {  	_ =	shalt  }
0x74: {  	_ =	shalt  }
0x75: {  	_ =	shalt  }
0x76: {  	_ =	shalt  }
0x77: {  	_ =	shalt  }
0x78: {  	_ =	shalt  }
0x79: {  	_ =	shalt  }
0x7a: {  	_ =	shalt  }
0x7b: {  	_ =	shalt  }
0x7c: {  	_ =	shalt  }
0x7d: {  	_ =	shalt  }
0x7e: {  	_ =	shalt  }
0x7f: {  	_ =	shalt  }
0x80: {  	_ =	shalt  }
0x81: {  	_ =	shalt  }
0x82: {  	_ =	shalt  }
0x83: {  	_ =	shalt  }
0x84: {  	_ =	shalt  }
0x85: {  	_ =	shalt  }
0x86: {  	_ =	shalt  }
0x87: {  	_ =	shalt  }
.Lfunc_end0:
.L_simem_size_0:
called_computation_lowered:
.L_overlay_start_0:
0x88: {  	s2 =	sld [smem:$0x3FD9]  }
0x89: {  	s3 =	sld [smem:$0x3FFE];
	_ =	sdelay $0x1  }
0x8a: {  	s1 =	srdreg.scid  }
0x8b: {  	s0 =	sand.u32 $0x1, s1  }
0x8c: {  	s17 =	sshll.u32 s0, $0xA;
	s2 =	sadd.s32 s3, s2  }
0x8d: {  	s2 =	sadd.s32 s2, s17  }
0x8e: {  	[smem:$0x3FA6] =	sst s2  }
0x8f: {  	_ = 	snop  }
0x90: {  	(tm) =	ssettm $0x1  }
0x91: {  	s18 =	sld [smem:$0x3FFB];
	_ =	sdelay $0x3  }
0x92: {  	_ =	strace s18  }
0x93: {  	s2 =	sld [smem:$0x3FFC];
	_ =	sdelay $0x3  }
0x94: {  	_ =	strace s2  }
0x95: {  	s2 =	sld [smem:$0x3FFD];
	_ =	sdelay $0x3  }
0x96: {  	_ =	strace s2  }
0x97: {  	_ =	strace $0x8FFFFFFF  }
0x98: {  	s19 =	sld [smem:$0x3FDB];
	_ =	sdelay $0x1  }
0x99: {  	s20 =	simm.s32 $_scs_section_size  }
0x9a: {  	s4 =	simm.s32 $_size__tile_overlayer_lowered;
	s5 =	simm.s32 $_tile_overlayer_lowered  }
0x9b: {  	s6 =	simm.s32 $0x1BFF;
	s21 =	sshll.u32 s5, $0x1;
	s3 =	sadd.s32 s20, s19  }
0x9c: {  	s22 =	simm.s32 $0x0;
	s4 =	sshll.u32 s4, $0x1;
	s5 =	sadd.s32 s21, s3  }
0x9d: {  	[timem:s22], [sflag:s6] =	dma.local [hbm:s5], s4  }
0x9e: {  	_ =	swait.ge [sflag:s6], s4  }
0x9f: {  	s4 =	ssub.s32 $0x0, s4;
	[sflag:s6] =	ssyncset.done $0x0  }
0xa0: {  	[sflag:s6] =	ssyncadd.s32 s4;
	_ =	sdelay $0x1  }
0xa1: {  	s23 =	simm.s32 $0x1B8B  }
0xa2: {  	_ =	swait.ge [sflag:s23], $0x1  }
0xa3: {  	[sflag:s23] =	ssyncset.done $0x0  }
0xa4: {  	[sflag:s23] =	ssyncadd.s32 $0xFFFFFFFF  }
0xa5: {  	s4 =	sld [smem:$0x0]  }
0xa6: {  	s5 =	sand.u32 $0xFFFFFFFE, s1  }
0xa7: {  	p0 =	sne.s32 s1, s5  }
0xa8: {  	s5 =	sshll.u32 @p0 s5, $0xE  }
0xa9: {  	s5 =	sadd.s32 @p0 $0x11B8D, s5;
	s6 =	sshll.u32 @p0 s4, $0x11  }
0xaa: {  	s5 =	sor.u32 @p0 s6, s5  }
0xab: {  	[sflag:s5] =	ssyncadd.remote.s32 @p0 $0x1;
	_ =	sdelay $0x1  }
0xac: {  	s5 =	simm.s32 @p0 $0x1B8D  }
0xad: {  	_ =	swait.eq @p0 [sflag:s5], $0x1  }
0xae: {  	[sflag:s5] =	ssyncadd.s32 @p0 $0xFFFFFFFF  }
0xaf: {  	s6 =	sshll.u32 @!p0 s1, $0xE  }
0xb0: {  	s6 =	sor.u32 @!p0 $0x4000, s6;
	s5 =	simm.s32 @!p0 $0x1B8D  }
0xb1: {  	s4 =	sshll.u32 @!p0 s4, $0x11;
	s6 =	sadd.s32 @!p0 $0x11B8D, s6;
	_ =	swait.eq @!p0 [sflag:s5], $0x1  }
0xb2: {  	s4 =	sor.u32 @!p0 s4, s6;
	[sflag:s5] =	ssyncadd.s32 @!p0 $0xFFFFFFFF  }
0xb3: {  	s25 =	simm.s32 $0x1B8E;
	s24 =	sld [smem:$0x3FFE];
	[sflag:s4] =	ssyncadd.remote.s32 @!p0 $0x1  }
0xb4: {  	s26 =	simm.s32 $execute0_lowered;
	[smem:$0x3FD2] =	sst s25  }
0xb5: {  	s5 =	sshll.u32 s26, $0x1;
	_ =	strace $0x80000049;
	[dreg:$0x1] =	wrdreg $0xFFFFFFFF  }
0xb6: {  	s28 =	simm.s32 $_size_execute0_lowered;
	s3 =	sadd.s32 s3, s5;
	[dreg:$0x0] =	wrdreg $0x0  }
0xb7: {  	s5 =	sshll.u32 s28, $0x1;
	[dreg:$0x2] =	wrdreg s3  }
0xb8: {  	[dreg:$0x3] =	wrdreg s5  }
0xb9: {  	[dreg:$0x4] =	wrdreg $0xC0  }
0xba: {  	_ =	task [dreg:s22], $0x5FFFF  }
0xbb: {  	[dreg:$0x1] =	wrdreg $0xFFFFFFFF  }
0xbc: {  	[dreg:$0x0] =	wrdreg $0x60  }
0xbd: {  	[dreg:$0x2] =	wrdreg s24  }
0xbe: {  	[dreg:$0x3] =	wrdreg $0x14A000  }
0xbf: {  	[dreg:$0x4] =	wrdreg $0x9  }
0xc0: {  	_ =	task.clear_ibuf [dreg:s22], $0x5FFFF;
	_ =	strace $0x90000049  }
0xc1: {  	s29 =	simm.s32 $0x9;
	_ =	strace $0x8000004B  }
0xc2: {  	_ =	swait.ge [sflag:s29], $0x1  }
0xc3: {  	[sflag:s29] =	ssyncadd.s32 $0xFFFFFFFF  }
0xc4: {  	_ =	strace $0x9000004B  }
0xc5: {  	_ =	sfence  }
0xc6: {  	s30 =	sld [smem:$0x0];
	_ =	sdelay $0x2  }
0xc7: {  	s31 =	sshll.u32 s1, $0xD;
	s1 =	sshrl.u32 s1, $0x2  }
0xc8: {  	s4 =	sand.u32 $0x4000, s31;
	s1 =	sadd.s32 s1, s30  }
0xc9: {  	s0 =	sor.u32 s4, s0;
	s1 =	sshll.u32 s1, $0x11  }
0xca: {  	s0 =	sor.u32 s1, s0  }
0xcb: {  	s0 =	sadd.s32 $0x8F2B, s0  }
0xcc: {  	[sflag:s0] =	ssyncadd.remote.s32 $0x1  }
0xcd: {  	_ =	sfence.sel $0xFFFF  }
0xce: {  	[dreg:$0x0] =	wrdreg $0xFFFFFFFF;
	(pc) =	sbr.abs _section_cstart, $3  }
0xcf: {  	[dreg:$0x1] =	wrdreg $0xFFFFFFFF  }
0xd0: {  	_ =	task.clear_ibuf [dreg:s22], $0x2FFFF;
	_ =	strace $0x9FFFFFFF  }
0xd1: {  	(tm) =	ssettm $0x7FFFFFFF  }
tec
execute0_lowered:
.L_overlay_start_1:
0x0: {  	(tag) =	ssettag $0x1  }
0x1: {  	s3 =	rddreg [dreg:$0x0];
	s4 =	stileid.u32  }
0x2: {  	s2 =	rddreg [dreg:$0x1];
	s1 =	simm.s32 $0x0;
	s5 =	sshll.u32 s4, $0x1  }
0x3: {  	[smem:$0x7FF] =	sst s1;
	s7 =	sadd.s32 $0x10200, s3;
	p0 =	sne.s32 s4, $0x0  }
0x4: {  	s4 =	simm.s32 $0x1A00;
	_ =	strace $0x8000004A;
	[dreg:$0x3] =	wrdreg s7  }
0x5: {  	s9 =	simm.s32 $0x200;
	[dreg:$0x8] =	wrdreg s4  }
0x6: {  	s10 =	simm.s32 $0x4A00;
	[dreg:$0xd] =	wrdreg s9  }
0x7: {  	s11 =	simm.s32 $0x280;
	[dreg:$0xe] =	wrdreg s10  }
0x8: {  	s12 =	simm.s32 $0x5A00;
	[dreg:$0xf] =	wrdreg s11  }
0x9: {  	s13 =	simm.s32 $0x300;
	[dreg:$0x10] =	wrdreg s12  }
0xa: {  	s14 =	simm.s32 $0x6A00;
	[dreg:$0x11] =	wrdreg s13  }
0xb: {  	s15 =	simm.s32 $0x380;
	[dreg:$0x12] =	wrdreg s14  }
0xc: {  	s16 =	simm.s32 $0x7A00;
	[dreg:$0x13] =	wrdreg s15  }
0xd: {  	s17 =	simm.s32 $0x400;
	[dreg:$0x14] =	wrdreg s16  }
0xe: {  	s18 =	simm.s32 $0x8A00;
	[dreg:$0x15] =	wrdreg s17  }
0xf: {  	s0 =	srdreg.scid;
	s19 =	simm.s32 $0x480;
	[dreg:$0x16] =	wrdreg s18  }
0x10: {  	s20 =	simm.s32 $0x9A00;
	s29 =	sand.u32 $0x1, s0;
	[dreg:$0x17] =	wrdreg s19  }
0x11: {  	s21 =	simm.s32 $0x500;
	s5 =	sor.u32 s29, s5;
	[dreg:$0x18] =	wrdreg s20  }
0x12: {  	s22 =	simm.s32 $0x580;
	[dreg:$0x19] =	wrdreg s21;
	s6 =	smul.u32 $0x140, s5  }
0x13: {  	s7 =	simm.s32 $0x180;
	[dreg:$0x1a] =	wrdreg s22;
	s8 =	smul.u32 $0x14000, s5  }
0x14: {  	s5 =	smul.u32 $0x2800, s5;
	[dreg:$0xb] =	wrdreg s7  }
0x15: {  	s6 =	sadd.s32 s6, s3;
	s0 =	sshrl.u32 s8, $0x3;
	s8 =	simm.s32 $0x3A00  }
0x16: {  	s3 =	sadd.s32 $0x6F000, s3;
	s6 =	sadd.s32 $0x6A000, s6;
	[dreg:$0xc] =	wrdreg s8  }
0x17: {  	s5 =	sadd.s32 s3, s5;
	s3 =	sadd.s32 s3, s0;
	[dreg:$0x4] =	wrdreg s6  }
0x18: {  	[dreg:$0x5] =	wrdreg s5;
	s3 =	sadd.s32 $0x1400, s3  }
0x19: {  	s5 =	simm.s32 $0x100;
	[dreg:$0x6] =	wrdreg s3  }
0x1a: {  	s6 =	simm.s32 $0x2A00;
	[dreg:$0x9] =	wrdreg s5  }
0x1b: {  	[dreg:$0xa] =	wrdreg s6  }
0x1c: {  	s3 =	sshrl.u32 @!p0 s2, $0x3;
	s5 =	rddreg [dreg:$0x3]  }
0x1d: {  	[dreg:$0x7] =	wrdreg s3  }
0x1e: {  	s4 =	simm.s32 @!p0 $0x5;
	s0 =	simm.s32 @!p0 $0x1C05;
	s6 =	rddreg [dreg:$0x7]  }
0x1f: {  	[spmem:s6], [sflag:s0] =	dma.local @!p0 [hbm:s5], $0x9C40  }
0x20: {  	_ =	swait.ge @!p0 [sflag:s4], $0x9C40  }
0x21: {  	[sflag:s4] =	ssyncset.done @!p0 $0x0  }
0x22: {  	s5 =	simm.s32 $0x5;
	s23 =	rddreg [dreg:$0x4];
	[sflag:s4] =	ssyncadd.s32 @!p0 $0xFFFF63C0  }
0x23: {  	[tilespmem:s1], [sflag:$0x5] =	stream.linear.gather [hbm4b:s23+s1], $0xA00, $0x38;
	[tilespmem:$0x19820] =	vst v63  }
0x24: {  	_ =	swait.ge [sflag:s5], $0xA00  }
0x25: {  	[sflag:s5] =	ssyncset.done $0x0  }
0x26: {  	[sflag:s5] =	ssyncadd.s32 $0xFFFFF600  }
0x27: {  	[bflag:$0x0] =	sbarrier.arrive $0xFFFF  }
0x28: {  	s24 =	rddreg [dreg:$0x18]  }
0x29: {  	s9 =	rddreg [dreg:$0x9]  }
0x2a: {  	s10 =	rddreg [dreg:$0xa]  }
0x2b: {  	s11 =	rddreg [dreg:$0x16]  }
0x2c: {  	s12 =	rddreg [dreg:$0xb]  }
0x2d: {  	s13 =	rddreg [dreg:$0x14]  }
0x2e: {  	s14 =	rddreg [dreg:$0x12]  }
0x2f: {  	s7 =	simm.s32 $0xA00;
	s6 =	simm.s32 $0x80;
	s15 =	rddreg [dreg:$0xc]  }
0x30: {  	[tilespmem:s7], [sflag:$0x1] =	stream.indirect.gather [spmem:s2], $0x20, s1, s6, $0xb8;
	[tilespmem:$0x19820] =	vst v63  }
0x31: {  	s16 =	rddreg [dreg:$0x8]  }
0x32: {  	[tilespmem:s16], [sflag:$0x1] =	stream.indirect.gather [spmem:s2], $0x20, s6, s6, $0xb8;
	[tilespmem:$0x19820] =	vst v63  }
0x33: {  	s17 =	rddreg [dreg:$0x10]  }
0x34: {  	[tilespmem:s10], [sflag:$0x1] =	stream.indirect.gather [spmem:s2], $0x20, s9, s6, $0xb8;
	[tilespmem:$0x19820] =	vst v63  }
0x35: {  	s25 =	rddreg [dreg:$0xe]  }
0x36: {  	[tilespmem:s15], [sflag:$0x1] =	stream.indirect.gather [spmem:s2], $0x20, s12, s6, $0xb8;
	[tilespmem:$0x19820] =	vst v63  }
0x37: {  	s26 =	rddreg [dreg:$0xd]  }
0x38: {  	[tilespmem:s25], [sflag:$0x1] =	stream.indirect.gather [spmem:s2], $0x20, s26, s6, $0xb8;
	[tilespmem:$0x19820] =	vst v63  }
0x39: {  	s0 =	rddreg [dreg:$0xf]  }
0x3a: {  	[tilespmem:s17], [sflag:$0x1] =	stream.indirect.gather [spmem:s2], $0x20, s0, s6, $0xb8;
	[tilespmem:$0x19820] =	vst v63  }
0x3b: {  	s3 =	rddreg [dreg:$0x11]  }
0x3c: {  	[tilespmem:s14], [sflag:$0x1] =	stream.indirect.gather [spmem:s2], $0x20, s3, s6, $0xb8;
	[tilespmem:$0x19820] =	vst v63  }
0x3d: {  	s12 =	rddreg [dreg:$0x13]  }
0x3e: {  	[tilespmem:s13], [sflag:$0x1] =	stream.indirect.gather [spmem:s2], $0x20, s12, s6, $0xb8;
	[tilespmem:$0x19820] =	vst v63  }
0x3f: {  	s14 =	rddreg [dreg:$0x15]  }
0x40: {  	[tilespmem:s11], [sflag:$0x1] =	stream.indirect.gather [spmem:s2], $0x20, s14, s6, $0xb8;
	[tilespmem:$0x19820] =	vst v63  }
0x41: {  	s15 =	rddreg [dreg:$0x17]  }
0x42: {  	[tilespmem:s24], [sflag:$0x1] =	stream.indirect.gather [spmem:s2], $0x20, s15, s6, $0xb8;
	[tilespmem:$0x19820] =	vst v63  }
0x43: {  	s8 =	simm.s32 $0xAA00;
	s16 =	rddreg [dreg:$0x19]  }
0x44: {  	[tilespmem:s8], [sflag:$0x2] =	stream.indirect.gather [spmem:s2], $0x20, s16, s6, $0xb8;
	[tilespmem:$0x19820] =	vst v63  }
0x45: {  	s18 =	simm.s32 $0xBA00;
	s17 =	rddreg [dreg:$0x1a]  }
0x46: {  	[tilespmem:s18], [sflag:$0x2] =	stream.indirect.gather [spmem:s2], $0x20, s17, s6, $0xb8;
	[tilespmem:$0x19820] =	vst v63  }
0x47: {  	s19 =	simm.s32 $0x600;
	s20 =	simm.s32 $0xCA00  }
0x48: {  	[tilespmem:s20], [sflag:$0x2] =	stream.indirect.gather [spmem:s2], $0x20, s19, s6, $0xb8;
	[tilespmem:$0x19820] =	vst v63  }
0x49: {  	s21 =	simm.s32 $0x680;
	s22 =	simm.s32 $0xDA00  }
0x4a: {  	[tilespmem:s22], [sflag:$0x2] =	stream.indirect.gather [spmem:s2], $0x20, s21, s6, $0xb8;
	[tilespmem:$0x19820] =	vst v63  }
0x4b: {  	s23 =	simm.s32 $0x700;
	s24 =	simm.s32 $0xEA00  }
0x4c: {  	[tilespmem:s24], [sflag:$0x2] =	stream.indirect.gather [spmem:s2], $0x20, s23, s6, $0xb8;
	[tilespmem:$0x19820] =	vst v63  }
0x4d: {  	s25 =	simm.s32 $0x780;
	s26 =	simm.s32 $0xFA00  }
0x4e: {  	[tilespmem:s26], [sflag:$0x2] =	stream.indirect.gather [spmem:s2], $0x20, s25, s6, $0xb8;
	[tilespmem:$0x19820] =	vst v63  }
0x4f: {  	s18 =	simm.s32 $0x800;
	s19 =	simm.s32 $0x10A00  }
0x50: {  	[tilespmem:s19], [sflag:$0x2] =	stream.indirect.gather [spmem:s2], $0x20, s18, s6, $0xb8;
	[tilespmem:$0x19820] =	vst v63  }
0x51: {  	s20 =	simm.s32 $0x880;
	s21 =	simm.s32 $0x11A00  }
0x52: {  	[tilespmem:s21], [sflag:$0x2] =	stream.indirect.gather [spmem:s2], $0x20, s20, s6, $0xb8;
	[tilespmem:$0x19820] =	vst v63  }
0x53: {  	s22 =	simm.s32 $0x900;
	s23 =	simm.s32 $0x12A00  }
0x54: {  	[tilespmem:s23], [sflag:$0x2] =	stream.indirect.gather [spmem:s2], $0x20, s22, s6, $0xb8;
	[tilespmem:$0x19820] =	vst v63  }
0x55: {  	s24 =	simm.s32 $0x980;
	s25 =	simm.s32 $0x13A00;
	s26 =	simm.s32 $0x1  }
0x56: {  	[tilespmem:s25], [sflag:$0x2] =	stream.indirect.gather [spmem:s2], $0x20, s24, s6, $0xb8;
	[tilespmem:$0x19820] =	vst v63  }
0x57: {  	_ =	swait.ge [sflag:s26], $0x1000  }
0x58: {  	[sflag:s26] =	ssyncset.done $0x0  }
0x59: {  	[sflag:s26] =	ssyncadd.s32 $0xFFFFF000  }
0x5a: {  	_ =	swait.ge [sflag:s26], $0x1000  }
0x5b: {  	[sflag:s26] =	ssyncset.done $0x0  }
0x5c: {  	[sflag:s26] =	ssyncadd.s32 $0xFFFFF000  }
0x5d: {  	_ =	swait.ge [sflag:s26], $0x1000  }
0x5e: {  	[sflag:s26] =	ssyncset.done $0x0  }
0x5f: {  	[sflag:s26] =	ssyncadd.s32 $0xFFFFF000  }
0x60: {  	_ =	swait.ge [sflag:s26], $0x1000  }
0x61: {  	[sflag:s26] =	ssyncset.done $0x0  }
0x62: {  	[sflag:s26] =	ssyncadd.s32 $0xFFFFF000  }
0x63: {  	_ =	swait.ge [sflag:s26], $0x1000  }
0x64: {  	[sflag:s26] =	ssyncset.done $0x0  }
0x65: {  	[sflag:s26] =	ssyncadd.s32 $0xFFFFF000  }
0x66: {  	_ =	swait.ge [sflag:s26], $0x1000  }
0x67: {  	[sflag:s26] =	ssyncset.done $0x0  }
0x68: {  	[sflag:s26] =	ssyncadd.s32 $0xFFFFF000  }
0x69: {  	_ =	swait.ge [sflag:s26], $0x1000  }
0x6a: {  	[sflag:s26] =	ssyncset.done $0x0  }
0x6b: {  	[sflag:s26] =	ssyncadd.s32 $0xFFFFF000  }
0x6c: {  	_ =	swait.ge [sflag:s26], $0x1000  }
0x6d: {  	[sflag:s26] =	ssyncset.done $0x0  }
0x6e: {  	[sflag:s26] =	ssyncadd.s32 $0xFFFFF000  }
0x6f: {  	_ =	swait.ge [sflag:s26], $0x1000  }
0x70: {  	[sflag:s26] =	ssyncset.done $0x0  }
0x71: {  	[sflag:s26] =	ssyncadd.s32 $0xFFFFF000  }
0x72: {  	_ =	swait.ge [sflag:s26], $0x1000  }
0x73: {  	[sflag:s26] =	ssyncset.done $0x0  }
0x74: {  	s28 =	rddreg [dreg:$0x5];
	[sflag:s26] =	ssyncadd.s32 $0xFFFFF000  }
0x75: {  	[hbm4b:s28+s1] =	stream.linear.scatter [tilespmem:s7], [sflag:$0x3], $0xA000, $0x38;
	[tilespmem:$0x19820] =	vst v63  }
0x76: {  	s28 =	simm.s32 $0x2  }
0x77: {  	_ =	swait.ge [sflag:s28], $0x1000  }
0x78: {  	[sflag:s28] =	ssyncset.done $0x0  }
0x79: {  	[sflag:s28] =	ssyncadd.s32 $0xFFFFF000  }
0x7a: {  	_ =	swait.ge [sflag:s28], $0x1000  }
0x7b: {  	[sflag:s28] =	ssyncset.done $0x0  }
0x7c: {  	[sflag:s28] =	ssyncadd.s32 $0xFFFFF000  }
0x7d: {  	_ =	swait.ge [sflag:s28], $0x1000  }
0x7e: {  	[sflag:s28] =	ssyncset.done $0x0  }
0x7f: {  	[sflag:s28] =	ssyncadd.s32 $0xFFFFF000  }
0x80: {  	_ =	swait.ge [sflag:s28], $0x1000  }
0x81: {  	[sflag:s28] =	ssyncset.done $0x0  }
0x82: {  	[sflag:s28] =	ssyncadd.s32 $0xFFFFF000  }
0x83: {  	_ =	swait.ge [sflag:s28], $0x1000  }
0x84: {  	[sflag:s28] =	ssyncset.done $0x0  }
0x85: {  	s29 =	ssub.s32 $0x2, s29;
	[sflag:s28] =	ssyncadd.s32 $0xFFFFF000  }
0x86: {  	s30 =	sshrl.u32 s29, $0x1;
	_ =	swait.ge [sflag:s28], $0x1000  }
0x87: {  	s29 =	ssub.s32 s29, s30;
	[sflag:s28] =	ssyncset.done $0x0  }
0x88: {  	s29 =	smax.u32 s29, $0x1;
	[sflag:s28] =	ssyncadd.s32 $0xFFFFF000  }
0x89: {  	s31 =	sadd.s32 $0xFFFFFFFF, s29;
	_ =	swait.ge [sflag:s28], $0x1000  }
0x8a: {  	p1 =	sne.s32 s31, $0x0;
	[sflag:s28] =	ssyncset.done $0x0  }
.Ltmp0:
0x8b: {  	[sflag:s28] =	ssyncadd.s32 $0xFFFFF000;
	(pc) =	sbr.rel @!p1 .LBB2_2-.Ltmp0, $4  }
0x8c: {  	_ =	swait.ge [sflag:s28], $0x1000  }
0x8d: {  	[sflag:s28] =	ssyncset.done $0x0  }
0x8e: {  	s30 =	simm.s32 $0x3;
	[sflag:s28] =	ssyncadd.s32 $0xFFFFF000  }
0x8f: {  	s29 =	simm.s32 $0x4;
	s17 =	simm.s32 $0xFA00;
	_ =	swait.ge [sflag:s28], $0x1000  }
.LBB2_1:
0x90: {  	[sflag:s28] =	ssyncset.done $0x0  }
0x91: {  	[sflag:s28] =	ssyncadd.s32 $0xFFFFF000  }
0x92: {  	_ =	swait.ge [sflag:s28], $0x1000  }
0x93: {  	[sflag:s28] =	ssyncset.done $0x0  }
0x94: {  	s0 =	rddreg [dreg:$0x6];
	[sflag:s28] =	ssyncadd.s32 $0xFFFFF000  }
0x95: {  	[hbm4b:s0+s1] =	stream.linear.scatter [tilespmem:s8], [sflag:$0x4], $0xA000, $0x38;
	[tilespmem:$0x19820] =	vst v63  }
0x96: {  	_ =	swait.ge [sflag:s30], $0xA000  }
0x97: {  	[sflag:s30] =	ssyncset.done $0x0  }
0x98: {  	[sflag:s30] =	ssyncadd.s32 $0xFFFF6000  }
0x99: {  	_ =	swait.ge [sflag:s29], $0xA000  }
0x9a: {  	s0 =	rddreg [dreg:$0x3];
	[sflag:s29] =	ssyncset.done $0x0  }
0x9b: {  	s9 =	simm.s32 @!p0 $0x1C05;
	s3 =	rddreg [dreg:$0x7];
	[sflag:s29] =	ssyncadd.s32 $0xFFFF6000  }
0x9c: {  	[spmem:s3], [sflag:s9] =	dma.local @!p0 [hbm:s0], $0x9C40  }
0x9d: {  	_ =	swait.ge @!p0 [sflag:s4], $0x9C40  }
0x9e: {  	[sflag:s4] =	ssyncset.done @!p0 $0x0  }
0x9f: {  	s3 =	rddreg [dreg:$0x4];
	[sflag:s4] =	ssyncadd.s32 @!p0 $0xFFFF63C0  }
0xa0: {  	[tilespmem:s1], [sflag:$0x5] =	stream.linear.gather [hbm4b:s3+s1], $0xA00, $0x38;
	[tilespmem:$0x19820] =	vst v63  }
0xa1: {  	_ =	swait.ge [sflag:s5], $0xA00  }
0xa2: {  	[sflag:s5] =	ssyncset.done $0x0  }
0xa3: {  	[sflag:s5] =	ssyncadd.s32 $0xFFFFF600  }
0xa4: {  	[bflag:$0x0] =	sbarrier.arrive $0xFFFF  }
0xa5: {  	s0 =	rddreg [dreg:$0x18]  }
0xa6: {  	s3 =	rddreg [dreg:$0x9]  }
0xa7: {  	s9 =	rddreg [dreg:$0xa]  }
0xa8: {  	s10 =	rddreg [dreg:$0x16]  }
0xa9: {  	s11 =	rddreg [dreg:$0xb]  }
0xaa: {  	s12 =	rddreg [dreg:$0x14]  }
0xab: {  	s13 =	rddreg [dreg:$0x12]  }
0xac: {  	s14 =	rddreg [dreg:$0xc]  }
0xad: {  	[tilespmem:s7], [sflag:$0x1] =	stream.indirect.gather [spmem:s2], $0x20, s1, s6, $0xb8;
	[tilespmem:$0x19820] =	vst v63  }
0xae: {  	s15 =	rddreg [dreg:$0x8]  }
0xaf: {  	[tilespmem:s15], [sflag:$0x1] =	stream.indirect.gather [spmem:s2], $0x20, s6, s6, $0xb8;
	[tilespmem:$0x19820] =	vst v63  }
0xb0: {  	s16 =	rddreg [dreg:$0x10]  }
0xb1: {  	[tilespmem:s9], [sflag:$0x1] =	stream.indirect.gather [spmem:s2], $0x20, s3, s6, $0xb8;
	[tilespmem:$0x19820] =	vst v63  }
0xb2: {  	s15 =	rddreg [dreg:$0xe]  }
0xb3: {  	[tilespmem:s14], [sflag:$0x1] =	stream.indirect.gather [spmem:s2], $0x20, s11, s6, $0xb8;
	[tilespmem:$0x19820] =	vst v63  }
0xb4: {  	s9 =	rddreg [dreg:$0xd]  }
0xb5: {  	[tilespmem:s15], [sflag:$0x1] =	stream.indirect.gather [spmem:s2], $0x20, s9, s6, $0xb8;
	[tilespmem:$0x19820] =	vst v63  }
0xb6: {  	s14 =	rddreg [dreg:$0xf]  }
0xb7: {  	[tilespmem:s16], [sflag:$0x1] =	stream.indirect.gather [spmem:s2], $0x20, s14, s6, $0xb8;
	[tilespmem:$0x19820] =	vst v63  }
0xb8: {  	s15 =	rddreg [dreg:$0x11]  }
0xb9: {  	[tilespmem:s13], [sflag:$0x1] =	stream.indirect.gather [spmem:s2], $0x20, s15, s6, $0xb8;
	[tilespmem:$0x19820] =	vst v63  }
0xba: {  	s16 =	rddreg [dreg:$0x13]  }
0xbb: {  	[tilespmem:s12], [sflag:$0x1] =	stream.indirect.gather [spmem:s2], $0x20, s16, s6, $0xb8;
	[tilespmem:$0x19820] =	vst v63  }
0xbc: {  	s11 =	rddreg [dreg:$0x15]  }
0xbd: {  	[tilespmem:s10], [sflag:$0x1] =	stream.indirect.gather [spmem:s2], $0x20, s11, s6, $0xb8;
	[tilespmem:$0x19820] =	vst v63  }
0xbe: {  	s13 =	rddreg [dreg:$0x17]  }
0xbf: {  	[tilespmem:s0], [sflag:$0x1] =	stream.indirect.gather [spmem:s2], $0x20, s13, s6, $0xb8;
	[tilespmem:$0x19820] =	vst v63  }
0xc0: {  	s14 =	rddreg [dreg:$0x19]  }
0xc1: {  	[tilespmem:s8], [sflag:$0x2] =	stream.indirect.gather [spmem:s2], $0x20, s14, s6, $0xb8;
	[tilespmem:$0x19820] =	vst v63  }
0xc2: {  	s15 =	rddreg [dreg:$0x1a];
	s16 =	simm.s32 $0xBA00  }
0xc3: {  	[tilespmem:s16], [sflag:$0x2] =	stream.indirect.gather [spmem:s2], $0x20, s15, s6, $0xb8;
	[tilespmem:$0x19820] =	vst v63  }
0xc4: {  	s9 =	simm.s32 $0x600;
	s10 =	simm.s32 $0xCA00  }
0xc5: {  	[tilespmem:s10], [sflag:$0x2] =	stream.indirect.gather [spmem:s2], $0x20, s9, s6, $0xb8;
	[tilespmem:$0x19820] =	vst v63  }
0xc6: {  	s12 =	simm.s32 $0xDA00;
	s11 =	simm.s32 $0x680  }
0xc7: {  	[tilespmem:s12], [sflag:$0x2] =	stream.indirect.gather [spmem:s2], $0x20, s11, s6, $0xb8;
	[tilespmem:$0x19820] =	vst v63  }
0xc8: {  	s13 =	simm.s32 $0x700;
	s14 =	simm.s32 $0xEA00  }
0xc9: {  	[tilespmem:s14], [sflag:$0x2] =	stream.indirect.gather [spmem:s2], $0x20, s13, s6, $0xb8;
	[tilespmem:$0x19820] =	vst v63  }
0xca: {  	s15 =	simm.s32 $0x780  }
0xcb: {  	[tilespmem:s17], [sflag:$0x2] =	stream.indirect.gather [spmem:s2], $0x20, s15, s6, $0xb8;
	[tilespmem:$0x19820] =	vst v63  }
0xcc: {  	_ = 	snop  }
0xcd: {  	[tilespmem:s19], [sflag:$0x2] =	stream.indirect.gather [spmem:s2], $0x20, s18, s6, $0xb8;
	[tilespmem:$0x19820] =	vst v63  }
0xce: {  	_ = 	snop  }
0xcf: {  	[tilespmem:s21], [sflag:$0x2] =	stream.indirect.gather [spmem:s2], $0x20, s20, s6, $0xb8;
	[tilespmem:$0x19820] =	vst v63  }
0xd0: {  	_ = 	snop  }
0xd1: {  	[tilespmem:s23], [sflag:$0x2] =	stream.indirect.gather [spmem:s2], $0x20, s22, s6, $0xb8;
	[tilespmem:$0x19820] =	vst v63  }
0xd2: {  	_ = 	snop  }
0xd3: {  	[tilespmem:s25], [sflag:$0x2] =	stream.indirect.gather [spmem:s2], $0x20, s24, s6, $0xb8;
	[tilespmem:$0x19820] =	vst v63  }
0xd4: {  	_ =	swait.ge [sflag:s26], $0x1000  }
0xd5: {  	[sflag:s26] =	ssyncset.done $0x0  }
0xd6: {  	[sflag:s26] =	ssyncadd.s32 $0xFFFFF000  }
0xd7: {  	_ =	swait.ge [sflag:s26], $0x1000  }
0xd8: {  	[sflag:s26] =	ssyncset.done $0x0  }
0xd9: {  	[sflag:s26] =	ssyncadd.s32 $0xFFFFF000  }
0xda: {  	_ =	swait.ge [sflag:s26], $0x1000  }
0xdb: {  	[sflag:s26] =	ssyncset.done $0x0  }
0xdc: {  	[sflag:s26] =	ssyncadd.s32 $0xFFFFF000  }
0xdd: {  	_ =	swait.ge [sflag:s26], $0x1000  }
0xde: {  	[sflag:s26] =	ssyncset.done $0x0  }
0xdf: {  	[sflag:s26] =	ssyncadd.s32 $0xFFFFF000  }
0xe0: {  	_ =	swait.ge [sflag:s26], $0x1000  }
0xe1: {  	[sflag:s26] =	ssyncset.done $0x0  }
0xe2: {  	[sflag:s26] =	ssyncadd.s32 $0xFFFFF000  }
0xe3: {  	_ =	swait.ge [sflag:s26], $0x1000  }
0xe4: {  	[sflag:s26] =	ssyncset.done $0x0  }
0xe5: {  	[sflag:s26] =	ssyncadd.s32 $0xFFFFF000  }
0xe6: {  	_ =	swait.ge [sflag:s26], $0x1000  }
0xe7: {  	[sflag:s26] =	ssyncset.done $0x0  }
0xe8: {  	[sflag:s26] =	ssyncadd.s32 $0xFFFFF000  }
0xe9: {  	_ =	swait.ge [sflag:s26], $0x1000  }
0xea: {  	[sflag:s26] =	ssyncset.done $0x0  }
0xeb: {  	[sflag:s26] =	ssyncadd.s32 $0xFFFFF000  }
0xec: {  	_ =	swait.ge [sflag:s26], $0x1000  }
0xed: {  	[sflag:s26] =	ssyncset.done $0x0  }
0xee: {  	[sflag:s26] =	ssyncadd.s32 $0xFFFFF000  }
0xef: {  	_ =	swait.ge [sflag:s26], $0x1000  }
0xf0: {  	[sflag:s26] =	ssyncset.done $0x0  }
0xf1: {  	s16 =	rddreg [dreg:$0x5];
	[sflag:s26] =	ssyncadd.s32 $0xFFFFF000  }
0xf2: {  	[hbm4b:s16+s1] =	stream.linear.scatter [tilespmem:s7], [sflag:$0x3], $0xA000, $0x38;
	[tilespmem:$0x19820] =	vst v63  }
0xf3: {  	_ =	swait.ge [sflag:s28], $0x1000  }
0xf4: {  	[sflag:s28] =	ssyncset.done $0x0  }
0xf5: {  	[sflag:s28] =	ssyncadd.s32 $0xFFFFF000  }
0xf6: {  	_ =	swait.ge [sflag:s28], $0x1000  }
0xf7: {  	[sflag:s28] =	ssyncset.done $0x0  }
0xf8: {  	[sflag:s28] =	ssyncadd.s32 $0xFFFFF000  }
0xf9: {  	_ =	swait.ge [sflag:s28], $0x1000  }
0xfa: {  	[sflag:s28] =	ssyncset.done $0x0  }
0xfb: {  	[sflag:s28] =	ssyncadd.s32 $0xFFFFF000  }
0xfc: {  	_ =	swait.ge [sflag:s28], $0x1000  }
0xfd: {  	[sflag:s28] =	ssyncset.done $0x0  }
0xfe: {  	[sflag:s28] =	ssyncadd.s32 $0xFFFFF000  }
0xff: {  	_ =	swait.ge [sflag:s28], $0x1000  }
0x100: {  	[sflag:s28] =	ssyncset.done $0x0  }
0x101: {  	[sflag:s28] =	ssyncadd.s32 $0xFFFFF000  }
0x102: {  	_ =	swait.ge [sflag:s28], $0x1000  }
0x103: {  	[sflag:s28] =	ssyncset.done $0x0  }
0x104: {  	[sflag:s28] =	ssyncadd.s32 $0xFFFFF000  }
0x105: {  	s31 =	sadd.s32 $0xFFFFFFFF, s31;
	_ =	swait.ge [sflag:s28], $0x1000  }
0x106: {  	p1 =	sne.s32 s31, $0x0;
	[sflag:s28] =	ssyncset.done $0x0  }
.Ltmp1:
0x107: {  	[sflag:s28] =	ssyncadd.s32 $0xFFFFF000;
	(pc) =	sbr.rel @p1 .LBB2_1-.Ltmp1, $4  }
0x108: {  	_ =	swait.ge [sflag:s28], $0x1000  }
0x109: {  	[sflag:s28] =	ssyncset.done $0x0  }
0x10a: {  	[sflag:s28] =	ssyncadd.s32 $0xFFFFF000  }
0x10b: {  	_ =	swait.ge [sflag:s28], $0x1000  }
.LBB2_2:
0x10c: {  	[sflag:s28] =	ssyncset.done $0x0  }
0x10d: {  	[sflag:s28] =	ssyncadd.s32 $0xFFFFF000  }
0x10e: {  	_ =	swait.ge [sflag:s28], $0x1000  }
0x10f: {  	[sflag:s28] =	ssyncset.done $0x0  }
0x110: {  	s0 =	rddreg [dreg:$0x6];
	[sflag:s28] =	ssyncadd.s32 $0xFFFFF000  }
0x111: {  	[hbm4b:s0+s1] =	stream.linear.scatter [tilespmem:s8], [sflag:$0x4], $0xA000, $0x38;
	[tilespmem:$0x19820] =	vst v63  }
0x112: {  	_ =	swait.ge [sflag:s30], $0xA000  }
0x113: {  	[sflag:s30] =	ssyncset.done $0x0  }
0x114: {  	[sflag:s30] =	ssyncadd.s32 $0xFFFF6000  }
0x115: {  	_ =	swait.ge [sflag:s29], $0xA000  }
0x116: {  	[sflag:s29] =	ssyncset.done $0x0  }
0x117: {  	[sflag:s29] =	ssyncadd.s32 $0xFFFF6000  }
0x118: {  	_ =	sfence.sel $0x180000  }
0x119: {  	[bflag:$0x0] =	sbarrier.arrive $0xFFFF  }
0x11a: {  	_ =	strace $0x9000004A  }
0x11b: {  	[bflag:$0x2] =	sbarrier.arrive $0xFFFF  }
0x11c: {  	s0 =	rddreg [dreg:$0x2]  }
0x11d: {  	s0 =	sadd.s32 @!p0 $0x100000, s0  }
0x11e: {  	[sflag:s0] =	ssyncadd.tile.s32 @!p0 $0x1;
	_ =	shalt  }
.Lfunc_end2:
_tile_overlayer_lowered:
.L_overlay_start_2:
0x11f: {  	(tag) =	ssettag $0x2  }
0x120: {  	s0 =	rddreg [dreg:$0x0];
	s2 =	stileid.u32  }
0x121: {  	s1 =	rddreg [dreg:$0x1];
	p0 =	sne.s32 s2, $0x0  }
0x122: {  	s3 =	rddreg [dreg:$0x2];
	[bflag:$0x3] =	sbarrier.arrive $0xFFFF;
	s2 =	simm.s32 @!p0 $0x1C05  }
0x123: {  	[timem:s3], [sflag:s2] =	dma.local @!p0 [hbm:s0], s1  }
0x124: {  	s0 =	simm.s32 @!p0 $0x5  }
0x125: {  	_ =	swait.ge @!p0 [sflag:s0], s1  }
0x126: {  	s1 =	ssub.s32 @!p0 $0x0, s1;
	[sflag:s0] =	ssyncset.done @!p0 $0x0  }
0x127: {  	[sflag:s0] =	ssyncadd.s32 @!p0 s1  }
0x128: {  	[bflag:$0x3] =	sbarrier.arrive $0xFFFF  }
0x129: {  	_ =	shalt  }

// kernel: kernel.14.cloned.1.call-start
scs
__scs_entry_jumppad:
0x0: {  	(pc) =	sbr.rel $0x88, $3  }
0x1: {  	(tag) =	ssettag $0x0;
	lr =	simm.s32 $0x1  }
0x2: {  	[smem:$0x3F7F] =	sst lr;
	_ =	strace $0xD0000000  }
0x3: {  	_ = 	snop  }
0x4: {  	_ = 	snop  }
0x5: {  	_ = 	snop  }
0x6: {  	_ = 	snop  }
0x7: {  	_ = 	snop  }
__scs_overlays_trampoline_lowered:
0x8: {  	[smem:$0x3F8E] =	sst s0  }
0x9: {  	[smem:$0x3F8F] =	sst s1  }
0xa: {  	[smem:$0x3F90] =	sst s2  }
0xb: {  	[smem:$0x3F91] =	sst s3  }
0xc: {  	[smem:$0x3F92] =	sst s4  }
0xd: {  	[smem:$0x3F93] =	sst s5  }
0xe: {  	[smem:$0x3F94] =	sst s6  }
0xf: {  	[smem:$0x3F95] =	sst s7  }
0x10: {  	[smem:$0x3F96] =	sst s8  }
0x11: {  	[smem:$0x3F97] =	sst s9;
	s0 =	simm.s32 @!p0 $0x0  }
0x12: {  	s1 =	sld [smem:$0x3F7D];
	s0 =	simm.s32 @p0 $0x1  }
0x13: {  	[smem:$0x3F98] =	sst s0;
	s0 =	simm.s32 @!p1 $0x0  }
0x14: {  	s2 =	sld [smem:$0x3F7C];
	s0 =	simm.s32 @p1 $0x1  }
0x15: {  	[smem:$0x3F99] =	sst s0;
	s0 =	simm.s32 @!p2 $0x0  }
0x16: {  	s3 =	sld [smem:$0x3FDB];
	s0 =	simm.s32 @p2 $0x1  }
0x17: {  	s4 =	simm.s32 $0x1BF5;
	[smem:$0x3F9B] =	sst s0  }
0x18: {  	s0 =	sld [smem:$0x3F7E];
	_ =	swait.ge [sflag:s4], $0x0  }
0x19: {  	s7 =	sld [smem:$0x3F7F]  }
0x1a: {  	s8 =	sadd.s32 $0xFFFFE003, lr  }
0x1b: {  	s9 =	sadd.s32 $0xFFFFFEF7, lr;
	s5 =	simm.s32 $0xFFFFFFFF;
	p2 =	slt.u32 s8, $0xFFFFF086  }
0x1c: {  	p1 =	slt.u32 s9, $0xF7A;
	s5 =	simm.s32 @!p2 $0x0  }
0x1d: {  	s5 =	simm.s32 @p1 $0x1;
	p0 =	seq.s32 s7, s2  }
0x1e: {  	s7 =	smul.u32 @!p0 $0xF7A, s2;
	p2 =	seq.s32 @!p0 s5, $0x0  }
0x1f: {  	s9 =	smul.u32 $0xF7A, s1;
	s8 =	simm.s32 @!p0 $0x1BF5;
	p2 =	por !p2, p0  }
0x20: {  	[sflag:s8] =	ssyncset.s32 @!p0 $0xFFFFF086;
	s6 =	sadd.s32 @!p0 s3, s7;
	s7 =	simm.s32 @!p0 $0x108  }
0x21: {  	s3 =	sadd.s32 s3, s9;
	s6 =	sadd.s32 @!p0 $0x88, s6;
	s7 =	simm.s32 @p2 $0x1082  }
0x22: {  	[simem:s7], [sflag:s8] =	dma.local @!p0 [hbm:s6], $0xF7A  }
0x23: {  	s9 =	sor.u32 $0xD0000000, s2;
	s6 =	simm.s32 $0x108;
	_ =	swait.ge @!p0 [sflag:s8], $0x0  }
0x24: {  	s3 =	sadd.s32 $0x88, s3;
	s6 =	simm.s32 @!p1 $0x1082;
	[sflag:s4] =	ssyncset.s32 $0xFFFFF086  }
0x25: {  	[simem:s6], [sflag:s4] =	dma.local [hbm:s3], $0xF7A  }
0x26: {  	[smem:$0x3F7F] =	sst s1;
	(tag) =	ssettag s2;
	_ =	strace s9  }
0x27: {  	s1 =	sld [smem:$0x3F8F]  }
0x28: {  	s2 =	sld [smem:$0x3F90]  }
0x29: {  	s4 =	sld [smem:$0x3F92]  }
0x2a: {  	p0 =	seq.s32 s5, $0x0;
	s5 =	sld [smem:$0x3F93]  }
0x2b: {  	s6 =	sld [smem:$0x3F94]  }
0x2c: {  	s7 =	sld [smem:$0x3F95]  }
0x2d: {  	s3 =	simm.s32 $0x108;
	s8 =	sld [smem:$0x3F96]  }
0x2e: {  	s3 =	simm.s32 @!p0 $0x1082;
	s9 =	sld [smem:$0x3F97]  }
0x2f: {  	lr =	sadd.s32 s0, s3;
	s0 =	sld [smem:$0x3F8E]  }
0x30: {  	s3 =	sld [smem:$0x3F91]  }
0x31: {  	[smem:$0x3F9A] =	sst s10  }
0x32: {  	s10 =	sld [smem:$0x3F98];
	_ =	sdelay $0x3  }
0x33: {  	p0 =	seq.s32 s10, $0x1;
	s10 =	sld [smem:$0x3F9A];
	_ =	sdelay $0x3  }
0x34: {  	[smem:$0x3F9A] =	sst s10  }
0x35: {  	s10 =	sld [smem:$0x3F99];
	_ =	sdelay $0x3  }
0x36: {  	p1 =	seq.s32 s10, $0x1;
	s10 =	sld [smem:$0x3F9A];
	_ =	sdelay $0x3  }
0x37: {  	[smem:$0x3F9A] =	sst s10  }
0x38: {  	s10 =	sld [smem:$0x3F9B]  }
0x39: {  	_ = 	snop;
	(pc) =	sbr.ind lr, $3  }
0x3a: {  	_ = 	snop  }
0x3b: {  	_ = 	snop  }
0x3c: {  	p2 =	seq.s32 s10, $0x1;
	s10 =	sld [smem:$0x3F9A]  }
0x3d: {  	_ =	shalt  }
0x3e: {  	_ =	shalt  }
0x3f: {  	_ =	shalt  }
0x40: {  	_ =	shalt  }
0x41: {  	_ =	shalt  }
0x42: {  	_ =	shalt  }
0x43: {  	_ =	shalt  }
0x44: {  	_ =	shalt  }
0x45: {  	_ =	shalt  }
0x46: {  	_ =	shalt  }
0x47: {  	_ =	shalt  }
0x48: {  	_ =	shalt  }
0x49: {  	_ =	shalt  }
0x4a: {  	_ =	shalt  }
0x4b: {  	_ =	shalt  }
0x4c: {  	_ =	shalt  }
0x4d: {  	_ =	shalt  }
0x4e: {  	_ =	shalt  }
0x4f: {  	_ =	shalt  }
0x50: {  	_ =	shalt  }
0x51: {  	_ =	shalt  }
0x52: {  	_ =	shalt  }
0x53: {  	_ =	shalt  }
0x54: {  	_ =	shalt  }
0x55: {  	_ =	shalt  }
0x56: {  	_ =	shalt  }
0x57: {  	_ =	shalt  }
0x58: {  	_ =	shalt  }
0x59: {  	_ =	shalt  }
0x5a: {  	_ =	shalt  }
0x5b: {  	_ =	shalt  }
0x5c: {  	_ =	shalt  }
0x5d: {  	_ =	shalt  }
0x5e: {  	_ =	shalt  }
0x5f: {  	_ =	shalt  }
0x60: {  	_ =	shalt  }
0x61: {  	_ =	shalt  }
0x62: {  	_ =	shalt  }
0x63: {  	_ =	shalt  }
0x64: {  	_ =	shalt  }
0x65: {  	_ =	shalt  }
0x66: {  	_ =	shalt  }
0x67: {  	_ =	shalt  }
0x68: {  	_ =	shalt  }
0x69: {  	_ =	shalt  }
0x6a: {  	_ =	shalt  }
0x6b: {  	_ =	shalt  }
0x6c: {  	_ =	shalt  }
0x6d: {  	_ =	shalt  }
0x6e: {  	_ =	shalt  }
0x6f: {  	_ =	shalt  }
0x70: {  	_ =	shalt  }
0x71: {  	_ =	shalt  }
0x72: {  	_ =	shalt  }
0x73: {  	_ =	shalt  }
0x74: {  	_ =	shalt  }
0x75: {  	_ =	shalt  }
0x76: {  	_ =	shalt  }
0x77: {  	_ =	shalt  }
0x78: {  	_ =	shalt  }
0x79: {  	_ =	shalt  }
0x7a: {  	_ =	shalt  }
0x7b: {  	_ =	shalt  }
0x7c: {  	_ =	shalt  }
0x7d: {  	_ =	shalt  }
0x7e: {  	_ =	shalt  }
0x7f: {  	_ =	shalt  }
0x80: {  	_ =	shalt  }
0x81: {  	_ =	shalt  }
0x82: {  	_ =	shalt  }
0x83: {  	_ =	shalt  }
0x84: {  	_ =	shalt  }
0x85: {  	_ =	shalt  }
0x86: {  	_ =	shalt  }
0x87: {  	_ =	shalt  }
.Lfunc_end0:
.L_simem_size_0:
called_computation.1_lowered:
.L_overlay_start_0:
0x88: {  	s2 =	sld [smem:$0x3FD9]  }
0x89: {  	s3 =	sld [smem:$0x3FFE];
	_ =	sdelay $0x1  }
0x8a: {  	s1 =	srdreg.scid  }
0x8b: {  	s0 =	sand.u32 $0x1, s1  }
0x8c: {  	s16 =	sshll.u32 s0, $0xA;
	s2 =	sadd.s32 s3, s2  }
0x8d: {  	s2 =	sadd.s32 s2, s16  }
0x8e: {  	[smem:$0x3FA6] =	sst s2  }
0x8f: {  	_ = 	snop  }
0x90: {  	(tm) =	ssettm $0x1  }
0x91: {  	s17 =	sld [smem:$0x3FFB];
	_ =	sdelay $0x3  }
0x92: {  	_ =	strace s17  }
0x93: {  	s2 =	sld [smem:$0x3FFC];
	_ =	sdelay $0x3  }
0x94: {  	_ =	strace s2  }
0x95: {  	s2 =	sld [smem:$0x3FFD];
	_ =	sdelay $0x3  }
0x96: {  	_ =	strace s2  }
0x97: {  	_ =	strace $0x8FFFFFFF  }
0x98: {  	s18 =	sld [smem:$0x3FDB];
	_ =	sdelay $0x1  }
0x99: {  	s19 =	simm.s32 $_scs_section_size  }
0x9a: {  	s4 =	simm.s32 $_size__tile_overlayer_lowered;
	s5 =	simm.s32 $_tile_overlayer_lowered  }
0x9b: {  	s22 =	simm.s32 $0x1BFF;
	s21 =	sshll.u32 s5, $0x1;
	s2 =	sadd.s32 s19, s18  }
0x9c: {  	s6 =	simm.s32 $0x0;
	s20 =	sshll.u32 s4, $0x1;
	s4 =	sadd.s32 s21, s2  }
0x9d: {  	[timem:s6], [sflag:s22] =	dma.local [hbm:s4], s20  }
0x9e: {  	_ =	swait.ge [sflag:s22], s20  }
0x9f: {  	s3 =	ssub.s32 $0x0, s20;
	[sflag:s22] =	ssyncset.done $0x0  }
0xa0: {  	[sflag:s22] =	ssyncadd.s32 s3;
	_ =	sdelay $0x1  }
0xa1: {  	s23 =	simm.s32 $0x1B8B  }
0xa2: {  	_ =	swait.ge [sflag:s23], $0x1  }
0xa3: {  	[sflag:s23] =	ssyncset.done $0x0  }
0xa4: {  	s25 =	simm.s32 $0x1B8E;
	s24 =	sld [smem:$0x3FFE];
	[sflag:s23] =	ssyncadd.s32 $0xFFFFFFFF  }
0xa5: {  	s26 =	simm.s32 $execute0_lowered;
	[smem:$0x3FD2] =	sst s25  }
0xa6: {  	s4 =	sshll.u32 s26, $0x1;
	_ =	strace $0x80000046;
	[dreg:$0x1] =	wrdreg $0xFFFFFFFF  }
0xa7: {  	s28 =	simm.s32 $_size_execute0_lowered;
	s2 =	sadd.s32 s2, s4;
	[dreg:$0x0] =	wrdreg $0x0  }
0xa8: {  	s4 =	sshll.u32 s28, $0x1;
	[dreg:$0x2] =	wrdreg s2  }
0xa9: {  	[dreg:$0x3] =	wrdreg s4  }
0xaa: {  	[dreg:$0x4] =	wrdreg $0xC0  }
0xab: {  	_ =	task [dreg:s6], $0x5FFFF  }
0xac: {  	[dreg:$0x1] =	wrdreg $0xFFFFFFFF  }
0xad: {  	[dreg:$0x0] =	wrdreg $0x60  }
0xae: {  	[dreg:$0x2] =	wrdreg s24  }
0xaf: {  	[dreg:$0x3] =	wrdreg $0x14A000  }
0xb0: {  	[dreg:$0x4] =	wrdreg $0xA  }
0xb1: {  	_ =	task.clear_ibuf [dreg:s6], $0x5FFFF;
	_ =	strace $0x90000046  }
0xb2: {  	s29 =	simm.s32 $0xA;
	_ =	strace $0x80000048  }
0xb3: {  	_ =	swait.ge [sflag:s29], $0x1  }
0xb4: {  	[sflag:s29] =	ssyncadd.s32 $0xFFFFFFFF  }
0xb5: {  	_ =	strace $0x90000048  }
0xb6: {  	_ =	sfence  }
0xb7: {  	s30 =	sld [smem:$0x0];
	_ =	sdelay $0x2  }
0xb8: {  	s31 =	sshll.u32 s1, $0xD;
	s1 =	sshrl.u32 s1, $0x2  }
0xb9: {  	s3 =	sand.u32 $0x4000, s31;
	s1 =	sadd.s32 s1, s30  }
0xba: {  	s0 =	sor.u32 s3, s0;
	s1 =	sshll.u32 s1, $0x11  }
0xbb: {  	s0 =	sor.u32 s1, s0  }
0xbc: {  	s0 =	sadd.s32 $0x8F2B, s0  }
0xbd: {  	[sflag:s0] =	ssyncadd.remote.s32 $0x1  }
0xbe: {  	_ =	sfence.sel $0xFFFF  }
0xbf: {  	[dreg:$0x0] =	wrdreg $0xFFFFFFFF;
	(pc) =	sbr.abs _section_cstart, $3  }
0xc0: {  	[dreg:$0x1] =	wrdreg $0xFFFFFFFF  }
0xc1: {  	_ =	task.clear_ibuf [dreg:s6], $0x2FFFF;
	_ =	strace $0x9FFFFFFF  }
0xc2: {  	(tm) =	ssettm $0x7FFFFFFF  }
0xc3: {  	_ =	shalt  }
tec
execute0_lowered:
.L_overlay_start_1:
0x0: {  	(tag) =	ssettag $0x1  }
0x1: {  	s3 =	rddreg [dreg:$0x0];
	s4 =	stileid.u32  }
0x2: {  	s2 =	rddreg [dreg:$0x1];
	s1 =	simm.s32 $0x0;
	s5 =	sshll.u32 s4, $0x1  }
0x3: {  	[smem:$0x7FF] =	sst s1;
	s7 =	sadd.s32 $0x10200, s3;
	p0 =	sne.s32 s4, $0x0  }
0x4: {  	s4 =	simm.s32 $0x1A00;
	_ =	strace $0x80000047;
	[dreg:$0x3] =	wrdreg s7  }
0x5: {  	s9 =	simm.s32 $0x200;
	[dreg:$0x8] =	wrdreg s4  }
0x6: {  	s10 =	simm.s32 $0x4A00;
	[dreg:$0xd] =	wrdreg s9  }
0x7: {  	s11 =	simm.s32 $0x280;
	[dreg:$0xe] =	wrdreg s10  }
0x8: {  	s12 =	simm.s32 $0x5A00;
	[dreg:$0xf] =	wrdreg s11  }
0x9: {  	s13 =	simm.s32 $0x300;
	[dreg:$0x10] =	wrdreg s12  }
0xa: {  	s14 =	simm.s32 $0x6A00;
	[dreg:$0x11] =	wrdreg s13  }
0xb: {  	s15 =	simm.s32 $0x380;
	[dreg:$0x12] =	wrdreg s14  }
0xc: {  	s16 =	simm.s32 $0x7A00;
	[dreg:$0x13] =	wrdreg s15  }
0xd: {  	s17 =	simm.s32 $0x400;
	[dreg:$0x14] =	wrdreg s16  }
0xe: {  	s18 =	simm.s32 $0x8A00;
	[dreg:$0x15] =	wrdreg s17  }
0xf: {  	s0 =	srdreg.scid;
	s19 =	simm.s32 $0x480;
	[dreg:$0x16] =	wrdreg s18  }
0x10: {  	s20 =	simm.s32 $0x9A00;
	s29 =	sand.u32 $0x1, s0;
	[dreg:$0x17] =	wrdreg s19  }
0x11: {  	s21 =	simm.s32 $0x500;
	s5 =	sor.u32 s29, s5;
	[dreg:$0x18] =	wrdreg s20  }
0x12: {  	s22 =	simm.s32 $0x580;
	[dreg:$0x19] =	wrdreg s21;
	s6 =	smul.u32 $0x140, s5  }
0x13: {  	s7 =	simm.s32 $0x180;
	[dreg:$0x1a] =	wrdreg s22;
	s8 =	smul.u32 $0x14000, s5  }
0x14: {  	s5 =	smul.u32 $0x2800, s5;
	[dreg:$0xb] =	wrdreg s7  }
0x15: {  	s6 =	sadd.s32 s6, s3;
	s0 =	sshrl.u32 s8, $0x3;
	s8 =	simm.s32 $0x3A00  }
0x16: {  	s3 =	sadd.s32 $0x1A000, s3;
	s6 =	sadd.s32 $0x5C00, s6;
	[dreg:$0xc] =	wrdreg s8  }
0x17: {  	s5 =	sadd.s32 s3, s5;
	s3 =	sadd.s32 s3, s0;
	[dreg:$0x4] =	wrdreg s6  }
0x18: {  	[dreg:$0x5] =	wrdreg s5;
	s3 =	sadd.s32 $0x1400, s3  }
0x19: {  	s5 =	simm.s32 $0x100;
	[dreg:$0x6] =	wrdreg s3  }
0x1a: {  	s6 =	simm.s32 $0x2A00;
	[dreg:$0x9] =	wrdreg s5  }
0x1b: {  	[dreg:$0xa] =	wrdreg s6  }
0x1c: {  	s3 =	sshrl.u32 @!p0 s2, $0x3;
	s5 =	rddreg [dreg:$0x3]  }
0x1d: {  	[dreg:$0x7] =	wrdreg s3  }
0x1e: {  	s4 =	simm.s32 @!p0 $0x5;
	s0 =	simm.s32 @!p0 $0x1C05;
	s6 =	rddreg [dreg:$0x7]  }
0x1f: {  	[spmem:s6], [sflag:s0] =	dma.local @!p0 [hbm:s5], $0x9C40  }
0x20: {  	_ =	swait.ge @!p0 [sflag:s4], $0x9C40  }
0x21: {  	[sflag:s4] =	ssyncset.done @!p0 $0x0  }
0x22: {  	s5 =	simm.s32 $0x5;
	s23 =	rddreg [dreg:$0x4];
	[sflag:s4] =	ssyncadd.s32 @!p0 $0xFFFF63C0  }
0x23: {  	[tilespmem:s1], [sflag:$0x5] =	stream.linear.gather [hbm4b:s23+s1], $0xA00, $0x38;
	[tilespmem:$0x19820] =	vst v63  }
0x24: {  	_ =	swait.ge [sflag:s5], $0xA00  }
0x25: {  	[sflag:s5] =	ssyncset.done $0x0  }
0x26: {  	[sflag:s5] =	ssyncadd.s32 $0xFFFFF600  }
0x27: {  	[bflag:$0x0] =	sbarrier.arrive $0xFFFF  }
0x28: {  	s24 =	rddreg [dreg:$0x18]  }
0x29: {  	s9 =	rddreg [dreg:$0x9]  }
0x2a: {  	s10 =	rddreg [dreg:$0xa]  }
0x2b: {  	s11 =	rddreg [dreg:$0x16]  }
0x2c: {  	s12 =	rddreg [dreg:$0xb]  }
0x2d: {  	s13 =	rddreg [dreg:$0x14]  }
0x2e: {  	s14 =	rddreg [dreg:$0x12]  }
0x2f: {  	s7 =	simm.s32 $0xA00;
	s6 =	simm.s32 $0x80;
	s15 =	rddreg [dreg:$0xc]  }
0x30: {  	[tilespmem:s7], [sflag:$0x1] =	stream.indirect.gather [spmem:s2], $0x20, s1, s6, $0xb8;
	[tilespmem:$0x19820] =	vst v63  }
0x31: {  	s16 =	rddreg [dreg:$0x8]  }
0x32: {  	[tilespmem:s16], [sflag:$0x1] =	stream.indirect.gather [spmem:s2], $0x20, s6, s6, $0xb8;
	[tilespmem:$0x19820] =	vst v63  }
0x33: {  	s17 =	rddreg [dreg:$0x10]  }
0x34: {  	[tilespmem:s10], [sflag:$0x1] =	stream.indirect.gather [spmem:s2], $0x20, s9, s6, $0xb8;
	[tilespmem:$0x19820] =	vst v63  }
0x35: {  	s25 =	rddreg [dreg:$0xe]  }
0x36: {  	[tilespmem:s15], [sflag:$0x1] =	stream.indirect.gather [spmem:s2], $0x20, s12, s6, $0xb8;
	[tilespmem:$0x19820] =	vst v63  }
0x37: {  	s26 =	rddreg [dreg:$0xd]  }
0x38: {  	[tilespmem:s25], [sflag:$0x1] =	stream.indirect.gather [spmem:s2], $0x20, s26, s6, $0xb8;
	[tilespmem:$0x19820] =	vst v63  }
0x39: {  	s0 =	rddreg [dreg:$0xf]  }
0x3a: {  	[tilespmem:s17], [sflag:$0x1] =	stream.indirect.gather [spmem:s2], $0x20, s0, s6, $0xb8;
	[tilespmem:$0x19820] =	vst v63  }
0x3b: {  	s3 =	rddreg [dreg:$0x11]  }
0x3c: {  	[tilespmem:s14], [sflag:$0x1] =	stream.indirect.gather [spmem:s2], $0x20, s3, s6, $0xb8;
	[tilespmem:$0x19820] =	vst v63  }
0x3d: {  	s12 =	rddreg [dreg:$0x13]  }
0x3e: {  	[tilespmem:s13], [sflag:$0x1] =	stream.indirect.gather [spmem:s2], $0x20, s12, s6, $0xb8;
	[tilespmem:$0x19820] =	vst v63  }
0x3f: {  	s14 =	rddreg [dreg:$0x15]  }
0x40: {  	[tilespmem:s11], [sflag:$0x1] =	stream.indirect.gather [spmem:s2], $0x20, s14, s6, $0xb8;
	[tilespmem:$0x19820] =	vst v63  }
0x41: {  	s15 =	rddreg [dreg:$0x17]  }
0x42: {  	[tilespmem:s24], [sflag:$0x1] =	stream.indirect.gather [spmem:s2], $0x20, s15, s6, $0xb8;
	[tilespmem:$0x19820] =	vst v63  }
0x43: {  	s8 =	simm.s32 $0xAA00;
	s16 =	rddreg [dreg:$0x19]  }
0x44: {  	[tilespmem:s8], [sflag:$0x2] =	stream.indirect.gather [spmem:s2], $0x20, s16, s6, $0xb8;
	[tilespmem:$0x19820] =	vst v63  }
0x45: {  	s18 =	simm.s32 $0xBA00;
	s17 =	rddreg [dreg:$0x1a]  }
0x46: {  	[tilespmem:s18], [sflag:$0x2] =	stream.indirect.gather [spmem:s2], $0x20, s17, s6, $0xb8;
	[tilespmem:$0x19820] =	vst v63  }
0x47: {  	s19 =	simm.s32 $0x600;
	s20 =	simm.s32 $0xCA00  }
0x48: {  	[tilespmem:s20], [sflag:$0x2] =	stream.indirect.gather [spmem:s2], $0x20, s19, s6, $0xb8;
	[tilespmem:$0x19820] =	vst v63  }
0x49: {  	s21 =	simm.s32 $0x680;
	s22 =	simm.s32 $0xDA00  }
0x4a: {  	[tilespmem:s22], [sflag:$0x2] =	stream.indirect.gather [spmem:s2], $0x20, s21, s6, $0xb8;
	[tilespmem:$0x19820] =	vst v63  }
0x4b: {  	s23 =	simm.s32 $0x700;
	s24 =	simm.s32 $0xEA00  }
0x4c: {  	[tilespmem:s24], [sflag:$0x2] =	stream.indirect.gather [spmem:s2], $0x20, s23, s6, $0xb8;
	[tilespmem:$0x19820] =	vst v63  }
0x4d: {  	s25 =	simm.s32 $0x780;
	s26 =	simm.s32 $0xFA00  }
0x4e: {  	[tilespmem:s26], [sflag:$0x2] =	stream.indirect.gather [spmem:s2], $0x20, s25, s6, $0xb8;
	[tilespmem:$0x19820] =	vst v63  }
0x4f: {  	s18 =	simm.s32 $0x800;
	s19 =	simm.s32 $0x10A00  }
0x50: {  	[tilespmem:s19], [sflag:$0x2] =	stream.indirect.gather [spmem:s2], $0x20, s18, s6, $0xb8;
	[tilespmem:$0x19820] =	vst v63  }
0x51: {  	s20 =	simm.s32 $0x880;
	s21 =	simm.s32 $0x11A00  }
0x52: {  	[tilespmem:s21], [sflag:$0x2] =	stream.indirect.gather [spmem:s2], $0x20, s20, s6, $0xb8;
	[tilespmem:$0x19820] =	vst v63  }
0x53: {  	s22 =	simm.s32 $0x900;
	s23 =	simm.s32 $0x12A00  }
0x54: {  	[tilespmem:s23], [sflag:$0x2] =	stream.indirect.gather [spmem:s2], $0x20, s22, s6, $0xb8;
	[tilespmem:$0x19820] =	vst v63  }
0x55: {  	s24 =	simm.s32 $0x980;
	s25 =	simm.s32 $0x13A00;
	s26 =	simm.s32 $0x1  }
0x56: {  	[tilespmem:s25], [sflag:$0x2] =	stream.indirect.gather [spmem:s2], $0x20, s24, s6, $0xb8;
	[tilespmem:$0x19820] =	vst v63  }
0x57: {  	_ =	swait.ge [sflag:s26], $0x1000  }
0x58: {  	[sflag:s26] =	ssyncset.done $0x0  }
0x59: {  	[sflag:s26] =	ssyncadd.s32 $0xFFFFF000  }
0x5a: {  	_ =	swait.ge [sflag:s26], $0x1000  }
0x5b: {  	[sflag:s26] =	ssyncset.done $0x0  }
0x5c: {  	[sflag:s26] =	ssyncadd.s32 $0xFFFFF000  }
0x5d: {  	_ =	swait.ge [sflag:s26], $0x1000  }
0x5e: {  	[sflag:s26] =	ssyncset.done $0x0  }
0x5f: {  	[sflag:s26] =	ssyncadd.s32 $0xFFFFF000  }
0x60: {  	_ =	swait.ge [sflag:s26], $0x1000  }
0x61: {  	[sflag:s26] =	ssyncset.done $0x0  }
0x62: {  	[sflag:s26] =	ssyncadd.s32 $0xFFFFF000  }
0x63: {  	_ =	swait.ge [sflag:s26], $0x1000  }
0x64: {  	[sflag:s26] =	ssyncset.done $0x0  }
0x65: {  	[sflag:s26] =	ssyncadd.s32 $0xFFFFF000  }
0x66: {  	_ =	swait.ge [sflag:s26], $0x1000  }
0x67: {  	[sflag:s26] =	ssyncset.done $0x0  }
0x68: {  	[sflag:s26] =	ssyncadd.s32 $0xFFFFF000  }
0x69: {  	_ =	swait.ge [sflag:s26], $0x1000  }
0x6a: {  	[sflag:s26] =	ssyncset.done $0x0  }
0x6b: {  	[sflag:s26] =	ssyncadd.s32 $0xFFFFF000  }
0x6c: {  	_ =	swait.ge [sflag:s26], $0x1000  }
0x6d: {  	[sflag:s26] =	ssyncset.done $0x0  }
0x6e: {  	[sflag:s26] =	ssyncadd.s32 $0xFFFFF000  }
0x6f: {  	_ =	swait.ge [sflag:s26], $0x1000  }
0x70: {  	[sflag:s26] =	ssyncset.done $0x0  }
0x71: {  	[sflag:s26] =	ssyncadd.s32 $0xFFFFF000  }
0x72: {  	_ =	swait.ge [sflag:s26], $0x1000  }
0x73: {  	[sflag:s26] =	ssyncset.done $0x0  }
0x74: {  	s28 =	rddreg [dreg:$0x5];
	[sflag:s26] =	ssyncadd.s32 $0xFFFFF000  }
0x75: {  	[hbm4b:s28+s1] =	stream.linear.scatter [tilespmem:s7], [sflag:$0x3], $0xA000, $0x38;
	[tilespmem:$0x19820] =	vst v63  }
0x76: {  	s28 =	simm.s32 $0x2  }
0x77: {  	_ =	swait.ge [sflag:s28], $0x1000  }
0x78: {  	[sflag:s28] =	ssyncset.done $0x0  }
0x79: {  	[sflag:s28] =	ssyncadd.s32 $0xFFFFF000  }
0x7a: {  	_ =	swait.ge [sflag:s28], $0x1000  }
0x7b: {  	[sflag:s28] =	ssyncset.done $0x0  }
0x7c: {  	[sflag:s28] =	ssyncadd.s32 $0xFFFFF000  }
0x7d: {  	_ =	swait.ge [sflag:s28], $0x1000  }
0x7e: {  	[sflag:s28] =	ssyncset.done $0x0  }
0x7f: {  	[sflag:s28] =	ssyncadd.s32 $0xFFFFF000  }
0x80: {  	_ =	swait.ge [sflag:s28], $0x1000  }
0x81: {  	[sflag:s28] =	ssyncset.done $0x0  }
0x82: {  	[sflag:s28] =	ssyncadd.s32 $0xFFFFF000  }
0x83: {  	_ =	swait.ge [sflag:s28], $0x1000  }
0x84: {  	[sflag:s28] =	ssyncset.done $0x0  }
0x85: {  	s29 =	ssub.s32 $0x2, s29;
	[sflag:s28] =	ssyncadd.s32 $0xFFFFF000  }
0x86: {  	s30 =	sshrl.u32 s29, $0x1;
	_ =	swait.ge [sflag:s28], $0x1000  }
0x87: {  	s29 =	ssub.s32 s29, s30;
	[sflag:s28] =	ssyncset.done $0x0  }
0x88: {  	s29 =	smax.u32 s29, $0x1;
	[sflag:s28] =	ssyncadd.s32 $0xFFFFF000  }
0x89: {  	s31 =	sadd.s32 $0xFFFFFFFF, s29;
	_ =	swait.ge [sflag:s28], $0x1000  }
0x8a: {  	p1 =	sne.s32 s31, $0x0;
	[sflag:s28] =	ssyncset.done $0x0  }
.Ltmp0:
0x8b: {  	[sflag:s28] =	ssyncadd.s32 $0xFFFFF000;
	(pc) =	sbr.rel @!p1 .LBB2_2-.Ltmp0, $4  }
0x8c: {  	_ =	swait.ge [sflag:s28], $0x1000  }
0x8d: {  	[sflag:s28] =	ssyncset.done $0x0  }
0x8e: {  	s30 =	simm.s32 $0x3;
	[sflag:s28] =	ssyncadd.s32 $0xFFFFF000  }
0x8f: {  	s29 =	simm.s32 $0x4;
	s17 =	simm.s32 $0xFA00;
	_ =	swait.ge [sflag:s28], $0x1000  }
.LBB2_1:
0x90: {  	[sflag:s28] =	ssyncset.done $0x0  }
0x91: {  	[sflag:s28] =	ssyncadd.s32 $0xFFFFF000  }
0x92: {  	_ =	swait.ge [sflag:s28], $0x1000  }
0x93: {  	[sflag:s28] =	ssyncset.done $0x0  }
0x94: {  	s0 =	rddreg [dreg:$0x6];
	[sflag:s28] =	ssyncadd.s32 $0xFFFFF000  }
0x95: {  	[hbm4b:s0+s1] =	stream.linear.scatter [tilespmem:s8], [sflag:$0x4], $0xA000, $0x38;
	[tilespmem:$0x19820] =	vst v63  }
0x96: {  	_ =	swait.ge [sflag:s30], $0xA000  }
0x97: {  	[sflag:s30] =	ssyncset.done $0x0  }
0x98: {  	[sflag:s30] =	ssyncadd.s32 $0xFFFF6000  }
0x99: {  	_ =	swait.ge [sflag:s29], $0xA000  }
0x9a: {  	s0 =	rddreg [dreg:$0x3];
	[sflag:s29] =	ssyncset.done $0x0  }
0x9b: {  	s9 =	simm.s32 @!p0 $0x1C05;
	s3 =	rddreg [dreg:$0x7];
	[sflag:s29] =	ssyncadd.s32 $0xFFFF6000  }
0x9c: {  	[spmem:s3], [sflag:s9] =	dma.local @!p0 [hbm:s0], $0x9C40  }
0x9d: {  	_ =	swait.ge @!p0 [sflag:s4], $0x9C40  }
0x9e: {  	[sflag:s4] =	ssyncset.done @!p0 $0x0  }
0x9f: {  	s3 =	rddreg [dreg:$0x4];
	[sflag:s4] =	ssyncadd.s32 @!p0 $0xFFFF63C0  }
0xa0: {  	[tilespmem:s1], [sflag:$0x5] =	stream.linear.gather [hbm4b:s3+s1], $0xA00, $0x38;
	[tilespmem:$0x19820] =	vst v63  }
0xa1: {  	_ =	swait.ge [sflag:s5], $0xA00  }
0xa2: {  	[sflag:s5] =	ssyncset.done $0x0  }
0xa3: {  	[sflag:s5] =	ssyncadd.s32 $0xFFFFF600  }
0xa4: {  	[bflag:$0x0] =	sbarrier.arrive $0xFFFF  }
0xa5: {  	s0 =	rddreg [dreg:$0x18]  }
0xa6: {  	s3 =	rddreg [dreg:$0x9]  }
0xa7: {  	s9 =	rddreg [dreg:$0xa]  }
0xa8: {  	s10 =	rddreg [dreg:$0x16]  }
0xa9: {  	s11 =	rddreg [dreg:$0xb]  }
0xaa: {  	s12 =	rddreg [dreg:$0x14]  }
0xab: {  	s13 =	rddreg [dreg:$0x12]  }
0xac: {  	s14 =	rddreg [dreg:$0xc]  }
0xad: {  	[tilespmem:s7], [sflag:$0x1] =	stream.indirect.gather [spmem:s2], $0x20, s1, s6, $0xb8;
	[tilespmem:$0x19820] =	vst v63  }
0xae: {  	s15 =	rddreg [dreg:$0x8]  }
0xaf: {  	[tilespmem:s15], [sflag:$0x1] =	stream.indirect.gather [spmem:s2], $0x20, s6, s6, $0xb8;
	[tilespmem:$0x19820] =	vst v63  }
0xb0: {  	s16 =	rddreg [dreg:$0x10]  }
0xb1: {  	[tilespmem:s9], [sflag:$0x1] =	stream.indirect.gather [spmem:s2], $0x20, s3, s6, $0xb8;
	[tilespmem:$0x19820] =	vst v63  }
0xb2: {  	s15 =	rddreg [dreg:$0xe]  }
0xb3: {  	[tilespmem:s14], [sflag:$0x1] =	stream.indirect.gather [spmem:s2], $0x20, s11, s6, $0xb8;
	[tilespmem:$0x19820] =	vst v63  }
0xb4: {  	s9 =	rddreg [dreg:$0xd]  }
0xb5: {  	[tilespmem:s15], [sflag:$0x1] =	stream.indirect.gather [spmem:s2], $0x20, s9, s6, $0xb8;
	[tilespmem:$0x19820] =	vst v63  }
0xb6: {  	s14 =	rddreg [dreg:$0xf]  }
0xb7: {  	[tilespmem:s16], [sflag:$0x1] =	stream.indirect.gather [spmem:s2], $0x20, s14, s6, $0xb8;
	[tilespmem:$0x19820] =	vst v63  }
0xb8: {  	s15 =	rddreg [dreg:$0x11]  }
0xb9: {  	[tilespmem:s13], [sflag:$0x1] =	stream.indirect.gather [spmem:s2], $0x20, s15, s6, $0xb8;
	[tilespmem:$0x19820] =	vst v63  }
0xba: {  	s16 =	rddreg [dreg:$0x13]  }
0xbb: {  	[tilespmem:s12], [sflag:$0x1] =	stream.indirect.gather [spmem:s2], $0x20, s16, s6, $0xb8;
	[tilespmem:$0x19820] =	vst v63  }
0xbc: {  	s11 =	rddreg [dreg:$0x15]  }
0xbd: {  	[tilespmem:s10], [sflag:$0x1] =	stream.indirect.gather [spmem:s2], $0x20, s11, s6, $0xb8;
	[tilespmem:$0x19820] =	vst v63  }
0xbe: {  	s13 =	rddreg [dreg:$0x17]  }
0xbf: {  	[tilespmem:s0], [sflag:$0x1] =	stream.indirect.gather [spmem:s2], $0x20, s13, s6, $0xb8;
	[tilespmem:$0x19820] =	vst v63  }
0xc0: {  	s14 =	rddreg [dreg:$0x19]  }
0xc1: {  	[tilespmem:s8], [sflag:$0x2] =	stream.indirect.gather [spmem:s2], $0x20, s14, s6, $0xb8;
	[tilespmem:$0x19820] =	vst v63  }
0xc2: {  	s15 =	rddreg [dreg:$0x1a];
	s16 =	simm.s32 $0xBA00  }
0xc3: {  	[tilespmem:s16], [sflag:$0x2] =	stream.indirect.gather [spmem:s2], $0x20, s15, s6, $0xb8;
	[tilespmem:$0x19820] =	vst v63  }
0xc4: {  	s9 =	simm.s32 $0x600;
	s10 =	simm.s32 $0xCA00  }
0xc5: {  	[tilespmem:s10], [sflag:$0x2] =	stream.indirect.gather [spmem:s2], $0x20, s9, s6, $0xb8;
	[tilespmem:$0x19820] =	vst v63  }
0xc6: {  	s12 =	simm.s32 $0xDA00;
	s11 =	simm.s32 $0x680  }
0xc7: {  	[tilespmem:s12], [sflag:$0x2] =	stream.indirect.gather [spmem:s2], $0x20, s11, s6, $0xb8;
	[tilespmem:$0x19820] =	vst v63  }
0xc8: {  	s13 =	simm.s32 $0x700;
	s14 =	simm.s32 $0xEA00  }
0xc9: {  	[tilespmem:s14], [sflag:$0x2] =	stream.indirect.gather [spmem:s2], $0x20, s13, s6, $0xb8;
	[tilespmem:$0x19820] =	vst v63  }
0xca: {  	s15 =	simm.s32 $0x780  }
0xcb: {  	[tilespmem:s17], [sflag:$0x2] =	stream.indirect.gather [spmem:s2], $0x20, s15, s6, $0xb8;
	[tilespmem:$0x19820] =	vst v63  }
0xcc: {  	_ = 	snop  }
0xcd: {  	[tilespmem:s19], [sflag:$0x2] =	stream.indirect.gather [spmem:s2], $0x20, s18, s6, $0xb8;
	[tilespmem:$0x19820] =	vst v63  }
0xce: {  	_ = 	snop  }
0xcf: {  	[tilespmem:s21], [sflag:$0x2] =	stream.indirect.gather [spmem:s2], $0x20, s20, s6, $0xb8;
	[tilespmem:$0x19820] =	vst v63  }
0xd0: {  	_ = 	snop  }
0xd1: {  	[tilespmem:s23], [sflag:$0x2] =	stream.indirect.gather [spmem:s2], $0x20, s22, s6, $0xb8;
	[tilespmem:$0x19820] =	vst v63  }
0xd2: {  	_ = 	snop  }
0xd3: {  	[tilespmem:s25], [sflag:$0x2] =	stream.indirect.gather [spmem:s2], $0x20, s24, s6, $0xb8;
	[tilespmem:$0x19820] =	vst v63  }
0xd4: {  	_ =	swait.ge [sflag:s26], $0x1000  }
0xd5: {  	[sflag:s26] =	ssyncset.done $0x0  }
0xd6: {  	[sflag:s26] =	ssyncadd.s32 $0xFFFFF000  }
0xd7: {  	_ =	swait.ge [sflag:s26], $0x1000  }
0xd8: {  	[sflag:s26] =	ssyncset.done $0x0  }
0xd9: {  	[sflag:s26] =	ssyncadd.s32 $0xFFFFF000  }
0xda: {  	_ =	swait.ge [sflag:s26], $0x1000  }
0xdb: {  	[sflag:s26] =	ssyncset.done $0x0  }
0xdc: {  	[sflag:s26] =	ssyncadd.s32 $0xFFFFF000  }
0xdd: {  	_ =	swait.ge [sflag:s26], $0x1000  }
0xde: {  	[sflag:s26] =	ssyncset.done $0x0  }
0xdf: {  	[sflag:s26] =	ssyncadd.s32 $0xFFFFF000  }
0xe0: {  	_ =	swait.ge [sflag:s26], $0x1000  }
0xe1: {  	[sflag:s26] =	ssyncset.done $0x0  }
0xe2: {  	[sflag:s26] =	ssyncadd.s32 $0xFFFFF000  }
0xe3: {  	_ =	swait.ge [sflag:s26], $0x1000  }
0xe4: {  	[sflag:s26] =	ssyncset.done $0x0  }
0xe5: {  	[sflag:s26] =	ssyncadd.s32 $0xFFFFF000  }
0xe6: {  	_ =	swait.ge [sflag:s26], $0x1000  }
0xe7: {  	[sflag:s26] =	ssyncset.done $0x0  }
0xe8: {  	[sflag:s26] =	ssyncadd.s32 $0xFFFFF000  }
0xe9: {  	_ =	swait.ge [sflag:s26], $0x1000  }
0xea: {  	[sflag:s26] =	ssyncset.done $0x0  }
0xeb: {  	[sflag:s26] =	ssyncadd.s32 $0xFFFFF000  }
0xec: {  	_ =	swait.ge [sflag:s26], $0x1000  }
0xed: {  	[sflag:s26] =	ssyncset.done $0x0  }
0xee: {  	[sflag:s26] =	ssyncadd.s32 $0xFFFFF000  }
0xef: {  	_ =	swait.ge [sflag:s26], $0x1000  }
0xf0: {  	[sflag:s26] =	ssyncset.done $0x0  }
0xf1: {  	s16 =	rddreg [dreg:$0x5];
	[sflag:s26] =	ssyncadd.s32 $0xFFFFF000  }
0xf2: {  	[hbm4b:s16+s1] =	stream.linear.scatter [tilespmem:s7], [sflag:$0x3], $0xA000, $0x38;
	[tilespmem:$0x19820] =	vst v63  }
0xf3: {  	_ =	swait.ge [sflag:s28], $0x1000  }
0xf4: {  	[sflag:s28] =	ssyncset.done $0x0  }
0xf5: {  	[sflag:s28] =	ssyncadd.s32 $0xFFFFF000  }
0xf6: {  	_ =	swait.ge [sflag:s28], $0x1000  }
0xf7: {  	[sflag:s28] =	ssyncset.done $0x0  }
0xf8: {  	[sflag:s28] =	ssyncadd.s32 $0xFFFFF000  }
0xf9: {  	_ =	swait.ge [sflag:s28], $0x1000  }
0xfa: {  	[sflag:s28] =	ssyncset.done $0x0  }
0xfb: {  	[sflag:s28] =	ssyncadd.s32 $0xFFFFF000  }
0xfc: {  	_ =	swait.ge [sflag:s28], $0x1000  }
0xfd: {  	[sflag:s28] =	ssyncset.done $0x0  }
0xfe: {  	[sflag:s28] =	ssyncadd.s32 $0xFFFFF000  }
0xff: {  	_ =	swait.ge [sflag:s28], $0x1000  }
0x100: {  	[sflag:s28] =	ssyncset.done $0x0  }
0x101: {  	[sflag:s28] =	ssyncadd.s32 $0xFFFFF000  }
0x102: {  	_ =	swait.ge [sflag:s28], $0x1000  }
0x103: {  	[sflag:s28] =	ssyncset.done $0x0  }
0x104: {  	[sflag:s28] =	ssyncadd.s32 $0xFFFFF000  }
0x105: {  	s31 =	sadd.s32 $0xFFFFFFFF, s31;
	_ =	swait.ge [sflag:s28], $0x1000  }
0x106: {  	p1 =	sne.s32 s31, $0x0;
	[sflag:s28] =	ssyncset.done $0x0  }
.Ltmp1:
0x107: {  	[sflag:s28] =	ssyncadd.s32 $0xFFFFF000;
	(pc) =	sbr.rel @p1 .LBB2_1-.Ltmp1, $4  }
0x108: {  	_ =	swait.ge [sflag:s28], $0x1000  }
0x109: {  	[sflag:s28] =	ssyncset.done $0x0  }
0x10a: {  	[sflag:s28] =	ssyncadd.s32 $0xFFFFF000  }
0x10b: {  	_ =	swait.ge [sflag:s28], $0x1000  }
.LBB2_2:
0x10c: {  	[sflag:s28] =	ssyncset.done $0x0  }
0x10d: {  	[sflag:s28] =	ssyncadd.s32 $0xFFFFF000  }
0x10e: {  	_ =	swait.ge [sflag:s28], $0x1000  }
0x10f: {  	[sflag:s28] =	ssyncset.done $0x0  }
0x110: {  	s0 =	rddreg [dreg:$0x6];
	[sflag:s28] =	ssyncadd.s32 $0xFFFFF000  }
0x111: {  	[hbm4b:s0+s1] =	stream.linear.scatter [tilespmem:s8], [sflag:$0x4], $0xA000, $0x38;
	[tilespmem:$0x19820] =	vst v63  }
0x112: {  	_ =	swait.ge [sflag:s30], $0xA000  }
0x113: {  	[sflag:s30] =	ssyncset.done $0x0  }
0x114: {  	[sflag:s30] =	ssyncadd.s32 $0xFFFF6000  }
0x115: {  	_ =	swait.ge [sflag:s29], $0xA000  }
0x116: {  	[sflag:s29] =	ssyncset.done $0x0  }
0x117: {  	[sflag:s29] =	ssyncadd.s32 $0xFFFF6000  }
0x118: {  	_ =	sfence.sel $0x180000  }
0x119: {  	[bflag:$0x0] =	sbarrier.arrive $0xFFFF  }
0x11a: {  	_ =	strace $0x90000047  }
0x11b: {  	[bflag:$0x2] =	sbarrier.arrive $0xFFFF  }
0x11c: {  	s0 =	rddreg [dreg:$0x2]  }
0x11d: {  	s0 =	sadd.s32 @!p0 $0x100000, s0  }
0x11e: {  	[sflag:s0] =	ssyncadd.tile.s32 @!p0 $0x1;
	_ =	shalt  }
.Lfunc_end2:
_tile_overlayer_lowered:
.L_overlay_start_2:
0x11f: {  	(tag) =	ssettag $0x2  }
0x120: {  	s0 =	rddreg [dreg:$0x0];
	s2 =	stileid.u32  }
0x121: {  	s1 =	rddreg [dreg:$0x1];
	p0 =	sne.s32 s2, $0x0  }
0x122: {  	s3 =	rddreg [dreg:$0x2];
	[bflag:$0x3] =	sbarrier.arrive $0xFFFF;
	s2 =	simm.s32 @!p0 $0x1C05  }
0x123: {  	[timem:s3], [sflag:s2] =	dma.local @!p0 [hbm:s0], s1  }
0x124: {  	s0 =	simm.s32 @!p0 $0x5  }
0x125: {  	_ =	swait.ge @!p0 [sflag:s0], s1  }
0x126: {  	s1 =	ssub.s32 @!p0 $0x0, s1;
	[sflag:s0] =	ssyncset.done @!p0 $0x0  }
0x127: {  	[sflag:s0] =	ssyncadd.s32 @!p0 s1  }
0x128: {  	[bflag:$0x3] =	sbarrier.arrive $0xFFFF  }
0x129: {  	_ =	shalt  }

// kernel: kernel.17.cloned.1.call-start
scs
__scs_entry_jumppad:
0x0: {  	(pc) =	sbr.rel $0x88, $3  }
0x1: {  	(tag) =	ssettag $0x0;
	lr =	simm.s32 $0x1  }
0x2: {  	[smem:$0x3F7F] =	sst lr;
	_ =	strace $0xD0000000  }
0x3: {  	_ = 	snop  }
0x4: {  	_ = 	snop  }
0x5: {  	_ = 	snop  }
0x6: {  	_ = 	snop  }
0x7: {  	_ = 	snop  }
__scs_overlays_trampoline_lowered:
0x8: {  	[smem:$0x3F8E] =	sst s0  }
0x9: {  	[smem:$0x3F8F] =	sst s1  }
0xa: {  	[smem:$0x3F90] =	sst s2  }
0xb: {  	[smem:$0x3F91] =	sst s3  }
0xc: {  	[smem:$0x3F92] =	sst s4  }
0xd: {  	[smem:$0x3F93] =	sst s5  }
0xe: {  	[smem:$0x3F94] =	sst s6  }
0xf: {  	[smem:$0x3F95] =	sst s7  }
0x10: {  	[smem:$0x3F96] =	sst s8  }
0x11: {  	[smem:$0x3F97] =	sst s9;
	s0 =	simm.s32 @!p0 $0x0  }
0x12: {  	s1 =	sld [smem:$0x3F7D];
	s0 =	simm.s32 @p0 $0x1  }
0x13: {  	[smem:$0x3F98] =	sst s0;
	s0 =	simm.s32 @!p1 $0x0  }
0x14: {  	s2 =	sld [smem:$0x3F7C];
	s0 =	simm.s32 @p1 $0x1  }
0x15: {  	[smem:$0x3F99] =	sst s0;
	s0 =	simm.s32 @!p2 $0x0  }
0x16: {  	s3 =	sld [smem:$0x3FDB];
	s0 =	simm.s32 @p2 $0x1  }
0x17: {  	s4 =	simm.s32 $0x1BF5;
	[smem:$0x3F9B] =	sst s0  }
0x18: {  	s0 =	sld [smem:$0x3F7E];
	_ =	swait.ge [sflag:s4], $0x0  }
0x19: {  	s7 =	sld [smem:$0x3F7F]  }
0x1a: {  	s8 =	sadd.s32 $0xFFFFE003, lr  }
0x1b: {  	s9 =	sadd.s32 $0xFFFFFEF7, lr;
	s5 =	simm.s32 $0xFFFFFFFF;
	p2 =	slt.u32 s8, $0xFFFFF086  }
0x1c: {  	p1 =	slt.u32 s9, $0xF7A;
	s5 =	simm.s32 @!p2 $0x0  }
0x1d: {  	s5 =	simm.s32 @p1 $0x1;
	p0 =	seq.s32 s7, s2  }
0x1e: {  	s7 =	smul.u32 @!p0 $0xF7A, s2;
	p2 =	seq.s32 @!p0 s5, $0x0  }
0x1f: {  	s9 =	smul.u32 $0xF7A, s1;
	s8 =	simm.s32 @!p0 $0x1BF5;
	p2 =	por !p2, p0  }
0x20: {  	[sflag:s8] =	ssyncset.s32 @!p0 $0xFFFFF086;
	s6 =	sadd.s32 @!p0 s3, s7;
	s7 =	simm.s32 @!p0 $0x108  }
0x21: {  	s3 =	sadd.s32 s3, s9;
	s6 =	sadd.s32 @!p0 $0x88, s6;
	s7 =	simm.s32 @p2 $0x1082  }
0x22: {  	[simem:s7], [sflag:s8] =	dma.local @!p0 [hbm:s6], $0xF7A  }
0x23: {  	s9 =	sor.u32 $0xD0000000, s2;
	s6 =	simm.s32 $0x108;
	_ =	swait.ge @!p0 [sflag:s8], $0x0  }
0x24: {  	s3 =	sadd.s32 $0x88, s3;
	s6 =	simm.s32 @!p1 $0x1082;
	[sflag:s4] =	ssyncset.s32 $0xFFFFF086  }
0x25: {  	[simem:s6], [sflag:s4] =	dma.local [hbm:s3], $0xF7A  }
0x26: {  	[smem:$0x3F7F] =	sst s1;
	(tag) =	ssettag s2;
	_ =	strace s9  }
0x27: {  	s1 =	sld [smem:$0x3F8F]  }
0x28: {  	s2 =	sld [smem:$0x3F90]  }
0x29: {  	s4 =	sld [smem:$0x3F92]  }
0x2a: {  	p0 =	seq.s32 s5, $0x0;
	s5 =	sld [smem:$0x3F93]  }
0x2b: {  	s6 =	sld [smem:$0x3F94]  }
0x2c: {  	s7 =	sld [smem:$0x3F95]  }
0x2d: {  	s3 =	simm.s32 $0x108;
	s8 =	sld [smem:$0x3F96]  }
0x2e: {  	s3 =	simm.s32 @!p0 $0x1082;
	s9 =	sld [smem:$0x3F97]  }
0x2f: {  	lr =	sadd.s32 s0, s3;
	s0 =	sld [smem:$0x3F8E]  }
0x30: {  	s3 =	sld [smem:$0x3F91]  }
0x31: {  	[smem:$0x3F9A] =	sst s10  }
0x32: {  	s10 =	sld [smem:$0x3F98];
	_ =	sdelay $0x3  }
0x33: {  	p0 =	seq.s32 s10, $0x1;
	s10 =	sld [smem:$0x3F9A];
	_ =	sdelay $0x3  }
0x34: {  	[smem:$0x3F9A] =	sst s10  }
0x35: {  	s10 =	sld [smem:$0x3F99];
	_ =	sdelay $0x3  }
0x36: {  	p1 =	seq.s32 s10, $0x1;
	s10 =	sld [smem:$0x3F9A];
	_ =	sdelay $0x3  }
0x37: {  	[smem:$0x3F9A] =	sst s10  }
0x38: {  	s10 =	sld [smem:$0x3F9B]  }
0x39: {  	_ = 	snop;
	(pc) =	sbr.ind lr, $3  }
0x3a: {  	_ = 	snop  }
0x3b: {  	_ = 	snop  }
0x3c: {  	p2 =	seq.s32 s10, $0x1;
	s10 =	sld [smem:$0x3F9A]  }
0x3d: {  	_ =	shalt  }
0x3e: {  	_ =	shalt  }
0x3f: {  	_ =	shalt  }
0x40: {  	_ =	shalt  }
0x41: {  	_ =	shalt  }
0x42: {  	_ =	shalt  }
0x43: {  	_ =	shalt  }
0x44: {  	_ =	shalt  }
0x45: {  	_ =	shalt  }
0x46: {  	_ =	shalt  }
0x47: {  	_ =	shalt  }
0x48: {  	_ =	shalt  }
0x49: {  	_ =	shalt  }
0x4a: {  	_ =	shalt  }
0x4b: {  	_ =	shalt  }
0x4c: {  	_ =	shalt  }
0x4d: {  	_ =	shalt  }
0x4e: {  	_ =	shalt  }
0x4f: {  	_ =	shalt  }
0x50: {  	_ =	shalt  }
0x51: {  	_ =	shalt  }
0x52: {  	_ =	shalt  }
0x53: {  	_ =	shalt  }
0x54: {  	_ =	shalt  }
0x55: {  	_ =	shalt  }
0x56: {  	_ =	shalt  }
0x57: {  	_ =	shalt  }
0x58: {  	_ =	shalt  }
0x59: {  	_ =	shalt  }
0x5a: {  	_ =	shalt  }
0x5b: {  	_ =	shalt  }
0x5c: {  	_ =	shalt  }
0x5d: {  	_ =	shalt  }
0x5e: {  	_ =	shalt  }
0x5f: {  	_ =	shalt  }
0x60: {  	_ =	shalt  }
0x61: {  	_ =	shalt  }
0x62: {  	_ =	shalt  }
0x63: {  	_ =	shalt  }
0x64: {  	_ =	shalt  }
0x65: {  	_ =	shalt  }
0x66: {  	_ =	shalt  }
0x67: {  	_ =	shalt  }
0x68: {  	_ =	shalt  }
0x69: {  	_ =	shalt  }
0x6a: {  	_ =	shalt  }
0x6b: {  	_ =	shalt  }
0x6c: {  	_ =	shalt  }
0x6d: {  	_ =	shalt  }
0x6e: {  	_ =	shalt  }
0x6f: {  	_ =	shalt  }
0x70: {  	_ =	shalt  }
0x71: {  	_ =	shalt  }
0x72: {  	_ =	shalt  }
0x73: {  	_ =	shalt  }
0x74: {  	_ =	shalt  }
0x75: {  	_ =	shalt  }
0x76: {  	_ =	shalt  }
0x77: {  	_ =	shalt  }
0x78: {  	_ =	shalt  }
0x79: {  	_ =	shalt  }
0x7a: {  	_ =	shalt  }
0x7b: {  	_ =	shalt  }
0x7c: {  	_ =	shalt  }
0x7d: {  	_ =	shalt  }
0x7e: {  	_ =	shalt  }
0x7f: {  	_ =	shalt  }
0x80: {  	_ =	shalt  }
0x81: {  	_ =	shalt  }
0x82: {  	_ =	shalt  }
0x83: {  	_ =	shalt  }
0x84: {  	_ =	shalt  }
0x85: {  	_ =	shalt  }
0x86: {  	_ =	shalt  }
0x87: {  	_ =	shalt  }
.Lfunc_end0:
.L_simem_size_0:
called_computation.2_lowered:
.L_overlay_start_0:
0x88: {  	s2 =	sld [smem:$0x3FD9]  }
0x89: {  	s3 =	sld [smem:$0x3FFE];
	_ =	sdelay $0x1  }
0x8a: {  	s1 =	srdreg.scid  }
0x8b: {  	s0 =	sand.u32 $0x1, s1  }
0x8c: {  	s17 =	sshll.u32 s0, $0xA;
	s2 =	sadd.s32 s3, s2  }
0x8d: {  	s2 =	sadd.s32 s2, s17  }
0x8e: {  	[smem:$0x3FA6] =	sst s2  }
0x8f: {  	_ = 	snop  }
0x90: {  	(tm) =	ssettm $0x1  }
0x91: {  	s18 =	sld [smem:$0x3FFB];
	_ =	sdelay $0x3  }
0x92: {  	_ =	strace s18  }
0x93: {  	s2 =	sld [smem:$0x3FFC];
	_ =	sdelay $0x3  }
0x94: {  	_ =	strace s2  }
0x95: {  	s2 =	sld [smem:$0x3FFD];
	_ =	sdelay $0x3  }
0x96: {  	_ =	strace s2  }
0x97: {  	_ =	strace $0x8FFFFFFF  }
0x98: {  	s19 =	sld [smem:$0x3FDB];
	_ =	sdelay $0x1  }
0x99: {  	s20 =	simm.s32 $_scs_section_size  }
0x9a: {  	s4 =	simm.s32 $_size__tile_overlayer_lowered;
	s5 =	simm.s32 $_tile_overlayer_lowered  }
0x9b: {  	s6 =	simm.s32 $0x1BFF;
	s21 =	sshll.u32 s5, $0x1;
	s3 =	sadd.s32 s20, s19  }
0x9c: {  	s22 =	simm.s32 $0x0;
	s4 =	sshll.u32 s4, $0x1;
	s5 =	sadd.s32 s21, s3  }
0x9d: {  	[timem:s22], [sflag:s6] =	dma.local [hbm:s5], s4  }
0x9e: {  	_ =	swait.ge [sflag:s6], s4  }
0x9f: {  	s4 =	ssub.s32 $0x0, s4;
	[sflag:s6] =	ssyncset.done $0x0  }
0xa0: {  	[sflag:s6] =	ssyncadd.s32 s4;
	_ =	sdelay $0x1  }
0xa1: {  	s23 =	simm.s32 $0x1B8B  }
0xa2: {  	_ =	swait.ge [sflag:s23], $0x1  }
0xa3: {  	[sflag:s23] =	ssyncset.done $0x0  }
0xa4: {  	[sflag:s23] =	ssyncadd.s32 $0xFFFFFFFF  }
0xa5: {  	s4 =	sld [smem:$0x0]  }
0xa6: {  	s5 =	sand.u32 $0xFFFFFFFE, s1  }
0xa7: {  	p0 =	sne.s32 s1, s5  }
0xa8: {  	s5 =	sshll.u32 @p0 s5, $0xE  }
0xa9: {  	s5 =	sadd.s32 @p0 $0x11B8D, s5;
	s6 =	sshll.u32 @p0 s4, $0x11  }
0xaa: {  	s5 =	sor.u32 @p0 s6, s5  }
0xab: {  	[sflag:s5] =	ssyncadd.remote.s32 @p0 $0x1;
	_ =	sdelay $0x1  }
0xac: {  	s5 =	simm.s32 @p0 $0x1B8D  }
0xad: {  	_ =	swait.eq @p0 [sflag:s5], $0x1  }
0xae: {  	[sflag:s5] =	ssyncadd.s32 @p0 $0xFFFFFFFF  }
0xaf: {  	s6 =	sshll.u32 @!p0 s1, $0xE  }
0xb0: {  	s6 =	sor.u32 @!p0 $0x4000, s6;
	s5 =	simm.s32 @!p0 $0x1B8D  }
0xb1: {  	s4 =	sshll.u32 @!p0 s4, $0x11;
	s6 =	sadd.s32 @!p0 $0x11B8D, s6;
	_ =	swait.eq @!p0 [sflag:s5], $0x1  }
0xb2: {  	s4 =	sor.u32 @!p0 s4, s6;
	[sflag:s5] =	ssyncadd.s32 @!p0 $0xFFFFFFFF  }
0xb3: {  	s25 =	simm.s32 $0x1B8E;
	s24 =	sld [smem:$0x3FFE];
	[sflag:s4] =	ssyncadd.remote.s32 @!p0 $0x1  }
0xb4: {  	s26 =	simm.s32 $execute0_lowered;
	[smem:$0x3FD2] =	sst s25  }
0xb5: {  	s5 =	sshll.u32 s26, $0x1;
	_ =	strace $0x8000004F;
	[dreg:$0x1] =	wrdreg $0xFFFFFFFF  }
0xb6: {  	s28 =	simm.s32 $_size_execute0_lowered;
	s3 =	sadd.s32 s3, s5;
	[dreg:$0x0] =	wrdreg $0x0  }
0xb7: {  	s5 =	sshll.u32 s28, $0x1;
	[dreg:$0x2] =	wrdreg s3  }
0xb8: {  	[dreg:$0x3] =	wrdreg s5  }
0xb9: {  	[dreg:$0x4] =	wrdreg $0xC0  }
0xba: {  	_ =	task [dreg:s22], $0x5FFFF  }
0xbb: {  	[dreg:$0x1] =	wrdreg $0xFFFFFFFF  }
0xbc: {  	[dreg:$0x0] =	wrdreg $0x60  }
0xbd: {  	[dreg:$0x2] =	wrdreg s24  }
0xbe: {  	[dreg:$0x3] =	wrdreg $0xFA000  }
0xbf: {  	[dreg:$0x4] =	wrdreg $0x9  }
0xc0: {  	_ =	task.clear_ibuf [dreg:s22], $0x5FFFF;
	_ =	strace $0x9000004F  }
0xc1: {  	s29 =	simm.s32 $0x9;
	_ =	strace $0x80000051  }
0xc2: {  	_ =	swait.ge [sflag:s29], $0x1  }
0xc3: {  	[sflag:s29] =	ssyncadd.s32 $0xFFFFFFFF  }
0xc4: {  	_ =	strace $0x90000051  }
0xc5: {  	_ =	sfence  }
0xc6: {  	s30 =	sld [smem:$0x0];
	_ =	sdelay $0x2  }
0xc7: {  	s31 =	sshll.u32 s1, $0xD;
	s1 =	sshrl.u32 s1, $0x2  }
0xc8: {  	s4 =	sand.u32 $0x4000, s31;
	s1 =	sadd.s32 s1, s30  }
0xc9: {  	s0 =	sor.u32 s4, s0;
	s1 =	sshll.u32 s1, $0x11  }
0xca: {  	s0 =	sor.u32 s1, s0  }
0xcb: {  	s0 =	sadd.s32 $0x8F2B, s0  }
0xcc: {  	[sflag:s0] =	ssyncadd.remote.s32 $0x1  }
0xcd: {  	_ =	sfence.sel $0xFFFF  }
0xce: {  	[dreg:$0x0] =	wrdreg $0xFFFFFFFF;
	(pc) =	sbr.abs _section_cstart, $3  }
0xcf: {  	[dreg:$0x1] =	wrdreg $0xFFFFFFFF  }
0xd0: {  	_ =	task.clear_ibuf [dreg:s22], $0x2FFFF;
	_ =	strace $0x9FFFFFFF  }
0xd1: {  	(tm) =	ssettm $0x7FFFFFFF  }
tec
execute0_lowered:
.L_overlay_start_1:
0x0: {  	(tag) =	ssettag $0x1  }
0x1: {  	s0 =	rddreg [dreg:$0x0];
	s2 =	srdreg.scid  }
0x2: {  	s4 =	stileid.u32;
	s1 =	rddreg [dreg:$0x1]  }
0x3: {  	s31 =	rddreg [dreg:$0x2];
	s3 =	simm.s32 $0x0;
	s28 =	simm.s32 $0x5  }
0x4: {  	s20 =	simm.s32 $0x100;
	s21 =	simm.s32 $0x180;
	s11 =	simm.s32 $0x3A00  }
0x5: {  	s22 =	simm.s32 $0x200;
	[smem:$0x7FF] =	sst s3;
	s9 =	sadd.s32 $0x1A000, s0  }
0x6: {  	s12 =	simm.s32 $0x5200;
	_ =	strace $0x80000050;
	[dreg:$0x3] =	wrdreg s9  }
0x7: {  	s23 =	simm.s32 $0x280;
	s13 =	simm.s32 $0x6A00;
	[dreg:$0xa] =	wrdreg s20  }
0x8: {  	s24 =	simm.s32 $0x300;
	s25 =	simm.s32 $0x380;
	[dreg:$0xb] =	wrdreg s21  }
0x9: {  	s26 =	simm.s32 $0x400;
	s29 =	simm.s32 $0x480;
	[dreg:$0xc] =	wrdreg s22  }
0xa: {  	s30 =	simm.s32 $0x500;
	p1 =	por $0x0, $0x0;
	[dreg:$0xd] =	wrdreg s23  }
0xb: {  	s2 =	sand.u32 $0x1, s2;
	s5 =	sshll.u32 s4, $0x1;
	[dreg:$0xe] =	wrdreg s24  }
0xc: {  	s8 =	sadd.s32 $0x3AA800, s0;
	p0 =	sne.s32 s4, $0x0;
	[dreg:$0xf] =	wrdreg s25  }
0xd: {  	s4 =	simm.s32 $0x3;
	s5 =	sor.u32 s2, s5;
	[dreg:$0x10] =	wrdreg s26  }
0xe: {  	s7 =	smul.u32 $0x3000, s2;
	s2 =	ssub.s32 $0x2, s2;
	[dreg:$0x11] =	wrdreg s29  }
0xf: {  	s9 =	simm.s32 $0x1;
	[dreg:$0x12] =	wrdreg s30;
	s21 =	simm.s32 $0x600  }
0x10: {  	s22 =	simm.s32 $0x680;
	s23 =	simm.s32 $0x700;
	s20 =	simm.s32 $0x800  }
0x11: {  	s24 =	simm.s32 $0x880;
	s25 =	simm.s32 $0x900;
	s6 =	smul.u32 $0x140, s5  }
0x12: {  	s26 =	simm.s32 $0x980;
	s10 =	smul.u32 $0x1E000, s5;
	s17 =	sshrl.u32 s2, $0x1  }
0x13: {  	s5 =	smul.u32 $0x3C00, s5;
	s2 =	ssub.s32 s2, s17;
	s17 =	simm.s32 $0xCA00  }
0x14: {  	s6 =	sadd.s32 s6, s0;
	s0 =	sadd.s32 s7, s0;
	s14 =	sshrl.u32 s10, $0x3  }
0x15: {  	s5 =	sadd.s32 s8, s5;
	s15 =	sadd.s32 s8, s14;
	s0 =	sadd.s32 $0x10200, s0  }
0x16: {  	s7 =	simm.s32 $0x8200;
	s19 =	sadd.s32 $0x2D00, s15;
	[dreg:$0x9] =	wrdreg s0  }
0x17: {  	s0 =	smax.u32 s2, $0x1;
	[dreg:$0x8] =	wrdreg s19;
	s19 =	simm.s32 $0x580  }
0x18: {  	s10 =	simm.s32 $0x2200;
	[dreg:$0x13] =	wrdreg s19;
	s19 =	sadd.s32 $0xFFFFFFFF, s0  }
0x19: {  	s6 =	sadd.s32 $0x6C800, s6;
	[dreg:$0x5] =	wrdreg s5;
	p2 =	sne.s32 s19, $0x0  }
.Ltmp0:
0x1a: {  	s8 =	simm.s32 $0xA00;
	s5 =	simm.s32 $0x80;
	(pc) =	sbr.rel @!p2 .LBB2_1-.Ltmp0, $4  }
0x1b: {  	s14 =	simm.s32 $0x2;
	[dreg:$0x4] =	wrdreg s6;
	s16 =	sadd.s32 $0xF00, s15  }
0x1c: {  	s18 =	sadd.s32 $0x1E00, s15;
	s2 =	sshrl.u32 @!p0 s1, $0x3;
	[dreg:$0x6] =	wrdreg s16  }
0x1d: {  	s15 =	simm.s32 $0x9A00;
	s6 =	simm.s32 $0x4;
	[dreg:$0x7] =	wrdreg s18  }
0x1e: {  	s16 =	simm.s32 $0xB200;
	s18 =	simm.s32 $0xE200;
	s0 =	rddreg [dreg:$0x3]  }
0x1f: {  	s30 =	simm.s32 @!p0 $0x1C05;
	s29 =	simm.s32 @!p0 $0x5  }
0x20: {  	[spmem:s2], [sflag:s30] =	dma.local @!p0 [hbm:s0], $0x3000  }
0x21: {  	_ =	swait.ge @!p0 [sflag:s29], $0x3000  }
0x22: {  	[sflag:s29] =	ssyncset.done @!p0 $0x0  }
0x23: {  	[sflag:s29] =	ssyncadd.s32 @!p0 $0xFFFFD000  }
0x24: {  	[bflag:$0x0] =	sbarrier.arrive $0xFFFF  }
0x25: {  	s0 =	rddreg [dreg:$0x4]  }
0x26: {  	[tilespmem:s3], [sflag:$0x5] =	stream.linear.gather [hbm4b:s0+s3], $0xA00, $0x38;
	[tilespmem:$0x11200] =	vst v63  }
0x27: {  	_ =	swait.ge [sflag:s28], $0xA00  }
0x28: {  	[sflag:s28] =	ssyncset.done $0x0  }
0x29: {  	s0 =	rddreg [dreg:$0x5];
	[sflag:s28] =	ssyncadd.s32 $0xFFFFF600  }
0x2a: {  	[tilespmem:s8], [sflag:$0x1] =	stream.linear.gather [hbm4b:s0+s3], $0x7800, $0x38;
	[tilespmem:$0x11200] =	vst v63  }
0x2b: {  	s31 =	rddreg [dreg:$0x6]  }
0x2c: {  	[tilespmem:s7], [sflag:$0x2] =	stream.linear.gather [hbm4b:s31+s3], $0x7800, $0x38;
	[tilespmem:$0x11200] =	vst v63  }
0x2d: {  	_ =	swait.ge [sflag:s9], $0x7800  }
0x2e: {  	[sflag:s9] =	ssyncset.done $0x0  }
0x2f: {  	[sflag:s9] =	ssyncadd.s32 $0xFFFF8800  }
0x30: {  	[spmem:s1] =	stream.indirect.scatter.add.f32 [tilespmem:s8], [sflag:$0x3], $0x30, s3, s5, $0xb8;
	[tilespmem:$0x11200] =	vst v63  }
0x31: {  	_ = 	snop  }
0x32: {  	[spmem:s1] =	stream.indirect.scatter.add.f32 [tilespmem:s10], [sflag:$0x3], $0x30, s5, s5, $0xb8;
	[tilespmem:$0x11200] =	vst v63  }
0x33: {  	s0 =	rddreg [dreg:$0xa]  }
0x34: {  	[spmem:s1] =	stream.indirect.scatter.add.f32 [tilespmem:s11], [sflag:$0x3], $0x30, s0, s5, $0xb8;
	[tilespmem:$0x11200] =	vst v63  }
0x35: {  	s31 =	rddreg [dreg:$0xb]  }
0x36: {  	[spmem:s1] =	stream.indirect.scatter.add.f32 [tilespmem:s12], [sflag:$0x3], $0x30, s31, s5, $0xb8;
	[tilespmem:$0x11200] =	vst v63  }
0x37: {  	s0 =	rddreg [dreg:$0xc]  }
0x38: {  	[spmem:s1] =	stream.indirect.scatter.add.f32 [tilespmem:s13], [sflag:$0x3], $0x30, s0, s5, $0xb8;
	[tilespmem:$0x11200] =	vst v63  }
0x39: {  	_ =	swait.ge [sflag:s4], $0x1800  }
0x3a: {  	[sflag:s4] =	ssyncset.done $0x0  }
0x3b: {  	[sflag:s4] =	ssyncadd.s32 $0xFFFFE800  }
0x3c: {  	_ =	swait.ge [sflag:s4], $0x1800  }
0x3d: {  	[sflag:s4] =	ssyncset.done $0x0  }
0x3e: {  	[sflag:s4] =	ssyncadd.s32 $0xFFFFE800  }
0x3f: {  	_ =	swait.ge [sflag:s4], $0x1800  }
0x40: {  	[sflag:s4] =	ssyncset.done $0x0  }
0x41: {  	[sflag:s4] =	ssyncadd.s32 $0xFFFFE800  }
0x42: {  	_ =	swait.ge [sflag:s4], $0x1800  }
0x43: {  	[sflag:s4] =	ssyncset.done $0x0  }
0x44: {  	[sflag:s4] =	ssyncadd.s32 $0xFFFFE800  }
0x45: {  	_ =	swait.ge [sflag:s4], $0x1800  }
0x46: {  	[sflag:s4] =	ssyncset.done $0x0  }
0x47: {  	s0 =	rddreg [dreg:$0x7];
	[sflag:s4] =	ssyncadd.s32 $0xFFFFE800  }
0x48: {  	[tilespmem:s8], [sflag:$0x1] =	stream.linear.gather [hbm4b:s0+s3], $0x7800, $0x38;
	[tilespmem:$0x11200] =	vst v63  }
0x49: {  	_ =	swait.ge [sflag:s14], $0x7800  }
0x4a: {  	[sflag:s14] =	ssyncset.done $0x0  }
0x4b: {  	s0 =	rddreg [dreg:$0xd];
	[sflag:s14] =	ssyncadd.s32 $0xFFFF8800  }
0x4c: {  	[spmem:s1] =	stream.indirect.scatter.add.f32 [tilespmem:s7], [sflag:$0x4], $0x30, s0, s5, $0xb8;
	[tilespmem:$0x11200] =	vst v63  }
0x4d: {  	s31 =	rddreg [dreg:$0xe]  }
0x4e: {  	[spmem:s1] =	stream.indirect.scatter.add.f32 [tilespmem:s15], [sflag:$0x4], $0x30, s31, s5, $0xb8;
	[tilespmem:$0x11200] =	vst v63  }
0x4f: {  	s0 =	rddreg [dreg:$0xf]  }
0x50: {  	[spmem:s1] =	stream.indirect.scatter.add.f32 [tilespmem:s16], [sflag:$0x4], $0x30, s0, s5, $0xb8;
	[tilespmem:$0x11200] =	vst v63  }
0x51: {  	s31 =	rddreg [dreg:$0x10]  }
0x52: {  	[spmem:s1] =	stream.indirect.scatter.add.f32 [tilespmem:s17], [sflag:$0x4], $0x30, s31, s5, $0xb8;
	[tilespmem:$0x11200] =	vst v63  }
0x53: {  	s0 =	rddreg [dreg:$0x11]  }
0x54: {  	[spmem:s1] =	stream.indirect.scatter.add.f32 [tilespmem:s18], [sflag:$0x4], $0x30, s0, s5, $0xb8;
	[tilespmem:$0x11200] =	vst v63  }
0x55: {  	_ =	swait.ge [sflag:s6], $0x1800  }
0x56: {  	[sflag:s6] =	ssyncset.done $0x0  }
0x57: {  	[sflag:s6] =	ssyncadd.s32 $0xFFFFE800  }
0x58: {  	_ =	swait.ge [sflag:s6], $0x1800  }
0x59: {  	[sflag:s6] =	ssyncset.done $0x0  }
0x5a: {  	[sflag:s6] =	ssyncadd.s32 $0xFFFFE800  }
0x5b: {  	_ =	swait.ge [sflag:s6], $0x1800  }
0x5c: {  	[sflag:s6] =	ssyncset.done $0x0  }
0x5d: {  	[sflag:s6] =	ssyncadd.s32 $0xFFFFE800  }
0x5e: {  	_ =	swait.ge [sflag:s6], $0x1800  }
0x5f: {  	[sflag:s6] =	ssyncset.done $0x0  }
0x60: {  	[sflag:s6] =	ssyncadd.s32 $0xFFFFE800  }
0x61: {  	_ =	swait.ge [sflag:s6], $0x1800  }
0x62: {  	[sflag:s6] =	ssyncset.done $0x0  }
0x63: {  	s0 =	rddreg [dreg:$0x8];
	[sflag:s6] =	ssyncadd.s32 $0xFFFFE800  }
0x64: {  	[tilespmem:s7], [sflag:$0x2] =	stream.linear.gather [hbm4b:s0+s3], $0x7800, $0x38;
	[tilespmem:$0x11200] =	vst v63  }
0x65: {  	_ =	swait.ge [sflag:s9], $0x7800  }
0x66: {  	[sflag:s9] =	ssyncset.done $0x0  }
0x67: {  	s0 =	rddreg [dreg:$0x12];
	[sflag:s9] =	ssyncadd.s32 $0xFFFF8800  }
0x68: {  	[spmem:s1] =	stream.indirect.scatter.add.f32 [tilespmem:s8], [sflag:$0x3], $0x30, s0, s5, $0xb8;
	[tilespmem:$0x11200] =	vst v63  }
0x69: {  	s31 =	rddreg [dreg:$0x13]  }
0x6a: {  	[spmem:s1] =	stream.indirect.scatter.add.f32 [tilespmem:s10], [sflag:$0x3], $0x30, s31, s5, $0xb8;
	[tilespmem:$0x11200] =	vst v63  }
0x6b: {  	_ = 	snop  }
0x6c: {  	[spmem:s1] =	stream.indirect.scatter.add.f32 [tilespmem:s11], [sflag:$0x3], $0x30, s21, s5, $0xb8;
	[tilespmem:$0x11200] =	vst v63  }
0x6d: {  	_ = 	snop  }
0x6e: {  	[spmem:s1] =	stream.indirect.scatter.add.f32 [tilespmem:s12], [sflag:$0x3], $0x30, s22, s5, $0xb8;
	[tilespmem:$0x11200] =	vst v63  }
0x6f: {  	_ = 	snop  }
0x70: {  	[spmem:s1] =	stream.indirect.scatter.add.f32 [tilespmem:s13], [sflag:$0x3], $0x30, s23, s5, $0xb8;
	[tilespmem:$0x11200] =	vst v63  }
0x71: {  	_ =	swait.ge [sflag:s14], $0x7800  }
0x72: {  	[sflag:s14] =	ssyncset.done $0x0  }
0x73: {  	s0 =	simm.s32 $0x780;
	[sflag:s14] =	ssyncadd.s32 $0xFFFF8800  }
0x74: {  	[spmem:s1] =	stream.indirect.scatter.add.f32 [tilespmem:s7], [sflag:$0x4], $0x30, s0, s5, $0xb8;
	[tilespmem:$0x11200] =	vst v63  }
0x75: {  	_ = 	snop  }
0x76: {  	[spmem:s1] =	stream.indirect.scatter.add.f32 [tilespmem:s15], [sflag:$0x4], $0x30, s20, s5, $0xb8;
	[tilespmem:$0x11200] =	vst v63  }
0x77: {  	_ = 	snop  }
0x78: {  	[spmem:s1] =	stream.indirect.scatter.add.f32 [tilespmem:s16], [sflag:$0x4], $0x30, s24, s5, $0xb8;
	[tilespmem:$0x11200] =	vst v63  }
0x79: {  	_ = 	snop  }
0x7a: {  	[spmem:s1] =	stream.indirect.scatter.add.f32 [tilespmem:s17], [sflag:$0x4], $0x30, s25, s5, $0xb8;
	[tilespmem:$0x11200] =	vst v63  }
0x7b: {  	_ = 	snop  }
0x7c: {  	[spmem:s1] =	stream.indirect.scatter.add.f32 [tilespmem:s18], [sflag:$0x4], $0x30, s26, s5, $0xb8;
	[tilespmem:$0x11200] =	vst v63  }
0x7d: {  	_ =	swait.ge [sflag:s4], $0x1800  }
0x7e: {  	[sflag:s4] =	ssyncset.done $0x0  }
0x7f: {  	[sflag:s4] =	ssyncadd.s32 $0xFFFFE800  }
0x80: {  	_ =	swait.ge [sflag:s4], $0x1800  }
0x81: {  	[sflag:s4] =	ssyncset.done $0x0  }
0x82: {  	[sflag:s4] =	ssyncadd.s32 $0xFFFFE800  }
0x83: {  	_ =	swait.ge [sflag:s4], $0x1800  }
0x84: {  	[sflag:s4] =	ssyncset.done $0x0  }
0x85: {  	[sflag:s4] =	ssyncadd.s32 $0xFFFFE800  }
0x86: {  	_ =	swait.ge [sflag:s4], $0x1800  }
0x87: {  	[sflag:s4] =	ssyncset.done $0x0  }
0x88: {  	[sflag:s4] =	ssyncadd.s32 $0xFFFFE800  }
0x89: {  	_ =	swait.ge [sflag:s4], $0x1800  }
0x8a: {  	[sflag:s4] =	ssyncset.done $0x0  }
0x8b: {  	[sflag:s4] =	ssyncadd.s32 $0xFFFFE800  }
0x8c: {  	_ =	swait.ge [sflag:s6], $0x1800  }
0x8d: {  	[sflag:s6] =	ssyncset.done $0x0  }
0x8e: {  	[sflag:s6] =	ssyncadd.s32 $0xFFFFE800  }
0x8f: {  	_ =	swait.ge [sflag:s6], $0x1800  }
0x90: {  	[sflag:s6] =	ssyncset.done $0x0  }
0x91: {  	[sflag:s6] =	ssyncadd.s32 $0xFFFFE800  }
0x92: {  	_ =	swait.ge [sflag:s6], $0x1800  }
0x93: {  	[sflag:s6] =	ssyncset.done $0x0  }
0x94: {  	[sflag:s6] =	ssyncadd.s32 $0xFFFFE800  }
0x95: {  	_ =	swait.ge [sflag:s6], $0x1800  }
0x96: {  	[sflag:s6] =	ssyncset.done $0x0  }
0x97: {  	[sflag:s6] =	ssyncadd.s32 $0xFFFFE800  }
0x98: {  	_ =	swait.ge [sflag:s6], $0x1800  }
0x99: {  	s31 =	sadd.s32 $0xFFFFFFFF, s19;
	[sflag:s6] =	ssyncset.done $0x0  }
0x9a: {  	p2 =	sne.s32 s31, $0x0;
	[sflag:s6] =	ssyncadd.s32 $0xFFFFE800  }
.Ltmp1:
0x9b: {  	[bflag:$0x0] =	sbarrier.arrive $0xFFFF;
	(pc) =	sbr.rel @!p2 .LBB2_3-.Ltmp1, $4  }
0x9c: {  	s0 =	rddreg [dreg:$0x9]  }
0x9d: {  	[hbm:s0], [sflag:s30] =	dma.local @!p0 [spmem:s2], $0x3000  }
0x9e: {  	_ =	swait.ge @!p0 [sflag:s29], $0x3000  }
0x9f: {  	p1 =	por $0x1, $0x1;
	s0 =	rddreg [dreg:$0x3];
	[sflag:s29] =	ssyncset.done @!p0 $0x0  }
.LBB2_4:
0xa0: {  	[sflag:s29] =	ssyncadd.s32 @!p0 $0xFFFFD000  }
0xa1: {  	[spmem:s2], [sflag:s30] =	dma.local @!p0 [hbm:s0], $0x3000  }
0xa2: {  	_ =	swait.ge @!p0 [sflag:s29], $0x3000  }
0xa3: {  	[sflag:s29] =	ssyncset.done @!p0 $0x0  }
0xa4: {  	[sflag:s29] =	ssyncadd.s32 @!p0 $0xFFFFD000  }
0xa5: {  	[bflag:$0x0] =	sbarrier.arrive $0xFFFF  }
0xa6: {  	s19 =	rddreg [dreg:$0x4]  }
0xa7: {  	[tilespmem:s3], [sflag:$0x5] =	stream.linear.gather [hbm4b:s19+s3], $0xA00, $0x38;
	[tilespmem:$0x11200] =	vst v63  }
0xa8: {  	_ =	swait.ge [sflag:s28], $0xA00  }
0xa9: {  	[sflag:s28] =	ssyncset.done $0x0  }
0xaa: {  	s0 =	rddreg [dreg:$0x5];
	[sflag:s28] =	ssyncadd.s32 $0xFFFFF600  }
0xab: {  	[tilespmem:s8], [sflag:$0x1] =	stream.linear.gather [hbm4b:s0+s3], $0x7800, $0x38;
	[tilespmem:$0x11200] =	vst v63  }
0xac: {  	s19 =	rddreg [dreg:$0x6]  }
0xad: {  	[tilespmem:s7], [sflag:$0x2] =	stream.linear.gather [hbm4b:s19+s3], $0x7800, $0x38;
	[tilespmem:$0x11200] =	vst v63  }
0xae: {  	_ =	swait.ge [sflag:s9], $0x7800  }
0xaf: {  	[sflag:s9] =	ssyncset.done $0x0  }
0xb0: {  	[sflag:s9] =	ssyncadd.s32 $0xFFFF8800  }
0xb1: {  	[spmem:s1] =	stream.indirect.scatter.add.f32 [tilespmem:s8], [sflag:$0x3], $0x30, s3, s5, $0xb8;
	[tilespmem:$0x11200] =	vst v63  }
0xb2: {  	_ = 	snop  }
0xb3: {  	[spmem:s1] =	stream.indirect.scatter.add.f32 [tilespmem:s10], [sflag:$0x3], $0x30, s5, s5, $0xb8;
	[tilespmem:$0x11200] =	vst v63  }
0xb4: {  	s0 =	rddreg [dreg:$0xa]  }
0xb5: {  	[spmem:s1] =	stream.indirect.scatter.add.f32 [tilespmem:s11], [sflag:$0x3], $0x30, s0, s5, $0xb8;
	[tilespmem:$0x11200] =	vst v63  }
0xb6: {  	s19 =	rddreg [dreg:$0xb]  }
0xb7: {  	[spmem:s1] =	stream.indirect.scatter.add.f32 [tilespmem:s12], [sflag:$0x3], $0x30, s19, s5, $0xb8;
	[tilespmem:$0x11200] =	vst v63  }
0xb8: {  	s0 =	rddreg [dreg:$0xc]  }
0xb9: {  	[spmem:s1] =	stream.indirect.scatter.add.f32 [tilespmem:s13], [sflag:$0x3], $0x30, s0, s5, $0xb8;
	[tilespmem:$0x11200] =	vst v63  }
0xba: {  	_ =	swait.ge [sflag:s4], $0x1800  }
0xbb: {  	[sflag:s4] =	ssyncset.done $0x0  }
0xbc: {  	[sflag:s4] =	ssyncadd.s32 $0xFFFFE800  }
0xbd: {  	_ =	swait.ge [sflag:s4], $0x1800  }
0xbe: {  	[sflag:s4] =	ssyncset.done $0x0  }
0xbf: {  	[sflag:s4] =	ssyncadd.s32 $0xFFFFE800  }
0xc0: {  	_ =	swait.ge [sflag:s4], $0x1800  }
0xc1: {  	[sflag:s4] =	ssyncset.done $0x0  }
0xc2: {  	[sflag:s4] =	ssyncadd.s32 $0xFFFFE800  }
0xc3: {  	_ =	swait.ge [sflag:s4], $0x1800  }
0xc4: {  	[sflag:s4] =	ssyncset.done $0x0  }
0xc5: {  	[sflag:s4] =	ssyncadd.s32 $0xFFFFE800  }
0xc6: {  	_ =	swait.ge [sflag:s4], $0x1800  }
0xc7: {  	[sflag:s4] =	ssyncset.done $0x0  }
0xc8: {  	s19 =	rddreg [dreg:$0x7];
	[sflag:s4] =	ssyncadd.s32 $0xFFFFE800  }
0xc9: {  	[tilespmem:s8], [sflag:$0x1] =	stream.linear.gather [hbm4b:s19+s3], $0x7800, $0x38;
	[tilespmem:$0x11200] =	vst v63  }
0xca: {  	_ =	swait.ge [sflag:s14], $0x7800  }
0xcb: {  	[sflag:s14] =	ssyncset.done $0x0  }
0xcc: {  	s0 =	rddreg [dreg:$0xd];
	[sflag:s14] =	ssyncadd.s32 $0xFFFF8800  }
0xcd: {  	[spmem:s1] =	stream.indirect.scatter.add.f32 [tilespmem:s7], [sflag:$0x4], $0x30, s0, s5, $0xb8;
	[tilespmem:$0x11200] =	vst v63  }
0xce: {  	s19 =	rddreg [dreg:$0xe]  }
0xcf: {  	[spmem:s1] =	stream.indirect.scatter.add.f32 [tilespmem:s15], [sflag:$0x4], $0x30, s19, s5, $0xb8;
	[tilespmem:$0x11200] =	vst v63  }
0xd0: {  	s0 =	rddreg [dreg:$0xf]  }
0xd1: {  	[spmem:s1] =	stream.indirect.scatter.add.f32 [tilespmem:s16], [sflag:$0x4], $0x30, s0, s5, $0xb8;
	[tilespmem:$0x11200] =	vst v63  }
0xd2: {  	s19 =	rddreg [dreg:$0x10]  }
0xd3: {  	[spmem:s1] =	stream.indirect.scatter.add.f32 [tilespmem:s17], [sflag:$0x4], $0x30, s19, s5, $0xb8;
	[tilespmem:$0x11200] =	vst v63  }
0xd4: {  	s0 =	rddreg [dreg:$0x11]  }
0xd5: {  	[spmem:s1] =	stream.indirect.scatter.add.f32 [tilespmem:s18], [sflag:$0x4], $0x30, s0, s5, $0xb8;
	[tilespmem:$0x11200] =	vst v63  }
0xd6: {  	_ =	swait.ge [sflag:s6], $0x1800  }
0xd7: {  	[sflag:s6] =	ssyncset.done $0x0  }
0xd8: {  	[sflag:s6] =	ssyncadd.s32 $0xFFFFE800  }
0xd9: {  	_ =	swait.ge [sflag:s6], $0x1800  }
0xda: {  	[sflag:s6] =	ssyncset.done $0x0  }
0xdb: {  	[sflag:s6] =	ssyncadd.s32 $0xFFFFE800  }
0xdc: {  	_ =	swait.ge [sflag:s6], $0x1800  }
0xdd: {  	[sflag:s6] =	ssyncset.done $0x0  }
0xde: {  	[sflag:s6] =	ssyncadd.s32 $0xFFFFE800  }
0xdf: {  	_ =	swait.ge [sflag:s6], $0x1800  }
0xe0: {  	[sflag:s6] =	ssyncset.done $0x0  }
0xe1: {  	[sflag:s6] =	ssyncadd.s32 $0xFFFFE800  }
0xe2: {  	_ =	swait.ge [sflag:s6], $0x1800  }
0xe3: {  	[sflag:s6] =	ssyncset.done $0x0  }
0xe4: {  	s19 =	rddreg [dreg:$0x8];
	[sflag:s6] =	ssyncadd.s32 $0xFFFFE800  }
0xe5: {  	[tilespmem:s7], [sflag:$0x2] =	stream.linear.gather [hbm4b:s19+s3], $0x7800, $0x38;
	[tilespmem:$0x11200] =	vst v63  }
0xe6: {  	_ =	swait.ge [sflag:s9], $0x7800  }
0xe7: {  	[sflag:s9] =	ssyncset.done $0x0  }
0xe8: {  	s0 =	rddreg [dreg:$0x12];
	[sflag:s9] =	ssyncadd.s32 $0xFFFF8800  }
0xe9: {  	[spmem:s1] =	stream.indirect.scatter.add.f32 [tilespmem:s8], [sflag:$0x3], $0x30, s0, s5, $0xb8;
	[tilespmem:$0x11200] =	vst v63  }
0xea: {  	s19 =	rddreg [dreg:$0x13]  }
0xeb: {  	[spmem:s1] =	stream.indirect.scatter.add.f32 [tilespmem:s10], [sflag:$0x3], $0x30, s19, s5, $0xb8;
	[tilespmem:$0x11200] =	vst v63  }
0xec: {  	_ = 	snop  }
0xed: {  	[spmem:s1] =	stream.indirect.scatter.add.f32 [tilespmem:s11], [sflag:$0x3], $0x30, s21, s5, $0xb8;
	[tilespmem:$0x11200] =	vst v63  }
0xee: {  	_ = 	snop  }
0xef: {  	[spmem:s1] =	stream.indirect.scatter.add.f32 [tilespmem:s12], [sflag:$0x3], $0x30, s22, s5, $0xb8;
	[tilespmem:$0x11200] =	vst v63  }
0xf0: {  	_ = 	snop  }
0xf1: {  	[spmem:s1] =	stream.indirect.scatter.add.f32 [tilespmem:s13], [sflag:$0x3], $0x30, s23, s5, $0xb8;
	[tilespmem:$0x11200] =	vst v63  }
0xf2: {  	_ =	swait.ge [sflag:s14], $0x7800  }
0xf3: {  	[sflag:s14] =	ssyncset.done $0x0  }
0xf4: {  	s19 =	simm.s32 $0x780;
	[sflag:s14] =	ssyncadd.s32 $0xFFFF8800  }
0xf5: {  	[spmem:s1] =	stream.indirect.scatter.add.f32 [tilespmem:s7], [sflag:$0x4], $0x30, s19, s5, $0xb8;
	[tilespmem:$0x11200] =	vst v63  }
0xf6: {  	_ = 	snop  }
0xf7: {  	[spmem:s1] =	stream.indirect.scatter.add.f32 [tilespmem:s15], [sflag:$0x4], $0x30, s20, s5, $0xb8;
	[tilespmem:$0x11200] =	vst v63  }
0xf8: {  	_ = 	snop  }
0xf9: {  	[spmem:s1] =	stream.indirect.scatter.add.f32 [tilespmem:s16], [sflag:$0x4], $0x30, s24, s5, $0xb8;
	[tilespmem:$0x11200] =	vst v63  }
0xfa: {  	_ = 	snop  }
0xfb: {  	[spmem:s1] =	stream.indirect.scatter.add.f32 [tilespmem:s17], [sflag:$0x4], $0x30, s25, s5, $0xb8;
	[tilespmem:$0x11200] =	vst v63  }
0xfc: {  	_ = 	snop  }
0xfd: {  	[spmem:s1] =	stream.indirect.scatter.add.f32 [tilespmem:s18], [sflag:$0x4], $0x30, s26, s5, $0xb8;
	[tilespmem:$0x11200] =	vst v63  }
0xfe: {  	_ =	swait.ge [sflag:s4], $0x1800  }
0xff: {  	[sflag:s4] =	ssyncset.done $0x0  }
0x100: {  	[sflag:s4] =	ssyncadd.s32 $0xFFFFE800  }
0x101: {  	_ =	swait.ge [sflag:s4], $0x1800  }
0x102: {  	[sflag:s4] =	ssyncset.done $0x0  }
0x103: {  	[sflag:s4] =	ssyncadd.s32 $0xFFFFE800  }
0x104: {  	_ =	swait.ge [sflag:s4], $0x1800  }
0x105: {  	[sflag:s4] =	ssyncset.done $0x0  }
0x106: {  	[sflag:s4] =	ssyncadd.s32 $0xFFFFE800  }
0x107: {  	_ =	swait.ge [sflag:s4], $0x1800  }
0x108: {  	[sflag:s4] =	ssyncset.done $0x0  }
0x109: {  	[sflag:s4] =	ssyncadd.s32 $0xFFFFE800  }
0x10a: {  	_ =	swait.ge [sflag:s4], $0x1800  }
0x10b: {  	[sflag:s4] =	ssyncset.done $0x0  }
0x10c: {  	[sflag:s4] =	ssyncadd.s32 $0xFFFFE800  }
0x10d: {  	_ =	swait.ge [sflag:s6], $0x1800  }
0x10e: {  	[sflag:s6] =	ssyncset.done $0x0  }
0x10f: {  	[sflag:s6] =	ssyncadd.s32 $0xFFFFE800  }
0x110: {  	_ =	swait.ge [sflag:s6], $0x1800  }
0x111: {  	[sflag:s6] =	ssyncset.done $0x0  }
0x112: {  	[sflag:s6] =	ssyncadd.s32 $0xFFFFE800  }
0x113: {  	_ =	swait.ge [sflag:s6], $0x1800  }
0x114: {  	[sflag:s6] =	ssyncset.done $0x0  }
0x115: {  	[sflag:s6] =	ssyncadd.s32 $0xFFFFE800  }
0x116: {  	_ =	swait.ge [sflag:s6], $0x1800  }
0x117: {  	[sflag:s6] =	ssyncset.done $0x0  }
0x118: {  	[sflag:s6] =	ssyncadd.s32 $0xFFFFE800  }
0x119: {  	_ =	swait.ge [sflag:s6], $0x1800  }
0x11a: {  	s31 =	sadd.s32 $0xFFFFFFFF, s31;
	[sflag:s6] =	ssyncset.done $0x0  }
0x11b: {  	p2 =	sne.s32 s31, $0x0;
	[sflag:s6] =	ssyncadd.s32 $0xFFFFE800  }
.Ltmp2:
0x11c: {  	[bflag:$0x0] =	sbarrier.arrive $0xFFFF;
	(pc) =	sbr.rel @p2 .LBB2_4-.Ltmp2, $4  }
0x11d: {  	s0 =	rddreg [dreg:$0x9]  }
0x11e: {  	[hbm:s0], [sflag:s30] =	dma.local @!p0 [spmem:s2], $0x3000  }
0x11f: {  	_ =	swait.ge @!p0 [sflag:s29], $0x3000  }
0x120: {  	s0 =	rddreg [dreg:$0x3];
	[sflag:s29] =	ssyncset.done @!p0 $0x0  }
0x121: {  	s30 =	simm.s32 $0x780;
	s31 =	rddreg [dreg:$0x2]  }
.LBB2_6:
0x122: {  	p1 =	por p0, !p1  }
0x123: {  	s19 =	simm.s32 @!p0 $0x1C05;
	[sflag:s29] =	ssyncadd.s32 @!p1 $0xFFFFD000;
	s29 =	simm.s32 @!p0 $0x5  }
0x124: {  	[spmem:s2], [sflag:s19] =	dma.local @!p0 [hbm:s0], $0x3000  }
0x125: {  	_ =	swait.ge @!p0 [sflag:s29], $0x3000  }
0x126: {  	[sflag:s29] =	ssyncset.done @!p0 $0x0  }
0x127: {  	[sflag:s29] =	ssyncadd.s32 @!p0 $0xFFFFD000  }
0x128: {  	[bflag:$0x0] =	sbarrier.arrive $0xFFFF  }
0x129: {  	s19 =	rddreg [dreg:$0x4]  }
0x12a: {  	[tilespmem:s3], [sflag:$0x5] =	stream.linear.gather [hbm4b:s19+s3], $0xA00, $0x38;
	[tilespmem:$0x11200] =	vst v63  }
0x12b: {  	_ =	swait.ge [sflag:s28], $0xA00  }
0x12c: {  	[sflag:s28] =	ssyncset.done $0x0  }
0x12d: {  	s19 =	rddreg [dreg:$0x5];
	[sflag:s28] =	ssyncadd.s32 $0xFFFFF600  }
0x12e: {  	[tilespmem:s8], [sflag:$0x1] =	stream.linear.gather [hbm4b:s19+s3], $0x7800, $0x38;
	[tilespmem:$0x11200] =	vst v63  }
0x12f: {  	s28 =	rddreg [dreg:$0x6]  }
0x130: {  	[tilespmem:s7], [sflag:$0x2] =	stream.linear.gather [hbm4b:s28+s3], $0x7800, $0x38;
	[tilespmem:$0x11200] =	vst v63  }
0x131: {  	_ =	swait.ge [sflag:s9], $0x7800  }
0x132: {  	[sflag:s9] =	ssyncset.done $0x0  }
0x133: {  	[sflag:s9] =	ssyncadd.s32 $0xFFFF8800  }
0x134: {  	[spmem:s1] =	stream.indirect.scatter.add.f32 [tilespmem:s8], [sflag:$0x3], $0x30, s3, s5, $0xb8;
	[tilespmem:$0x11200] =	vst v63  }
0x135: {  	_ = 	snop  }
0x136: {  	[spmem:s1] =	stream.indirect.scatter.add.f32 [tilespmem:s10], [sflag:$0x3], $0x30, s5, s5, $0xb8;
	[tilespmem:$0x11200] =	vst v63  }
0x137: {  	s28 =	rddreg [dreg:$0xa]  }
0x138: {  	[spmem:s1] =	stream.indirect.scatter.add.f32 [tilespmem:s11], [sflag:$0x3], $0x30, s28, s5, $0xb8;
	[tilespmem:$0x11200] =	vst v63  }
0x139: {  	s19 =	rddreg [dreg:$0xb]  }
0x13a: {  	[spmem:s1] =	stream.indirect.scatter.add.f32 [tilespmem:s12], [sflag:$0x3], $0x30, s19, s5, $0xb8;
	[tilespmem:$0x11200] =	vst v63  }
0x13b: {  	s28 =	rddreg [dreg:$0xc]  }
0x13c: {  	[spmem:s1] =	stream.indirect.scatter.add.f32 [tilespmem:s13], [sflag:$0x3], $0x30, s28, s5, $0xb8;
	[tilespmem:$0x11200] =	vst v63  }
0x13d: {  	_ =	swait.ge [sflag:s4], $0x1800  }
0x13e: {  	[sflag:s4] =	ssyncset.done $0x0  }
0x13f: {  	[sflag:s4] =	ssyncadd.s32 $0xFFFFE800  }
0x140: {  	_ =	swait.ge [sflag:s4], $0x1800  }
0x141: {  	[sflag:s4] =	ssyncset.done $0x0  }
0x142: {  	[sflag:s4] =	ssyncadd.s32 $0xFFFFE800  }
0x143: {  	_ =	swait.ge [sflag:s4], $0x1800  }
0x144: {  	[sflag:s4] =	ssyncset.done $0x0  }
0x145: {  	[sflag:s4] =	ssyncadd.s32 $0xFFFFE800  }
0x146: {  	_ =	swait.ge [sflag:s4], $0x1800  }
0x147: {  	[sflag:s4] =	ssyncset.done $0x0  }
0x148: {  	[sflag:s4] =	ssyncadd.s32 $0xFFFFE800  }
0x149: {  	_ =	swait.ge [sflag:s4], $0x1800  }
0x14a: {  	[sflag:s4] =	ssyncset.done $0x0  }
0x14b: {  	s19 =	rddreg [dreg:$0x7];
	[sflag:s4] =	ssyncadd.s32 $0xFFFFE800  }
0x14c: {  	[tilespmem:s8], [sflag:$0x1] =	stream.linear.gather [hbm4b:s19+s3], $0x7800, $0x38;
	[tilespmem:$0x11200] =	vst v63  }
0x14d: {  	_ =	swait.ge [sflag:s14], $0x7800  }
0x14e: {  	[sflag:s14] =	ssyncset.done $0x0  }
0x14f: {  	s28 =	rddreg [dreg:$0xd];
	[sflag:s14] =	ssyncadd.s32 $0xFFFF8800  }
0x150: {  	[spmem:s1] =	stream.indirect.scatter.add.f32 [tilespmem:s7], [sflag:$0x4], $0x30, s28, s5, $0xb8;
	[tilespmem:$0x11200] =	vst v63  }
0x151: {  	s19 =	rddreg [dreg:$0xe]  }
0x152: {  	[spmem:s1] =	stream.indirect.scatter.add.f32 [tilespmem:s15], [sflag:$0x4], $0x30, s19, s5, $0xb8;
	[tilespmem:$0x11200] =	vst v63  }
0x153: {  	s28 =	rddreg [dreg:$0xf]  }
0x154: {  	[spmem:s1] =	stream.indirect.scatter.add.f32 [tilespmem:s16], [sflag:$0x4], $0x30, s28, s5, $0xb8;
	[tilespmem:$0x11200] =	vst v63  }
0x155: {  	s19 =	rddreg [dreg:$0x10]  }
0x156: {  	[spmem:s1] =	stream.indirect.scatter.add.f32 [tilespmem:s17], [sflag:$0x4], $0x30, s19, s5, $0xb8;
	[tilespmem:$0x11200] =	vst v63  }
0x157: {  	s28 =	rddreg [dreg:$0x11]  }
0x158: {  	[spmem:s1] =	stream.indirect.scatter.add.f32 [tilespmem:s18], [sflag:$0x4], $0x30, s28, s5, $0xb8;
	[tilespmem:$0x11200] =	vst v63  }
0x159: {  	_ =	swait.ge [sflag:s6], $0x1800  }
0x15a: {  	[sflag:s6] =	ssyncset.done $0x0  }
0x15b: {  	[sflag:s6] =	ssyncadd.s32 $0xFFFFE800  }
0x15c: {  	_ =	swait.ge [sflag:s6], $0x1800  }
0x15d: {  	[sflag:s6] =	ssyncset.done $0x0  }
0x15e: {  	[sflag:s6] =	ssyncadd.s32 $0xFFFFE800  }
0x15f: {  	_ =	swait.ge [sflag:s6], $0x1800  }
0x160: {  	[sflag:s6] =	ssyncset.done $0x0  }
0x161: {  	[sflag:s6] =	ssyncadd.s32 $0xFFFFE800  }
0x162: {  	_ =	swait.ge [sflag:s6], $0x1800  }
0x163: {  	[sflag:s6] =	ssyncset.done $0x0  }
0x164: {  	[sflag:s6] =	ssyncadd.s32 $0xFFFFE800  }
0x165: {  	_ =	swait.ge [sflag:s6], $0x1800  }
0x166: {  	[sflag:s6] =	ssyncset.done $0x0  }
0x167: {  	s28 =	rddreg [dreg:$0x8];
	[sflag:s6] =	ssyncadd.s32 $0xFFFFE800  }
0x168: {  	[tilespmem:s7], [sflag:$0x2] =	stream.linear.gather [hbm4b:s28+s3], $0x7800, $0x38;
	[tilespmem:$0x11200] =	vst v63  }
0x169: {  	_ =	swait.ge [sflag:s9], $0x7800  }
0x16a: {  	[sflag:s9] =	ssyncset.done $0x0  }
0x16b: {  	s19 =	rddreg [dreg:$0x12];
	[sflag:s9] =	ssyncadd.s32 $0xFFFF8800  }
0x16c: {  	[spmem:s1] =	stream.indirect.scatter.add.f32 [tilespmem:s8], [sflag:$0x3], $0x30, s19, s5, $0xb8;
	[tilespmem:$0x11200] =	vst v63  }
0x16d: {  	s28 =	rddreg [dreg:$0x13]  }
0x16e: {  	[spmem:s1] =	stream.indirect.scatter.add.f32 [tilespmem:s10], [sflag:$0x3], $0x30, s28, s5, $0xb8;
	[tilespmem:$0x11200] =	vst v63  }
0x16f: {  	_ = 	snop  }
0x170: {  	[spmem:s1] =	stream.indirect.scatter.add.f32 [tilespmem:s11], [sflag:$0x3], $0x30, s21, s5, $0xb8;
	[tilespmem:$0x11200] =	vst v63  }
0x171: {  	_ = 	snop  }
0x172: {  	[spmem:s1] =	stream.indirect.scatter.add.f32 [tilespmem:s12], [sflag:$0x3], $0x30, s22, s5, $0xb8;
	[tilespmem:$0x11200] =	vst v63  }
0x173: {  	_ = 	snop  }
0x174: {  	[spmem:s1] =	stream.indirect.scatter.add.f32 [tilespmem:s13], [sflag:$0x3], $0x30, s23, s5, $0xb8;
	[tilespmem:$0x11200] =	vst v63  }
0x175: {  	_ =	swait.ge [sflag:s14], $0x7800  }
0x176: {  	[sflag:s14] =	ssyncset.done $0x0  }
0x177: {  	[sflag:s14] =	ssyncadd.s32 $0xFFFF8800  }
0x178: {  	[spmem:s1] =	stream.indirect.scatter.add.f32 [tilespmem:s7], [sflag:$0x4], $0x30, s30, s5, $0xb8;
	[tilespmem:$0x11200] =	vst v63  }
0x179: {  	_ = 	snop  }
0x17a: {  	[spmem:s1] =	stream.indirect.scatter.add.f32 [tilespmem:s15], [sflag:$0x4], $0x30, s20, s5, $0xb8;
	[tilespmem:$0x11200] =	vst v63  }
0x17b: {  	_ = 	snop  }
0x17c: {  	[spmem:s1] =	stream.indirect.scatter.add.f32 [tilespmem:s16], [sflag:$0x4], $0x30, s24, s5, $0xb8;
	[tilespmem:$0x11200] =	vst v63  }
0x17d: {  	_ = 	snop  }
0x17e: {  	[spmem:s1] =	stream.indirect.scatter.add.f32 [tilespmem:s17], [sflag:$0x4], $0x30, s25, s5, $0xb8;
	[tilespmem:$0x11200] =	vst v63  }
0x17f: {  	_ = 	snop  }
0x180: {  	[spmem:s1] =	stream.indirect.scatter.add.f32 [tilespmem:s18], [sflag:$0x4], $0x30, s26, s5, $0xb8;
	[tilespmem:$0x11200] =	vst v63  }
0x181: {  	_ =	swait.ge [sflag:s4], $0x1800  }
0x182: {  	[sflag:s4] =	ssyncset.done $0x0  }
0x183: {  	[sflag:s4] =	ssyncadd.s32 $0xFFFFE800  }
0x184: {  	_ =	swait.ge [sflag:s4], $0x1800  }
0x185: {  	[sflag:s4] =	ssyncset.done $0x0  }
0x186: {  	[sflag:s4] =	ssyncadd.s32 $0xFFFFE800  }
0x187: {  	_ =	swait.ge [sflag:s4], $0x1800  }
0x188: {  	[sflag:s4] =	ssyncset.done $0x0  }
0x189: {  	[sflag:s4] =	ssyncadd.s32 $0xFFFFE800  }
0x18a: {  	_ =	swait.ge [sflag:s4], $0x1800  }
0x18b: {  	[sflag:s4] =	ssyncset.done $0x0  }
0x18c: {  	[sflag:s4] =	ssyncadd.s32 $0xFFFFE800  }
0x18d: {  	_ =	swait.ge [sflag:s4], $0x1800  }
0x18e: {  	[sflag:s4] =	ssyncset.done $0x0  }
0x18f: {  	[sflag:s4] =	ssyncadd.s32 $0xFFFFE800  }
0x190: {  	_ =	swait.ge [sflag:s6], $0x1800  }
0x191: {  	[sflag:s6] =	ssyncset.done $0x0  }
0x192: {  	[sflag:s6] =	ssyncadd.s32 $0xFFFFE800  }
0x193: {  	_ =	swait.ge [sflag:s6], $0x1800  }
0x194: {  	[sflag:s6] =	ssyncset.done $0x0  }
0x195: {  	[sflag:s6] =	ssyncadd.s32 $0xFFFFE800  }
0x196: {  	_ =	swait.ge [sflag:s6], $0x1800  }
0x197: {  	[sflag:s6] =	ssyncset.done $0x0  }
0x198: {  	[sflag:s6] =	ssyncadd.s32 $0xFFFFE800  }
0x199: {  	_ =	swait.ge [sflag:s6], $0x1800  }
0x19a: {  	[sflag:s6] =	ssyncset.done $0x0  }
0x19b: {  	[sflag:s6] =	ssyncadd.s32 $0xFFFFE800  }
0x19c: {  	_ =	swait.ge [sflag:s6], $0x1800  }
0x19d: {  	[sflag:s6] =	ssyncset.done $0x0  }
0x19e: {  	[sflag:s6] =	ssyncadd.s32 $0xFFFFE800  }
0x19f: {  	[bflag:$0x0] =	sbarrier.arrive $0xFFFF  }
0x1a0: {  	s1 =	simm.s32 @!p0 $0x1C05;
	s0 =	rddreg [dreg:$0x9]  }
0x1a1: {  	[hbm:s0], [sflag:s1] =	dma.local @!p0 [spmem:s2], $0x3000  }
0x1a2: {  	_ =	swait.ge @!p0 [sflag:s29], $0x3000  }
0x1a3: {  	[sflag:s29] =	ssyncset.done @!p0 $0x0  }
0x1a4: {  	[sflag:s29] =	ssyncadd.s32 @!p0 $0xFFFFD000  }
0x1a5: {  	_ =	sfence.sel $0x180000  }
0x1a6: {  	[bflag:$0x0] =	sbarrier.arrive $0xFFFF  }
0x1a7: {  	_ =	strace $0x90000050  }
0x1a8: {  	s0 =	sadd.s32 @!p0 $0x100000, s31;
	[bflag:$0x2] =	sbarrier.arrive $0xFFFF  }
0x1a9: {  	[sflag:s0] =	ssyncadd.tile.s32 @!p0 $0x1;
	_ =	shalt  }
.LBB2_1:
.Ltmp3:
0x1aa: {  	(pc) =	sbr.rel .LBB2_6-.Ltmp3, $2  }
0x1ab: {  	_ =	sdelay $0x2  }
0x1ac: {  	s30 =	simm.s32 $0x780  }
.LBB2_3:
.Ltmp4:
0x1ad: {  	(pc) =	sbr.rel .LBB2_6-.Ltmp4, $2  }
0x1ae: {  	_ =	sdelay $0x2  }
0x1af: {  	s30 =	simm.s32 $0x780;
	s31 =	rddreg [dreg:$0x2]  }
.Lfunc_end2:
_tile_overlayer_lowered:
.L_overlay_start_2:
0x1b0: {  	(tag) =	ssettag $0x2  }
0x1b1: {  	s0 =	rddreg [dreg:$0x0];
	s2 =	stileid.u32  }
0x1b2: {  	s1 =	rddreg [dreg:$0x1];
	p0 =	sne.s32 s2, $0x0  }
0x1b3: {  	s3 =	rddreg [dreg:$0x2];
	[bflag:$0x3] =	sbarrier.arrive $0xFFFF;
	s2 =	simm.s32 @!p0 $0x1C05  }
0x1b4: {  	[timem:s3], [sflag:s2] =	dma.local @!p0 [hbm:s0], s1  }
0x1b5: {  	s0 =	simm.s32 @!p0 $0x5  }
0x1b6: {  	_ =	swait.ge @!p0 [sflag:s0], s1  }
0x1b7: {  	s1 =	ssub.s32 @!p0 $0x0, s1;
	[sflag:s0] =	ssyncset.done @!p0 $0x0  }
0x1b8: {  	[sflag:s0] =	ssyncadd.s32 @!p0 s1  }
0x1b9: {  	[bflag:$0x3] =	sbarrier.arrive $0xFFFF  }
0x1ba: {  	_ =	shalt  }

// kernel: kernel.20.cloned.1.call-start
scs
__scs_entry_jumppad:
0x0: {  	(pc) =	sbr.rel $0x88, $3  }
0x1: {  	(tag) =	ssettag $0x0;
	lr =	simm.s32 $0x1  }
0x2: {  	[smem:$0x3F7F] =	sst lr;
	_ =	strace $0xD0000000  }
0x3: {  	_ = 	snop  }
0x4: {  	_ = 	snop  }
0x5: {  	_ = 	snop  }
0x6: {  	_ = 	snop  }
0x7: {  	_ = 	snop  }
__scs_overlays_trampoline_lowered:
0x8: {  	[smem:$0x3F8E] =	sst s0  }
0x9: {  	[smem:$0x3F8F] =	sst s1  }
0xa: {  	[smem:$0x3F90] =	sst s2  }
0xb: {  	[smem:$0x3F91] =	sst s3  }
0xc: {  	[smem:$0x3F92] =	sst s4  }
0xd: {  	[smem:$0x3F93] =	sst s5  }
0xe: {  	[smem:$0x3F94] =	sst s6  }
0xf: {  	[smem:$0x3F95] =	sst s7  }
0x10: {  	[smem:$0x3F96] =	sst s8  }
0x11: {  	[smem:$0x3F97] =	sst s9;
	s0 =	simm.s32 @!p0 $0x0  }
0x12: {  	s1 =	sld [smem:$0x3F7D];
	s0 =	simm.s32 @p0 $0x1  }
0x13: {  	[smem:$0x3F98] =	sst s0;
	s0 =	simm.s32 @!p1 $0x0  }
0x14: {  	s2 =	sld [smem:$0x3F7C];
	s0 =	simm.s32 @p1 $0x1  }
0x15: {  	[smem:$0x3F99] =	sst s0;
	s0 =	simm.s32 @!p2 $0x0  }
0x16: {  	s3 =	sld [smem:$0x3FDB];
	s0 =	simm.s32 @p2 $0x1  }
0x17: {  	s4 =	simm.s32 $0x1BF5;
	[smem:$0x3F9B] =	sst s0  }
0x18: {  	s0 =	sld [smem:$0x3F7E];
	_ =	swait.ge [sflag:s4], $0x0  }
0x19: {  	s7 =	sld [smem:$0x3F7F]  }
0x1a: {  	s8 =	sadd.s32 $0xFFFFE003, lr  }
0x1b: {  	s9 =	sadd.s32 $0xFFFFFEF7, lr;
	s5 =	simm.s32 $0xFFFFFFFF;
	p2 =	slt.u32 s8, $0xFFFFF086  }
0x1c: {  	p1 =	slt.u32 s9, $0xF7A;
	s5 =	simm.s32 @!p2 $0x0  }
0x1d: {  	s5 =	simm.s32 @p1 $0x1;
	p0 =	seq.s32 s7, s2  }
0x1e: {  	s7 =	smul.u32 @!p0 $0xF7A, s2;
	p2 =	seq.s32 @!p0 s5, $0x0  }
0x1f: {  	s9 =	smul.u32 $0xF7A, s1;
	s8 =	simm.s32 @!p0 $0x1BF5;
	p2 =	por !p2, p0  }
0x20: {  	[sflag:s8] =	ssyncset.s32 @!p0 $0xFFFFF086;
	s6 =	sadd.s32 @!p0 s3, s7;
	s7 =	simm.s32 @!p0 $0x108  }
0x21: {  	s3 =	sadd.s32 s3, s9;
	s6 =	sadd.s32 @!p0 $0x88, s6;
	s7 =	simm.s32 @p2 $0x1082  }
0x22: {  	[simem:s7], [sflag:s8] =	dma.local @!p0 [hbm:s6], $0xF7A  }
0x23: {  	s9 =	sor.u32 $0xD0000000, s2;
	s6 =	simm.s32 $0x108;
	_ =	swait.ge @!p0 [sflag:s8], $0x0  }
0x24: {  	s3 =	sadd.s32 $0x88, s3;
	s6 =	simm.s32 @!p1 $0x1082;
	[sflag:s4] =	ssyncset.s32 $0xFFFFF086  }
0x25: {  	[simem:s6], [sflag:s4] =	dma.local [hbm:s3], $0xF7A  }
0x26: {  	[smem:$0x3F7F] =	sst s1;
	(tag) =	ssettag s2;
	_ =	strace s9  }
0x27: {  	s1 =	sld [smem:$0x3F8F]  }
0x28: {  	s2 =	sld [smem:$0x3F90]  }
0x29: {  	s4 =	sld [smem:$0x3F92]  }
0x2a: {  	p0 =	seq.s32 s5, $0x0;
	s5 =	sld [smem:$0x3F93]  }
0x2b: {  	s6 =	sld [smem:$0x3F94]  }
0x2c: {  	s7 =	sld [smem:$0x3F95]  }
0x2d: {  	s3 =	simm.s32 $0x108;
	s8 =	sld [smem:$0x3F96]  }
0x2e: {  	s3 =	simm.s32 @!p0 $0x1082;
	s9 =	sld [smem:$0x3F97]  }
0x2f: {  	lr =	sadd.s32 s0, s3;
	s0 =	sld [smem:$0x3F8E]  }
0x30: {  	s3 =	sld [smem:$0x3F91]  }
0x31: {  	[smem:$0x3F9A] =	sst s10  }
0x32: {  	s10 =	sld [smem:$0x3F98];
	_ =	sdelay $0x3  }
0x33: {  	p0 =	seq.s32 s10, $0x1;
	s10 =	sld [smem:$0x3F9A];
	_ =	sdelay $0x3  }
0x34: {  	[smem:$0x3F9A] =	sst s10  }
0x35: {  	s10 =	sld [smem:$0x3F99];
	_ =	sdelay $0x3  }
0x36: {  	p1 =	seq.s32 s10, $0x1;
	s10 =	sld [smem:$0x3F9A];
	_ =	sdelay $0x3  }
0x37: {  	[smem:$0x3F9A] =	sst s10  }
0x38: {  	s10 =	sld [smem:$0x3F9B]  }
0x39: {  	_ = 	snop;
	(pc) =	sbr.ind lr, $3  }
0x3a: {  	_ = 	snop  }
0x3b: {  	_ = 	snop  }
0x3c: {  	p2 =	seq.s32 s10, $0x1;
	s10 =	sld [smem:$0x3F9A]  }
0x3d: {  	_ =	shalt  }
0x3e: {  	_ =	shalt  }
0x3f: {  	_ =	shalt  }
0x40: {  	_ =	shalt  }
0x41: {  	_ =	shalt  }
0x42: {  	_ =	shalt  }
0x43: {  	_ =	shalt  }
0x44: {  	_ =	shalt  }
0x45: {  	_ =	shalt  }
0x46: {  	_ =	shalt  }
0x47: {  	_ =	shalt  }
0x48: {  	_ =	shalt  }
0x49: {  	_ =	shalt  }
0x4a: {  	_ =	shalt  }
0x4b: {  	_ =	shalt  }
0x4c: {  	_ =	shalt  }
0x4d: {  	_ =	shalt  }
0x4e: {  	_ =	shalt  }
0x4f: {  	_ =	shalt  }
0x50: {  	_ =	shalt  }
0x51: {  	_ =	shalt  }
0x52: {  	_ =	shalt  }
0x53: {  	_ =	shalt  }
0x54: {  	_ =	shalt  }
0x55: {  	_ =	shalt  }
0x56: {  	_ =	shalt  }
0x57: {  	_ =	shalt  }
0x58: {  	_ =	shalt  }
0x59: {  	_ =	shalt  }
0x5a: {  	_ =	shalt  }
0x5b: {  	_ =	shalt  }
0x5c: {  	_ =	shalt  }
0x5d: {  	_ =	shalt  }
0x5e: {  	_ =	shalt  }
0x5f: {  	_ =	shalt  }
0x60: {  	_ =	shalt  }
0x61: {  	_ =	shalt  }
0x62: {  	_ =	shalt  }
0x63: {  	_ =	shalt  }
0x64: {  	_ =	shalt  }
0x65: {  	_ =	shalt  }
0x66: {  	_ =	shalt  }
0x67: {  	_ =	shalt  }
0x68: {  	_ =	shalt  }
0x69: {  	_ =	shalt  }
0x6a: {  	_ =	shalt  }
0x6b: {  	_ =	shalt  }
0x6c: {  	_ =	shalt  }
0x6d: {  	_ =	shalt  }
0x6e: {  	_ =	shalt  }
0x6f: {  	_ =	shalt  }
0x70: {  	_ =	shalt  }
0x71: {  	_ =	shalt  }
0x72: {  	_ =	shalt  }
0x73: {  	_ =	shalt  }
0x74: {  	_ =	shalt  }
0x75: {  	_ =	shalt  }
0x76: {  	_ =	shalt  }
0x77: {  	_ =	shalt  }
0x78: {  	_ =	shalt  }
0x79: {  	_ =	shalt  }
0x7a: {  	_ =	shalt  }
0x7b: {  	_ =	shalt  }
0x7c: {  	_ =	shalt  }
0x7d: {  	_ =	shalt  }
0x7e: {  	_ =	shalt  }
0x7f: {  	_ =	shalt  }
0x80: {  	_ =	shalt  }
0x81: {  	_ =	shalt  }
0x82: {  	_ =	shalt  }
0x83: {  	_ =	shalt  }
0x84: {  	_ =	shalt  }
0x85: {  	_ =	shalt  }
0x86: {  	_ =	shalt  }
0x87: {  	_ =	shalt  }
.Lfunc_end0:
.L_simem_size_0:
called_computation.3_lowered:
.L_overlay_start_0:
0x88: {  	s2 =	sld [smem:$0x3FD9]  }
0x89: {  	s3 =	sld [smem:$0x3FFE];
	_ =	sdelay $0x1  }
0x8a: {  	s1 =	srdreg.scid  }
0x8b: {  	s0 =	sand.u32 $0x1, s1  }
0x8c: {  	s17 =	sshll.u32 s0, $0xA;
	s2 =	sadd.s32 s3, s2  }
0x8d: {  	s2 =	sadd.s32 s2, s17  }
0x8e: {  	[smem:$0x3FA6] =	sst s2  }
0x8f: {  	_ = 	snop  }
0x90: {  	(tm) =	ssettm $0x1  }
0x91: {  	s18 =	sld [smem:$0x3FFB];
	_ =	sdelay $0x3  }
0x92: {  	_ =	strace s18  }
0x93: {  	s2 =	sld [smem:$0x3FFC];
	_ =	sdelay $0x3  }
0x94: {  	_ =	strace s2  }
0x95: {  	s2 =	sld [smem:$0x3FFD];
	_ =	sdelay $0x3  }
0x96: {  	_ =	strace s2  }
0x97: {  	_ =	strace $0x8FFFFFFF  }
0x98: {  	s19 =	sld [smem:$0x3FDB];
	_ =	sdelay $0x1  }
0x99: {  	s20 =	simm.s32 $_scs_section_size  }
0x9a: {  	s4 =	simm.s32 $_size__tile_overlayer_lowered;
	s5 =	simm.s32 $_tile_overlayer_lowered  }
0x9b: {  	s6 =	simm.s32 $0x1BFF;
	s21 =	sshll.u32 s5, $0x1;
	s3 =	sadd.s32 s20, s19  }
0x9c: {  	s22 =	simm.s32 $0x0;
	s4 =	sshll.u32 s4, $0x1;
	s5 =	sadd.s32 s21, s3  }
0x9d: {  	[timem:s22], [sflag:s6] =	dma.local [hbm:s5], s4  }
0x9e: {  	_ =	swait.ge [sflag:s6], s4  }
0x9f: {  	s4 =	ssub.s32 $0x0, s4;
	[sflag:s6] =	ssyncset.done $0x0  }
0xa0: {  	[sflag:s6] =	ssyncadd.s32 s4;
	_ =	sdelay $0x1  }
0xa1: {  	s23 =	simm.s32 $0x1B8B  }
0xa2: {  	_ =	swait.ge [sflag:s23], $0x1  }
0xa3: {  	[sflag:s23] =	ssyncset.done $0x0  }
0xa4: {  	[sflag:s23] =	ssyncadd.s32 $0xFFFFFFFF  }
0xa5: {  	s4 =	sld [smem:$0x0]  }
0xa6: {  	s5 =	sand.u32 $0xFFFFFFFE, s1  }
0xa7: {  	p0 =	sne.s32 s1, s5  }
0xa8: {  	s5 =	sshll.u32 @p0 s5, $0xE  }
0xa9: {  	s5 =	sadd.s32 @p0 $0x11B8D, s5;
	s6 =	sshll.u32 @p0 s4, $0x11  }
0xaa: {  	s5 =	sor.u32 @p0 s6, s5  }
0xab: {  	[sflag:s5] =	ssyncadd.remote.s32 @p0 $0x1;
	_ =	sdelay $0x1  }
0xac: {  	s5 =	simm.s32 @p0 $0x1B8D  }
0xad: {  	_ =	swait.eq @p0 [sflag:s5], $0x1  }
0xae: {  	[sflag:s5] =	ssyncadd.s32 @p0 $0xFFFFFFFF  }
0xaf: {  	s6 =	sshll.u32 @!p0 s1, $0xE  }
0xb0: {  	s6 =	sor.u32 @!p0 $0x4000, s6;
	s5 =	simm.s32 @!p0 $0x1B8D  }
0xb1: {  	s4 =	sshll.u32 @!p0 s4, $0x11;
	s6 =	sadd.s32 @!p0 $0x11B8D, s6;
	_ =	swait.eq @!p0 [sflag:s5], $0x1  }
0xb2: {  	s4 =	sor.u32 @!p0 s4, s6;
	[sflag:s5] =	ssyncadd.s32 @!p0 $0xFFFFFFFF  }
0xb3: {  	s25 =	simm.s32 $0x1B8E;
	s24 =	sld [smem:$0x3FFE];
	[sflag:s4] =	ssyncadd.remote.s32 @!p0 $0x1  }
0xb4: {  	s26 =	simm.s32 $execute0_lowered;
	[smem:$0x3FD2] =	sst s25  }
0xb5: {  	s5 =	sshll.u32 s26, $0x1;
	_ =	strace $0x8000004C;
	[dreg:$0x1] =	wrdreg $0xFFFFFFFF  }
0xb6: {  	s28 =	simm.s32 $_size_execute0_lowered;
	s3 =	sadd.s32 s3, s5;
	[dreg:$0x0] =	wrdreg $0x0  }
0xb7: {  	s5 =	sshll.u32 s28, $0x1;
	[dreg:$0x2] =	wrdreg s3  }
0xb8: {  	[dreg:$0x3] =	wrdreg s5  }
0xb9: {  	[dreg:$0x4] =	wrdreg $0xC0  }
0xba: {  	_ =	task [dreg:s22], $0x5FFFF  }
0xbb: {  	[dreg:$0x1] =	wrdreg $0xFFFFFFFF  }
0xbc: {  	[dreg:$0x0] =	wrdreg $0x60  }
0xbd: {  	[dreg:$0x2] =	wrdreg s24  }
0xbe: {  	[dreg:$0x3] =	wrdreg $0xFA000  }
0xbf: {  	[dreg:$0x4] =	wrdreg $0xA  }
0xc0: {  	_ =	task.clear_ibuf [dreg:s22], $0x5FFFF;
	_ =	strace $0x9000004C  }
0xc1: {  	s29 =	simm.s32 $0xA;
	_ =	strace $0x8000004E  }
0xc2: {  	_ =	swait.ge [sflag:s29], $0x1  }
0xc3: {  	[sflag:s29] =	ssyncadd.s32 $0xFFFFFFFF  }
0xc4: {  	_ =	strace $0x9000004E  }
0xc5: {  	_ =	sfence  }
0xc6: {  	s30 =	sld [smem:$0x0];
	_ =	sdelay $0x2  }
0xc7: {  	s31 =	sshll.u32 s1, $0xD;
	s1 =	sshrl.u32 s1, $0x2  }
0xc8: {  	s4 =	sand.u32 $0x4000, s31;
	s1 =	sadd.s32 s1, s30  }
0xc9: {  	s0 =	sor.u32 s4, s0;
	s1 =	sshll.u32 s1, $0x11  }
0xca: {  	s0 =	sor.u32 s1, s0  }
0xcb: {  	s0 =	sadd.s32 $0x8F2B, s0  }
0xcc: {  	[sflag:s0] =	ssyncadd.remote.s32 $0x1  }
0xcd: {  	_ =	sfence.sel $0xFFFF  }
0xce: {  	[dreg:$0x0] =	wrdreg $0xFFFFFFFF;
	(pc) =	sbr.abs _section_cstart, $3  }
0xcf: {  	[dreg:$0x1] =	wrdreg $0xFFFFFFFF  }
0xd0: {  	_ =	task.clear_ibuf [dreg:s22], $0x2FFFF;
	_ =	strace $0x9FFFFFFF  }
0xd1: {  	(tm) =	ssettm $0x7FFFFFFF  }
tec
execute0_lowered:
.L_overlay_start_1:
0x0: {  	(tag) =	ssettag $0x1  }
0x1: {  	s0 =	rddreg [dreg:$0x0];
	s2 =	srdreg.scid  }
0x2: {  	s4 =	stileid.u32;
	s1 =	rddreg [dreg:$0x1]  }
0x3: {  	s31 =	rddreg [dreg:$0x2];
	s3 =	simm.s32 $0x0;
	s28 =	simm.s32 $0x5  }
0x4: {  	s20 =	simm.s32 $0x100;
	s21 =	simm.s32 $0x180;
	s11 =	simm.s32 $0x3A00  }
0x5: {  	s22 =	simm.s32 $0x200;
	[smem:$0x7FF] =	sst s3;
	s9 =	sadd.s32 $0x1A000, s0  }
0x6: {  	s12 =	simm.s32 $0x5200;
	_ =	strace $0x8000004D;
	[dreg:$0x3] =	wrdreg s9  }
0x7: {  	s23 =	simm.s32 $0x280;
	s13 =	simm.s32 $0x6A00;
	[dreg:$0xa] =	wrdreg s20  }
0x8: {  	s24 =	simm.s32 $0x300;
	s25 =	simm.s32 $0x380;
	[dreg:$0xb] =	wrdreg s21  }
0x9: {  	s26 =	simm.s32 $0x400;
	s29 =	simm.s32 $0x480;
	[dreg:$0xc] =	wrdreg s22  }
0xa: {  	s30 =	simm.s32 $0x500;
	p1 =	por $0x0, $0x0;
	[dreg:$0xd] =	wrdreg s23  }
0xb: {  	s2 =	sand.u32 $0x1, s2;
	s5 =	sshll.u32 s4, $0x1;
	[dreg:$0xe] =	wrdreg s24  }
0xc: {  	s8 =	sadd.s32 $0x332800, s0;
	p0 =	sne.s32 s4, $0x0;
	[dreg:$0xf] =	wrdreg s25  }
0xd: {  	s4 =	simm.s32 $0x3;
	s5 =	sor.u32 s2, s5;
	[dreg:$0x10] =	wrdreg s26  }
0xe: {  	s7 =	smul.u32 $0x3000, s2;
	s2 =	ssub.s32 $0x2, s2;
	[dreg:$0x11] =	wrdreg s29  }
0xf: {  	s9 =	simm.s32 $0x1;
	[dreg:$0x12] =	wrdreg s30;
	s21 =	simm.s32 $0x600  }
0x10: {  	s22 =	simm.s32 $0x680;
	s23 =	simm.s32 $0x700;
	s20 =	simm.s32 $0x800  }
0x11: {  	s24 =	simm.s32 $0x880;
	s25 =	simm.s32 $0x900;
	s6 =	smul.u32 $0x140, s5  }
0x12: {  	s26 =	simm.s32 $0x980;
	s10 =	smul.u32 $0x1E000, s5;
	s17 =	sshrl.u32 s2, $0x1  }
0x13: {  	s5 =	smul.u32 $0x3C00, s5;
	s2 =	ssub.s32 s2, s17;
	s17 =	simm.s32 $0xCA00  }
0x14: {  	s6 =	sadd.s32 s6, s0;
	s0 =	sadd.s32 s7, s0;
	s14 =	sshrl.u32 s10, $0x3  }
0x15: {  	s5 =	sadd.s32 s8, s5;
	s15 =	sadd.s32 s8, s14;
	s0 =	sadd.s32 $0x1D000, s0  }
0x16: {  	s7 =	simm.s32 $0x8200;
	s19 =	sadd.s32 $0x2D00, s15;
	[dreg:$0x9] =	wrdreg s0  }
0x17: {  	s0 =	smax.u32 s2, $0x1;
	[dreg:$0x8] =	wrdreg s19;
	s19 =	simm.s32 $0x580  }
0x18: {  	s10 =	simm.s32 $0x2200;
	[dreg:$0x13] =	wrdreg s19;
	s19 =	sadd.s32 $0xFFFFFFFF, s0  }
0x19: {  	s6 =	sadd.s32 $0x330000, s6;
	[dreg:$0x5] =	wrdreg s5;
	p2 =	sne.s32 s19, $0x0  }
.Ltmp0:
0x1a: {  	s8 =	simm.s32 $0xA00;
	s5 =	simm.s32 $0x80;
	(pc) =	sbr.rel @!p2 .LBB2_1-.Ltmp0, $4  }
0x1b: {  	s14 =	simm.s32 $0x2;
	[dreg:$0x4] =	wrdreg s6;
	s16 =	sadd.s32 $0xF00, s15  }
0x1c: {  	s18 =	sadd.s32 $0x1E00, s15;
	s2 =	sshrl.u32 @!p0 s1, $0x3;
	[dreg:$0x6] =	wrdreg s16  }
0x1d: {  	s15 =	simm.s32 $0x9A00;
	s6 =	simm.s32 $0x4;
	[dreg:$0x7] =	wrdreg s18  }
0x1e: {  	s16 =	simm.s32 $0xB200;
	s18 =	simm.s32 $0xE200;
	s0 =	rddreg [dreg:$0x3]  }
0x1f: {  	s30 =	simm.s32 @!p0 $0x1C05;
	s29 =	simm.s32 @!p0 $0x5  }
0x20: {  	[spmem:s2], [sflag:s30] =	dma.local @!p0 [hbm:s0], $0x3000  }
0x21: {  	_ =	swait.ge @!p0 [sflag:s29], $0x3000  }
0x22: {  	[sflag:s29] =	ssyncset.done @!p0 $0x0  }
0x23: {  	[sflag:s29] =	ssyncadd.s32 @!p0 $0xFFFFD000  }
0x24: {  	[bflag:$0x0] =	sbarrier.arrive $0xFFFF  }
0x25: {  	s0 =	rddreg [dreg:$0x4]  }
0x26: {  	[tilespmem:s3], [sflag:$0x5] =	stream.linear.gather [hbm4b:s0+s3], $0xA00, $0x38;
	[tilespmem:$0x11200] =	vst v63  }
0x27: {  	_ =	swait.ge [sflag:s28], $0xA00  }
0x28: {  	[sflag:s28] =	ssyncset.done $0x0  }
0x29: {  	s0 =	rddreg [dreg:$0x5];
	[sflag:s28] =	ssyncadd.s32 $0xFFFFF600  }
0x2a: {  	[tilespmem:s8], [sflag:$0x1] =	stream.linear.gather [hbm4b:s0+s3], $0x7800, $0x38;
	[tilespmem:$0x11200] =	vst v63  }
0x2b: {  	s31 =	rddreg [dreg:$0x6]  }
0x2c: {  	[tilespmem:s7], [sflag:$0x2] =	stream.linear.gather [hbm4b:s31+s3], $0x7800, $0x38;
	[tilespmem:$0x11200] =	vst v63  }
0x2d: {  	_ =	swait.ge [sflag:s9], $0x7800  }
0x2e: {  	[sflag:s9] =	ssyncset.done $0x0  }
0x2f: {  	[sflag:s9] =	ssyncadd.s32 $0xFFFF8800  }
0x30: {  	[spmem:s1] =	stream.indirect.scatter.add.f32 [tilespmem:s8], [sflag:$0x3], $0x30, s3, s5, $0xb8;
	[tilespmem:$0x11200] =	vst v63  }
0x31: {  	_ = 	snop  }
0x32: {  	[spmem:s1] =	stream.indirect.scatter.add.f32 [tilespmem:s10], [sflag:$0x3], $0x30, s5, s5, $0xb8;
	[tilespmem:$0x11200] =	vst v63  }
0x33: {  	s0 =	rddreg [dreg:$0xa]  }
0x34: {  	[spmem:s1] =	stream.indirect.scatter.add.f32 [tilespmem:s11], [sflag:$0x3], $0x30, s0, s5, $0xb8;
	[tilespmem:$0x11200] =	vst v63  }
0x35: {  	s31 =	rddreg [dreg:$0xb]  }
0x36: {  	[spmem:s1] =	stream.indirect.scatter.add.f32 [tilespmem:s12], [sflag:$0x3], $0x30, s31, s5, $0xb8;
	[tilespmem:$0x11200] =	vst v63  }
0x37: {  	s0 =	rddreg [dreg:$0xc]  }
0x38: {  	[spmem:s1] =	stream.indirect.scatter.add.f32 [tilespmem:s13], [sflag:$0x3], $0x30, s0, s5, $0xb8;
	[tilespmem:$0x11200] =	vst v63  }
0x39: {  	_ =	swait.ge [sflag:s4], $0x1800  }
0x3a: {  	[sflag:s4] =	ssyncset.done $0x0  }
0x3b: {  	[sflag:s4] =	ssyncadd.s32 $0xFFFFE800  }
0x3c: {  	_ =	swait.ge [sflag:s4], $0x1800  }
0x3d: {  	[sflag:s4] =	ssyncset.done $0x0  }
0x3e: {  	[sflag:s4] =	ssyncadd.s32 $0xFFFFE800  }
0x3f: {  	_ =	swait.ge [sflag:s4], $0x1800  }
0x40: {  	[sflag:s4] =	ssyncset.done $0x0  }
0x41: {  	[sflag:s4] =	ssyncadd.s32 $0xFFFFE800  }
0x42: {  	_ =	swait.ge [sflag:s4], $0x1800  }
0x43: {  	[sflag:s4] =	ssyncset.done $0x0  }
0x44: {  	[sflag:s4] =	ssyncadd.s32 $0xFFFFE800  }
0x45: {  	_ =	swait.ge [sflag:s4], $0x1800  }
0x46: {  	[sflag:s4] =	ssyncset.done $0x0  }
0x47: {  	s0 =	rddreg [dreg:$0x7];
	[sflag:s4] =	ssyncadd.s32 $0xFFFFE800  }
0x48: {  	[tilespmem:s8], [sflag:$0x1] =	stream.linear.gather [hbm4b:s0+s3], $0x7800, $0x38;
	[tilespmem:$0x11200] =	vst v63  }
0x49: {  	_ =	swait.ge [sflag:s14], $0x7800  }
0x4a: {  	[sflag:s14] =	ssyncset.done $0x0  }
0x4b: {  	s0 =	rddreg [dreg:$0xd];
	[sflag:s14] =	ssyncadd.s32 $0xFFFF8800  }
0x4c: {  	[spmem:s1] =	stream.indirect.scatter.add.f32 [tilespmem:s7], [sflag:$0x4], $0x30, s0, s5, $0xb8;
	[tilespmem:$0x11200] =	vst v63  }
0x4d: {  	s31 =	rddreg [dreg:$0xe]  }
0x4e: {  	[spmem:s1] =	stream.indirect.scatter.add.f32 [tilespmem:s15], [sflag:$0x4], $0x30, s31, s5, $0xb8;
	[tilespmem:$0x11200] =	vst v63  }
0x4f: {  	s0 =	rddreg [dreg:$0xf]  }
0x50: {  	[spmem:s1] =	stream.indirect.scatter.add.f32 [tilespmem:s16], [sflag:$0x4], $0x30, s0, s5, $0xb8;
	[tilespmem:$0x11200] =	vst v63  }
0x51: {  	s31 =	rddreg [dreg:$0x10]  }
0x52: {  	[spmem:s1] =	stream.indirect.scatter.add.f32 [tilespmem:s17], [sflag:$0x4], $0x30, s31, s5, $0xb8;
	[tilespmem:$0x11200] =	vst v63  }
0x53: {  	s0 =	rddreg [dreg:$0x11]  }
0x54: {  	[spmem:s1] =	stream.indirect.scatter.add.f32 [tilespmem:s18], [sflag:$0x4], $0x30, s0, s5, $0xb8;
	[tilespmem:$0x11200] =	vst v63  }
0x55: {  	_ =	swait.ge [sflag:s6], $0x1800  }
0x56: {  	[sflag:s6] =	ssyncset.done $0x0  }
0x57: {  	[sflag:s6] =	ssyncadd.s32 $0xFFFFE800  }
0x58: {  	_ =	swait.ge [sflag:s6], $0x1800  }
0x59: {  	[sflag:s6] =	ssyncset.done $0x0  }
0x5a: {  	[sflag:s6] =	ssyncadd.s32 $0xFFFFE800  }
0x5b: {  	_ =	swait.ge [sflag:s6], $0x1800  }
0x5c: {  	[sflag:s6] =	ssyncset.done $0x0  }
0x5d: {  	[sflag:s6] =	ssyncadd.s32 $0xFFFFE800  }
0x5e: {  	_ =	swait.ge [sflag:s6], $0x1800  }
0x5f: {  	[sflag:s6] =	ssyncset.done $0x0  }
0x60: {  	[sflag:s6] =	ssyncadd.s32 $0xFFFFE800  }
0x61: {  	_ =	swait.ge [sflag:s6], $0x1800  }
0x62: {  	[sflag:s6] =	ssyncset.done $0x0  }
0x63: {  	s0 =	rddreg [dreg:$0x8];
	[sflag:s6] =	ssyncadd.s32 $0xFFFFE800  }
0x64: {  	[tilespmem:s7], [sflag:$0x2] =	stream.linear.gather [hbm4b:s0+s3], $0x7800, $0x38;
	[tilespmem:$0x11200] =	vst v63  }
0x65: {  	_ =	swait.ge [sflag:s9], $0x7800  }
0x66: {  	[sflag:s9] =	ssyncset.done $0x0  }
0x67: {  	s0 =	rddreg [dreg:$0x12];
	[sflag:s9] =	ssyncadd.s32 $0xFFFF8800  }
0x68: {  	[spmem:s1] =	stream.indirect.scatter.add.f32 [tilespmem:s8], [sflag:$0x3], $0x30, s0, s5, $0xb8;
	[tilespmem:$0x11200] =	vst v63  }
0x69: {  	s31 =	rddreg [dreg:$0x13]  }
0x6a: {  	[spmem:s1] =	stream.indirect.scatter.add.f32 [tilespmem:s10], [sflag:$0x3], $0x30, s31, s5, $0xb8;
	[tilespmem:$0x11200] =	vst v63  }
0x6b: {  	_ = 	snop  }
0x6c: {  	[spmem:s1] =	stream.indirect.scatter.add.f32 [tilespmem:s11], [sflag:$0x3], $0x30, s21, s5, $0xb8;
	[tilespmem:$0x11200] =	vst v63  }
0x6d: {  	_ = 	snop  }
0x6e: {  	[spmem:s1] =	stream.indirect.scatter.add.f32 [tilespmem:s12], [sflag:$0x3], $0x30, s22, s5, $0xb8;
	[tilespmem:$0x11200] =	vst v63  }
0x6f: {  	_ = 	snop  }
0x70: {  	[spmem:s1] =	stream.indirect.scatter.add.f32 [tilespmem:s13], [sflag:$0x3], $0x30, s23, s5, $0xb8;
	[tilespmem:$0x11200] =	vst v63  }
0x71: {  	_ =	swait.ge [sflag:s14], $0x7800  }
0x72: {  	[sflag:s14] =	ssyncset.done $0x0  }
0x73: {  	s0 =	simm.s32 $0x780;
	[sflag:s14] =	ssyncadd.s32 $0xFFFF8800  }
0x74: {  	[spmem:s1] =	stream.indirect.scatter.add.f32 [tilespmem:s7], [sflag:$0x4], $0x30, s0, s5, $0xb8;
	[tilespmem:$0x11200] =	vst v63  }
0x75: {  	_ = 	snop  }
0x76: {  	[spmem:s1] =	stream.indirect.scatter.add.f32 [tilespmem:s15], [sflag:$0x4], $0x30, s20, s5, $0xb8;
	[tilespmem:$0x11200] =	vst v63  }
0x77: {  	_ = 	snop  }
0x78: {  	[spmem:s1] =	stream.indirect.scatter.add.f32 [tilespmem:s16], [sflag:$0x4], $0x30, s24, s5, $0xb8;
	[tilespmem:$0x11200] =	vst v63  }
0x79: {  	_ = 	snop  }
0x7a: {  	[spmem:s1] =	stream.indirect.scatter.add.f32 [tilespmem:s17], [sflag:$0x4], $0x30, s25, s5, $0xb8;
	[tilespmem:$0x11200] =	vst v63  }
0x7b: {  	_ = 	snop  }
0x7c: {  	[spmem:s1] =	stream.indirect.scatter.add.f32 [tilespmem:s18], [sflag:$0x4], $0x30, s26, s5, $0xb8;
	[tilespmem:$0x11200] =	vst v63  }
0x7d: {  	_ =	swait.ge [sflag:s4], $0x1800  }
0x7e: {  	[sflag:s4] =	ssyncset.done $0x0  }
0x7f: {  	[sflag:s4] =	ssyncadd.s32 $0xFFFFE800  }
0x80: {  	_ =	swait.ge [sflag:s4], $0x1800  }
0x81: {  	[sflag:s4] =	ssyncset.done $0x0  }
0x82: {  	[sflag:s4] =	ssyncadd.s32 $0xFFFFE800  }
0x83: {  	_ =	swait.ge [sflag:s4], $0x1800  }
0x84: {  	[sflag:s4] =	ssyncset.done $0x0  }
0x85: {  	[sflag:s4] =	ssyncadd.s32 $0xFFFFE800  }
0x86: {  	_ =	swait.ge [sflag:s4], $0x1800  }
0x87: {  	[sflag:s4] =	ssyncset.done $0x0  }
0x88: {  	[sflag:s4] =	ssyncadd.s32 $0xFFFFE800  }
0x89: {  	_ =	swait.ge [sflag:s4], $0x1800  }
0x8a: {  	[sflag:s4] =	ssyncset.done $0x0  }
0x8b: {  	[sflag:s4] =	ssyncadd.s32 $0xFFFFE800  }
0x8c: {  	_ =	swait.ge [sflag:s6], $0x1800  }
0x8d: {  	[sflag:s6] =	ssyncset.done $0x0  }
0x8e: {  	[sflag:s6] =	ssyncadd.s32 $0xFFFFE800  }
0x8f: {  	_ =	swait.ge [sflag:s6], $0x1800  }
0x90: {  	[sflag:s6] =	ssyncset.done $0x0  }
0x91: {  	[sflag:s6] =	ssyncadd.s32 $0xFFFFE800  }
0x92: {  	_ =	swait.ge [sflag:s6], $0x1800  }
0x93: {  	[sflag:s6] =	ssyncset.done $0x0  }
0x94: {  	[sflag:s6] =	ssyncadd.s32 $0xFFFFE800  }
0x95: {  	_ =	swait.ge [sflag:s6], $0x1800  }
0x96: {  	[sflag:s6] =	ssyncset.done $0x0  }
0x97: {  	[sflag:s6] =	ssyncadd.s32 $0xFFFFE800  }
0x98: {  	_ =	swait.ge [sflag:s6], $0x1800  }
0x99: {  	s31 =	sadd.s32 $0xFFFFFFFF, s19;
	[sflag:s6] =	ssyncset.done $0x0  }
0x9a: {  	p2 =	sne.s32 s31, $0x0;
	[sflag:s6] =	ssyncadd.s32 $0xFFFFE800  }
.Ltmp1:
0x9b: {  	[bflag:$0x0] =	sbarrier.arrive $0xFFFF;
	(pc) =	sbr.rel @!p2 .LBB2_3-.Ltmp1, $4  }
0x9c: {  	s0 =	rddreg [dreg:$0x9]  }
0x9d: {  	[hbm:s0], [sflag:s30] =	dma.local @!p0 [spmem:s2], $0x3000  }
0x9e: {  	_ =	swait.ge @!p0 [sflag:s29], $0x3000  }
0x9f: {  	p1 =	por $0x1, $0x1;
	s0 =	rddreg [dreg:$0x3];
	[sflag:s29] =	ssyncset.done @!p0 $0x0  }
.LBB2_4:
0xa0: {  	[sflag:s29] =	ssyncadd.s32 @!p0 $0xFFFFD000  }
0xa1: {  	[spmem:s2], [sflag:s30] =	dma.local @!p0 [hbm:s0], $0x3000  }
0xa2: {  	_ =	swait.ge @!p0 [sflag:s29], $0x3000  }
0xa3: {  	[sflag:s29] =	ssyncset.done @!p0 $0x0  }
0xa4: {  	[sflag:s29] =	ssyncadd.s32 @!p0 $0xFFFFD000  }
0xa5: {  	[bflag:$0x0] =	sbarrier.arrive $0xFFFF  }
0xa6: {  	s19 =	rddreg [dreg:$0x4]  }
0xa7: {  	[tilespmem:s3], [sflag:$0x5] =	stream.linear.gather [hbm4b:s19+s3], $0xA00, $0x38;
	[tilespmem:$0x11200] =	vst v63  }
0xa8: {  	_ =	swait.ge [sflag:s28], $0xA00  }
0xa9: {  	[sflag:s28] =	ssyncset.done $0x0  }
0xaa: {  	s0 =	rddreg [dreg:$0x5];
	[sflag:s28] =	ssyncadd.s32 $0xFFFFF600  }
0xab: {  	[tilespmem:s8], [sflag:$0x1] =	stream.linear.gather [hbm4b:s0+s3], $0x7800, $0x38;
	[tilespmem:$0x11200] =	vst v63  }
0xac: {  	s19 =	rddreg [dreg:$0x6]  }
0xad: {  	[tilespmem:s7], [sflag:$0x2] =	stream.linear.gather [hbm4b:s19+s3], $0x7800, $0x38;
	[tilespmem:$0x11200] =	vst v63  }
0xae: {  	_ =	swait.ge [sflag:s9], $0x7800  }
0xaf: {  	[sflag:s9] =	ssyncset.done $0x0  }
0xb0: {  	[sflag:s9] =	ssyncadd.s32 $0xFFFF8800  }
0xb1: {  	[spmem:s1] =	stream.indirect.scatter.add.f32 [tilespmem:s8], [sflag:$0x3], $0x30, s3, s5, $0xb8;
	[tilespmem:$0x11200] =	vst v63  }
0xb2: {  	_ = 	snop  }
0xb3: {  	[spmem:s1] =	stream.indirect.scatter.add.f32 [tilespmem:s10], [sflag:$0x3], $0x30, s5, s5, $0xb8;
	[tilespmem:$0x11200] =	vst v63  }
0xb4: {  	s0 =	rddreg [dreg:$0xa]  }
0xb5: {  	[spmem:s1] =	stream.indirect.scatter.add.f32 [tilespmem:s11], [sflag:$0x3], $0x30, s0, s5, $0xb8;
	[tilespmem:$0x11200] =	vst v63  }
0xb6: {  	s19 =	rddreg [dreg:$0xb]  }
0xb7: {  	[spmem:s1] =	stream.indirect.scatter.add.f32 [tilespmem:s12], [sflag:$0x3], $0x30, s19, s5, $0xb8;
	[tilespmem:$0x11200] =	vst v63  }
0xb8: {  	s0 =	rddreg [dreg:$0xc]  }
0xb9: {  	[spmem:s1] =	stream.indirect.scatter.add.f32 [tilespmem:s13], [sflag:$0x3], $0x30, s0, s5, $0xb8;
	[tilespmem:$0x11200] =	vst v63  }
0xba: {  	_ =	swait.ge [sflag:s4], $0x1800  }
0xbb: {  	[sflag:s4] =	ssyncset.done $0x0  }
0xbc: {  	[sflag:s4] =	ssyncadd.s32 $0xFFFFE800  }
0xbd: {  	_ =	swait.ge [sflag:s4], $0x1800  }
0xbe: {  	[sflag:s4] =	ssyncset.done $0x0  }
0xbf: {  	[sflag:s4] =	ssyncadd.s32 $0xFFFFE800  }
0xc0: {  	_ =	swait.ge [sflag:s4], $0x1800  }
0xc1: {  	[sflag:s4] =	ssyncset.done $0x0  }
0xc2: {  	[sflag:s4] =	ssyncadd.s32 $0xFFFFE800  }
0xc3: {  	_ =	swait.ge [sflag:s4], $0x1800  }
0xc4: {  	[sflag:s4] =	ssyncset.done $0x0  }
0xc5: {  	[sflag:s4] =	ssyncadd.s32 $0xFFFFE800  }
0xc6: {  	_ =	swait.ge [sflag:s4], $0x1800  }
0xc7: {  	[sflag:s4] =	ssyncset.done $0x0  }
0xc8: {  	s19 =	rddreg [dreg:$0x7];
	[sflag:s4] =	ssyncadd.s32 $0xFFFFE800  }
0xc9: {  	[tilespmem:s8], [sflag:$0x1] =	stream.linear.gather [hbm4b:s19+s3], $0x7800, $0x38;
	[tilespmem:$0x11200] =	vst v63  }
0xca: {  	_ =	swait.ge [sflag:s14], $0x7800  }
0xcb: {  	[sflag:s14] =	ssyncset.done $0x0  }
0xcc: {  	s0 =	rddreg [dreg:$0xd];
	[sflag:s14] =	ssyncadd.s32 $0xFFFF8800  }
0xcd: {  	[spmem:s1] =	stream.indirect.scatter.add.f32 [tilespmem:s7], [sflag:$0x4], $0x30, s0, s5, $0xb8;
	[tilespmem:$0x11200] =	vst v63  }
0xce: {  	s19 =	rddreg [dreg:$0xe]  }
0xcf: {  	[spmem:s1] =	stream.indirect.scatter.add.f32 [tilespmem:s15], [sflag:$0x4], $0x30, s19, s5, $0xb8;
	[tilespmem:$0x11200] =	vst v63  }
0xd0: {  	s0 =	rddreg [dreg:$0xf]  }
0xd1: {  	[spmem:s1] =	stream.indirect.scatter.add.f32 [tilespmem:s16], [sflag:$0x4], $0x30, s0, s5, $0xb8;
	[tilespmem:$0x11200] =	vst v63  }
0xd2: {  	s19 =	rddreg [dreg:$0x10]  }
0xd3: {  	[spmem:s1] =	stream.indirect.scatter.add.f32 [tilespmem:s17], [sflag:$0x4], $0x30, s19, s5, $0xb8;
	[tilespmem:$0x11200] =	vst v63  }
0xd4: {  	s0 =	rddreg [dreg:$0x11]  }
0xd5: {  	[spmem:s1] =	stream.indirect.scatter.add.f32 [tilespmem:s18], [sflag:$0x4], $0x30, s0, s5, $0xb8;
	[tilespmem:$0x11200] =	vst v63  }
0xd6: {  	_ =	swait.ge [sflag:s6], $0x1800  }
0xd7: {  	[sflag:s6] =	ssyncset.done $0x0  }
0xd8: {  	[sflag:s6] =	ssyncadd.s32 $0xFFFFE800  }
0xd9: {  	_ =	swait.ge [sflag:s6], $0x1800  }
0xda: {  	[sflag:s6] =	ssyncset.done $0x0  }
0xdb: {  	[sflag:s6] =	ssyncadd.s32 $0xFFFFE800  }
0xdc: {  	_ =	swait.ge [sflag:s6], $0x1800  }
0xdd: {  	[sflag:s6] =	ssyncset.done $0x0  }
0xde: {  	[sflag:s6] =	ssyncadd.s32 $0xFFFFE800  }
0xdf: {  	_ =	swait.ge [sflag:s6], $0x1800  }
0xe0: {  	[sflag:s6] =	ssyncset.done $0x0  }
0xe1: {  	[sflag:s6] =	ssyncadd.s32 $0xFFFFE800  }
0xe2: {  	_ =	swait.ge [sflag:s6], $0x1800  }
0xe3: {  	[sflag:s6] =	ssyncset.done $0x0  }
0xe4: {  	s19 =	rddreg [dreg:$0x8];
	[sflag:s6] =	ssyncadd.s32 $0xFFFFE800  }
0xe5: {  	[tilespmem:s7], [sflag:$0x2] =	stream.linear.gather [hbm4b:s19+s3], $0x7800, $0x38;
	[tilespmem:$0x11200] =	vst v63  }
0xe6: {  	_ =	swait.ge [sflag:s9], $0x7800  }
0xe7: {  	[sflag:s9] =	ssyncset.done $0x0  }
0xe8: {  	s0 =	rddreg [dreg:$0x12];
	[sflag:s9] =	ssyncadd.s32 $0xFFFF8800  }
0xe9: {  	[spmem:s1] =	stream.indirect.scatter.add.f32 [tilespmem:s8], [sflag:$0x3], $0x30, s0, s5, $0xb8;
	[tilespmem:$0x11200] =	vst v63  }
0xea: {  	s19 =	rddreg [dreg:$0x13]  }
0xeb: {  	[spmem:s1] =	stream.indirect.scatter.add.f32 [tilespmem:s10], [sflag:$0x3], $0x30, s19, s5, $0xb8;
	[tilespmem:$0x11200] =	vst v63  }
0xec: {  	_ = 	snop  }
0xed: {  	[spmem:s1] =	stream.indirect.scatter.add.f32 [tilespmem:s11], [sflag:$0x3], $0x30, s21, s5, $0xb8;
	[tilespmem:$0x11200] =	vst v63  }
0xee: {  	_ = 	snop  }
0xef: {  	[spmem:s1] =	stream.indirect.scatter.add.f32 [tilespmem:s12], [sflag:$0x3], $0x30, s22, s5, $0xb8;
	[tilespmem:$0x11200] =	vst v63  }
0xf0: {  	_ = 	snop  }
0xf1: {  	[spmem:s1] =	stream.indirect.scatter.add.f32 [tilespmem:s13], [sflag:$0x3], $0x30, s23, s5, $0xb8;
	[tilespmem:$0x11200] =	vst v63  }
0xf2: {  	_ =	swait.ge [sflag:s14], $0x7800  }
0xf3: {  	[sflag:s14] =	ssyncset.done $0x0  }
0xf4: {  	s19 =	simm.s32 $0x780;
	[sflag:s14] =	ssyncadd.s32 $0xFFFF8800  }
0xf5: {  	[spmem:s1] =	stream.indirect.scatter.add.f32 [tilespmem:s7], [sflag:$0x4], $0x30, s19, s5, $0xb8;
	[tilespmem:$0x11200] =	vst v63  }
0xf6: {  	_ = 	snop  }
0xf7: {  	[spmem:s1] =	stream.indirect.scatter.add.f32 [tilespmem:s15], [sflag:$0x4], $0x30, s20, s5, $0xb8;
	[tilespmem:$0x11200] =	vst v63  }
0xf8: {  	_ = 	snop  }
0xf9: {  	[spmem:s1] =	stream.indirect.scatter.add.f32 [tilespmem:s16], [sflag:$0x4], $0x30, s24, s5, $0xb8;
	[tilespmem:$0x11200] =	vst v63  }
0xfa: {  	_ = 	snop  }
0xfb: {  	[spmem:s1] =	stream.indirect.scatter.add.f32 [tilespmem:s17], [sflag:$0x4], $0x30, s25, s5, $0xb8;
	[tilespmem:$0x11200] =	vst v63  }
0xfc: {  	_ = 	snop  }
0xfd: {  	[spmem:s1] =	stream.indirect.scatter.add.f32 [tilespmem:s18], [sflag:$0x4], $0x30, s26, s5, $0xb8;
	[tilespmem:$0x11200] =	vst v63  }
0xfe: {  	_ =	swait.ge [sflag:s4], $0x1800  }
0xff: {  	[sflag:s4] =	ssyncset.done $0x0  }
0x100: {  	[sflag:s4] =	ssyncadd.s32 $0xFFFFE800  }
0x101: {  	_ =	swait.ge [sflag:s4], $0x1800  }
0x102: {  	[sflag:s4] =	ssyncset.done $0x0  }
0x103: {  	[sflag:s4] =	ssyncadd.s32 $0xFFFFE800  }
0x104: {  	_ =	swait.ge [sflag:s4], $0x1800  }
0x105: {  	[sflag:s4] =	ssyncset.done $0x0  }
0x106: {  	[sflag:s4] =	ssyncadd.s32 $0xFFFFE800  }
0x107: {  	_ =	swait.ge [sflag:s4], $0x1800  }
0x108: {  	[sflag:s4] =	ssyncset.done $0x0  }
0x109: {  	[sflag:s4] =	ssyncadd.s32 $0xFFFFE800  }
0x10a: {  	_ =	swait.ge [sflag:s4], $0x1800  }
0x10b: {  	[sflag:s4] =	ssyncset.done $0x0  }
0x10c: {  	[sflag:s4] =	ssyncadd.s32 $0xFFFFE800  }
0x10d: {  	_ =	swait.ge [sflag:s6], $0x1800  }
0x10e: {  	[sflag:s6] =	ssyncset.done $0x0  }
0x10f: {  	[sflag:s6] =	ssyncadd.s32 $0xFFFFE800  }
0x110: {  	_ =	swait.ge [sflag:s6], $0x1800  }
0x111: {  	[sflag:s6] =	ssyncset.done $0x0  }
0x112: {  	[sflag:s6] =	ssyncadd.s32 $0xFFFFE800  }
0x113: {  	_ =	swait.ge [sflag:s6], $0x1800  }
0x114: {  	[sflag:s6] =	ssyncset.done $0x0  }
0x115: {  	[sflag:s6] =	ssyncadd.s32 $0xFFFFE800  }
0x116: {  	_ =	swait.ge [sflag:s6], $0x1800  }
0x117: {  	[sflag:s6] =	ssyncset.done $0x0  }
0x118: {  	[sflag:s6] =	ssyncadd.s32 $0xFFFFE800  }
0x119: {  	_ =	swait.ge [sflag:s6], $0x1800  }
0x11a: {  	s31 =	sadd.s32 $0xFFFFFFFF, s31;
	[sflag:s6] =	ssyncset.done $0x0  }
0x11b: {  	p2 =	sne.s32 s31, $0x0;
	[sflag:s6] =	ssyncadd.s32 $0xFFFFE800  }
.Ltmp2:
0x11c: {  	[bflag:$0x0] =	sbarrier.arrive $0xFFFF;
	(pc) =	sbr.rel @p2 .LBB2_4-.Ltmp2, $4  }
0x11d: {  	s0 =	rddreg [dreg:$0x9]  }
0x11e: {  	[hbm:s0], [sflag:s30] =	dma.local @!p0 [spmem:s2], $0x3000  }
0x11f: {  	_ =	swait.ge @!p0 [sflag:s29], $0x3000  }
0x120: {  	s0 =	rddreg [dreg:$0x3];
	[sflag:s29] =	ssyncset.done @!p0 $0x0  }
0x121: {  	s30 =	simm.s32 $0x780;
	s31 =	rddreg [dreg:$0x2]  }
.LBB2_6:
0x122: {  	p1 =	por p0, !p1  }
0x123: {  	s19 =	simm.s32 @!p0 $0x1C05;
	[sflag:s29] =	ssyncadd.s32 @!p1 $0xFFFFD000;
	s29 =	simm.s32 @!p0 $0x5  }
0x124: {  	[spmem:s2], [sflag:s19] =	dma.local @!p0 [hbm:s0], $0x3000  }
0x125: {  	_ =	swait.ge @!p0 [sflag:s29], $0x3000  }
0x126: {  	[sflag:s29] =	ssyncset.done @!p0 $0x0  }
0x127: {  	[sflag:s29] =	ssyncadd.s32 @!p0 $0xFFFFD000  }
0x128: {  	[bflag:$0x0] =	sbarrier.arrive $0xFFFF  }
0x129: {  	s19 =	rddreg [dreg:$0x4]  }
0x12a: {  	[tilespmem:s3], [sflag:$0x5] =	stream.linear.gather [hbm4b:s19+s3], $0xA00, $0x38;
	[tilespmem:$0x11200] =	vst v63  }
0x12b: {  	_ =	swait.ge [sflag:s28], $0xA00  }
0x12c: {  	[sflag:s28] =	ssyncset.done $0x0  }
0x12d: {  	s19 =	rddreg [dreg:$0x5];
	[sflag:s28] =	ssyncadd.s32 $0xFFFFF600  }
0x12e: {  	[tilespmem:s8], [sflag:$0x1] =	stream.linear.gather [hbm4b:s19+s3], $0x7800, $0x38;
	[tilespmem:$0x11200] =	vst v63  }
0x12f: {  	s28 =	rddreg [dreg:$0x6]  }
0x130: {  	[tilespmem:s7], [sflag:$0x2] =	stream.linear.gather [hbm4b:s28+s3], $0x7800, $0x38;
	[tilespmem:$0x11200] =	vst v63  }
0x131: {  	_ =	swait.ge [sflag:s9], $0x7800  }
0x132: {  	[sflag:s9] =	ssyncset.done $0x0  }
0x133: {  	[sflag:s9] =	ssyncadd.s32 $0xFFFF8800  }
0x134: {  	[spmem:s1] =	stream.indirect.scatter.add.f32 [tilespmem:s8], [sflag:$0x3], $0x30, s3, s5, $0xb8;
	[tilespmem:$0x11200] =	vst v63  }
0x135: {  	_ = 	snop  }
0x136: {  	[spmem:s1] =	stream.indirect.scatter.add.f32 [tilespmem:s10], [sflag:$0x3], $0x30, s5, s5, $0xb8;
	[tilespmem:$0x11200] =	vst v63  }
0x137: {  	s28 =	rddreg [dreg:$0xa]  }
0x138: {  	[spmem:s1] =	stream.indirect.scatter.add.f32 [tilespmem:s11], [sflag:$0x3], $0x30, s28, s5, $0xb8;
	[tilespmem:$0x11200] =	vst v63  }
0x139: {  	s19 =	rddreg [dreg:$0xb]  }
0x13a: {  	[spmem:s1] =	stream.indirect.scatter.add.f32 [tilespmem:s12], [sflag:$0x3], $0x30, s19, s5, $0xb8;
	[tilespmem:$0x11200] =	vst v63  }
0x13b: {  	s28 =	rddreg [dreg:$0xc]  }
0x13c: {  	[spmem:s1] =	stream.indirect.scatter.add.f32 [tilespmem:s13], [sflag:$0x3], $0x30, s28, s5, $0xb8;
	[tilespmem:$0x11200] =	vst v63  }
0x13d: {  	_ =	swait.ge [sflag:s4], $0x1800  }
0x13e: {  	[sflag:s4] =	ssyncset.done $0x0  }
0x13f: {  	[sflag:s4] =	ssyncadd.s32 $0xFFFFE800  }
0x140: {  	_ =	swait.ge [sflag:s4], $0x1800  }
0x141: {  	[sflag:s4] =	ssyncset.done $0x0  }
0x142: {  	[sflag:s4] =	ssyncadd.s32 $0xFFFFE800  }
0x143: {  	_ =	swait.ge [sflag:s4], $0x1800  }
0x144: {  	[sflag:s4] =	ssyncset.done $0x0  }
0x145: {  	[sflag:s4] =	ssyncadd.s32 $0xFFFFE800  }
0x146: {  	_ =	swait.ge [sflag:s4], $0x1800  }
0x147: {  	[sflag:s4] =	ssyncset.done $0x0  }
0x148: {  	[sflag:s4] =	ssyncadd.s32 $0xFFFFE800  }
0x149: {  	_ =	swait.ge [sflag:s4], $0x1800  }
0x14a: {  	[sflag:s4] =	ssyncset.done $0x0  }
0x14b: {  	s19 =	rddreg [dreg:$0x7];
	[sflag:s4] =	ssyncadd.s32 $0xFFFFE800  }
0x14c: {  	[tilespmem:s8], [sflag:$0x1] =	stream.linear.gather [hbm4b:s19+s3], $0x7800, $0x38;
	[tilespmem:$0x11200] =	vst v63  }
0x14d: {  	_ =	swait.ge [sflag:s14], $0x7800  }
0x14e: {  	[sflag:s14] =	ssyncset.done $0x0  }
0x14f: {  	s28 =	rddreg [dreg:$0xd];
	[sflag:s14] =	ssyncadd.s32 $0xFFFF8800  }
0x150: {  	[spmem:s1] =	stream.indirect.scatter.add.f32 [tilespmem:s7], [sflag:$0x4], $0x30, s28, s5, $0xb8;
	[tilespmem:$0x11200] =	vst v63  }
0x151: {  	s19 =	rddreg [dreg:$0xe]  }
0x152: {  	[spmem:s1] =	stream.indirect.scatter.add.f32 [tilespmem:s15], [sflag:$0x4], $0x30, s19, s5, $0xb8;
	[tilespmem:$0x11200] =	vst v63  }
0x153: {  	s28 =	rddreg [dreg:$0xf]  }
0x154: {  	[spmem:s1] =	stream.indirect.scatter.add.f32 [tilespmem:s16], [sflag:$0x4], $0x30, s28, s5, $0xb8;
	[tilespmem:$0x11200] =	vst v63  }
0x155: {  	s19 =	rddreg [dreg:$0x10]  }
0x156: {  	[spmem:s1] =	stream.indirect.scatter.add.f32 [tilespmem:s17], [sflag:$0x4], $0x30, s19, s5, $0xb8;
	[tilespmem:$0x11200] =	vst v63  }
0x157: {  	s28 =	rddreg [dreg:$0x11]  }
0x158: {  	[spmem:s1] =	stream.indirect.scatter.add.f32 [tilespmem:s18], [sflag:$0x4], $0x30, s28, s5, $0xb8;
	[tilespmem:$0x11200] =	vst v63  }
0x159: {  	_ =	swait.ge [sflag:s6], $0x1800  }
0x15a: {  	[sflag:s6] =	ssyncset.done $0x0  }
0x15b: {  	[sflag:s6] =	ssyncadd.s32 $0xFFFFE800  }
0x15c: {  	_ =	swait.ge [sflag:s6], $0x1800  }
0x15d: {  	[sflag:s6] =	ssyncset.done $0x0  }
0x15e: {  	[sflag:s6] =	ssyncadd.s32 $0xFFFFE800  }
0x15f: {  	_ =	swait.ge [sflag:s6], $0x1800  }
0x160: {  	[sflag:s6] =	ssyncset.done $0x0  }
0x161: {  	[sflag:s6] =	ssyncadd.s32 $0xFFFFE800  }
0x162: {  	_ =	swait.ge [sflag:s6], $0x1800  }
0x163: {  	[sflag:s6] =	ssyncset.done $0x0  }
0x164: {  	[sflag:s6] =	ssyncadd.s32 $0xFFFFE800  }
0x165: {  	_ =	swait.ge [sflag:s6], $0x1800  }
0x166: {  	[sflag:s6] =	ssyncset.done $0x0  }
0x167: {  	s28 =	rddreg [dreg:$0x8];
	[sflag:s6] =	ssyncadd.s32 $0xFFFFE800  }
0x168: {  	[tilespmem:s7], [sflag:$0x2] =	stream.linear.gather [hbm4b:s28+s3], $0x7800, $0x38;
	[tilespmem:$0x11200] =	vst v63  }
0x169: {  	_ =	swait.ge [sflag:s9], $0x7800  }
0x16a: {  	[sflag:s9] =	ssyncset.done $0x0  }
0x16b: {  	s19 =	rddreg [dreg:$0x12];
	[sflag:s9] =	ssyncadd.s32 $0xFFFF8800  }
0x16c: {  	[spmem:s1] =	stream.indirect.scatter.add.f32 [tilespmem:s8], [sflag:$0x3], $0x30, s19, s5, $0xb8;
	[tilespmem:$0x11200] =	vst v63  }
0x16d: {  	s28 =	rddreg [dreg:$0x13]  }
0x16e: {  	[spmem:s1] =	stream.indirect.scatter.add.f32 [tilespmem:s10], [sflag:$0x3], $0x30, s28, s5, $0xb8;
	[tilespmem:$0x11200] =	vst v63  }
0x16f: {  	_ = 	snop  }
0x170: {  	[spmem:s1] =	stream.indirect.scatter.add.f32 [tilespmem:s11], [sflag:$0x3], $0x30, s21, s5, $0xb8;
	[tilespmem:$0x11200] =	vst v63  }
0x171: {  	_ = 	snop  }
0x172: {  	[spmem:s1] =	stream.indirect.scatter.add.f32 [tilespmem:s12], [sflag:$0x3], $0x30, s22, s5, $0xb8;
	[tilespmem:$0x11200] =	vst v63  }
0x173: {  	_ = 	snop  }
0x174: {  	[spmem:s1] =	stream.indirect.scatter.add.f32 [tilespmem:s13], [sflag:$0x3], $0x30, s23, s5, $0xb8;
	[tilespmem:$0x11200] =	vst v63  }
0x175: {  	_ =	swait.ge [sflag:s14], $0x7800  }
0x176: {  	[sflag:s14] =	ssyncset.done $0x0  }
0x177: {  	[sflag:s14] =	ssyncadd.s32 $0xFFFF8800  }
0x178: {  	[spmem:s1] =	stream.indirect.scatter.add.f32 [tilespmem:s7], [sflag:$0x4], $0x30, s30, s5, $0xb8;
	[tilespmem:$0x11200] =	vst v63  }
0x179: {  	_ = 	snop  }
0x17a: {  	[spmem:s1] =	stream.indirect.scatter.add.f32 [tilespmem:s15], [sflag:$0x4], $0x30, s20, s5, $0xb8;
	[tilespmem:$0x11200] =	vst v63  }
0x17b: {  	_ = 	snop  }
0x17c: {  	[spmem:s1] =	stream.indirect.scatter.add.f32 [tilespmem:s16], [sflag:$0x4], $0x30, s24, s5, $0xb8;
	[tilespmem:$0x11200] =	vst v63  }
0x17d: {  	_ = 	snop  }
0x17e: {  	[spmem:s1] =	stream.indirect.scatter.add.f32 [tilespmem:s17], [sflag:$0x4], $0x30, s25, s5, $0xb8;
	[tilespmem:$0x11200] =	vst v63  }
0x17f: {  	_ = 	snop  }
0x180: {  	[spmem:s1] =	stream.indirect.scatter.add.f32 [tilespmem:s18], [sflag:$0x4], $0x30, s26, s5, $0xb8;
	[tilespmem:$0x11200] =	vst v63  }
0x181: {  	_ =	swait.ge [sflag:s4], $0x1800  }
0x182: {  	[sflag:s4] =	ssyncset.done $0x0  }
0x183: {  	[sflag:s4] =	ssyncadd.s32 $0xFFFFE800  }
0x184: {  	_ =	swait.ge [sflag:s4], $0x1800  }
0x185: {  	[sflag:s4] =	ssyncset.done $0x0  }
0x186: {  	[sflag:s4] =	ssyncadd.s32 $0xFFFFE800  }
0x187: {  	_ =	swait.ge [sflag:s4], $0x1800  }
0x188: {  	[sflag:s4] =	ssyncset.done $0x0  }
0x189: {  	[sflag:s4] =	ssyncadd.s32 $0xFFFFE800  }
0x18a: {  	_ =	swait.ge [sflag:s4], $0x1800  }
0x18b: {  	[sflag:s4] =	ssyncset.done $0x0  }
0x18c: {  	[sflag:s4] =	ssyncadd.s32 $0xFFFFE800  }
0x18d: {  	_ =	swait.ge [sflag:s4], $0x1800  }
0x18e: {  	[sflag:s4] =	ssyncset.done $0x0  }
0x18f: {  	[sflag:s4] =	ssyncadd.s32 $0xFFFFE800  }
0x190: {  	_ =	swait.ge [sflag:s6], $0x1800  }
0x191: {  	[sflag:s6] =	ssyncset.done $0x0  }
0x192: {  	[sflag:s6] =	ssyncadd.s32 $0xFFFFE800  }
0x193: {  	_ =	swait.ge [sflag:s6], $0x1800  }
0x194: {  	[sflag:s6] =	ssyncset.done $0x0  }
0x195: {  	[sflag:s6] =	ssyncadd.s32 $0xFFFFE800  }
0x196: {  	_ =	swait.ge [sflag:s6], $0x1800  }
0x197: {  	[sflag:s6] =	ssyncset.done $0x0  }
0x198: {  	[sflag:s6] =	ssyncadd.s32 $0xFFFFE800  }
0x199: {  	_ =	swait.ge [sflag:s6], $0x1800  }
0x19a: {  	[sflag:s6] =	ssyncset.done $0x0  }
0x19b: {  	[sflag:s6] =	ssyncadd.s32 $0xFFFFE800  }
0x19c: {  	_ =	swait.ge [sflag:s6], $0x1800  }
0x19d: {  	[sflag:s6] =	ssyncset.done $0x0  }
0x19e: {  	[sflag:s6] =	ssyncadd.s32 $0xFFFFE800  }
0x19f: {  	[bflag:$0x0] =	sbarrier.arrive $0xFFFF  }
0x1a0: {  	s1 =	simm.s32 @!p0 $0x1C05;
	s0 =	rddreg [dreg:$0x9]  }
0x1a1: {  	[hbm:s0], [sflag:s1] =	dma.local @!p0 [spmem:s2], $0x3000  }
0x1a2: {  	_ =	swait.ge @!p0 [sflag:s29], $0x3000  }
0x1a3: {  	[sflag:s29] =	ssyncset.done @!p0 $0x0  }
0x1a4: {  	[sflag:s29] =	ssyncadd.s32 @!p0 $0xFFFFD000  }
0x1a5: {  	_ =	sfence.sel $0x180000  }
0x1a6: {  	[bflag:$0x0] =	sbarrier.arrive $0xFFFF  }
0x1a7: {  	_ =	strace $0x9000004D  }
0x1a8: {  	s0 =	sadd.s32 @!p0 $0x100000, s31;
	[bflag:$0x2] =	sbarrier.arrive $0xFFFF  }
0x1a9: {  	[sflag:s0] =	ssyncadd.tile.s32 @!p0 $0x1;
	_ =	shalt  }
.LBB2_1:
.Ltmp3:
0x1aa: {  	(pc) =	sbr.rel .LBB2_6-.Ltmp3, $2  }
0x1ab: {  	_ =	sdelay $0x2  }
0x1ac: {  	s30 =	simm.s32 $0x780  }
.LBB2_3:
.Ltmp4:
0x1ad: {  	(pc) =	sbr.rel .LBB2_6-.Ltmp4, $2  }
0x1ae: {  	_ =	sdelay $0x2  }
0x1af: {  	s30 =	simm.s32 $0x780;
	s31 =	rddreg [dreg:$0x2]  }
.Lfunc_end2:
_tile_overlayer_lowered:
.L_overlay_start_2:
0x1b0: {  	(tag) =	ssettag $0x2  }
0x1b1: {  	s0 =	rddreg [dreg:$0x0];
	s2 =	stileid.u32  }
0x1b2: {  	s1 =	rddreg [dreg:$0x1];
	p0 =	sne.s32 s2, $0x0  }
0x1b3: {  	s3 =	rddreg [dreg:$0x2];
	[bflag:$0x3] =	sbarrier.arrive $0xFFFF;
	s2 =	simm.s32 @!p0 $0x1C05  }
0x1b4: {  	[timem:s3], [sflag:s2] =	dma.local @!p0 [hbm:s0], s1  }
0x1b5: {  	s0 =	simm.s32 @!p0 $0x5  }
0x1b6: {  	_ =	swait.ge @!p0 [sflag:s0], s1  }
0x1b7: {  	s1 =	ssub.s32 @!p0 $0x0, s1;
	[sflag:s0] =	ssyncset.done @!p0 $0x0  }
0x1b8: {  	[sflag:s0] =	ssyncadd.s32 @!p0 s1  }
0x1b9: {  	[bflag:$0x3] =	sbarrier.arrive $0xFFFF  }
0x1ba: {  	_ =	shalt  }

</sc_bundles>
